<compile_context>
chip_gen: v7x
topology: tpu7x:2x2x1
jax: 0.10.2.dev20260603
libtpu: 0.0.44.dev20260713+nightly
codegen_flags: <defaults>
</compile_context>

<pallas_src>
import jax
import jax.numpy as jnp
from jax import lax
from jax.experimental import pallas as pl
from jax.experimental.pallas import tpu as pltpu
from jax.experimental.pallas import tpu_sc as plsc

N = 10000
E = 320000
D = 128
NEG_SLOPE = 0.2

NC = 2
NS = 16
L = 16
NW = NC * NS
EW = E // NW
C = 80
NCHUNK = EW // C
NPAIR = NCHUNK // 2
RPT8 = 624
TBL = 10240
ZB = TBL // NS


def _ab_body(h_ref, w_ref, o_ref):
    o_ref[...] = lax.dot_general(
        h_ref[...], w_ref[...], (((1,), (1,)), ((), ())),
        preferred_element_type=jnp.float32)


def _ab_call(h, w2):
    blk = 1000
    return pl.pallas_call(
        _ab_body,
        grid=(N // blk,),
        in_specs=[
            pl.BlockSpec((blk, D), lambda i: (i, 0)),
            pl.BlockSpec((2, D), lambda i: (0, 0)),
        ],
        out_specs=pl.BlockSpec((blk, 2), lambda i: (i, 0)),
        out_shape=jax.ShapeDtypeStruct((N, 2), jnp.float32),
    )(h, w2)


def _sc_body(h_hbm, ei_hbm, ab_hbm, part_hbm, den_hbm,
             src0, dst0, src1, dst1, ab_v, zbuf, rows0, rows1,
             scidx0, scidx1, pden0, pden1, acc, den_sh,
             gsem0, gsem1, isem0, isem1, ssem0, ssem1, dsem0, dsem1):
    cid = lax.axis_index("c")
    sid = lax.axis_index("s")
    wid = sid * NC + cid
    ebase = wid * EW

    pltpu.sync_copy(ab_hbm, ab_v.at[pl.ds(0, 2 * N)])

    def _zrow(i, carry):
        for j in range(D // L):
            rows0[i, pl.ds(j * L, L)] = jnp.zeros((L,), jnp.float32)
        return carry
    lax.fori_loop(0, C, _zrow, 0)

    def _zzb(i, carry):
        zbuf[pl.ds(i * L, L)] = jnp.zeros((L,), jnp.float32)
        return carry
    lax.fori_loop(0, ZB // L, _zzb, 0)

    base = sid * RPT8
    zcps = [pltpu.async_copy(rows0, acc.at[pl.ds(base + k * C, C)], gsem0)
            for k in range(RPT8 // C)]
    zcps.append(pltpu.async_copy(rows0.at[pl.ds(0, RPT8 % C)],
                                 acc.at[pl.ds(base + (RPT8 // C) * C,
                                              RPT8 % C)], gsem0))
    zcps.append(pltpu.async_copy(zbuf, den_sh.at[pl.ds(sid * ZB, ZB)], gsem0))

    @pl.when(sid == NS - 1)
    def _tail_zero():
        pltpu.sync_copy(rows0.at[pl.ds(0, N - NS * RPT8)],
                        acc.at[pl.ds(NS * RPT8, N - NS * RPT8)])
    for cp in zcps:
        cp.wait()
    plsc.subcore_barrier()

    def _process(src_r, dst_r, rows_r, scidx, pden, ssem, dsem):
        for g in range(C // L):
            sv = src_r[pl.ds(g * L, L)]
            dv = dst_r[pl.ds(g * L, L)]
            e = (plsc.load_gather(ab_v, [lax.shift_left(sv, 1)])
                 + plsc.load_gather(ab_v,
                                    [jnp.bitwise_or(lax.shift_left(dv, 1),
                                                    1)]))
            e = jnp.where(e >= 0, e, NEG_SLOPE * e)
            pden[pl.ds(g * L, L)] = jnp.exp(e)
            scidx[pl.ds(g * L, L)] = dv
        pltpu.async_copy(pden.at[pl.ds(0, C)], den_sh.at[scidx], dsem,
                         add=True)

        def _scale(i8, carry2):
            i = 8 * i8
            pis = [pden[pl.ds(i + u, L)][0] for u in range(8)]
            for u in range(8):
                for j in range(D // L):
                    rows_r[i + u, pl.ds(j * L, L)] = (
                        rows_r[i + u, pl.ds(j * L, L)] * pis[u])
            return carry2
        lax.fori_loop(0, C // 8, _scale, 0)

        pltpu.async_copy(rows_r, acc.at[scidx], ssem, add=True)

    pltpu.async_copy(ei_hbm.at[0, pl.ds(ebase, C)], src0, isem0).wait()
    pltpu.async_copy(ei_hbm.at[1, pl.ds(ebase, C)], dst0, isem0).wait()
    pltpu.async_copy(ei_hbm.at[0, pl.ds(ebase + C, C)], src1, isem1)
    pltpu.async_copy(ei_hbm.at[1, pl.ds(ebase + C, C)], dst1, isem1)
    pltpu.async_copy(h_hbm.at[src0], rows0, gsem0)

    def _drain_rows(rows_r, ssem):
        pltpu.make_async_copy(h_hbm.at[pl.ds(0, C)], rows_r, ssem).wait()

    def _drain_p(pden, dsem):
        pltpu.make_async_copy(ab_hbm.at[pl.ds(0, C)], pden.at[pl.ds(0, C)],
                              dsem).wait()

    def _pair(k, carry):
        c0 = 2 * k

        @pl.when(k > 0)
        def _dr1():
            _drain_rows(rows1, ssem1)
            _drain_p(pden1, dsem1)

        pltpu.make_async_copy(ei_hbm.at[0, pl.ds(0, C)], src1, isem1).wait()
        pltpu.make_async_copy(ei_hbm.at[1, pl.ds(0, C)], dst1, isem1).wait()
        pltpu.async_copy(h_hbm.at[src1], rows1, gsem1)

        @pl.when(k > 0)
        def _dr0():
            _drain_p(pden0, dsem0)

        pltpu.make_async_copy(h_hbm.at[pl.ds(0, C)], rows0, gsem0).wait()
        _process(src0, dst0, rows0, scidx0, pden0, ssem0, dsem0)
        pltpu.async_copy(ei_hbm.at[0, pl.ds(ebase + (c0 + 2) * C, C)],
                         src0, isem0)
        pltpu.async_copy(ei_hbm.at[1, pl.ds(ebase + (c0 + 2) * C, C)],
                         dst0, isem0)
        pltpu.make_async_copy(h_hbm.at[pl.ds(0, C)], rows1, gsem1).wait()
        _process(src1, dst1, rows1, scidx1, pden1, ssem1, dsem1)

        @pl.when(k < NPAIR - 1)
        def _pf1():
            pltpu.async_copy(ei_hbm.at[0, pl.ds(ebase + (c0 + 3) * C, C)],
                             src1, isem1)
            pltpu.async_copy(ei_hbm.at[1, pl.ds(ebase + (c0 + 3) * C, C)],
                             dst1, isem1)
        pltpu.make_async_copy(ei_hbm.at[0, pl.ds(0, C)], src0, isem0).wait()
        pltpu.make_async_copy(ei_hbm.at[1, pl.ds(0, C)], dst0, isem0).wait()
        _drain_rows(rows0, ssem0)
        pltpu.async_copy(h_hbm.at[src0], rows0, gsem0)
        return carry
    lax.fori_loop(0, NPAIR, _pair, 0)

    pltpu.make_async_copy(h_hbm.at[pl.ds(0, C)], rows0, gsem0).wait()
    _drain_p(pden0, dsem0)
    _process(src0, dst0, rows0, scidx0, pden0, ssem0, dsem0)
    _drain_rows(rows0, ssem0)
    _drain_p(pden0, dsem0)
    _drain_rows(rows1, ssem1)
    _drain_p(pden1, dsem1)

    plsc.subcore_barrier()

    pltpu.sync_copy(acc.at[pl.ds(base, RPT8)],
                    part_hbm.at[cid, pl.ds(base, RPT8)])

    @pl.when(sid == NS - 1)
    def _tail_out():
        pltpu.sync_copy(acc.at[pl.ds(NS * RPT8, N - NS * RPT8)],
                        part_hbm.at[cid, pl.ds(NS * RPT8, N - NS * RPT8)])

    pltpu.sync_copy(den_sh.at[pl.ds(sid * ZB, ZB)],
                    den_hbm.at[cid, pl.ds(sid * ZB, ZB)])


def _sc_call(h, ei, ab_flat):
    mesh = plsc.VectorSubcoreMesh(core_axis_name="c", subcore_axis_name="s",
                                  num_cores=NC, num_subcores=NS)
    fn = pl.kernel(
        _sc_body,
        out_type=(
            jax.ShapeDtypeStruct((NC, N, D), jnp.float32),
            jax.ShapeDtypeStruct((NC, TBL), jnp.float32),
        ),
        mesh=mesh,
        compiler_params=pltpu.CompilerParams(needs_layout_passes=False,
                                             use_tc_tiling_on_sc=False),
        scratch_types=(
            pltpu.VMEM((C,), jnp.int32),
            pltpu.VMEM((C,), jnp.int32),
            pltpu.VMEM((C,), jnp.int32),
            pltpu.VMEM((C,), jnp.int32),
            pltpu.VMEM((2 * TBL,), jnp.float32),
            pltpu.VMEM((ZB,), jnp.float32),
            pltpu.VMEM((C, D), jnp.float32),
            pltpu.VMEM((C, D), jnp.float32),
            pltpu.VMEM((C,), jnp.int32),
            pltpu.VMEM((C,), jnp.int32),
            pltpu.VMEM((C + L,), jnp.float32),
            pltpu.VMEM((C + L,), jnp.float32),
            pltpu.VMEM_SHARED((N, D), jnp.float32),
            pltpu.VMEM_SHARED((TBL,), jnp.float32),
            pltpu.SemaphoreType.DMA,
            pltpu.SemaphoreType.DMA,
            pltpu.SemaphoreType.DMA,
            pltpu.SemaphoreType.DMA,
            pltpu.SemaphoreType.DMA,
            pltpu.SemaphoreType.DMA,
            pltpu.SemaphoreType.DMA,
            pltpu.SemaphoreType.DMA,
        ),
    )
    return fn(h, ei, ab_flat)


def _fin_body(p0_ref, p1_ref, d_ref, o_ref):
    s = p0_ref[0] + p1_ref[0]
    den = jnp.sum(d_ref[...], axis=1)
    o_ref[...] = s / jnp.maximum(den, 1e-9)[:, None]


def _fin_call(partials, denoms_t):
    blk = 400
    return pl.pallas_call(
        _fin_body,
        grid=(N // blk,),
        in_specs=[
            pl.BlockSpec((1, blk, D), lambda i: (0, i, 0)),
            pl.BlockSpec((1, blk, D), lambda i: (1, i, 0)),
            pl.BlockSpec((blk, NC), lambda i: (i, 0)),
        ],
        out_specs=pl.BlockSpec((blk, D), lambda i: (i, 0)),
        out_shape=jax.ShapeDtypeStruct((N, D), jnp.float32),
    )(partials, partials, denoms_t)


@jax.jit
def kernel(h, edge_index, W_att):
    ab = _ab_call(h, W_att.reshape(2, D))
    partials, denoms = _sc_call(h, edge_index, ab.reshape(2 * N))
    den_t = denoms.T[:N]
    return _fin_call(partials, den_t)

# --- scband reference (transcript-rebuilt; emitter-appended) ---
"""Pipeline reference for scband-gatlayer-82772609728558 (READ-ONLY COPY).

The authoritative reference and input builder live on the scoring server;
editing this copy changes nothing except your own understanding.
"""

import jax, jax.numpy as jnp
import numpy as np

N = 10000
E = 320000
D = 128
NEG_SLOPE = 0.2

def setup_inputs(seed: int = 0) -> dict:
    key = jax.random.key(seed)
    k1, k2, k3 = jax.random.split(key, 3)
    h = jax.random.normal(k1, (N, D), dtype=jnp.float32)
    edge_index = jax.random.randint(k2, (2, E), 0, N, dtype=jnp.int32)
    # learned parameter of atten_fc: Linear(2*out_dim -> 1, bias=False)
    W_att = jax.random.normal(k3, (1, 2 * D), dtype=jnp.float32) * 0.05
    return {"h": h, "edge_index": edge_index, "W_att": W_att}


def reference(h, edge_index, W_att):
    # Faithful translation of the DGL GATLayer.forward: note fc is NOT applied
    # in the original forward (z = h), dropout with p=0 is identity.
    n = h.shape[0]
    src = edge_index[0]
    dst = edge_index[1]
    z = h
    # edge_attention: e = LeakyReLU(atten_fc(concat(z_src, z_dst)))
    z_cat = jnp.concatenate([jnp.take(z, src, axis=0), jnp.take(z, dst, axis=0)], axis=1)
    e = z_cat @ W_att.T  # [E, 1]
    e = jnp.where(e >= 0, e, NEG_SLOPE * e)
    e = e[:, 0]
    # reduce: softmax over incoming edges per destination node (segment softmax)
    e_max = jax.ops.segment_max(e, dst, num_segments=n)
    e_max = jnp.where(jnp.isfinite(e_max), e_max, 0.0)
    e_exp = jnp.exp(e - jnp.take(e_max, dst, axis=0))
    denom = jax.ops.segment_sum(e_exp, dst, num_segments=n)
    alpha = e_exp / jnp.maximum(jnp.take(denom, dst, axis=0), 1e-9)
    # h = sum_j alpha_ij * z_j
    msg = alpha[:, None] * jnp.take(z, src, axis=0)
    h_out = jax.ops.segment_sum(msg, dst, num_segments=n)
    return h_out

if __name__ == "__main__":
    import jax
    _d = setup_inputs()
    print(jax.jit(kernel)(*tuple(_d.values())))

</pallas_src>

<mosaic_0001>
#map = affine_map<(d0, d1) -> (0, 0)>
#map1 = affine_map<(d0, d1) -> (0)>
#map2 = affine_map<(d0, d1) -> (0, 0, 0)>
module attributes {stable_mosaic.version = 14 : i64} {
  func.func @_sc_body(%arg0: i32, %arg1: i32, %arg2: memref<10000x128xf32, #tpu.memory_space<hbm>>, %arg3: memref<2x320000xi32, #tpu.memory_space<hbm>>, %arg4: memref<20000xf32, #tpu.memory_space<hbm>>, %arg5: memref<2x10000x128xf32, #tpu.memory_space<hbm>>, %arg6: memref<2x10240xf32, #tpu.memory_space<hbm>>, %arg7: memref<80xi32, #tpu.memory_space<vmem>>, %arg8: memref<80xi32, #tpu.memory_space<vmem>>, %arg9: memref<80xi32, #tpu.memory_space<vmem>>, %arg10: memref<80xi32, #tpu.memory_space<vmem>>, %arg11: memref<20480xf32, #tpu.memory_space<vmem>>, %arg12: memref<640xf32, #tpu.memory_space<vmem>>, %arg13: memref<80x128xf32, #tpu.memory_space<vmem>>, %arg14: memref<80x128xf32, #tpu.memory_space<vmem>>, %arg15: memref<80xi32, #tpu.memory_space<vmem>>, %arg16: memref<80xi32, #tpu.memory_space<vmem>>, %arg17: memref<96xf32, #tpu.memory_space<vmem>>, %arg18: memref<96xf32, #tpu.memory_space<vmem>>, %arg19: memref<10000x128xf32, #tpu.memory_space<vmem_shared>>, %arg20: memref<10240xf32, #tpu.memory_space<vmem_shared>>, %arg21: memref<!tpu.dma_semaphore, #tpu.memory_space<semaphore_mem>>, %arg22: memref<!tpu.dma_semaphore, #tpu.memory_space<semaphore_mem>>, %arg23: memref<!tpu.dma_semaphore, #tpu.memory_space<semaphore_mem>>, %arg24: memref<!tpu.dma_semaphore, #tpu.memory_space<semaphore_mem>>, %arg25: memref<!tpu.dma_semaphore, #tpu.memory_space<semaphore_mem>>, %arg26: memref<!tpu.dma_semaphore, #tpu.memory_space<semaphore_mem>>, %arg27: memref<!tpu.dma_semaphore, #tpu.memory_space<semaphore_mem>>, %arg28: memref<!tpu.dma_semaphore, #tpu.memory_space<semaphore_mem>>) attributes {dimension_semantics = [#tpu.dimension_semantics<core_parallel>, #tpu.dimension_semantics<subcore_parallel>], iteration_bounds = array<i64: 2, 16>, scalar_prefetch = 0 : i64, scratch_operands = 22 : i64, tpu.core_type = #tpu.core_type<sc_vector_subcore>, window_params = [{transform_indices = #map}, {transform_indices = #map}, {transform_indices = #map1}, {transform_indices = #map2}, {transform_indices = #map}]} {
    %mul3A = arith.constant 2 : i32
    %mul3A_0 = arith.muli %arg1, %mul3A : i32
    %add3A = arith.addi %mul3A_0, %arg0 : i32
    %mul3A_1 = arith.constant 10000 : i32
    %mul3A_2 = arith.muli %add3A, %mul3A_1 : i32
    "tpu.region"() ({
      %run_scoped3A = tpu.sem_alloc : memref<!tpu.dma_semaphore, #tpu.memory_space<semaphore_mem>>
      %dma_start3A_354 = arith.constant 0 : i32
      %dma_start3A_355 = tpu.memref_slice %arg11[%dma_start3A_354] : memref<20480xf32, #tpu.memory_space<vmem>> -> memref<20000xf32, #tpu.memory_space<vmem>>
      %dma_start3A_356 = arith.constant 0 : i32
      %dma_start3A_357 = tpu.memref_slice %arg11[%dma_start3A_356] : memref<20480xf32, #tpu.memory_space<vmem>> -> memref<20000xf32, #tpu.memory_space<vmem>>
      tpu.enqueue_dma source(%arg4 : memref<20000xf32, #tpu.memory_space<hbm>>) target(%dma_start3A_357 : memref<20000xf32, #tpu.memory_space<vmem>>) target_semaphore(%run_scoped3A : memref<!tpu.dma_semaphore, #tpu.memory_space<semaphore_mem>>)
      %dma_wait3A_358 = arith.constant 0 : i32
      %dma_wait3A_359 = tpu.memref_slice %arg11[%dma_wait3A_358] : memref<20480xf32, #tpu.memory_space<vmem>> -> memref<20000xf32, #tpu.memory_space<vmem>>
      %dma_wait3A_360 = arith.constant 0 : i32
      %dma_wait3A_361 = tpu.memref_slice %arg11[%dma_wait3A_360] : memref<20480xf32, #tpu.memory_space<vmem>> -> memref<20000xf32, #tpu.memory_space<vmem>>
      tpu.wait_dma2 semaphore(%run_scoped3A : memref<!tpu.dma_semaphore, #tpu.memory_space<semaphore_mem>>) src(%arg4 : memref<20000xf32, #tpu.memory_space<hbm>>) dst(%dma_wait3A_361 : memref<20000xf32, #tpu.memory_space<vmem>>)
      tpu.yield
    }) : () -> ()
    %scan3A = arith.constant 0 : i32
    %scan3A_3 = arith.constant 0 : i32
    %scan3A_4 = arith.constant 80 : i32
    %scan3A_5 = arith.addi %scan3A_3, %scan3A_4 : i32
    %scan3A_6 = arith.constant 1 : i32
    scf.for %scan3A_354 = %scan3A_3 to %scan3A_5 step %scan3A_6  : i32 {
      %broadcast_in_dim3A = arith.constant 0.000000e+00 : f32
      %broadcast_in_dim3A_355 = vector.broadcast %broadcast_in_dim3A : f32 to vector<16xf32>
      %swap3A_356 = arith.index_cast %scan3A_354 : i32 to index
      %swap3A_357 = arith.constant 0 : index
      %swap3A_358 = tpu.vector_load %arg13[%swap3A_356, %swap3A_357] {strides = array<i32>} : memref<80x128xf32, #tpu.memory_space<vmem>>, vector<16xf32>,
      tpu.vector_store %arg13[%swap3A_356, %swap3A_357], %broadcast_in_dim3A_355 {strides = array<i32>} : memref<80x128xf32, #tpu.memory_space<vmem>>, vector<16xf32>,
      %broadcast_in_dim3A_359 = arith.constant 0.000000e+00 : f32
      %broadcast_in_dim3A_360 = vector.broadcast %broadcast_in_dim3A_359 : f32 to vector<16xf32>
      %swap3A_361 = arith.index_cast %scan3A_354 : i32 to index
      %swap3A_362 = arith.constant 16 : index
      %swap3A_363 = tpu.vector_load %arg13[%swap3A_361, %swap3A_362] {strides = array<i32>} : memref<80x128xf32, #tpu.memory_space<vmem>>, vector<16xf32>,
      tpu.vector_store %arg13[%swap3A_361, %swap3A_362], %broadcast_in_dim3A_360 {strides = array<i32>} : memref<80x128xf32, #tpu.memory_space<vmem>>, vector<16xf32>,
      %broadcast_in_dim3A_364 = arith.constant 0.000000e+00 : f32
      %broadcast_in_dim3A_365 = vector.broadcast %broadcast_in_dim3A_364 : f32 to vector<16xf32>
      %swap3A_366 = arith.index_cast %scan3A_354 : i32 to index
      %swap3A_367 = arith.constant 32 : index
      %swap3A_368 = tpu.vector_load %arg13[%swap3A_366, %swap3A_367] {strides = array<i32>} : memref<80x128xf32, #tpu.memory_space<vmem>>, vector<16xf32>,
      tpu.vector_store %arg13[%swap3A_366, %swap3A_367], %broadcast_in_dim3A_365 {strides = array<i32>} : memref<80x128xf32, #tpu.memory_space<vmem>>, vector<16xf32>,
      %broadcast_in_dim3A_369 = arith.constant 0.000000e+00 : f32
      %broadcast_in_dim3A_370 = vector.broadcast %broadcast_in_dim3A_369 : f32 to vector<16xf32>
      %swap3A_371 = arith.index_cast %scan3A_354 : i32 to index
      %swap3A_372 = arith.constant 48 : index
      %swap3A_373 = tpu.vector_load %arg13[%swap3A_371, %swap3A_372] {strides = array<i32>} : memref<80x128xf32, #tpu.memory_space<vmem>>, vector<16xf32>,
      tpu.vector_store %arg13[%swap3A_371, %swap3A_372], %broadcast_in_dim3A_370 {strides = array<i32>} : memref<80x128xf32, #tpu.memory_space<vmem>>, vector<16xf32>,
      %broadcast_in_dim3A_374 = arith.constant 0.000000e+00 : f32
      %broadcast_in_dim3A_375 = vector.broadcast %broadcast_in_dim3A_374 : f32 to vector<16xf32>
      %swap3A_376 = arith.index_cast %scan3A_354 : i32 to index
      %swap3A_377 = arith.constant 64 : index
      %swap3A_378 = tpu.vector_load %arg13[%swap3A_376, %swap3A_377] {strides = array<i32>} : memref<80x128xf32, #tpu.memory_space<vmem>>, vector<16xf32>,
      tpu.vector_store %arg13[%swap3A_376, %swap3A_377], %broadcast_in_dim3A_375 {strides = array<i32>} : memref<80x128xf32, #tpu.memory_space<vmem>>, vector<16xf32>,
      %broadcast_in_dim3A_379 = arith.constant 0.000000e+00 : f32
      %broadcast_in_dim3A_380 = vector.broadcast %broadcast_in_dim3A_379 : f32 to vector<16xf32>
      %swap3A_381 = arith.index_cast %scan3A_354 : i32 to index
      %swap3A_382 = arith.constant 80 : index
      %swap3A_383 = tpu.vector_load %arg13[%swap3A_381, %swap3A_382] {strides = array<i32>} : memref<80x128xf32, #tpu.memory_space<vmem>>, vector<16xf32>,
      tpu.vector_store %arg13[%swap3A_381, %swap3A_382], %broadcast_in_dim3A_380 {strides = array<i32>} : memref<80x128xf32, #tpu.memory_space<vmem>>, vector<16xf32>,
      %broadcast_in_dim3A_384 = arith.constant 0.000000e+00 : f32
      %broadcast_in_dim3A_385 = vector.broadcast %broadcast_in_dim3A_384 : f32 to vector<16xf32>
      %swap3A_386 = arith.index_cast %scan3A_354 : i32 to index
      %swap3A_387 = arith.constant 96 : index
      %swap3A_388 = tpu.vector_load %arg13[%swap3A_386, %swap3A_387] {strides = array<i32>} : memref<80x128xf32, #tpu.memory_space<vmem>>, vector<16xf32>,
      tpu.vector_store %arg13[%swap3A_386, %swap3A_387], %broadcast_in_dim3A_385 {strides = array<i32>} : memref<80x128xf32, #tpu.memory_space<vmem>>, vector<16xf32>,
      %broadcast_in_dim3A_389 = arith.constant 0.000000e+00 : f32
      %broadcast_in_dim3A_390 = vector.broadcast %broadcast_in_dim3A_389 : f32 to vector<16xf32>
      %swap3A_391 = arith.index_cast %scan3A_354 : i32 to index
      %swap3A_392 = arith.constant 112 : index
      %swap3A_393 = tpu.vector_load %arg13[%swap3A_391, %swap3A_392] {strides = array<i32>} : memref<80x128xf32, #tpu.memory_space<vmem>>, vector<16xf32>,
      tpu.vector_store %arg13[%swap3A_391, %swap3A_392], %broadcast_in_dim3A_390 {strides = array<i32>} : memref<80x128xf32, #tpu.memory_space<vmem>>, vector<16xf32>,
    }
    %scan3A_7 = arith.constant 80 : i32
    %scan3A_8 = arith.constant 0 : i32
    %scan3A_9 = arith.constant 0 : i32
    %scan3A_10 = arith.constant 40 : i32
    %scan3A_11 = arith.addi %scan3A_9, %scan3A_10 : i32
    %scan3A_12 = arith.constant 1 : i32
    scf.for %scan3A_354 = %scan3A_9 to %scan3A_11 step %scan3A_12  : i32 {
      %broadcast_in_dim3A = arith.constant 0.000000e+00 : f32
      %broadcast_in_dim3A_355 = vector.broadcast %broadcast_in_dim3A : f32 to vector<16xf32>
      %mul3A_356 = arith.constant 16 : i32
      %mul3A_357 = arith.muli %scan3A_354, %mul3A_356 : i32
      %swap3A_358 = arith.index_cast %mul3A_357 : i32 to index
      %swap3A_359 = tpu.vector_load %arg12[%swap3A_358] {strides = array<i32>} : memref<640xf32, #tpu.memory_space<vmem>>, vector<16xf32>,
      tpu.vector_store %arg12[%swap3A_358], %broadcast_in_dim3A_355 {strides = array<i32>} : memref<640xf32, #tpu.memory_space<vmem>>, vector<16xf32>,
    }
    %scan3A_13 = arith.constant 40 : i32
    %mul3A_14 = arith.constant 624 : i32
    %mul3A_15 = arith.muli %arg1, %mul3A_14 : i32
    %add3A_16 = arith.constant 0 : i32
    %add3A_17 = arith.addi %mul3A_15, %add3A_16 : i32
    %dma_start3A = arith.constant 0 : i32
    %dma_start3A_18 = tpu.memref_slice %arg19[%add3A_17, %dma_start3A] : memref<10000x128xf32, #tpu.memory_space<vmem_shared>> -> memref<80x128xf32, #tpu.memory_space<vmem_shared>>
    %dma_start3A_19 = arith.constant 0 : i32
    %dma_start3A_20 = tpu.memref_slice %arg19[%add3A_17, %dma_start3A_19] : memref<10000x128xf32, #tpu.memory_space<vmem_shared>> -> memref<80x128xf32, #tpu.memory_space<vmem_shared>>
    tpu.enqueue_dma source(%arg13 : memref<80x128xf32, #tpu.memory_space<vmem>>) target(%dma_start3A_20 : memref<80x128xf32, #tpu.memory_space<vmem_shared>>) target_semaphore(%arg21 : memref<!tpu.dma_semaphore, #tpu.memory_space<semaphore_mem>>)
    %add3A_21 = arith.constant 80 : i32
    %add3A_22 = arith.addi %mul3A_15, %add3A_21 : i32
    %dma_start3A_23 = arith.constant 0 : i32
    %dma_start3A_24 = tpu.memref_slice %arg19[%add3A_22, %dma_start3A_23] : memref<10000x128xf32, #tpu.memory_space<vmem_shared>> -> memref<80x128xf32, #tpu.memory_space<vmem_shared>>
    %dma_start3A_25 = arith.constant 0 : i32
    %dma_start3A_26 = tpu.memref_slice %arg19[%add3A_22, %dma_start3A_25] : memref<10000x128xf32, #tpu.memory_space<vmem_shared>> -> memref<80x128xf32, #tpu.memory_space<vmem_shared>>
    tpu.enqueue_dma source(%arg13 : memref<80x128xf32, #tpu.memory_space<vmem>>) target(%dma_start3A_26 : memref<80x128xf32, #tpu.memory_space<vmem_shared>>) target_semaphore(%arg21 : memref<!tpu.dma_semaphore, #tpu.memory_space<semaphore_mem>>)
    %add3A_27 = arith.constant 160 : i32
    %add3A_28 = arith.addi %mul3A_15, %add3A_27 : i32
    %dma_start3A_29 = arith.constant 0 : i32
    %dma_start3A_30 = tpu.memref_slice %arg19[%add3A_28, %dma_start3A_29] : memref<10000x128xf32, #tpu.memory_space<vmem_shared>> -> memref<80x128xf32, #tpu.memory_space<vmem_shared>>
    %dma_start3A_31 = arith.constant 0 : i32
    %dma_start3A_32 = tpu.memref_slice %arg19[%add3A_28, %dma_start3A_31] : memref<10000x128xf32, #tpu.memory_space<vmem_shared>> -> memref<80x128xf32, #tpu.memory_space<vmem_shared>>
    tpu.enqueue_dma source(%arg13 : memref<80x128xf32, #tpu.memory_space<vmem>>) target(%dma_start3A_32 : memref<80x128xf32, #tpu.memory_space<vmem_shared>>) target_semaphore(%arg21 : memref<!tpu.dma_semaphore, #tpu.memory_space<semaphore_mem>>)
    %add3A_33 = arith.constant 240 : i32
    %add3A_34 = arith.addi %mul3A_15, %add3A_33 : i32
    %dma_start3A_35 = arith.constant 0 : i32
    %dma_start3A_36 = tpu.memref_slice %arg19[%add3A_34, %dma_start3A_35] : memref<10000x128xf32, #tpu.memory_space<vmem_shared>> -> memref<80x128xf32, #tpu.memory_space<vmem_shared>>
    %dma_start3A_37 = arith.constant 0 : i32
    %dma_start3A_38 = tpu.memref_slice %arg19[%add3A_34, %dma_start3A_37] : memref<10000x128xf32, #tpu.memory_space<vmem_shared>> -> memref<80x128xf32, #tpu.memory_space<vmem_shared>>
    tpu.enqueue_dma source(%arg13 : memref<80x128xf32, #tpu.memory_space<vmem>>) target(%dma_start3A_38 : memref<80x128xf32, #tpu.memory_space<vmem_shared>>) target_semaphore(%arg21 : memref<!tpu.dma_semaphore, #tpu.memory_space<semaphore_mem>>)
    %add3A_39 = arith.constant 320 : i32
    %add3A_40 = arith.addi %mul3A_15, %add3A_39 : i32
    %dma_start3A_41 = arith.constant 0 : i32
    %dma_start3A_42 = tpu.memref_slice %arg19[%add3A_40, %dma_start3A_41] : memref<10000x128xf32, #tpu.memory_space<vmem_shared>> -> memref<80x128xf32, #tpu.memory_space<vmem_shared>>
    %dma_start3A_43 = arith.constant 0 : i32
    %dma_start3A_44 = tpu.memref_slice %arg19[%add3A_40, %dma_start3A_43] : memref<10000x128xf32, #tpu.memory_space<vmem_shared>> -> memref<80x128xf32, #tpu.memory_space<vmem_shared>>
    tpu.enqueue_dma source(%arg13 : memref<80x128xf32, #tpu.memory_space<vmem>>) target(%dma_start3A_44 : memref<80x128xf32, #tpu.memory_space<vmem_shared>>) target_semaphore(%arg21 : memref<!tpu.dma_semaphore, #tpu.memory_space<semaphore_mem>>)
    %add3A_45 = arith.constant 400 : i32
    %add3A_46 = arith.addi %mul3A_15, %add3A_45 : i32
    %dma_start3A_47 = arith.constant 0 : i32
    %dma_start3A_48 = tpu.memref_slice %arg19[%add3A_46, %dma_start3A_47] : memref<10000x128xf32, #tpu.memory_space<vmem_shared>> -> memref<80x128xf32, #tpu.memory_space<vmem_shared>>
    %dma_start3A_49 = arith.constant 0 : i32
    %dma_start3A_50 = tpu.memref_slice %arg19[%add3A_46, %dma_start3A_49] : memref<10000x128xf32, #tpu.memory_space<vmem_shared>> -> memref<80x128xf32, #tpu.memory_space<vmem_shared>>
    tpu.enqueue_dma source(%arg13 : memref<80x128xf32, #tpu.memory_space<vmem>>) target(%dma_start3A_50 : memref<80x128xf32, #tpu.memory_space<vmem_shared>>) target_semaphore(%arg21 : memref<!tpu.dma_semaphore, #tpu.memory_space<semaphore_mem>>)
    %add3A_51 = arith.constant 480 : i32
    %add3A_52 = arith.addi %mul3A_15, %add3A_51 : i32
    %dma_start3A_53 = arith.constant 0 : i32
    %dma_start3A_54 = tpu.memref_slice %arg19[%add3A_52, %dma_start3A_53] : memref<10000x128xf32, #tpu.memory_space<vmem_shared>> -> memref<80x128xf32, #tpu.memory_space<vmem_shared>>
    %dma_start3A_55 = arith.constant 0 : i32
    %dma_start3A_56 = tpu.memref_slice %arg19[%add3A_52, %dma_start3A_55] : memref<10000x128xf32, #tpu.memory_space<vmem_shared>> -> memref<80x128xf32, #tpu.memory_space<vmem_shared>>
    tpu.enqueue_dma source(%arg13 : memref<80x128xf32, #tpu.memory_space<vmem>>) target(%dma_start3A_56 : memref<80x128xf32, #tpu.memory_space<vmem_shared>>) target_semaphore(%arg21 : memref<!tpu.dma_semaphore, #tpu.memory_space<semaphore_mem>>)
    %add3A_57 = arith.constant 560 : i32
    %add3A_58 = arith.addi %mul3A_15, %add3A_57 : i32
    %dma_start3A_59 = arith.constant 0 : i32
    %dma_start3A_60 = arith.constant 0 : i32
    %dma_start3A_61 = tpu.memref_slice %arg13[%dma_start3A_59, %dma_start3A_60] : memref<80x128xf32, #tpu.memory_space<vmem>> -> memref<64x128xf32, #tpu.memory_space<vmem>>
    %dma_start3A_62 = arith.constant 0 : i32
    %dma_start3A_63 = tpu.memref_slice %arg19[%add3A_58, %dma_start3A_62] : memref<10000x128xf32, #tpu.memory_space<vmem_shared>> -> memref<64x128xf32, #tpu.memory_space<vmem_shared>>
    %dma_start3A_64 = arith.constant 0 : i32
    %dma_start3A_65 = tpu.memref_slice %arg19[%add3A_58, %dma_start3A_64] : memref<10000x128xf32, #tpu.memory_space<vmem_shared>> -> memref<64x128xf32, #tpu.memory_space<vmem_shared>>
    %dma_start3A_66 = arith.constant 0 : i32
    %dma_start3A_67 = arith.constant 0 : i32
    %dma_start3A_68 = tpu.memref_slice %arg13[%dma_start3A_66, %dma_start3A_67] : memref<80x128xf32, #tpu.memory_space<vmem>> -> memref<64x128xf32, #tpu.memory_space<vmem>>
    tpu.enqueue_dma source(%dma_start3A_68 : memref<64x128xf32, #tpu.memory_space<vmem>>) target(%dma_start3A_65 : memref<64x128xf32, #tpu.memory_space<vmem_shared>>) target_semaphore(%arg21 : memref<!tpu.dma_semaphore, #tpu.memory_space<semaphore_mem>>)
    %mul3A_69 = arith.constant 640 : i32
    %mul3A_70 = arith.muli %arg1, %mul3A_69 : i32
    %dma_start3A_71 = tpu.memref_slice %arg20[%mul3A_70] : memref<10240xf32, #tpu.memory_space<vmem_shared>> -> memref<640xf32, #tpu.memory_space<vmem_shared>>
    %dma_start3A_72 = tpu.memref_slice %arg20[%mul3A_70] : memref<10240xf32, #tpu.memory_space<vmem_shared>> -> memref<640xf32, #tpu.memory_space<vmem_shared>>
    tpu.enqueue_dma source(%arg12 : memref<640xf32, #tpu.memory_space<vmem>>) target(%dma_start3A_72 : memref<640xf32, #tpu.memory_space<vmem_shared>>) target_semaphore(%arg21 : memref<!tpu.dma_semaphore, #tpu.memory_space<semaphore_mem>>)
    %eq3A = arith.constant 15 : i32
    %eq3A_73 = arith.cmpi eq, %arg1, %eq3A : i32
    %convert_element_type3A = arith.extui %eq3A_73 : i1 to i32
    %cond3A = arith.constant 0 : i32
    %cond3A_74 = arith.cmpi ne, %convert_element_type3A, %cond3A : i32
    scf.if %cond3A_74 {
      "tpu.region"() ({
        %run_scoped3A = tpu.sem_alloc : memref<!tpu.dma_semaphore, #tpu.memory_space<semaphore_mem>>
        %dma_start3A_354 = arith.constant 0 : i32
        %dma_start3A_355 = arith.constant 0 : i32
        %dma_start3A_356 = tpu.memref_slice %arg13[%dma_start3A_354, %dma_start3A_355] : memref<80x128xf32, #tpu.memory_space<vmem>> -> memref<16x128xf32, #tpu.memory_space<vmem>>
        %dma_start3A_357 = arith.constant 9984 : i32
        %dma_start3A_358 = arith.constant 0 : i32
        %dma_start3A_359 = tpu.memref_slice %arg19[%dma_start3A_357, %dma_start3A_358] : memref<10000x128xf32, #tpu.memory_space<vmem_shared>> -> memref<16x128xf32, #tpu.memory_space<vmem_shared>>
        %dma_start3A_360 = arith.constant 9984 : i32
        %dma_start3A_361 = arith.constant 0 : i32
        %dma_start3A_362 = tpu.memref_slice %arg19[%dma_start3A_360, %dma_start3A_361] : memref<10000x128xf32, #tpu.memory_space<vmem_shared>> -> memref<16x128xf32, #tpu.memory_space<vmem_shared>>
        %dma_start3A_363 = arith.constant 0 : i32
        %dma_start3A_364 = arith.constant 0 : i32
        %dma_start3A_365 = tpu.memref_slice %arg13[%dma_start3A_363, %dma_start3A_364] : memref<80x128xf32, #tpu.memory_space<vmem>> -> memref<16x128xf32, #tpu.memory_space<vmem>>
        tpu.enqueue_dma source(%dma_start3A_365 : memref<16x128xf32, #tpu.memory_space<vmem>>) target(%dma_start3A_362 : memref<16x128xf32, #tpu.memory_space<vmem_shared>>) target_semaphore(%run_scoped3A : memref<!tpu.dma_semaphore, #tpu.memory_space<semaphore_mem>>)
        %dma_wait3A_366 = arith.constant 0 : i32
        %dma_wait3A_367 = arith.constant 0 : i32
        %dma_wait3A_368 = tpu.memref_slice %arg13[%dma_wait3A_366, %dma_wait3A_367] : memref<80x128xf32, #tpu.memory_space<vmem>> -> memref<16x128xf32, #tpu.memory_space<vmem>>
        %dma_wait3A_369 = arith.constant 9984 : i32
        %dma_wait3A_370 = arith.constant 0 : i32
        %dma_wait3A_371 = tpu.memref_slice %arg19[%dma_wait3A_369, %dma_wait3A_370] : memref<10000x128xf32, #tpu.memory_space<vmem_shared>> -> memref<16x128xf32, #tpu.memory_space<vmem_shared>>
        %dma_wait3A_372 = arith.constant 9984 : i32
        %dma_wait3A_373 = arith.constant 0 : i32
        %dma_wait3A_374 = tpu.memref_slice %arg19[%dma_wait3A_372, %dma_wait3A_373] : memref<10000x128xf32, #tpu.memory_space<vmem_shared>> -> memref<16x128xf32, #tpu.memory_space<vmem_shared>>
        %dma_wait3A_375 = arith.constant 0 : i32
        %dma_wait3A_376 = arith.constant 0 : i32
        %dma_wait3A_377 = tpu.memref_slice %arg13[%dma_wait3A_375, %dma_wait3A_376] : memref<80x128xf32, #tpu.memory_space<vmem>> -> memref<16x128xf32, #tpu.memory_space<vmem>>
        tpu.wait_dma2 semaphore(%run_scoped3A : memref<!tpu.dma_semaphore, #tpu.memory_space<semaphore_mem>>) src(%dma_wait3A_377 : memref<16x128xf32, #tpu.memory_space<vmem>>) dst(%dma_wait3A_374 : memref<16x128xf32, #tpu.memory_space<vmem_shared>>)
        tpu.yield
      }) : () -> ()
    } else {
    }
    %dma_wait3A = arith.constant 0 : i32
    %dma_wait3A_75 = tpu.memref_slice %arg19[%add3A_17, %dma_wait3A] : memref<10000x128xf32, #tpu.memory_space<vmem_shared>> -> memref<80x128xf32, #tpu.memory_space<vmem_shared>>
    %dma_wait3A_76 = arith.constant 0 : i32
    %dma_wait3A_77 = tpu.memref_slice %arg19[%add3A_17, %dma_wait3A_76] : memref<10000x128xf32, #tpu.memory_space<vmem_shared>> -> memref<80x128xf32, #tpu.memory_space<vmem_shared>>
    tpu.wait_dma2 semaphore(%arg21 : memref<!tpu.dma_semaphore, #tpu.memory_space<semaphore_mem>>) src(%arg13 : memref<80x128xf32, #tpu.memory_space<vmem>>) dst(%dma_wait3A_77 : memref<80x128xf32, #tpu.memory_space<vmem_shared>>)
    %dma_wait3A_78 = arith.constant 0 : i32
    %dma_wait3A_79 = tpu.memref_slice %arg19[%add3A_22, %dma_wait3A_78] : memref<10000x128xf32, #tpu.memory_space<vmem_shared>> -> memref<80x128xf32, #tpu.memory_space<vmem_shared>>
    %dma_wait3A_80 = arith.constant 0 : i32
    %dma_wait3A_81 = tpu.memref_slice %arg19[%add3A_22, %dma_wait3A_80] : memref<10000x128xf32, #tpu.memory_space<vmem_shared>> -> memref<80x128xf32, #tpu.memory_space<vmem_shared>>
    tpu.wait_dma2 semaphore(%arg21 : memref<!tpu.dma_semaphore, #tpu.memory_space<semaphore_mem>>) src(%arg13 : memref<80x128xf32, #tpu.memory_space<vmem>>) dst(%dma_wait3A_81 : memref<80x128xf32, #tpu.memory_space<vmem_shared>>)
    %dma_wait3A_82 = arith.constant 0 : i32
    %dma_wait3A_83 = tpu.memref_slice %arg19[%add3A_28, %dma_wait3A_82] : memref<10000x128xf32, #tpu.memory_space<vmem_shared>> -> memref<80x128xf32, #tpu.memory_space<vmem_shared>>
    %dma_wait3A_84 = arith.constant 0 : i32
    %dma_wait3A_85 = tpu.memref_slice %arg19[%add3A_28, %dma_wait3A_84] : memref<10000x128xf32, #tpu.memory_space<vmem_shared>> -> memref<80x128xf32, #tpu.memory_space<vmem_shared>>
    tpu.wait_dma2 semaphore(%arg21 : memref<!tpu.dma_semaphore, #tpu.memory_space<semaphore_mem>>) src(%arg13 : memref<80x128xf32, #tpu.memory_space<vmem>>) dst(%dma_wait3A_85 : memref<80x128xf32, #tpu.memory_space<vmem_shared>>)
    %dma_wait3A_86 = arith.constant 0 : i32
    %dma_wait3A_87 = tpu.memref_slice %arg19[%add3A_34, %dma_wait3A_86] : memref<10000x128xf32, #tpu.memory_space<vmem_shared>> -> memref<80x128xf32, #tpu.memory_space<vmem_shared>>
    %dma_wait3A_88 = arith.constant 0 : i32
    %dma_wait3A_89 = tpu.memref_slice %arg19[%add3A_34, %dma_wait3A_88] : memref<10000x128xf32, #tpu.memory_space<vmem_shared>> -> memref<80x128xf32, #tpu.memory_space<vmem_shared>>
    tpu.wait_dma2 semaphore(%arg21 : memref<!tpu.dma_semaphore, #tpu.memory_space<semaphore_mem>>) src(%arg13 : memref<80x128xf32, #tpu.memory_space<vmem>>) dst(%dma_wait3A_89 : memref<80x128xf32, #tpu.memory_space<vmem_shared>>)
    %dma_wait3A_90 = arith.constant 0 : i32
    %dma_wait3A_91 = tpu.memref_slice %arg19[%add3A_40, %dma_wait3A_90] : memref<10000x128xf32, #tpu.memory_space<vmem_shared>> -> memref<80x128xf32, #tpu.memory_space<vmem_shared>>
    %dma_wait3A_92 = arith.constant 0 : i32
    %dma_wait3A_93 = tpu.memref_slice %arg19[%add3A_40, %dma_wait3A_92] : memref<10000x128xf32, #tpu.memory_space<vmem_shared>> -> memref<80x128xf32, #tpu.memory_space<vmem_shared>>
    tpu.wait_dma2 semaphore(%arg21 : memref<!tpu.dma_semaphore, #tpu.memory_space<semaphore_mem>>) src(%arg13 : memref<80x128xf32, #tpu.memory_space<vmem>>) dst(%dma_wait3A_93 : memref<80x128xf32, #tpu.memory_space<vmem_shared>>)
    %dma_wait3A_94 = arith.constant 0 : i32
    %dma_wait3A_95 = tpu.memref_slice %arg19[%add3A_46, %dma_wait3A_94] : memref<10000x128xf32, #tpu.memory_space<vmem_shared>> -> memref<80x128xf32, #tpu.memory_space<vmem_shared>>
    %dma_wait3A_96 = arith.constant 0 : i32
    %dma_wait3A_97 = tpu.memref_slice %arg19[%add3A_46, %dma_wait3A_96] : memref<10000x128xf32, #tpu.memory_space<vmem_shared>> -> memref<80x128xf32, #tpu.memory_space<vmem_shared>>
    tpu.wait_dma2 semaphore(%arg21 : memref<!tpu.dma_semaphore, #tpu.memory_space<semaphore_mem>>) src(%arg13 : memref<80x128xf32, #tpu.memory_space<vmem>>) dst(%dma_wait3A_97 : memref<80x128xf32, #tpu.memory_space<vmem_shared>>)
    %dma_wait3A_98 = arith.constant 0 : i32
    %dma_wait3A_99 = tpu.memref_slice %arg19[%add3A_52, %dma_wait3A_98] : memref<10000x128xf32, #tpu.memory_space<vmem_shared>> -> memref<80x128xf32, #tpu.memory_space<vmem_shared>>
    %dma_wait3A_100 = arith.constant 0 : i32
    %dma_wait3A_101 = tpu.memref_slice %arg19[%add3A_52, %dma_wait3A_100] : memref<10000x128xf32, #tpu.memory_space<vmem_shared>> -> memref<80x128xf32, #tpu.memory_space<vmem_shared>>
    tpu.wait_dma2 semaphore(%arg21 : memref<!tpu.dma_semaphore, #tpu.memory_space<semaphore_mem>>) src(%arg13 : memref<80x128xf32, #tpu.memory_space<vmem>>) dst(%dma_wait3A_101 : memref<80x128xf32, #tpu.memory_space<vmem_shared>>)
    %dma_wait3A_102 = arith.constant 0 : i32
    %dma_wait3A_103 = arith.constant 0 : i32
    %dma_wait3A_104 = tpu.memref_slice %arg13[%dma_wait3A_102, %dma_wait3A_103] : memref<80x128xf32, #tpu.memory_space<vmem>> -> memref<64x128xf32, #tpu.memory_space<vmem>>
    %dma_wait3A_105 = arith.constant 0 : i32
    %dma_wait3A_106 = tpu.memref_slice %arg19[%add3A_58, %dma_wait3A_105] : memref<10000x128xf32, #tpu.memory_space<vmem_shared>> -> memref<64x128xf32, #tpu.memory_space<vmem_shared>>
    %dma_wait3A_107 = arith.constant 0 : i32
    %dma_wait3A_108 = tpu.memref_slice %arg19[%add3A_58, %dma_wait3A_107] : memref<10000x128xf32, #tpu.memory_space<vmem_shared>> -> memref<64x128xf32, #tpu.memory_space<vmem_shared>>
    %dma_wait3A_109 = arith.constant 0 : i32
    %dma_wait3A_110 = arith.constant 0 : i32
    %dma_wait3A_111 = tpu.memref_slice %arg13[%dma_wait3A_109, %dma_wait3A_110] : memref<80x128xf32, #tpu.memory_space<vmem>> -> memref<64x128xf32, #tpu.memory_space<vmem>>
    tpu.wait_dma2 semaphore(%arg21 : memref<!tpu.dma_semaphore, #tpu.memory_space<semaphore_mem>>) src(%dma_wait3A_111 : memref<64x128xf32, #tpu.memory_space<vmem>>) dst(%dma_wait3A_108 : memref<64x128xf32, #tpu.memory_space<vmem_shared>>)
    %dma_wait3A_112 = tpu.memref_slice %arg20[%mul3A_70] : memref<10240xf32, #tpu.memory_space<vmem_shared>> -> memref<640xf32, #tpu.memory_space<vmem_shared>>
    %dma_wait3A_113 = tpu.memref_slice %arg20[%mul3A_70] : memref<10240xf32, #tpu.memory_space<vmem_shared>> -> memref<640xf32, #tpu.memory_space<vmem_shared>>
    tpu.wait_dma2 semaphore(%arg21 : memref<!tpu.dma_semaphore, #tpu.memory_space<semaphore_mem>>) src(%arg12 : memref<640xf32, #tpu.memory_space<vmem>>) dst(%dma_wait3A_113 : memref<640xf32, #tpu.memory_space<vmem_shared>>)
    %barrier3A = arith.constant 0 : index
    tpu.barrier barrier_id(%barrier3A)
    %dma_start3A_114 = arith.constant 0 : i32
    %dma_start3A_115 = tpu.memref_slice %arg3[%dma_start3A_114, %mul3A_2] : memref<2x320000xi32, #tpu.memory_space<hbm>> -> memref<1x80xi32, #tpu.memory_space<hbm>>
    %dma_start3A_116 = tpu.memref_squeeze %dma_start3A_115 : memref<1x80xi32, #tpu.memory_space<hbm>> -> memref<80xi32, #tpu.memory_space<hbm>>
    %dma_start3A_117 = tpu.memref_slice %arg3[%dma_start3A_114, %mul3A_2] : memref<2x320000xi32, #tpu.memory_space<hbm>> -> memref<1x80xi32, #tpu.memory_space<hbm>>
    %dma_start3A_118 = tpu.memref_squeeze %dma_start3A_117 : memref<1x80xi32, #tpu.memory_space<hbm>> -> memref<80xi32, #tpu.memory_space<hbm>>
    tpu.enqueue_dma source(%dma_start3A_118 : memref<80xi32, #tpu.memory_space<hbm>>) target(%arg7 : memref<80xi32, #tpu.memory_space<vmem>>) target_semaphore(%arg23 : memref<!tpu.dma_semaphore, #tpu.memory_space<semaphore_mem>>)
    %dma_wait3A_119 = arith.constant 0 : i32
    %dma_wait3A_120 = tpu.memref_slice %arg3[%dma_wait3A_119, %mul3A_2] : memref<2x320000xi32, #tpu.memory_space<hbm>> -> memref<1x80xi32, #tpu.memory_space<hbm>>
    %dma_wait3A_121 = tpu.memref_squeeze %dma_wait3A_120 : memref<1x80xi32, #tpu.memory_space<hbm>> -> memref<80xi32, #tpu.memory_space<hbm>>
    %dma_wait3A_122 = tpu.memref_slice %arg3[%dma_wait3A_119, %mul3A_2] : memref<2x320000xi32, #tpu.memory_space<hbm>> -> memref<1x80xi32, #tpu.memory_space<hbm>>
    %dma_wait3A_123 = tpu.memref_squeeze %dma_wait3A_122 : memref<1x80xi32, #tpu.memory_space<hbm>> -> memref<80xi32, #tpu.memory_space<hbm>>
    tpu.wait_dma2 semaphore(%arg23 : memref<!tpu.dma_semaphore, #tpu.memory_space<semaphore_mem>>) src(%dma_wait3A_123 : memref<80xi32, #tpu.memory_space<hbm>>) dst(%arg7 : memref<80xi32, #tpu.memory_space<vmem>>)
    %dma_start3A_124 = arith.constant 1 : i32
    %dma_start3A_125 = tpu.memref_slice %arg3[%dma_start3A_124, %mul3A_2] : memref<2x320000xi32, #tpu.memory_space<hbm>> -> memref<1x80xi32, #tpu.memory_space<hbm>>
    %dma_start3A_126 = tpu.memref_squeeze %dma_start3A_125 : memref<1x80xi32, #tpu.memory_space<hbm>> -> memref<80xi32, #tpu.memory_space<hbm>>
    %dma_start3A_127 = tpu.memref_slice %arg3[%dma_start3A_124, %mul3A_2] : memref<2x320000xi32, #tpu.memory_space<hbm>> -> memref<1x80xi32, #tpu.memory_space<hbm>>
    %dma_start3A_128 = tpu.memref_squeeze %dma_start3A_127 : memref<1x80xi32, #tpu.memory_space<hbm>> -> memref<80xi32, #tpu.memory_space<hbm>>
    tpu.enqueue_dma source(%dma_start3A_128 : memref<80xi32, #tpu.memory_space<hbm>>) target(%arg8 : memref<80xi32, #tpu.memory_space<vmem>>) target_semaphore(%arg23 : memref<!tpu.dma_semaphore, #tpu.memory_space<semaphore_mem>>)
    %dma_wait3A_129 = arith.constant 1 : i32
    %dma_wait3A_130 = tpu.memref_slice %arg3[%dma_wait3A_129, %mul3A_2] : memref<2x320000xi32, #tpu.memory_space<hbm>> -> memref<1x80xi32, #tpu.memory_space<hbm>>
    %dma_wait3A_131 = tpu.memref_squeeze %dma_wait3A_130 : memref<1x80xi32, #tpu.memory_space<hbm>> -> memref<80xi32, #tpu.memory_space<hbm>>
    %dma_wait3A_132 = tpu.memref_slice %arg3[%dma_wait3A_129, %mul3A_2] : memref<2x320000xi32, #tpu.memory_space<hbm>> -> memref<1x80xi32, #tpu.memory_space<hbm>>
    %dma_wait3A_133 = tpu.memref_squeeze %dma_wait3A_132 : memref<1x80xi32, #tpu.memory_space<hbm>> -> memref<80xi32, #tpu.memory_space<hbm>>
    tpu.wait_dma2 semaphore(%arg23 : memref<!tpu.dma_semaphore, #tpu.memory_space<semaphore_mem>>) src(%dma_wait3A_133 : memref<80xi32, #tpu.memory_space<hbm>>) dst(%arg8 : memref<80xi32, #tpu.memory_space<vmem>>)
    %add3A_134 = arith.constant 80 : i32
    %add3A_135 = arith.addi %mul3A_2, %add3A_134 : i32
    %dma_start3A_136 = arith.constant 0 : i32
    %dma_start3A_137 = tpu.memref_slice %arg3[%dma_start3A_136, %add3A_135] : memref<2x320000xi32, #tpu.memory_space<hbm>> -> memref<1x80xi32, #tpu.memory_space<hbm>>
    %dma_start3A_138 = tpu.memref_squeeze %dma_start3A_137 : memref<1x80xi32, #tpu.memory_space<hbm>> -> memref<80xi32, #tpu.memory_space<hbm>>
    %dma_start3A_139 = tpu.memref_slice %arg3[%dma_start3A_136, %add3A_135] : memref<2x320000xi32, #tpu.memory_space<hbm>> -> memref<1x80xi32, #tpu.memory_space<hbm>>
    %dma_start3A_140 = tpu.memref_squeeze %dma_start3A_139 : memref<1x80xi32, #tpu.memory_space<hbm>> -> memref<80xi32, #tpu.memory_space<hbm>>
    tpu.enqueue_dma source(%dma_start3A_140 : memref<80xi32, #tpu.memory_space<hbm>>) target(%arg9 : memref<80xi32, #tpu.memory_space<vmem>>) target_semaphore(%arg24 : memref<!tpu.dma_semaphore, #tpu.memory_space<semaphore_mem>>)
    %add3A_141 = arith.constant 80 : i32
    %add3A_142 = arith.addi %mul3A_2, %add3A_141 : i32
    %dma_start3A_143 = arith.constant 1 : i32
    %dma_start3A_144 = tpu.memref_slice %arg3[%dma_start3A_143, %add3A_142] : memref<2x320000xi32, #tpu.memory_space<hbm>> -> memref<1x80xi32, #tpu.memory_space<hbm>>
    %dma_start3A_145 = tpu.memref_squeeze %dma_start3A_144 : memref<1x80xi32, #tpu.memory_space<hbm>> -> memref<80xi32, #tpu.memory_space<hbm>>
    %dma_start3A_146 = tpu.memref_slice %arg3[%dma_start3A_143, %add3A_142] : memref<2x320000xi32, #tpu.memory_space<hbm>> -> memref<1x80xi32, #tpu.memory_space<hbm>>
    %dma_start3A_147 = tpu.memref_squeeze %dma_start3A_146 : memref<1x80xi32, #tpu.memory_space<hbm>> -> memref<80xi32, #tpu.memory_space<hbm>>
    tpu.enqueue_dma source(%dma_start3A_147 : memref<80xi32, #tpu.memory_space<hbm>>) target(%arg10 : memref<80xi32, #tpu.memory_space<vmem>>) target_semaphore(%arg24 : memref<!tpu.dma_semaphore, #tpu.memory_space<semaphore_mem>>)
    %dma_start3A_148 = arith.constant 0 : i32
    %dma_start3A_149 = arith.constant 0 : i32
    %dma_start3A_150 = tpu.memref_slice %arg2[%dma_start3A_148, %dma_start3A_149] : memref<10000x128xf32, #tpu.memory_space<hbm>> -> memref<10000x128xf32, #tpu.memory_space<hbm>>
    tpu.enqueue_indirect_dma source(%dma_start3A_150 : memref<10000x128xf32, #tpu.memory_space<hbm>>) target(%arg13 : memref<80x128xf32, #tpu.memory_space<vmem>>) offsets(%arg7 : memref<80xi32, #tpu.memory_space<vmem>>) semaphore(%arg21 : memref<!tpu.dma_semaphore, #tpu.memory_space<semaphore_mem>>)
    %scan3A_151 = arith.constant 0 : i32
    %scan3A_152 = arith.constant 0 : i32
    %scan3A_153 = arith.constant 62 : i32
    %scan3A_154 = arith.addi %scan3A_152, %scan3A_153 : i32
    %scan3A_155 = arith.constant 1 : i32
    scf.for %scan3A_354 = %scan3A_152 to %scan3A_154 step %scan3A_155  : i32 {
      %mul3A_355 = arith.constant 2 : i32
      %mul3A_356 = arith.muli %mul3A_355, %scan3A_354 : i32
      %gt3A = arith.constant 0 : i32
      %gt3A_357 = arith.cmpi sgt, %scan3A_354, %gt3A : i32
      %convert_element_type3A_358 = arith.extui %gt3A_357 : i1 to i32
      %cond3A_359 = arith.constant 0 : i32
      %cond3A_360 = arith.cmpi ne, %convert_element_type3A_358, %cond3A_359 : i32
      scf.if %cond3A_360 {
        %dma_wait3A_748 = arith.constant 0 : i32
        %dma_wait3A_749 = arith.constant 0 : i32
        %dma_wait3A_750 = tpu.memref_slice %arg2[%dma_wait3A_748, %dma_wait3A_749] : memref<10000x128xf32, #tpu.memory_space<hbm>> -> memref<80x128xf32, #tpu.memory_space<hbm>>
        %dma_wait3A_751 = arith.constant 0 : i32
        %dma_wait3A_752 = arith.constant 0 : i32
        %dma_wait3A_753 = tpu.memref_slice %arg2[%dma_wait3A_751, %dma_wait3A_752] : memref<10000x128xf32, #tpu.memory_space<hbm>> -> memref<80x128xf32, #tpu.memory_space<hbm>>
        tpu.wait_dma2 semaphore(%arg26 : memref<!tpu.dma_semaphore, #tpu.memory_space<semaphore_mem>>) src(%dma_wait3A_753 : memref<80x128xf32, #tpu.memory_space<hbm>>) dst(%arg14 : memref<80x128xf32, #tpu.memory_space<vmem>>)
        %dma_wait3A_754 = arith.constant 0 : i32
        %dma_wait3A_755 = tpu.memref_slice %arg18[%dma_wait3A_754] : memref<96xf32, #tpu.memory_space<vmem>> -> memref<80xf32, #tpu.memory_space<vmem>>
        %dma_wait3A_756 = arith.constant 0 : i32
        %dma_wait3A_757 = tpu.memref_slice %arg4[%dma_wait3A_756] : memref<20000xf32, #tpu.memory_space<hbm>> -> memref<80xf32, #tpu.memory_space<hbm>>
        %dma_wait3A_758 = arith.constant 0 : i32
        %dma_wait3A_759 = tpu.memref_slice %arg18[%dma_wait3A_758] : memref<96xf32, #tpu.memory_space<vmem>> -> memref<80xf32, #tpu.memory_space<vmem>>
        %dma_wait3A_760 = arith.constant 0 : i32
        %dma_wait3A_761 = tpu.memref_slice %arg4[%dma_wait3A_760] : memref<20000xf32, #tpu.memory_space<hbm>> -> memref<80xf32, #tpu.memory_space<hbm>>
        tpu.wait_dma2 semaphore(%arg28 : memref<!tpu.dma_semaphore, #tpu.memory_space<semaphore_mem>>) src(%dma_wait3A_761 : memref<80xf32, #tpu.memory_space<hbm>>) dst(%dma_wait3A_759 : memref<80xf32, #tpu.memory_space<vmem>>)
      } else {
      }
      %dma_wait3A_361 = arith.constant 0 : i32
      %dma_wait3A_362 = arith.constant 0 : i32
      %dma_wait3A_363 = tpu.memref_slice %arg3[%dma_wait3A_361, %dma_wait3A_362] : memref<2x320000xi32, #tpu.memory_space<hbm>> -> memref<1x80xi32, #tpu.memory_space<hbm>>
      %dma_wait3A_364 = tpu.memref_squeeze %dma_wait3A_363 : memref<1x80xi32, #tpu.memory_space<hbm>> -> memref<80xi32, #tpu.memory_space<hbm>>
      %dma_wait3A_365 = arith.constant 0 : i32
      %dma_wait3A_366 = tpu.memref_slice %arg3[%dma_wait3A_361, %dma_wait3A_365] : memref<2x320000xi32, #tpu.memory_space<hbm>> -> memref<1x80xi32, #tpu.memory_space<hbm>>
      %dma_wait3A_367 = tpu.memref_squeeze %dma_wait3A_366 : memref<1x80xi32, #tpu.memory_space<hbm>> -> memref<80xi32, #tpu.memory_space<hbm>>
      tpu.wait_dma2 semaphore(%arg24 : memref<!tpu.dma_semaphore, #tpu.memory_space<semaphore_mem>>) src(%dma_wait3A_367 : memref<80xi32, #tpu.memory_space<hbm>>) dst(%arg9 : memref<80xi32, #tpu.memory_space<vmem>>)
      %dma_wait3A_368 = arith.constant 1 : i32
      %dma_wait3A_369 = arith.constant 0 : i32
      %dma_wait3A_370 = tpu.memref_slice %arg3[%dma_wait3A_368, %dma_wait3A_369] : memref<2x320000xi32, #tpu.memory_space<hbm>> -> memref<1x80xi32, #tpu.memory_space<hbm>>
      %dma_wait3A_371 = tpu.memref_squeeze %dma_wait3A_370 : memref<1x80xi32, #tpu.memory_space<hbm>> -> memref<80xi32, #tpu.memory_space<hbm>>
      %dma_wait3A_372 = arith.constant 0 : i32
      %dma_wait3A_373 = tpu.memref_slice %arg3[%dma_wait3A_368, %dma_wait3A_372] : memref<2x320000xi32, #tpu.memory_space<hbm>> -> memref<1x80xi32, #tpu.memory_space<hbm>>
      %dma_wait3A_374 = tpu.memref_squeeze %dma_wait3A_373 : memref<1x80xi32, #tpu.memory_space<hbm>> -> memref<80xi32, #tpu.memory_space<hbm>>
      tpu.wait_dma2 semaphore(%arg24 : memref<!tpu.dma_semaphore, #tpu.memory_space<semaphore_mem>>) src(%dma_wait3A_374 : memref<80xi32, #tpu.memory_space<hbm>>) dst(%arg10 : memref<80xi32, #tpu.memory_space<vmem>>)
      %dma_start3A_375 = arith.constant 0 : i32
      %dma_start3A_376 = arith.constant 0 : i32
      %dma_start3A_377 = tpu.memref_slice %arg2[%dma_start3A_375, %dma_start3A_376] : memref<10000x128xf32, #tpu.memory_space<hbm>> -> memref<10000x128xf32, #tpu.memory_space<hbm>>
      tpu.enqueue_indirect_dma source(%dma_start3A_377 : memref<10000x128xf32, #tpu.memory_space<hbm>>) target(%arg14 : memref<80x128xf32, #tpu.memory_space<vmem>>) offsets(%arg9 : memref<80xi32, #tpu.memory_space<vmem>>) semaphore(%arg22 : memref<!tpu.dma_semaphore, #tpu.memory_space<semaphore_mem>>)
      %gt3A_378 = arith.constant 0 : i32
      %gt3A_379 = arith.cmpi sgt, %scan3A_354, %gt3A_378 : i32
      %convert_element_type3A_380 = arith.extui %gt3A_379 : i1 to i32
      %cond3A_381 = arith.constant 0 : i32
      %cond3A_382 = arith.cmpi ne, %convert_element_type3A_380, %cond3A_381 : i32
      scf.if %cond3A_382 {
        %dma_wait3A_748 = arith.constant 0 : i32
        %dma_wait3A_749 = tpu.memref_slice %arg17[%dma_wait3A_748] : memref<96xf32, #tpu.memory_space<vmem>> -> memref<80xf32, #tpu.memory_space<vmem>>
        %dma_wait3A_750 = arith.constant 0 : i32
        %dma_wait3A_751 = tpu.memref_slice %arg4[%dma_wait3A_750] : memref<20000xf32, #tpu.memory_space<hbm>> -> memref<80xf32, #tpu.memory_space<hbm>>
        %dma_wait3A_752 = arith.constant 0 : i32
        %dma_wait3A_753 = tpu.memref_slice %arg17[%dma_wait3A_752] : memref<96xf32, #tpu.memory_space<vmem>> -> memref<80xf32, #tpu.memory_space<vmem>>
        %dma_wait3A_754 = arith.constant 0 : i32
        %dma_wait3A_755 = tpu.memref_slice %arg4[%dma_wait3A_754] : memref<20000xf32, #tpu.memory_space<hbm>> -> memref<80xf32, #tpu.memory_space<hbm>>
        tpu.wait_dma2 semaphore(%arg27 : memref<!tpu.dma_semaphore, #tpu.memory_space<semaphore_mem>>) src(%dma_wait3A_755 : memref<80xf32, #tpu.memory_space<hbm>>) dst(%dma_wait3A_753 : memref<80xf32, #tpu.memory_space<vmem>>)
      } else {
      }
      %dma_wait3A_383 = arith.constant 0 : i32
      %dma_wait3A_384 = arith.constant 0 : i32
      %dma_wait3A_385 = tpu.memref_slice %arg2[%dma_wait3A_383, %dma_wait3A_384] : memref<10000x128xf32, #tpu.memory_space<hbm>> -> memref<80x128xf32, #tpu.memory_space<hbm>>
      %dma_wait3A_386 = arith.constant 0 : i32
      %dma_wait3A_387 = arith.constant 0 : i32
      %dma_wait3A_388 = tpu.memref_slice %arg2[%dma_wait3A_386, %dma_wait3A_387] : memref<10000x128xf32, #tpu.memory_space<hbm>> -> memref<80x128xf32, #tpu.memory_space<hbm>>
      tpu.wait_dma2 semaphore(%arg21 : memref<!tpu.dma_semaphore, #tpu.memory_space<semaphore_mem>>) src(%dma_wait3A_388 : memref<80x128xf32, #tpu.memory_space<hbm>>) dst(%arg13 : memref<80x128xf32, #tpu.memory_space<vmem>>)
      %get3A_389 = arith.constant 0 : index
      %get3A_390 = tpu.vector_load %arg7[%get3A_389] {strides = array<i32>} : memref<80xi32, #tpu.memory_space<vmem>>, vector<16xi32>,
      %get3A_391 = arith.constant 0 : index
      %get3A_392 = tpu.vector_load %arg8[%get3A_391] {strides = array<i32>} : memref<80xi32, #tpu.memory_space<vmem>>, vector<16xi32>,
      %shift_left3A_393 = arith.constant 1 : i32
      %shift_left3A_394 = vector.broadcast %shift_left3A_393 : i32 to vector<16xi32>
      %shift_left3A_395 = arith.shli %get3A_390, %shift_left3A_394 : vector<16xi32>
      %gather3A_396 = tpu.vector_load_idx %arg11[%shift_left3A_395] : memref<20480xf32, #tpu.memory_space<vmem>>[vector<16xi32>], vector<16xf32>,
      %shift_left3A_397 = arith.constant 1 : i32
      %shift_left3A_398 = vector.broadcast %shift_left3A_397 : i32 to vector<16xi32>
      %shift_left3A_399 = arith.shli %get3A_392, %shift_left3A_398 : vector<16xi32>
      %or3A_400 = arith.constant 1 : i32
      %or3A_401 = vector.broadcast %or3A_400 : i32 to vector<16xi32>
      %or3A_402 = arith.ori %shift_left3A_399, %or3A_401 : vector<16xi32>
      %gather3A_403 = tpu.vector_load_idx %arg11[%or3A_402] : memref<20480xf32, #tpu.memory_space<vmem>>[vector<16xi32>], vector<16xf32>,
      %add3A_404 = arith.addf %gather3A_396, %gather3A_403 : vector<16xf32>
      %ge3A_405 = arith.constant 0.000000e+00 : f32
      %ge3A_406 = vector.broadcast %ge3A_405 : f32 to vector<16xf32>
      %ge3A_407 = arith.cmpf oge, %add3A_404, %ge3A_406 : vector<16xf32>
      %mul3A_408 = arith.constant 2.000000e-01 : f32
      %mul3A_409 = vector.broadcast %mul3A_408 : f32 to vector<16xf32>
      %mul3A_410 = arith.mulf %mul3A_409, %add3A_404 : vector<16xf32>
      %select_n3A_411 = arith.select %ge3A_407, %add3A_404, %mul3A_410 : vector<16xi1>, vector<16xf32>
      %exp3A_412 = math.exp %select_n3A_411 : vector<16xf32>
      %swap3A_413 = arith.constant 0 : index
      %swap3A_414 = tpu.vector_load %arg17[%swap3A_413] {strides = array<i32>} : memref<96xf32, #tpu.memory_space<vmem>>, vector<16xf32>,
      tpu.vector_store %arg17[%swap3A_413], %exp3A_412 {strides = array<i32>} : memref<96xf32, #tpu.memory_space<vmem>>, vector<16xf32>,
      %swap3A_415 = arith.constant 0 : index
      %swap3A_416 = tpu.vector_load %arg15[%swap3A_415] {strides = array<i32>} : memref<80xi32, #tpu.memory_space<vmem>>, vector<16xi32>,
      tpu.vector_store %arg15[%swap3A_415], %get3A_392 {strides = array<i32>} : memref<80xi32, #tpu.memory_space<vmem>>, vector<16xi32>,
      %get3A_417 = arith.constant 16 : index
      %get3A_418 = tpu.vector_load %arg7[%get3A_417] {strides = array<i32>} : memref<80xi32, #tpu.memory_space<vmem>>, vector<16xi32>,
      %get3A_419 = arith.constant 16 : index
      %get3A_420 = tpu.vector_load %arg8[%get3A_419] {strides = array<i32>} : memref<80xi32, #tpu.memory_space<vmem>>, vector<16xi32>,
      %shift_left3A_421 = arith.constant 1 : i32
      %shift_left3A_422 = vector.broadcast %shift_left3A_421 : i32 to vector<16xi32>
      %shift_left3A_423 = arith.shli %get3A_418, %shift_left3A_422 : vector<16xi32>
      %gather3A_424 = tpu.vector_load_idx %arg11[%shift_left3A_423] : memref<20480xf32, #tpu.memory_space<vmem>>[vector<16xi32>], vector<16xf32>,
      %shift_left3A_425 = arith.constant 1 : i32
      %shift_left3A_426 = vector.broadcast %shift_left3A_425 : i32 to vector<16xi32>
      %shift_left3A_427 = arith.shli %get3A_420, %shift_left3A_426 : vector<16xi32>
      %or3A_428 = arith.constant 1 : i32
      %or3A_429 = vector.broadcast %or3A_428 : i32 to vector<16xi32>
      %or3A_430 = arith.ori %shift_left3A_427, %or3A_429 : vector<16xi32>
      %gather3A_431 = tpu.vector_load_idx %arg11[%or3A_430] : memref<20480xf32, #tpu.memory_space<vmem>>[vector<16xi32>], vector<16xf32>,
      %add3A_432 = arith.addf %gather3A_424, %gather3A_431 : vector<16xf32>
      %ge3A_433 = arith.constant 0.000000e+00 : f32
      %ge3A_434 = vector.broadcast %ge3A_433 : f32 to vector<16xf32>
      %ge3A_435 = arith.cmpf oge, %add3A_432, %ge3A_434 : vector<16xf32>
      %mul3A_436 = arith.constant 2.000000e-01 : f32
      %mul3A_437 = vector.broadcast %mul3A_436 : f32 to vector<16xf32>
      %mul3A_438 = arith.mulf %mul3A_437, %add3A_432 : vector<16xf32>
      %select_n3A_439 = arith.select %ge3A_435, %add3A_432, %mul3A_438 : vector<16xi1>, vector<16xf32>
      %exp3A_440 = math.exp %select_n3A_439 : vector<16xf32>
      %swap3A_441 = arith.constant 16 : index
      %swap3A_442 = tpu.vector_load %arg17[%swap3A_441] {strides = array<i32>} : memref<96xf32, #tpu.memory_space<vmem>>, vector<16xf32>,
      tpu.vector_store %arg17[%swap3A_441], %exp3A_440 {strides = array<i32>} : memref<96xf32, #tpu.memory_space<vmem>>, vector<16xf32>,
      %swap3A_443 = arith.constant 16 : index
      %swap3A_444 = tpu.vector_load %arg15[%swap3A_443] {strides = array<i32>} : memref<80xi32, #tpu.memory_space<vmem>>, vector<16xi32>,
      tpu.vector_store %arg15[%swap3A_443], %get3A_420 {strides = array<i32>} : memref<80xi32, #tpu.memory_space<vmem>>, vector<16xi32>,
      %get3A_445 = arith.constant 32 : index
      %get3A_446 = tpu.vector_load %arg7[%get3A_445] {strides = array<i32>} : memref<80xi32, #tpu.memory_space<vmem>>, vector<16xi32>,
      %get3A_447 = arith.constant 32 : index
      %get3A_448 = tpu.vector_load %arg8[%get3A_447] {strides = array<i32>} : memref<80xi32, #tpu.memory_space<vmem>>, vector<16xi32>,
      %shift_left3A_449 = arith.constant 1 : i32
      %shift_left3A_450 = vector.broadcast %shift_left3A_449 : i32 to vector<16xi32>
      %shift_left3A_451 = arith.shli %get3A_446, %shift_left3A_450 : vector<16xi32>
      %gather3A_452 = tpu.vector_load_idx %arg11[%shift_left3A_451] : memref<20480xf32, #tpu.memory_space<vmem>>[vector<16xi32>], vector<16xf32>,
      %shift_left3A_453 = arith.constant 1 : i32
      %shift_left3A_454 = vector.broadcast %shift_left3A_453 : i32 to vector<16xi32>
      %shift_left3A_455 = arith.shli %get3A_448, %shift_left3A_454 : vector<16xi32>
      %or3A_456 = arith.constant 1 : i32
      %or3A_457 = vector.broadcast %or3A_456 : i32 to vector<16xi32>
      %or3A_458 = arith.ori %shift_left3A_455, %or3A_457 : vector<16xi32>
      %gather3A_459 = tpu.vector_load_idx %arg11[%or3A_458] : memref<20480xf32, #tpu.memory_space<vmem>>[vector<16xi32>], vector<16xf32>,
      %add3A_460 = arith.addf %gather3A_452, %gather3A_459 : vector<16xf32>
      %ge3A_461 = arith.constant 0.000000e+00 : f32
      %ge3A_462 = vector.broadcast %ge3A_461 : f32 to vector<16xf32>
      %ge3A_463 = arith.cmpf oge, %add3A_460, %ge3A_462 : vector<16xf32>
      %mul3A_464 = arith.constant 2.000000e-01 : f32
      %mul3A_465 = vector.broadcast %mul3A_464 : f32 to vector<16xf32>
      %mul3A_466 = arith.mulf %mul3A_465, %add3A_460 : vector<16xf32>
      %select_n3A_467 = arith.select %ge3A_463, %add3A_460, %mul3A_466 : vector<16xi1>, vector<16xf32>
      %exp3A_468 = math.exp %select_n3A_467 : vector<16xf32>
      %swap3A_469 = arith.constant 32 : index
      %swap3A_470 = tpu.vector_load %arg17[%swap3A_469] {strides = array<i32>} : memref<96xf32, #tpu.memory_space<vmem>>, vector<16xf32>,
      tpu.vector_store %arg17[%swap3A_469], %exp3A_468 {strides = array<i32>} : memref<96xf32, #tpu.memory_space<vmem>>, vector<16xf32>,
      %swap3A_471 = arith.constant 32 : index
      %swap3A_472 = tpu.vector_load %arg15[%swap3A_471] {strides = array<i32>} : memref<80xi32, #tpu.memory_space<vmem>>, vector<16xi32>,
      tpu.vector_store %arg15[%swap3A_471], %get3A_448 {strides = array<i32>} : memref<80xi32, #tpu.memory_space<vmem>>, vector<16xi32>,
      %get3A_473 = arith.constant 48 : index
      %get3A_474 = tpu.vector_load %arg7[%get3A_473] {strides = array<i32>} : memref<80xi32, #tpu.memory_space<vmem>>, vector<16xi32>,
      %get3A_475 = arith.constant 48 : index
      %get3A_476 = tpu.vector_load %arg8[%get3A_475] {strides = array<i32>} : memref<80xi32, #tpu.memory_space<vmem>>, vector<16xi32>,
      %shift_left3A_477 = arith.constant 1 : i32
      %shift_left3A_478 = vector.broadcast %shift_left3A_477 : i32 to vector<16xi32>
      %shift_left3A_479 = arith.shli %get3A_474, %shift_left3A_478 : vector<16xi32>
      %gather3A_480 = tpu.vector_load_idx %arg11[%shift_left3A_479] : memref<20480xf32, #tpu.memory_space<vmem>>[vector<16xi32>], vector<16xf32>,
      %shift_left3A_481 = arith.constant 1 : i32
      %shift_left3A_482 = vector.broadcast %shift_left3A_481 : i32 to vector<16xi32>
      %shift_left3A_483 = arith.shli %get3A_476, %shift_left3A_482 : vector<16xi32>
      %or3A_484 = arith.constant 1 : i32
      %or3A_485 = vector.broadcast %or3A_484 : i32 to vector<16xi32>
      %or3A_486 = arith.ori %shift_left3A_483, %or3A_485 : vector<16xi32>
      %gather3A_487 = tpu.vector_load_idx %arg11[%or3A_486] : memref<20480xf32, #tpu.memory_space<vmem>>[vector<16xi32>], vector<16xf32>,
      %add3A_488 = arith.addf %gather3A_480, %gather3A_487 : vector<16xf32>
      %ge3A_489 = arith.constant 0.000000e+00 : f32
      %ge3A_490 = vector.broadcast %ge3A_489 : f32 to vector<16xf32>
      %ge3A_491 = arith.cmpf oge, %add3A_488, %ge3A_490 : vector<16xf32>
      %mul3A_492 = arith.constant 2.000000e-01 : f32
      %mul3A_493 = vector.broadcast %mul3A_492 : f32 to vector<16xf32>
      %mul3A_494 = arith.mulf %mul3A_493, %add3A_488 : vector<16xf32>
      %select_n3A_495 = arith.select %ge3A_491, %add3A_488, %mul3A_494 : vector<16xi1>, vector<16xf32>
      %exp3A_496 = math.exp %select_n3A_495 : vector<16xf32>
      %swap3A_497 = arith.constant 48 : index
      %swap3A_498 = tpu.vector_load %arg17[%swap3A_497] {strides = array<i32>} : memref<96xf32, #tpu.memory_space<vmem>>, vector<16xf32>,
      tpu.vector_store %arg17[%swap3A_497], %exp3A_496 {strides = array<i32>} : memref<96xf32, #tpu.memory_space<vmem>>, vector<16xf32>,
      %swap3A_499 = arith.constant 48 : index
      %swap3A_500 = tpu.vector_load %arg15[%swap3A_499] {strides = array<i32>} : memref<80xi32, #tpu.memory_space<vmem>>, vector<16xi32>,
      tpu.vector_store %arg15[%swap3A_499], %get3A_476 {strides = array<i32>} : memref<80xi32, #tpu.memory_space<vmem>>, vector<16xi32>,
      %get3A_501 = arith.constant 64 : index
      %get3A_502 = tpu.vector_load %arg7[%get3A_501] {strides = array<i32>} : memref<80xi32, #tpu.memory_space<vmem>>, vector<16xi32>,
      %get3A_503 = arith.constant 64 : index
      %get3A_504 = tpu.vector_load %arg8[%get3A_503] {strides = array<i32>} : memref<80xi32, #tpu.memory_space<vmem>>, vector<16xi32>,
      %shift_left3A_505 = arith.constant 1 : i32
      %shift_left3A_506 = vector.broadcast %shift_left3A_505 : i32 to vector<16xi32>
      %shift_left3A_507 = arith.shli %get3A_502, %shift_left3A_506 : vector<16xi32>
      %gather3A_508 = tpu.vector_load_idx %arg11[%shift_left3A_507] : memref<20480xf32, #tpu.memory_space<vmem>>[vector<16xi32>], vector<16xf32>,
      %shift_left3A_509 = arith.constant 1 : i32
      %shift_left3A_510 = vector.broadcast %shift_left3A_509 : i32 to vector<16xi32>
      %shift_left3A_511 = arith.shli %get3A_504, %shift_left3A_510 : vector<16xi32>
      %or3A_512 = arith.constant 1 : i32
      %or3A_513 = vector.broadcast %or3A_512 : i32 to vector<16xi32>
      %or3A_514 = arith.ori %shift_left3A_511, %or3A_513 : vector<16xi32>
      %gather3A_515 = tpu.vector_load_idx %arg11[%or3A_514] : memref<20480xf32, #tpu.memory_space<vmem>>[vector<16xi32>], vector<16xf32>,
      %add3A_516 = arith.addf %gather3A_508, %gather3A_515 : vector<16xf32>
      %ge3A_517 = arith.constant 0.000000e+00 : f32
      %ge3A_518 = vector.broadcast %ge3A_517 : f32 to vector<16xf32>
      %ge3A_519 = arith.cmpf oge, %add3A_516, %ge3A_518 : vector<16xf32>
      %mul3A_520 = arith.constant 2.000000e-01 : f32
      %mul3A_521 = vector.broadcast %mul3A_520 : f32 to vector<16xf32>
      %mul3A_522 = arith.mulf %mul3A_521, %add3A_516 : vector<16xf32>
      %select_n3A_523 = arith.select %ge3A_519, %add3A_516, %mul3A_522 : vector<16xi1>, vector<16xf32>
      %exp3A_524 = math.exp %select_n3A_523 : vector<16xf32>
      %swap3A_525 = arith.constant 64 : index
      %swap3A_526 = tpu.vector_load %arg17[%swap3A_525] {strides = array<i32>} : memref<96xf32, #tpu.memory_space<vmem>>, vector<16xf32>,
      tpu.vector_store %arg17[%swap3A_525], %exp3A_524 {strides = array<i32>} : memref<96xf32, #tpu.memory_space<vmem>>, vector<16xf32>,
      %swap3A_527 = arith.constant 64 : index
      %swap3A_528 = tpu.vector_load %arg15[%swap3A_527] {strides = array<i32>} : memref<80xi32, #tpu.memory_space<vmem>>, vector<16xi32>,
      tpu.vector_store %arg15[%swap3A_527], %get3A_504 {strides = array<i32>} : memref<80xi32, #tpu.memory_space<vmem>>, vector<16xi32>,
      %dma_start3A_529 = arith.constant 0 : i32
      %dma_start3A_530 = tpu.memref_slice %arg17[%dma_start3A_529] : memref<96xf32, #tpu.memory_space<vmem>> -> memref<80xf32, #tpu.memory_space<vmem>>
      %dma_start3A_531 = arith.constant 0 : i32
      %dma_start3A_532 = tpu.memref_slice %arg20[%dma_start3A_531] : memref<10240xf32, #tpu.memory_space<vmem_shared>> -> memref<10240xf32, #tpu.memory_space<vmem_shared>>
      tpu.enqueue_indirect_dma source(%dma_start3A_530 : memref<80xf32, #tpu.memory_space<vmem>>) target(%dma_start3A_532 : memref<10240xf32, #tpu.memory_space<vmem_shared>>) offsets(%arg15 : memref<80xi32, #tpu.memory_space<vmem>>) semaphore(%arg27 : memref<!tpu.dma_semaphore, #tpu.memory_space<semaphore_mem>>) {add = true}
      %scan3A_533 = arith.constant 0 : i32
      %scan3A_534 = arith.constant 0 : i32
      %scan3A_535 = arith.constant 10 : i32
      %scan3A_536 = arith.addi %scan3A_534, %scan3A_535 : i32
      %scan3A_537 = arith.constant 1 : i32
      scf.for %scan3A_748 = %scan3A_534 to %scan3A_536 step %scan3A_537  : i32 {
        %mul3A_749 = arith.constant 8 : i32
        %mul3A_750 = arith.muli %mul3A_749, %scan3A_748 : i32
        %add3A_751 = arith.constant 0 : i32
        %add3A_752 = arith.addi %mul3A_750, %add3A_751 : i32
        %get3A_753 = arith.index_cast %add3A_752 : i32 to index
        %get3A_754 = tpu.vector_load %arg17[%get3A_753] {strides = array<i32>} : memref<96xf32, #tpu.memory_space<vmem>>, vector<16xf32>,
        %slice3A = vector.extract_strided_slice %get3A_754 {offsets = [0], sizes = [1], strides = [1]} : vector<16xf32> to vector<1xf32>
        %squeeze3A = vector.extract %slice3A[0] : f32 from vector<1xf32>
        %add3A_755 = arith.constant 1 : i32
        %add3A_756 = arith.addi %mul3A_750, %add3A_755 : i32
        %get3A_757 = arith.index_cast %add3A_756 : i32 to index
        %get3A_758 = tpu.vector_load %arg17[%get3A_757] {strides = array<i32>} : memref<96xf32, #tpu.memory_space<vmem>>, vector<16xf32>,
        %slice3A_759 = vector.extract_strided_slice %get3A_758 {offsets = [0], sizes = [1], strides = [1]} : vector<16xf32> to vector<1xf32>
        %squeeze3A_760 = vector.extract %slice3A_759[0] : f32 from vector<1xf32>
        %add3A_761 = arith.constant 2 : i32
        %add3A_762 = arith.addi %mul3A_750, %add3A_761 : i32
        %get3A_763 = arith.index_cast %add3A_762 : i32 to index
        %get3A_764 = tpu.vector_load %arg17[%get3A_763] {strides = array<i32>} : memref<96xf32, #tpu.memory_space<vmem>>, vector<16xf32>,
        %slice3A_765 = vector.extract_strided_slice %get3A_764 {offsets = [0], sizes = [1], strides = [1]} : vector<16xf32> to vector<1xf32>
        %squeeze3A_766 = vector.extract %slice3A_765[0] : f32 from vector<1xf32>
        %add3A_767 = arith.constant 3 : i32
        %add3A_768 = arith.addi %mul3A_750, %add3A_767 : i32
        %get3A_769 = arith.index_cast %add3A_768 : i32 to index
        %get3A_770 = tpu.vector_load %arg17[%get3A_769] {strides = array<i32>} : memref<96xf32, #tpu.memory_space<vmem>>, vector<16xf32>,
        %slice3A_771 = vector.extract_strided_slice %get3A_770 {offsets = [0], sizes = [1], strides = [1]} : vector<16xf32> to vector<1xf32>
        %squeeze3A_772 = vector.extract %slice3A_771[0] : f32 from vector<1xf32>
        %add3A_773 = arith.constant 4 : i32
        %add3A_774 = arith.addi %mul3A_750, %add3A_773 : i32
        %get3A_775 = arith.index_cast %add3A_774 : i32 to index
        %get3A_776 = tpu.vector_load %arg17[%get3A_775] {strides = array<i32>} : memref<96xf32, #tpu.memory_space<vmem>>, vector<16xf32>,
        %slice3A_777 = vector.extract_strided_slice %get3A_776 {offsets = [0], sizes = [1], strides = [1]} : vector<16xf32> to vector<1xf32>
        %squeeze3A_778 = vector.extract %slice3A_777[0] : f32 from vector<1xf32>
        %add3A_779 = arith.constant 5 : i32
        %add3A_780 = arith.addi %mul3A_750, %add3A_779 : i32
        %get3A_781 = arith.index_cast %add3A_780 : i32 to index
        %get3A_782 = tpu.vector_load %arg17[%get3A_781] {strides = array<i32>} : memref<96xf32, #tpu.memory_space<vmem>>, vector<16xf32>,
        %slice3A_783 = vector.extract_strided_slice %get3A_782 {offsets = [0], sizes = [1], strides = [1]} : vector<16xf32> to vector<1xf32>
        %squeeze3A_784 = vector.extract %slice3A_783[0] : f32 from vector<1xf32>
        %add3A_785 = arith.constant 6 : i32
        %add3A_786 = arith.addi %mul3A_750, %add3A_785 : i32
        %get3A_787 = arith.index_cast %add3A_786 : i32 to index
        %get3A_788 = tpu.vector_load %arg17[%get3A_787] {strides = array<i32>} : memref<96xf32, #tpu.memory_space<vmem>>, vector<16xf32>,
        %slice3A_789 = vector.extract_strided_slice %get3A_788 {offsets = [0], sizes = [1], strides = [1]} : vector<16xf32> to vector<1xf32>
        %squeeze3A_790 = vector.extract %slice3A_789[0] : f32 from vector<1xf32>
        %add3A_791 = arith.constant 7 : i32
        %add3A_792 = arith.addi %mul3A_750, %add3A_791 : i32
        %get3A_793 = arith.index_cast %add3A_792 : i32 to index
        %get3A_794 = tpu.vector_load %arg17[%get3A_793] {strides = array<i32>} : memref<96xf32, #tpu.memory_space<vmem>>, vector<16xf32>,
        %slice3A_795 = vector.extract_strided_slice %get3A_794 {offsets = [0], sizes = [1], strides = [1]} : vector<16xf32> to vector<1xf32>
        %squeeze3A_796 = vector.extract %slice3A_795[0] : f32 from vector<1xf32>
        %add3A_797 = arith.constant 0 : i32
        %add3A_798 = arith.addi %mul3A_750, %add3A_797 : i32
        %get3A_799 = arith.index_cast %add3A_798 : i32 to index
        %get3A_800 = arith.constant 0 : index
        %get3A_801 = tpu.vector_load %arg13[%get3A_799, %get3A_800] {strides = array<i32>} : memref<80x128xf32, #tpu.memory_space<vmem>>, vector<16xf32>,
        %mul3A_802 = vector.broadcast %squeeze3A : f32 to vector<16xf32>
        %mul3A_803 = arith.mulf %get3A_801, %mul3A_802 : vector<16xf32>
        %add3A_804 = arith.constant 0 : i32
        %add3A_805 = arith.addi %mul3A_750, %add3A_804 : i32
        %swap3A_806 = arith.index_cast %add3A_805 : i32 to index
        %swap3A_807 = arith.constant 0 : index
        %swap3A_808 = tpu.vector_load %arg13[%swap3A_806, %swap3A_807] {strides = array<i32>} : memref<80x128xf32, #tpu.memory_space<vmem>>, vector<16xf32>,
        tpu.vector_store %arg13[%swap3A_806, %swap3A_807], %mul3A_803 {strides = array<i32>} : memref<80x128xf32, #tpu.memory_space<vmem>>, vector<16xf32>,
        %add3A_809 = arith.constant 0 : i32
        %add3A_810 = arith.addi %mul3A_750, %add3A_809 : i32
        %get3A_811 = arith.index_cast %add3A_810 : i32 to index
        %get3A_812 = arith.constant 16 : index
        %get3A_813 = tpu.vector_load %arg13[%get3A_811, %get3A_812] {strides = array<i32>} : memref<80x128xf32, #tpu.memory_space<vmem>>, vector<16xf32>,
        %mul3A_814 = vector.broadcast %squeeze3A : f32 to vector<16xf32>
        %mul3A_815 = arith.mulf %get3A_813, %mul3A_814 : vector<16xf32>
        %add3A_816 = arith.constant 0 : i32
        %add3A_817 = arith.addi %mul3A_750, %add3A_816 : i32
        %swap3A_818 = arith.index_cast %add3A_817 : i32 to index
        %swap3A_819 = arith.constant 16 : index
        %swap3A_820 = tpu.vector_load %arg13[%swap3A_818, %swap3A_819] {strides = array<i32>} : memref<80x128xf32, #tpu.memory_space<vmem>>, vector<16xf32>,
        tpu.vector_store %arg13[%swap3A_818, %swap3A_819], %mul3A_815 {strides = array<i32>} : memref<80x128xf32, #tpu.memory_space<vmem>>, vector<16xf32>,
        %add3A_821 = arith.constant 0 : i32
        %add3A_822 = arith.addi %mul3A_750, %add3A_821 : i32
        %get3A_823 = arith.index_cast %add3A_822 : i32 to index
        %get3A_824 = arith.constant 32 : index
        %get3A_825 = tpu.vector_load %arg13[%get3A_823, %get3A_824] {strides = array<i32>} : memref<80x128xf32, #tpu.memory_space<vmem>>, vector<16xf32>,
        %mul3A_826 = vector.broadcast %squeeze3A : f32 to vector<16xf32>
        %mul3A_827 = arith.mulf %get3A_825, %mul3A_826 : vector<16xf32>
        %add3A_828 = arith.constant 0 : i32
        %add3A_829 = arith.addi %mul3A_750, %add3A_828 : i32
        %swap3A_830 = arith.index_cast %add3A_829 : i32 to index
        %swap3A_831 = arith.constant 32 : index
        %swap3A_832 = tpu.vector_load %arg13[%swap3A_830, %swap3A_831] {strides = array<i32>} : memref<80x128xf32, #tpu.memory_space<vmem>>, vector<16xf32>,
        tpu.vector_store %arg13[%swap3A_830, %swap3A_831], %mul3A_827 {strides = array<i32>} : memref<80x128xf32, #tpu.memory_space<vmem>>, vector<16xf32>,
        %add3A_833 = arith.constant 0 : i32
        %add3A_834 = arith.addi %mul3A_750, %add3A_833 : i32
        %get3A_835 = arith.index_cast %add3A_834 : i32 to index
        %get3A_836 = arith.constant 48 : index
        %get3A_837 = tpu.vector_load %arg13[%get3A_835, %get3A_836] {strides = array<i32>} : memref<80x128xf32, #tpu.memory_space<vmem>>, vector<16xf32>,
        %mul3A_838 = vector.broadcast %squeeze3A : f32 to vector<16xf32>
        %mul3A_839 = arith.mulf %get3A_837, %mul3A_838 : vector<16xf32>
        %add3A_840 = arith.constant 0 : i32
        %add3A_841 = arith.addi %mul3A_750, %add3A_840 : i32
        %swap3A_842 = arith.index_cast %add3A_841 : i32 to index
        %swap3A_843 = arith.constant 48 : index
        %swap3A_844 = tpu.vector_load %arg13[%swap3A_842, %swap3A_843] {strides = array<i32>} : memref<80x128xf32, #tpu.memory_space<vmem>>, vector<16xf32>,
        tpu.vector_store %arg13[%swap3A_842, %swap3A_843], %mul3A_839 {strides = array<i32>} : memref<80x128xf32, #tpu.memory_space<vmem>>, vector<16xf32>,
        %add3A_845 = arith.constant 0 : i32
        %add3A_846 = arith.addi %mul3A_750, %add3A_845 : i32
        %get3A_847 = arith.index_cast %add3A_846 : i32 to index
        %get3A_848 = arith.constant 64 : index
        %get3A_849 = tpu.vector_load %arg13[%get3A_847, %get3A_848] {strides = array<i32>} : memref<80x128xf32, #tpu.memory_space<vmem>>, vector<16xf32>,
        %mul3A_850 = vector.broadcast %squeeze3A : f32 to vector<16xf32>
        %mul3A_851 = arith.mulf %get3A_849, %mul3A_850 : vector<16xf32>
        %add3A_852 = arith.constant 0 : i32
        %add3A_853 = arith.addi %mul3A_750, %add3A_852 : i32
        %swap3A_854 = arith.index_cast %add3A_853 : i32 to index
        %swap3A_855 = arith.constant 64 : index
        %swap3A_856 = tpu.vector_load %arg13[%swap3A_854, %swap3A_855] {strides = array<i32>} : memref<80x128xf32, #tpu.memory_space<vmem>>, vector<16xf32>,
        tpu.vector_store %arg13[%swap3A_854, %swap3A_855], %mul3A_851 {strides = array<i32>} : memref<80x128xf32, #tpu.memory_space<vmem>>, vector<16xf32>,
        %add3A_857 = arith.constant 0 : i32
        %add3A_858 = arith.addi %mul3A_750, %add3A_857 : i32
        %get3A_859 = arith.index_cast %add3A_858 : i32 to index
        %get3A_860 = arith.constant 80 : index
        %get3A_861 = tpu.vector_load %arg13[%get3A_859, %get3A_860] {strides = array<i32>} : memref<80x128xf32, #tpu.memory_space<vmem>>, vector<16xf32>,
        %mul3A_862 = vector.broadcast %squeeze3A : f32 to vector<16xf32>
        %mul3A_863 = arith.mulf %get3A_861, %mul3A_862 : vector<16xf32>
        %add3A_864 = arith.constant 0 : i32
        %add3A_865 = arith.addi %mul3A_750, %add3A_864 : i32
        %swap3A_866 = arith.index_cast %add3A_865 : i32 to index
        %swap3A_867 = arith.constant 80 : index
        %swap3A_868 = tpu.vector_load %arg13[%swap3A_866, %swap3A_867] {strides = array<i32>} : memref<80x128xf32, #tpu.memory_space<vmem>>, vector<16xf32>,
        tpu.vector_store %arg13[%swap3A_866, %swap3A_867], %mul3A_863 {strides = array<i32>} : memref<80x128xf32, #tpu.memory_space<vmem>>, vector<16xf32>,
        %add3A_869 = arith.constant 0 : i32
        %add3A_870 = arith.addi %mul3A_750, %add3A_869 : i32
        %get3A_871 = arith.index_cast %add3A_870 : i32 to index
        %get3A_872 = arith.constant 96 : index
        %get3A_873 = tpu.vector_load %arg13[%get3A_871, %get3A_872] {strides = array<i32>} : memref<80x128xf32, #tpu.memory_space<vmem>>, vector<16xf32>,
        %mul3A_874 = vector.broadcast %squeeze3A : f32 to vector<16xf32>
        %mul3A_875 = arith.mulf %get3A_873, %mul3A_874 : vector<16xf32>
        %add3A_876 = arith.constant 0 : i32
        %add3A_877 = arith.addi %mul3A_750, %add3A_876 : i32
        %swap3A_878 = arith.index_cast %add3A_877 : i32 to index
        %swap3A_879 = arith.constant 96 : index
        %swap3A_880 = tpu.vector_load %arg13[%swap3A_878, %swap3A_879] {strides = array<i32>} : memref<80x128xf32, #tpu.memory_space<vmem>>, vector<16xf32>,
        tpu.vector_store %arg13[%swap3A_878, %swap3A_879], %mul3A_875 {strides = array<i32>} : memref<80x128xf32, #tpu.memory_space<vmem>>, vector<16xf32>,
        %add3A_881 = arith.constant 0 : i32
        %add3A_882 = arith.addi %mul3A_750, %add3A_881 : i32
        %get3A_883 = arith.index_cast %add3A_882 : i32 to index
        %get3A_884 = arith.constant 112 : index
        %get3A_885 = tpu.vector_load %arg13[%get3A_883, %get3A_884] {strides = array<i32>} : memref<80x128xf32, #tpu.memory_space<vmem>>, vector<16xf32>,
        %mul3A_886 = vector.broadcast %squeeze3A : f32 to vector<16xf32>
        %mul3A_887 = arith.mulf %get3A_885, %mul3A_886 : vector<16xf32>
        %add3A_888 = arith.constant 0 : i32
        %add3A_889 = arith.addi %mul3A_750, %add3A_888 : i32
        %swap3A_890 = arith.index_cast %add3A_889 : i32 to index
        %swap3A_891 = arith.constant 112 : index
        %swap3A_892 = tpu.vector_load %arg13[%swap3A_890, %swap3A_891] {strides = array<i32>} : memref<80x128xf32, #tpu.memory_space<vmem>>, vector<16xf32>,
        tpu.vector_store %arg13[%swap3A_890, %swap3A_891], %mul3A_887 {strides = array<i32>} : memref<80x128xf32, #tpu.memory_space<vmem>>, vector<16xf32>,
        %add3A_893 = arith.constant 1 : i32
        %add3A_894 = arith.addi %mul3A_750, %add3A_893 : i32
        %get3A_895 = arith.index_cast %add3A_894 : i32 to index
        %get3A_896 = arith.constant 0 : index
        %get3A_897 = tpu.vector_load %arg13[%get3A_895, %get3A_896] {strides = array<i32>} : memref<80x128xf32, #tpu.memory_space<vmem>>, vector<16xf32>,
        %mul3A_898 = vector.broadcast %squeeze3A_760 : f32 to vector<16xf32>
        %mul3A_899 = arith.mulf %get3A_897, %mul3A_898 : vector<16xf32>
        %add3A_900 = arith.constant 1 : i32
        %add3A_901 = arith.addi %mul3A_750, %add3A_900 : i32
        %swap3A_902 = arith.index_cast %add3A_901 : i32 to index
        %swap3A_903 = arith.constant 0 : index
        %swap3A_904 = tpu.vector_load %arg13[%swap3A_902, %swap3A_903] {strides = array<i32>} : memref<80x128xf32, #tpu.memory_space<vmem>>, vector<16xf32>,
        tpu.vector_store %arg13[%swap3A_902, %swap3A_903], %mul3A_899 {strides = array<i32>} : memref<80x128xf32, #tpu.memory_space<vmem>>, vector<16xf32>,
        %add3A_905 = arith.constant 1 : i32
        %add3A_906 = arith.addi %mul3A_750, %add3A_905 : i32
        %get3A_907 = arith.index_cast %add3A_906 : i32 to index
        %get3A_908 = arith.constant 16 : index
        %get3A_909 = tpu.vector_load %arg13[%get3A_907, %get3A_908] {strides = array<i32>} : memref<80x128xf32, #tpu.memory_space<vmem>>, vector<16xf32>,
        %mul3A_910 = vector.broadcast %squeeze3A_760 : f32 to vector<16xf32>
        %mul3A_911 = arith.mulf %get3A_909, %mul3A_910 : vector<16xf32>
        %add3A_912 = arith.constant 1 : i32
        %add3A_913 = arith.addi %mul3A_750, %add3A_912 : i32
        %swap3A_914 = arith.index_cast %add3A_913 : i32 to index
        %swap3A_915 = arith.constant 16 : index
        %swap3A_916 = tpu.vector_load %arg13[%swap3A_914, %swap3A_915] {strides = array<i32>} : memref<80x128xf32, #tpu.memory_space<vmem>>, vector<16xf32>,
        tpu.vector_store %arg13[%swap3A_914, %swap3A_915], %mul3A_911 {strides = array<i32>} : memref<80x128xf32, #tpu.memory_space<vmem>>, vector<16xf32>,
        %add3A_917 = arith.constant 1 : i32
        %add3A_918 = arith.addi %mul3A_750, %add3A_917 : i32
        %get3A_919 = arith.index_cast %add3A_918 : i32 to index
        %get3A_920 = arith.constant 32 : index
        %get3A_921 = tpu.vector_load %arg13[%get3A_919, %get3A_920] {strides = array<i32>} : memref<80x128xf32, #tpu.memory_space<vmem>>, vector<16xf32>,
        %mul3A_922 = vector.broadcast %squeeze3A_760 : f32 to vector<16xf32>
        %mul3A_923 = arith.mulf %get3A_921, %mul3A_922 : vector<16xf32>
        %add3A_924 = arith.constant 1 : i32
        %add3A_925 = arith.addi %mul3A_750, %add3A_924 : i32
        %swap3A_926 = arith.index_cast %add3A_925 : i32 to index
        %swap3A_927 = arith.constant 32 : index
        %swap3A_928 = tpu.vector_load %arg13[%swap3A_926, %swap3A_927] {strides = array<i32>} : memref<80x128xf32, #tpu.memory_space<vmem>>, vector<16xf32>,
        tpu.vector_store %arg13[%swap3A_926, %swap3A_927], %mul3A_923 {strides = array<i32>} : memref<80x128xf32, #tpu.memory_space<vmem>>, vector<16xf32>,
        %add3A_929 = arith.constant 1 : i32
        %add3A_930 = arith.addi %mul3A_750, %add3A_929 : i32
        %get3A_931 = arith.index_cast %add3A_930 : i32 to index
        %get3A_932 = arith.constant 48 : index
        %get3A_933 = tpu.vector_load %arg13[%get3A_931, %get3A_932] {strides = array<i32>} : memref<80x128xf32, #tpu.memory_space<vmem>>, vector<16xf32>,
        %mul3A_934 = vector.broadcast %squeeze3A_760 : f32 to vector<16xf32>
        %mul3A_935 = arith.mulf %get3A_933, %mul3A_934 : vector<16xf32>
        %add3A_936 = arith.constant 1 : i32
        %add3A_937 = arith.addi %mul3A_750, %add3A_936 : i32
        %swap3A_938 = arith.index_cast %add3A_937 : i32 to index
        %swap3A_939 = arith.constant 48 : index
        %swap3A_940 = tpu.vector_load %arg13[%swap3A_938, %swap3A_939] {strides = array<i32>} : memref<80x128xf32, #tpu.memory_space<vmem>>, vector<16xf32>,
        tpu.vector_store %arg13[%swap3A_938, %swap3A_939], %mul3A_935 {strides = array<i32>} : memref<80x128xf32, #tpu.memory_space<vmem>>, vector<16xf32>,
        %add3A_941 = arith.constant 1 : i32
        %add3A_942 = arith.addi %mul3A_750, %add3A_941 : i32
        %get3A_943 = arith.index_cast %add3A_942 : i32 to index
        %get3A_944 = arith.constant 64 : index
        %get3A_945 = tpu.vector_load %arg13[%get3A_943, %get3A_944] {strides = array<i32>} : memref<80x128xf32, #tpu.memory_space<vmem>>, vector<16xf32>,
        %mul3A_946 = vector.broadcast %squeeze3A_760 : f32 to vector<16xf32>
        %mul3A_947 = arith.mulf %get3A_945, %mul3A_946 : vector<16xf32>
        %add3A_948 = arith.constant 1 : i32
        %add3A_949 = arith.addi %mul3A_750, %add3A_948 : i32
        %swap3A_950 = arith.index_cast %add3A_949 : i32 to index
        %swap3A_951 = arith.constant 64 : index
        %swap3A_952 = tpu.vector_load %arg13[%swap3A_950, %swap3A_951] {strides = array<i32>} : memref<80x128xf32, #tpu.memory_space<vmem>>, vector<16xf32>,
        tpu.vector_store %arg13[%swap3A_950, %swap3A_951], %mul3A_947 {strides = array<i32>} : memref<80x128xf32, #tpu.memory_space<vmem>>, vector<16xf32>,
        %add3A_953 = arith.constant 1 : i32
        %add3A_954 = arith.addi %mul3A_750, %add3A_953 : i32
        %get3A_955 = arith.index_cast %add3A_954 : i32 to index
        %get3A_956 = arith.constant 80 : index
        %get3A_957 = tpu.vector_load %arg13[%get3A_955, %get3A_956] {strides = array<i32>} : memref<80x128xf32, #tpu.memory_space<vmem>>, vector<16xf32>,
        %mul3A_958 = vector.broadcast %squeeze3A_760 : f32 to vector<16xf32>
        %mul3A_959 = arith.mulf %get3A_957, %mul3A_958 : vector<16xf32>
        %add3A_960 = arith.constant 1 : i32
        %add3A_961 = arith.addi %mul3A_750, %add3A_960 : i32
        %swap3A_962 = arith.index_cast %add3A_961 : i32 to index
        %swap3A_963 = arith.constant 80 : index
        %swap3A_964 = tpu.vector_load %arg13[%swap3A_962, %swap3A_963] {strides = array<i32>} : memref<80x128xf32, #tpu.memory_space<vmem>>, vector<16xf32>,
        tpu.vector_store %arg13[%swap3A_962, %swap3A_963], %mul3A_959 {strides = array<i32>} : memref<80x128xf32, #tpu.memory_space<vmem>>, vector<16xf32>,
        %add3A_965 = arith.constant 1 : i32
        %add3A_966 = arith.addi %mul3A_750, %add3A_965 : i32
        %get3A_967 = arith.index_cast %add3A_966 : i32 to index
        %get3A_968 = arith.constant 96 : index
        %get3A_969 = tpu.vector_load %arg13[%get3A_967, %get3A_968] {strides = array<i32>} : memref<80x128xf32, #tpu.memory_space<vmem>>, vector<16xf32>,
        %mul3A_970 = vector.broadcast %squeeze3A_760 : f32 to vector<16xf32>
        %mul3A_971 = arith.mulf %get3A_969, %mul3A_970 : vector<16xf32>
        %add3A_972 = arith.constant 1 : i32
        %add3A_973 = arith.addi %mul3A_750, %add3A_972 : i32
        %swap3A_974 = arith.index_cast %add3A_973 : i32 to index
        %swap3A_975 = arith.constant 96 : index
        %swap3A_976 = tpu.vector_load %arg13[%swap3A_974, %swap3A_975] {strides = array<i32>} : memref<80x128xf32, #tpu.memory_space<vmem>>, vector<16xf32>,
        tpu.vector_store %arg13[%swap3A_974, %swap3A_975], %mul3A_971 {strides = array<i32>} : memref<80x128xf32, #tpu.memory_space<vmem>>, vector<16xf32>,
        %add3A_977 = arith.constant 1 : i32
        %add3A_978 = arith.addi %mul3A_750, %add3A_977 : i32
        %get3A_979 = arith.index_cast %add3A_978 : i32 to index
        %get3A_980 = arith.constant 112 : index
        %get3A_981 = tpu.vector_load %arg13[%get3A_979, %get3A_980] {strides = array<i32>} : memref<80x128xf32, #tpu.memory_space<vmem>>, vector<16xf32>,
        %mul3A_982 = vector.broadcast %squeeze3A_760 : f32 to vector<16xf32>
        %mul3A_983 = arith.mulf %get3A_981, %mul3A_982 : vector<16xf32>
        %add3A_984 = arith.constant 1 : i32
        %add3A_985 = arith.addi %mul3A_750, %add3A_984 : i32
        %swap3A_986 = arith.index_cast %add3A_985 : i32 to index
        %swap3A_987 = arith.constant 112 : index
        %swap3A_988 = tpu.vector_load %arg13[%swap3A_986, %swap3A_987] {strides = array<i32>} : memref<80x128xf32, #tpu.memory_space<vmem>>, vector<16xf32>,
        tpu.vector_store %arg13[%swap3A_986, %swap3A_987], %mul3A_983 {strides = array<i32>} : memref<80x128xf32, #tpu.memory_space<vmem>>, vector<16xf32>,
        %add3A_989 = arith.constant 2 : i32
        %add3A_990 = arith.addi %mul3A_750, %add3A_989 : i32
        %get3A_991 = arith.index_cast %add3A_990 : i32 to index
        %get3A_992 = arith.constant 0 : index
        %get3A_993 = tpu.vector_load %arg13[%get3A_991, %get3A_992] {strides = array<i32>} : memref<80x128xf32, #tpu.memory_space<vmem>>, vector<16xf32>,
        %mul3A_994 = vector.broadcast %squeeze3A_766 : f32 to vector<16xf32>
        %mul3A_995 = arith.mulf %get3A_993, %mul3A_994 : vector<16xf32>
        %add3A_996 = arith.constant 2 : i32
        %add3A_997 = arith.addi %mul3A_750, %add3A_996 : i32
        %swap3A_998 = arith.index_cast %add3A_997 : i32 to index
        %swap3A_999 = arith.constant 0 : index
        %swap3A_1000 = tpu.vector_load %arg13[%swap3A_998, %swap3A_999] {strides = array<i32>} : memref<80x128xf32, #tpu.memory_space<vmem>>, vector<16xf32>,
        tpu.vector_store %arg13[%swap3A_998, %swap3A_999], %mul3A_995 {strides = array<i32>} : memref<80x128xf32, #tpu.memory_space<vmem>>, vector<16xf32>,
        %add3A_1001 = arith.constant 2 : i32
        %add3A_1002 = arith.addi %mul3A_750, %add3A_1001 : i32
        %get3A_1003 = arith.index_cast %add3A_1002 : i32 to index
        %get3A_1004 = arith.constant 16 : index
        %get3A_1005 = tpu.vector_load %arg13[%get3A_1003, %get3A_1004] {strides = array<i32>} : memref<80x128xf32, #tpu.memory_space<vmem>>, vector<16xf32>,
        %mul3A_1006 = vector.broadcast %squeeze3A_766 : f32 to vector<16xf32>
        %mul3A_1007 = arith.mulf %get3A_1005, %mul3A_1006 : vector<16xf32>
        %add3A_1008 = arith.constant 2 : i32
        %add3A_1009 = arith.addi %mul3A_750, %add3A_1008 : i32
        %swap3A_1010 = arith.index_cast %add3A_1009 : i32 to index
        %swap3A_1011 = arith.constant 16 : index
        %swap3A_1012 = tpu.vector_load %arg13[%swap3A_1010, %swap3A_1011] {strides = array<i32>} : memref<80x128xf32, #tpu.memory_space<vmem>>, vector<16xf32>,
        tpu.vector_store %arg13[%swap3A_1010, %swap3A_1011], %mul3A_1007 {strides = array<i32>} : memref<80x128xf32, #tpu.memory_space<vmem>>, vector<16xf32>,
        %add3A_1013 = arith.constant 2 : i32
        %add3A_1014 = arith.addi %mul3A_750, %add3A_1013 : i32
        %get3A_1015 = arith.index_cast %add3A_1014 : i32 to index
        %get3A_1016 = arith.constant 32 : index
        %get3A_1017 = tpu.vector_load %arg13[%get3A_1015, %get3A_1016] {strides = array<i32>} : memref<80x128xf32, #tpu.memory_space<vmem>>, vector<16xf32>,
        %mul3A_1018 = vector.broadcast %squeeze3A_766 : f32 to vector<16xf32>
        %mul3A_1019 = arith.mulf %get3A_1017, %mul3A_1018 : vector<16xf32>
        %add3A_1020 = arith.constant 2 : i32
        %add3A_1021 = arith.addi %mul3A_750, %add3A_1020 : i32
        %swap3A_1022 = arith.index_cast %add3A_1021 : i32 to index
        %swap3A_1023 = arith.constant 32 : index
        %swap3A_1024 = tpu.vector_load %arg13[%swap3A_1022, %swap3A_1023] {strides = array<i32>} : memref<80x128xf32, #tpu.memory_space<vmem>>, vector<16xf32>,
        tpu.vector_store %arg13[%swap3A_1022, %swap3A_1023], %mul3A_1019 {strides = array<i32>} : memref<80x128xf32, #tpu.memory_space<vmem>>, vector<16xf32>,
        %add3A_1025 = arith.constant 2 : i32
        %add3A_1026 = arith.addi %mul3A_750, %add3A_1025 : i32
        %get3A_1027 = arith.index_cast %add3A_1026 : i32 to index
        %get3A_1028 = arith.constant 48 : index
        %get3A_1029 = tpu.vector_load %arg13[%get3A_1027, %get3A_1028] {strides = array<i32>} : memref<80x128xf32, #tpu.memory_space<vmem>>, vector<16xf32>,
        %mul3A_1030 = vector.broadcast %squeeze3A_766 : f32 to vector<16xf32>
        %mul3A_1031 = arith.mulf %get3A_1029, %mul3A_1030 : vector<16xf32>
        %add3A_1032 = arith.constant 2 : i32
        %add3A_1033 = arith.addi %mul3A_750, %add3A_1032 : i32
        %swap3A_1034 = arith.index_cast %add3A_1033 : i32 to index
        %swap3A_1035 = arith.constant 48 : index
        %swap3A_1036 = tpu.vector_load %arg13[%swap3A_1034, %swap3A_1035] {strides = array<i32>} : memref<80x128xf32, #tpu.memory_space<vmem>>, vector<16xf32>,
        tpu.vector_store %arg13[%swap3A_1034, %swap3A_1035], %mul3A_1031 {strides = array<i32>} : memref<80x128xf32, #tpu.memory_space<vmem>>, vector<16xf32>,
        %add3A_1037 = arith.constant 2 : i32
        %add3A_1038 = arith.addi %mul3A_750, %add3A_1037 : i32
        %get3A_1039 = arith.index_cast %add3A_1038 : i32 to index
        %get3A_1040 = arith.constant 64 : index
        %get3A_1041 = tpu.vector_load %arg13[%get3A_1039, %get3A_1040] {strides = array<i32>} : memref<80x128xf32, #tpu.memory_space<vmem>>, vector<16xf32>,
        %mul3A_1042 = vector.broadcast %squeeze3A_766 : f32 to vector<16xf32>
        %mul3A_1043 = arith.mulf %get3A_1041, %mul3A_1042 : vector<16xf32>
        %add3A_1044 = arith.constant 2 : i32
        %add3A_1045 = arith.addi %mul3A_750, %add3A_1044 : i32
        %swap3A_1046 = arith.index_cast %add3A_1045 : i32 to index
        %swap3A_1047 = arith.constant 64 : index
        %swap3A_1048 = tpu.vector_load %arg13[%swap3A_1046, %swap3A_1047] {strides = array<i32>} : memref<80x128xf32, #tpu.memory_space<vmem>>, vector<16xf32>,
        tpu.vector_store %arg13[%swap3A_1046, %swap3A_1047], %mul3A_1043 {strides = array<i32>} : memref<80x128xf32, #tpu.memory_space<vmem>>, vector<16xf32>,
        %add3A_1049 = arith.constant 2 : i32
        %add3A_1050 = arith.addi %mul3A_750, %add3A_1049 : i32
        %get3A_1051 = arith.index_cast %add3A_1050 : i32 to index
        %get3A_1052 = arith.constant 80 : index
        %get3A_1053 = tpu.vector_load %arg13[%get3A_1051, %get3A_1052] {strides = array<i32>} : memref<80x128xf32, #tpu.memory_space<vmem>>, vector<16xf32>,
        %mul3A_1054 = vector.broadcast %squeeze3A_766 : f32 to vector<16xf32>
        %mul3A_1055 = arith.mulf %get3A_1053, %mul3A_1054 : vector<16xf32>
        %add3A_1056 = arith.constant 2 : i32
        %add3A_1057 = arith.addi %mul3A_750, %add3A_1056 : i32
        %swap3A_1058 = arith.index_cast %add3A_1057 : i32 to index
        %swap3A_1059 = arith.constant 80 : index
        %swap3A_1060 = tpu.vector_load %arg13[%swap3A_1058, %swap3A_1059] {strides = array<i32>} : memref<80x128xf32, #tpu.memory_space<vmem>>, vector<16xf32>,
        tpu.vector_store %arg13[%swap3A_1058, %swap3A_1059], %mul3A_1055 {strides = array<i32>} : memref<80x128xf32, #tpu.memory_space<vmem>>, vector<16xf32>,
        %add3A_1061 = arith.constant 2 : i32
        %add3A_1062 = arith.addi %mul3A_750, %add3A_1061 : i32
        %get3A_1063 = arith.index_cast %add3A_1062 : i32 to index
        %get3A_1064 = arith.constant 96 : index
        %get3A_1065 = tpu.vector_load %arg13[%get3A_1063, %get3A_1064] {strides = array<i32>} : memref<80x128xf32, #tpu.memory_space<vmem>>, vector<16xf32>,
        %mul3A_1066 = vector.broadcast %squeeze3A_766 : f32 to vector<16xf32>
        %mul3A_1067 = arith.mulf %get3A_1065, %mul3A_1066 : vector<16xf32>
        %add3A_1068 = arith.constant 2 : i32
        %add3A_1069 = arith.addi %mul3A_750, %add3A_1068 : i32
        %swap3A_1070 = arith.index_cast %add3A_1069 : i32 to index
        %swap3A_1071 = arith.constant 96 : index
        %swap3A_1072 = tpu.vector_load %arg13[%swap3A_1070, %swap3A_1071] {strides = array<i32>} : memref<80x128xf32, #tpu.memory_space<vmem>>, vector<16xf32>,
        tpu.vector_store %arg13[%swap3A_1070, %swap3A_1071], %mul3A_1067 {strides = array<i32>} : memref<80x128xf32, #tpu.memory_space<vmem>>, vector<16xf32>,
        %add3A_1073 = arith.constant 2 : i32
        %add3A_1074 = arith.addi %mul3A_750, %add3A_1073 : i32
        %get3A_1075 = arith.index_cast %add3A_1074 : i32 to index
        %get3A_1076 = arith.constant 112 : index
        %get3A_1077 = tpu.vector_load %arg13[%get3A_1075, %get3A_1076] {strides = array<i32>} : memref<80x128xf32, #tpu.memory_space<vmem>>, vector<16xf32>,
        %mul3A_1078 = vector.broadcast %squeeze3A_766 : f32 to vector<16xf32>
        %mul3A_1079 = arith.mulf %get3A_1077, %mul3A_1078 : vector<16xf32>
        %add3A_1080 = arith.constant 2 : i32
        %add3A_1081 = arith.addi %mul3A_750, %add3A_1080 : i32
        %swap3A_1082 = arith.index_cast %add3A_1081 : i32 to index
        %swap3A_1083 = arith.constant 112 : index
        %swap3A_1084 = tpu.vector_load %arg13[%swap3A_1082, %swap3A_1083] {strides = array<i32>} : memref<80x128xf32, #tpu.memory_space<vmem>>, vector<16xf32>,
        tpu.vector_store %arg13[%swap3A_1082, %swap3A_1083], %mul3A_1079 {strides = array<i32>} : memref<80x128xf32, #tpu.memory_space<vmem>>, vector<16xf32>,
        %add3A_1085 = arith.constant 3 : i32
        %add3A_1086 = arith.addi %mul3A_750, %add3A_1085 : i32
        %get3A_1087 = arith.index_cast %add3A_1086 : i32 to index
        %get3A_1088 = arith.constant 0 : index
        %get3A_1089 = tpu.vector_load %arg13[%get3A_1087, %get3A_1088] {strides = array<i32>} : memref<80x128xf32, #tpu.memory_space<vmem>>, vector<16xf32>,
        %mul3A_1090 = vector.broadcast %squeeze3A_772 : f32 to vector<16xf32>
        %mul3A_1091 = arith.mulf %get3A_1089, %mul3A_1090 : vector<16xf32>
        %add3A_1092 = arith.constant 3 : i32
        %add3A_1093 = arith.addi %mul3A_750, %add3A_1092 : i32
        %swap3A_1094 = arith.index_cast %add3A_1093 : i32 to index
        %swap3A_1095 = arith.constant 0 : index
        %swap3A_1096 = tpu.vector_load %arg13[%swap3A_1094, %swap3A_1095] {strides = array<i32>} : memref<80x128xf32, #tpu.memory_space<vmem>>, vector<16xf32>,
        tpu.vector_store %arg13[%swap3A_1094, %swap3A_1095], %mul3A_1091 {strides = array<i32>} : memref<80x128xf32, #tpu.memory_space<vmem>>, vector<16xf32>,
        %add3A_1097 = arith.constant 3 : i32
        %add3A_1098 = arith.addi %mul3A_750, %add3A_1097 : i32
        %get3A_1099 = arith.index_cast %add3A_1098 : i32 to index
        %get3A_1100 = arith.constant 16 : index
        %get3A_1101 = tpu.vector_load %arg13[%get3A_1099, %get3A_1100] {strides = array<i32>} : memref<80x128xf32, #tpu.memory_space<vmem>>, vector<16xf32>,
        %mul3A_1102 = vector.broadcast %squeeze3A_772 : f32 to vector<16xf32>
        %mul3A_1103 = arith.mulf %get3A_1101, %mul3A_1102 : vector<16xf32>
        %add3A_1104 = arith.constant 3 : i32
        %add3A_1105 = arith.addi %mul3A_750, %add3A_1104 : i32
        %swap3A_1106 = arith.index_cast %add3A_1105 : i32 to index
        %swap3A_1107 = arith.constant 16 : index
        %swap3A_1108 = tpu.vector_load %arg13[%swap3A_1106, %swap3A_1107] {strides = array<i32>} : memref<80x128xf32, #tpu.memory_space<vmem>>, vector<16xf32>,
        tpu.vector_store %arg13[%swap3A_1106, %swap3A_1107], %mul3A_1103 {strides = array<i32>} : memref<80x128xf32, #tpu.memory_space<vmem>>, vector<16xf32>,
        %add3A_1109 = arith.constant 3 : i32
        %add3A_1110 = arith.addi %mul3A_750, %add3A_1109 : i32
        %get3A_1111 = arith.index_cast %add3A_1110 : i32 to index
        %get3A_1112 = arith.constant 32 : index
        %get3A_1113 = tpu.vector_load %arg13[%get3A_1111, %get3A_1112] {strides = array<i32>} : memref<80x128xf32, #tpu.memory_space<vmem>>, vector<16xf32>,
        %mul3A_1114 = vector.broadcast %squeeze3A_772 : f32 to vector<16xf32>
        %mul3A_1115 = arith.mulf %get3A_1113, %mul3A_1114 : vector<16xf32>
        %add3A_1116 = arith.constant 3 : i32
        %add3A_1117 = arith.addi %mul3A_750, %add3A_1116 : i32
        %swap3A_1118 = arith.index_cast %add3A_1117 : i32 to index
        %swap3A_1119 = arith.constant 32 : index
        %swap3A_1120 = tpu.vector_load %arg13[%swap3A_1118, %swap3A_1119] {strides = array<i32>} : memref<80x128xf32, #tpu.memory_space<vmem>>, vector<16xf32>,
        tpu.vector_store %arg13[%swap3A_1118, %swap3A_1119], %mul3A_1115 {strides = array<i32>} : memref<80x128xf32, #tpu.memory_space<vmem>>, vector<16xf32>,
        %add3A_1121 = arith.constant 3 : i32
        %add3A_1122 = arith.addi %mul3A_750, %add3A_1121 : i32
        %get3A_1123 = arith.index_cast %add3A_1122 : i32 to index
        %get3A_1124 = arith.constant 48 : index
        %get3A_1125 = tpu.vector_load %arg13[%get3A_1123, %get3A_1124] {strides = array<i32>} : memref<80x128xf32, #tpu.memory_space<vmem>>, vector<16xf32>,
        %mul3A_1126 = vector.broadcast %squeeze3A_772 : f32 to vector<16xf32>
        %mul3A_1127 = arith.mulf %get3A_1125, %mul3A_1126 : vector<16xf32>
        %add3A_1128 = arith.constant 3 : i32
        %add3A_1129 = arith.addi %mul3A_750, %add3A_1128 : i32
        %swap3A_1130 = arith.index_cast %add3A_1129 : i32 to index
        %swap3A_1131 = arith.constant 48 : index
        %swap3A_1132 = tpu.vector_load %arg13[%swap3A_1130, %swap3A_1131] {strides = array<i32>} : memref<80x128xf32, #tpu.memory_space<vmem>>, vector<16xf32>,
        tpu.vector_store %arg13[%swap3A_1130, %swap3A_1131], %mul3A_1127 {strides = array<i32>} : memref<80x128xf32, #tpu.memory_space<vmem>>, vector<16xf32>,
        %add3A_1133 = arith.constant 3 : i32
        %add3A_1134 = arith.addi %mul3A_750, %add3A_1133 : i32
        %get3A_1135 = arith.index_cast %add3A_1134 : i32 to index
        %get3A_1136 = arith.constant 64 : index
        %get3A_1137 = tpu.vector_load %arg13[%get3A_1135, %get3A_1136] {strides = array<i32>} : memref<80x128xf32, #tpu.memory_space<vmem>>, vector<16xf32>,
        %mul3A_1138 = vector.broadcast %squeeze3A_772 : f32 to vector<16xf32>
        %mul3A_1139 = arith.mulf %get3A_1137, %mul3A_1138 : vector<16xf32>
        %add3A_1140 = arith.constant 3 : i32
        %add3A_1141 = arith.addi %mul3A_750, %add3A_1140 : i32
        %swap3A_1142 = arith.index_cast %add3A_1141 : i32 to index
        %swap3A_1143 = arith.constant 64 : index
        %swap3A_1144 = tpu.vector_load %arg13[%swap3A_1142, %swap3A_1143] {strides = array<i32>} : memref<80x128xf32, #tpu.memory_space<vmem>>, vector<16xf32>,
        tpu.vector_store %arg13[%swap3A_1142, %swap3A_1143], %mul3A_1139 {strides = array<i32>} : memref<80x128xf32, #tpu.memory_space<vmem>>, vector<16xf32>,
        %add3A_1145 = arith.constant 3 : i32
        %add3A_1146 = arith.addi %mul3A_750, %add3A_1145 : i32
        %get3A_1147 = arith.index_cast %add3A_1146 : i32 to index
        %get3A_1148 = arith.constant 80 : index
        %get3A_1149 = tpu.vector_load %arg13[%get3A_1147, %get3A_1148] {strides = array<i32>} : memref<80x128xf32, #tpu.memory_space<vmem>>, vector<16xf32>,
        %mul3A_1150 = vector.broadcast %squeeze3A_772 : f32 to vector<16xf32>
        %mul3A_1151 = arith.mulf %get3A_1149, %mul3A_1150 : vector<16xf32>
        %add3A_1152 = arith.constant 3 : i32
        %add3A_1153 = arith.addi %mul3A_750, %add3A_1152 : i32
        %swap3A_1154 = arith.index_cast %add3A_1153 : i32 to index
        %swap3A_1155 = arith.constant 80 : index
        %swap3A_1156 = tpu.vector_load %arg13[%swap3A_1154, %swap3A_1155] {strides = array<i32>} : memref<80x128xf32, #tpu.memory_space<vmem>>, vector<16xf32>,
        tpu.vector_store %arg13[%swap3A_1154, %swap3A_1155], %mul3A_1151 {strides = array<i32>} : memref<80x128xf32, #tpu.memory_space<vmem>>, vector<16xf32>,
        %add3A_1157 = arith.constant 3 : i32
        %add3A_1158 = arith.addi %mul3A_750, %add3A_1157 : i32
        %get3A_1159 = arith.index_cast %add3A_1158 : i32 to index
        %get3A_1160 = arith.constant 96 : index
        %get3A_1161 = tpu.vector_load %arg13[%get3A_1159, %get3A_1160] {strides = array<i32>} : memref<80x128xf32, #tpu.memory_space<vmem>>, vector<16xf32>,
        %mul3A_1162 = vector.broadcast %squeeze3A_772 : f32 to vector<16xf32>
        %mul3A_1163 = arith.mulf %get3A_1161, %mul3A_1162 : vector<16xf32>
        %add3A_1164 = arith.constant 3 : i32
        %add3A_1165 = arith.addi %mul3A_750, %add3A_1164 : i32
        %swap3A_1166 = arith.index_cast %add3A_1165 : i32 to index
        %swap3A_1167 = arith.constant 96 : index
        %swap3A_1168 = tpu.vector_load %arg13[%swap3A_1166, %swap3A_1167] {strides = array<i32>} : memref<80x128xf32, #tpu.memory_space<vmem>>, vector<16xf32>,
        tpu.vector_store %arg13[%swap3A_1166, %swap3A_1167], %mul3A_1163 {strides = array<i32>} : memref<80x128xf32, #tpu.memory_space<vmem>>, vector<16xf32>,
        %add3A_1169 = arith.constant 3 : i32
        %add3A_1170 = arith.addi %mul3A_750, %add3A_1169 : i32
        %get3A_1171 = arith.index_cast %add3A_1170 : i32 to index
        %get3A_1172 = arith.constant 112 : index
        %get3A_1173 = tpu.vector_load %arg13[%get3A_1171, %get3A_1172] {strides = array<i32>} : memref<80x128xf32, #tpu.memory_space<vmem>>, vector<16xf32>,
        %mul3A_1174 = vector.broadcast %squeeze3A_772 : f32 to vector<16xf32>
        %mul3A_1175 = arith.mulf %get3A_1173, %mul3A_1174 : vector<16xf32>
        %add3A_1176 = arith.constant 3 : i32
        %add3A_1177 = arith.addi %mul3A_750, %add3A_1176 : i32
        %swap3A_1178 = arith.index_cast %add3A_1177 : i32 to index
        %swap3A_1179 = arith.constant 112 : index
        %swap3A_1180 = tpu.vector_load %arg13[%swap3A_1178, %swap3A_1179] {strides = array<i32>} : memref<80x128xf32, #tpu.memory_space<vmem>>, vector<16xf32>,
        tpu.vector_store %arg13[%swap3A_1178, %swap3A_1179], %mul3A_1175 {strides = array<i32>} : memref<80x128xf32, #tpu.memory_space<vmem>>, vector<16xf32>,
        %add3A_1181 = arith.constant 4 : i32
        %add3A_1182 = arith.addi %mul3A_750, %add3A_1181 : i32
        %get3A_1183 = arith.index_cast %add3A_1182 : i32 to index
        %get3A_1184 = arith.constant 0 : index
        %get3A_1185 = tpu.vector_load %arg13[%get3A_1183, %get3A_1184] {strides = array<i32>} : memref<80x128xf32, #tpu.memory_space<vmem>>, vector<16xf32>,
        %mul3A_1186 = vector.broadcast %squeeze3A_778 : f32 to vector<16xf32>
        %mul3A_1187 = arith.mulf %get3A_1185, %mul3A_1186 : vector<16xf32>
        %add3A_1188 = arith.constant 4 : i32
        %add3A_1189 = arith.addi %mul3A_750, %add3A_1188 : i32
        %swap3A_1190 = arith.index_cast %add3A_1189 : i32 to index
        %swap3A_1191 = arith.constant 0 : index
        %swap3A_1192 = tpu.vector_load %arg13[%swap3A_1190, %swap3A_1191] {strides = array<i32>} : memref<80x128xf32, #tpu.memory_space<vmem>>, vector<16xf32>,
        tpu.vector_store %arg13[%swap3A_1190, %swap3A_1191], %mul3A_1187 {strides = array<i32>} : memref<80x128xf32, #tpu.memory_space<vmem>>, vector<16xf32>,
        %add3A_1193 = arith.constant 4 : i32
        %add3A_1194 = arith.addi %mul3A_750, %add3A_1193 : i32
        %get3A_1195 = arith.index_cast %add3A_1194 : i32 to index
        %get3A_1196 = arith.constant 16 : index
        %get3A_1197 = tpu.vector_load %arg13[%get3A_1195, %get3A_1196] {strides = array<i32>} : memref<80x128xf32, #tpu.memory_space<vmem>>, vector<16xf32>,
        %mul3A_1198 = vector.broadcast %squeeze3A_778 : f32 to vector<16xf32>
        %mul3A_1199 = arith.mulf %get3A_1197, %mul3A_1198 : vector<16xf32>
        %add3A_1200 = arith.constant 4 : i32
        %add3A_1201 = arith.addi %mul3A_750, %add3A_1200 : i32
        %swap3A_1202 = arith.index_cast %add3A_1201 : i32 to index
        %swap3A_1203 = arith.constant 16 : index
        %swap3A_1204 = tpu.vector_load %arg13[%swap3A_1202, %swap3A_1203] {strides = array<i32>} : memref<80x128xf32, #tpu.memory_space<vmem>>, vector<16xf32>,
        tpu.vector_store %arg13[%swap3A_1202, %swap3A_1203], %mul3A_1199 {strides = array<i32>} : memref<80x128xf32, #tpu.memory_space<vmem>>, vector<16xf32>,
        %add3A_1205 = arith.constant 4 : i32
        %add3A_1206 = arith.addi %mul3A_750, %add3A_1205 : i32
        %get3A_1207 = arith.index_cast %add3A_1206 : i32 to index
        %get3A_1208 = arith.constant 32 : index
        %get3A_1209 = tpu.vector_load %arg13[%get3A_1207, %get3A_1208] {strides = array<i32>} : memref<80x128xf32, #tpu.memory_space<vmem>>, vector<16xf32>,
        %mul3A_1210 = vector.broadcast %squeeze3A_778 : f32 to vector<16xf32>
        %mul3A_1211 = arith.mulf %get3A_1209, %mul3A_1210 : vector<16xf32>
        %add3A_1212 = arith.constant 4 : i32
        %add3A_1213 = arith.addi %mul3A_750, %add3A_1212 : i32
        %swap3A_1214 = arith.index_cast %add3A_1213 : i32 to index
        %swap3A_1215 = arith.constant 32 : index
        %swap3A_1216 = tpu.vector_load %arg13[%swap3A_1214, %swap3A_1215] {strides = array<i32>} : memref<80x128xf32, #tpu.memory_space<vmem>>, vector<16xf32>,
        tpu.vector_store %arg13[%swap3A_1214, %swap3A_1215], %mul3A_1211 {strides = array<i32>} : memref<80x128xf32, #tpu.memory_space<vmem>>, vector<16xf32>,
        %add3A_1217 = arith.constant 4 : i32
        %add3A_1218 = arith.addi %mul3A_750, %add3A_1217 : i32
        %get3A_1219 = arith.index_cast %add3A_1218 : i32 to index
        %get3A_1220 = arith.constant 48 : index
        %get3A_1221 = tpu.vector_load %arg13[%get3A_1219, %get3A_1220] {strides = array<i32>} : memref<80x128xf32, #tpu.memory_space<vmem>>, vector<16xf32>,
        %mul3A_1222 = vector.broadcast %squeeze3A_778 : f32 to vector<16xf32>
        %mul3A_1223 = arith.mulf %get3A_1221, %mul3A_1222 : vector<16xf32>
        %add3A_1224 = arith.constant 4 : i32
        %add3A_1225 = arith.addi %mul3A_750, %add3A_1224 : i32
        %swap3A_1226 = arith.index_cast %add3A_1225 : i32 to index
        %swap3A_1227 = arith.constant 48 : index
        %swap3A_1228 = tpu.vector_load %arg13[%swap3A_1226, %swap3A_1227] {strides = array<i32>} : memref<80x128xf32, #tpu.memory_space<vmem>>, vector<16xf32>,
        tpu.vector_store %arg13[%swap3A_1226, %swap3A_1227], %mul3A_1223 {strides = array<i32>} : memref<80x128xf32, #tpu.memory_space<vmem>>, vector<16xf32>,
        %add3A_1229 = arith.constant 4 : i32
        %add3A_1230 = arith.addi %mul3A_750, %add3A_1229 : i32
        %get3A_1231 = arith.index_cast %add3A_1230 : i32 to index
        %get3A_1232 = arith.constant 64 : index
        %get3A_1233 = tpu.vector_load %arg13[%get3A_1231, %get3A_1232] {strides = array<i32>} : memref<80x128xf32, #tpu.memory_space<vmem>>, vector<16xf32>,
        %mul3A_1234 = vector.broadcast %squeeze3A_778 : f32 to vector<16xf32>
        %mul3A_1235 = arith.mulf %get3A_1233, %mul3A_1234 : vector<16xf32>
        %add3A_1236 = arith.constant 4 : i32
        %add3A_1237 = arith.addi %mul3A_750, %add3A_1236 : i32
        %swap3A_1238 = arith.index_cast %add3A_1237 : i32 to index
        %swap3A_1239 = arith.constant 64 : index
        %swap3A_1240 = tpu.vector_load %arg13[%swap3A_1238, %swap3A_1239] {strides = array<i32>} : memref<80x128xf32, #tpu.memory_space<vmem>>, vector<16xf32>,
        tpu.vector_store %arg13[%swap3A_1238, %swap3A_1239], %mul3A_1235 {strides = array<i32>} : memref<80x128xf32, #tpu.memory_space<vmem>>, vector<16xf32>,
        %add3A_1241 = arith.constant 4 : i32
        %add3A_1242 = arith.addi %mul3A_750, %add3A_1241 : i32
        %get3A_1243 = arith.index_cast %add3A_1242 : i32 to index
        %get3A_1244 = arith.constant 80 : index
        %get3A_1245 = tpu.vector_load %arg13[%get3A_1243, %get3A_1244] {strides = array<i32>} : memref<80x128xf32, #tpu.memory_space<vmem>>, vector<16xf32>,
        %mul3A_1246 = vector.broadcast %squeeze3A_778 : f32 to vector<16xf32>
        %mul3A_1247 = arith.mulf %get3A_1245, %mul3A_1246 : vector<16xf32>
        %add3A_1248 = arith.constant 4 : i32
        %add3A_1249 = arith.addi %mul3A_750, %add3A_1248 : i32
        %swap3A_1250 = arith.index_cast %add3A_1249 : i32 to index
        %swap3A_1251 = arith.constant 80 : index
        %swap3A_1252 = tpu.vector_load %arg13[%swap3A_1250, %swap3A_1251] {strides = array<i32>} : memref<80x128xf32, #tpu.memory_space<vmem>>, vector<16xf32>,
        tpu.vector_store %arg13[%swap3A_1250, %swap3A_1251], %mul3A_1247 {strides = array<i32>} : memref<80x128xf32, #tpu.memory_space<vmem>>, vector<16xf32>,
        %add3A_1253 = arith.constant 4 : i32
        %add3A_1254 = arith.addi %mul3A_750, %add3A_1253 : i32
        %get3A_1255 = arith.index_cast %add3A_1254 : i32 to index
        %get3A_1256 = arith.constant 96 : index
        %get3A_1257 = tpu.vector_load %arg13[%get3A_1255, %get3A_1256] {strides = array<i32>} : memref<80x128xf32, #tpu.memory_space<vmem>>, vector<16xf32>,
        %mul3A_1258 = vector.broadcast %squeeze3A_778 : f32 to vector<16xf32>
        %mul3A_1259 = arith.mulf %get3A_1257, %mul3A_1258 : vector<16xf32>
        %add3A_1260 = arith.constant 4 : i32
        %add3A_1261 = arith.addi %mul3A_750, %add3A_1260 : i32
        %swap3A_1262 = arith.index_cast %add3A_1261 : i32 to index
        %swap3A_1263 = arith.constant 96 : index
        %swap3A_1264 = tpu.vector_load %arg13[%swap3A_1262, %swap3A_1263] {strides = array<i32>} : memref<80x128xf32, #tpu.memory_space<vmem>>, vector<16xf32>,
        tpu.vector_store %arg13[%swap3A_1262, %swap3A_1263], %mul3A_1259 {strides = array<i32>} : memref<80x128xf32, #tpu.memory_space<vmem>>, vector<16xf32>,
        %add3A_1265 = arith.constant 4 : i32
        %add3A_1266 = arith.addi %mul3A_750, %add3A_1265 : i32
        %get3A_1267 = arith.index_cast %add3A_1266 : i32 to index
        %get3A_1268 = arith.constant 112 : index
        %get3A_1269 = tpu.vector_load %arg13[%get3A_1267, %get3A_1268] {strides = array<i32>} : memref<80x128xf32, #tpu.memory_space<vmem>>, vector<16xf32>,
        %mul3A_1270 = vector.broadcast %squeeze3A_778 : f32 to vector<16xf32>
        %mul3A_1271 = arith.mulf %get3A_1269, %mul3A_1270 : vector<16xf32>
        %add3A_1272 = arith.constant 4 : i32
        %add3A_1273 = arith.addi %mul3A_750, %add3A_1272 : i32
        %swap3A_1274 = arith.index_cast %add3A_1273 : i32 to index
        %swap3A_1275 = arith.constant 112 : index
        %swap3A_1276 = tpu.vector_load %arg13[%swap3A_1274, %swap3A_1275] {strides = array<i32>} : memref<80x128xf32, #tpu.memory_space<vmem>>, vector<16xf32>,
        tpu.vector_store %arg13[%swap3A_1274, %swap3A_1275], %mul3A_1271 {strides = array<i32>} : memref<80x128xf32, #tpu.memory_space<vmem>>, vector<16xf32>,
        %add3A_1277 = arith.constant 5 : i32
        %add3A_1278 = arith.addi %mul3A_750, %add3A_1277 : i32
        %get3A_1279 = arith.index_cast %add3A_1278 : i32 to index
        %get3A_1280 = arith.constant 0 : index
        %get3A_1281 = tpu.vector_load %arg13[%get3A_1279, %get3A_1280] {strides = array<i32>} : memref<80x128xf32, #tpu.memory_space<vmem>>, vector<16xf32>,
        %mul3A_1282 = vector.broadcast %squeeze3A_784 : f32 to vector<16xf32>
        %mul3A_1283 = arith.mulf %get3A_1281, %mul3A_1282 : vector<16xf32>
        %add3A_1284 = arith.constant 5 : i32
        %add3A_1285 = arith.addi %mul3A_750, %add3A_1284 : i32
        %swap3A_1286 = arith.index_cast %add3A_1285 : i32 to index
        %swap3A_1287 = arith.constant 0 : index
        %swap3A_1288 = tpu.vector_load %arg13[%swap3A_1286, %swap3A_1287] {strides = array<i32>} : memref<80x128xf32, #tpu.memory_space<vmem>>, vector<16xf32>,
        tpu.vector_store %arg13[%swap3A_1286, %swap3A_1287], %mul3A_1283 {strides = array<i32>} : memref<80x128xf32, #tpu.memory_space<vmem>>, vector<16xf32>,
        %add3A_1289 = arith.constant 5 : i32
        %add3A_1290 = arith.addi %mul3A_750, %add3A_1289 : i32
        %get3A_1291 = arith.index_cast %add3A_1290 : i32 to index
        %get3A_1292 = arith.constant 16 : index
        %get3A_1293 = tpu.vector_load %arg13[%get3A_1291, %get3A_1292] {strides = array<i32>} : memref<80x128xf32, #tpu.memory_space<vmem>>, vector<16xf32>,
        %mul3A_1294 = vector.broadcast %squeeze3A_784 : f32 to vector<16xf32>
        %mul3A_1295 = arith.mulf %get3A_1293, %mul3A_1294 : vector<16xf32>
        %add3A_1296 = arith.constant 5 : i32
        %add3A_1297 = arith.addi %mul3A_750, %add3A_1296 : i32
        %swap3A_1298 = arith.index_cast %add3A_1297 : i32 to index
        %swap3A_1299 = arith.constant 16 : index
        %swap3A_1300 = tpu.vector_load %arg13[%swap3A_1298, %swap3A_1299] {strides = array<i32>} : memref<80x128xf32, #tpu.memory_space<vmem>>, vector<16xf32>,
        tpu.vector_store %arg13[%swap3A_1298, %swap3A_1299], %mul3A_1295 {strides = array<i32>} : memref<80x128xf32, #tpu.memory_space<vmem>>, vector<16xf32>,
        %add3A_1301 = arith.constant 5 : i32
        %add3A_1302 = arith.addi %mul3A_750, %add3A_1301 : i32
        %get3A_1303 = arith.index_cast %add3A_1302 : i32 to index
        %get3A_1304 = arith.constant 32 : index
        %get3A_1305 = tpu.vector_load %arg13[%get3A_1303, %get3A_1304] {strides = array<i32>} : memref<80x128xf32, #tpu.memory_space<vmem>>, vector<16xf32>,
        %mul3A_1306 = vector.broadcast %squeeze3A_784 : f32 to vector<16xf32>
        %mul3A_1307 = arith.mulf %get3A_1305, %mul3A_1306 : vector<16xf32>
        %add3A_1308 = arith.constant 5 : i32
        %add3A_1309 = arith.addi %mul3A_750, %add3A_1308 : i32
        %swap3A_1310 = arith.index_cast %add3A_1309 : i32 to index
        %swap3A_1311 = arith.constant 32 : index
        %swap3A_1312 = tpu.vector_load %arg13[%swap3A_1310, %swap3A_1311] {strides = array<i32>} : memref<80x128xf32, #tpu.memory_space<vmem>>, vector<16xf32>,
        tpu.vector_store %arg13[%swap3A_1310, %swap3A_1311], %mul3A_1307 {strides = array<i32>} : memref<80x128xf32, #tpu.memory_space<vmem>>, vector<16xf32>,
        %add3A_1313 = arith.constant 5 : i32
        %add3A_1314 = arith.addi %mul3A_750, %add3A_1313 : i32
        %get3A_1315 = arith.index_cast %add3A_1314 : i32 to index
        %get3A_1316 = arith.constant 48 : index
        %get3A_1317 = tpu.vector_load %arg13[%get3A_1315, %get3A_1316] {strides = array<i32>} : memref<80x128xf32, #tpu.memory_space<vmem>>, vector<16xf32>,
        %mul3A_1318 = vector.broadcast %squeeze3A_784 : f32 to vector<16xf32>
        %mul3A_1319 = arith.mulf %get3A_1317, %mul3A_1318 : vector<16xf32>
        %add3A_1320 = arith.constant 5 : i32
        %add3A_1321 = arith.addi %mul3A_750, %add3A_1320 : i32
        %swap3A_1322 = arith.index_cast %add3A_1321 : i32 to index
        %swap3A_1323 = arith.constant 48 : index
        %swap3A_1324 = tpu.vector_load %arg13[%swap3A_1322, %swap3A_1323] {strides = array<i32>} : memref<80x128xf32, #tpu.memory_space<vmem>>, vector<16xf32>,
        tpu.vector_store %arg13[%swap3A_1322, %swap3A_1323], %mul3A_1319 {strides = array<i32>} : memref<80x128xf32, #tpu.memory_space<vmem>>, vector<16xf32>,
        %add3A_1325 = arith.constant 5 : i32
        %add3A_1326 = arith.addi %mul3A_750, %add3A_1325 : i32
        %get3A_1327 = arith.index_cast %add3A_1326 : i32 to index
        %get3A_1328 = arith.constant 64 : index
        %get3A_1329 = tpu.vector_load %arg13[%get3A_1327, %get3A_1328] {strides = array<i32>} : memref<80x128xf32, #tpu.memory_space<vmem>>, vector<16xf32>,
        %mul3A_1330 = vector.broadcast %squeeze3A_784 : f32 to vector<16xf32>
        %mul3A_1331 = arith.mulf %get3A_1329, %mul3A_1330 : vector<16xf32>
        %add3A_1332 = arith.constant 5 : i32
        %add3A_1333 = arith.addi %mul3A_750, %add3A_1332 : i32
        %swap3A_1334 = arith.index_cast %add3A_1333 : i32 to index
        %swap3A_1335 = arith.constant 64 : index
        %swap3A_1336 = tpu.vector_load %arg13[%swap3A_1334, %swap3A_1335] {strides = array<i32>} : memref<80x128xf32, #tpu.memory_space<vmem>>, vector<16xf32>,
        tpu.vector_store %arg13[%swap3A_1334, %swap3A_1335], %mul3A_1331 {strides = array<i32>} : memref<80x128xf32, #tpu.memory_space<vmem>>, vector<16xf32>,
        %add3A_1337 = arith.constant 5 : i32
        %add3A_1338 = arith.addi %mul3A_750, %add3A_1337 : i32
        %get3A_1339 = arith.index_cast %add3A_1338 : i32 to index
        %get3A_1340 = arith.constant 80 : index
        %get3A_1341 = tpu.vector_load %arg13[%get3A_1339, %get3A_1340] {strides = array<i32>} : memref<80x128xf32, #tpu.memory_space<vmem>>, vector<16xf32>,
        %mul3A_1342 = vector.broadcast %squeeze3A_784 : f32 to vector<16xf32>
        %mul3A_1343 = arith.mulf %get3A_1341, %mul3A_1342 : vector<16xf32>
        %add3A_1344 = arith.constant 5 : i32
        %add3A_1345 = arith.addi %mul3A_750, %add3A_1344 : i32
        %swap3A_1346 = arith.index_cast %add3A_1345 : i32 to index
        %swap3A_1347 = arith.constant 80 : index
        %swap3A_1348 = tpu.vector_load %arg13[%swap3A_1346, %swap3A_1347] {strides = array<i32>} : memref<80x128xf32, #tpu.memory_space<vmem>>, vector<16xf32>,
        tpu.vector_store %arg13[%swap3A_1346, %swap3A_1347], %mul3A_1343 {strides = array<i32>} : memref<80x128xf32, #tpu.memory_space<vmem>>, vector<16xf32>,
        %add3A_1349 = arith.constant 5 : i32
        %add3A_1350 = arith.addi %mul3A_750, %add3A_1349 : i32
        %get3A_1351 = arith.index_cast %add3A_1350 : i32 to index
        %get3A_1352 = arith.constant 96 : index
        %get3A_1353 = tpu.vector_load %arg13[%get3A_1351, %get3A_1352] {strides = array<i32>} : memref<80x128xf32, #tpu.memory_space<vmem>>, vector<16xf32>,
        %mul3A_1354 = vector.broadcast %squeeze3A_784 : f32 to vector<16xf32>
        %mul3A_1355 = arith.mulf %get3A_1353, %mul3A_1354 : vector<16xf32>
        %add3A_1356 = arith.constant 5 : i32
        %add3A_1357 = arith.addi %mul3A_750, %add3A_1356 : i32
        %swap3A_1358 = arith.index_cast %add3A_1357 : i32 to index
        %swap3A_1359 = arith.constant 96 : index
        %swap3A_1360 = tpu.vector_load %arg13[%swap3A_1358, %swap3A_1359] {strides = array<i32>} : memref<80x128xf32, #tpu.memory_space<vmem>>, vector<16xf32>,
        tpu.vector_store %arg13[%swap3A_1358, %swap3A_1359], %mul3A_1355 {strides = array<i32>} : memref<80x128xf32, #tpu.memory_space<vmem>>, vector<16xf32>,
        %add3A_1361 = arith.constant 5 : i32
        %add3A_1362 = arith.addi %mul3A_750, %add3A_1361 : i32
        %get3A_1363 = arith.index_cast %add3A_1362 : i32 to index
        %get3A_1364 = arith.constant 112 : index
        %get3A_1365 = tpu.vector_load %arg13[%get3A_1363, %get3A_1364] {strides = array<i32>} : memref<80x128xf32, #tpu.memory_space<vmem>>, vector<16xf32>,
        %mul3A_1366 = vector.broadcast %squeeze3A_784 : f32 to vector<16xf32>
        %mul3A_1367 = arith.mulf %get3A_1365, %mul3A_1366 : vector<16xf32>
        %add3A_1368 = arith.constant 5 : i32
        %add3A_1369 = arith.addi %mul3A_750, %add3A_1368 : i32
        %swap3A_1370 = arith.index_cast %add3A_1369 : i32 to index
        %swap3A_1371 = arith.constant 112 : index
        %swap3A_1372 = tpu.vector_load %arg13[%swap3A_1370, %swap3A_1371] {strides = array<i32>} : memref<80x128xf32, #tpu.memory_space<vmem>>, vector<16xf32>,
        tpu.vector_store %arg13[%swap3A_1370, %swap3A_1371], %mul3A_1367 {strides = array<i32>} : memref<80x128xf32, #tpu.memory_space<vmem>>, vector<16xf32>,
        %add3A_1373 = arith.constant 6 : i32
        %add3A_1374 = arith.addi %mul3A_750, %add3A_1373 : i32
        %get3A_1375 = arith.index_cast %add3A_1374 : i32 to index
        %get3A_1376 = arith.constant 0 : index
        %get3A_1377 = tpu.vector_load %arg13[%get3A_1375, %get3A_1376] {strides = array<i32>} : memref<80x128xf32, #tpu.memory_space<vmem>>, vector<16xf32>,
        %mul3A_1378 = vector.broadcast %squeeze3A_790 : f32 to vector<16xf32>
        %mul3A_1379 = arith.mulf %get3A_1377, %mul3A_1378 : vector<16xf32>
        %add3A_1380 = arith.constant 6 : i32
        %add3A_1381 = arith.addi %mul3A_750, %add3A_1380 : i32
        %swap3A_1382 = arith.index_cast %add3A_1381 : i32 to index
        %swap3A_1383 = arith.constant 0 : index
        %swap3A_1384 = tpu.vector_load %arg13[%swap3A_1382, %swap3A_1383] {strides = array<i32>} : memref<80x128xf32, #tpu.memory_space<vmem>>, vector<16xf32>,
        tpu.vector_store %arg13[%swap3A_1382, %swap3A_1383], %mul3A_1379 {strides = array<i32>} : memref<80x128xf32, #tpu.memory_space<vmem>>, vector<16xf32>,
        %add3A_1385 = arith.constant 6 : i32
        %add3A_1386 = arith.addi %mul3A_750, %add3A_1385 : i32
        %get3A_1387 = arith.index_cast %add3A_1386 : i32 to index
        %get3A_1388 = arith.constant 16 : index
        %get3A_1389 = tpu.vector_load %arg13[%get3A_1387, %get3A_1388] {strides = array<i32>} : memref<80x128xf32, #tpu.memory_space<vmem>>, vector<16xf32>,
        %mul3A_1390 = vector.broadcast %squeeze3A_790 : f32 to vector<16xf32>
        %mul3A_1391 = arith.mulf %get3A_1389, %mul3A_1390 : vector<16xf32>
        %add3A_1392 = arith.constant 6 : i32
        %add3A_1393 = arith.addi %mul3A_750, %add3A_1392 : i32
        %swap3A_1394 = arith.index_cast %add3A_1393 : i32 to index
        %swap3A_1395 = arith.constant 16 : index
        %swap3A_1396 = tpu.vector_load %arg13[%swap3A_1394, %swap3A_1395] {strides = array<i32>} : memref<80x128xf32, #tpu.memory_space<vmem>>, vector<16xf32>,
        tpu.vector_store %arg13[%swap3A_1394, %swap3A_1395], %mul3A_1391 {strides = array<i32>} : memref<80x128xf32, #tpu.memory_space<vmem>>, vector<16xf32>,
        %add3A_1397 = arith.constant 6 : i32
        %add3A_1398 = arith.addi %mul3A_750, %add3A_1397 : i32
        %get3A_1399 = arith.index_cast %add3A_1398 : i32 to index
        %get3A_1400 = arith.constant 32 : index
        %get3A_1401 = tpu.vector_load %arg13[%get3A_1399, %get3A_1400] {strides = array<i32>} : memref<80x128xf32, #tpu.memory_space<vmem>>, vector<16xf32>,
        %mul3A_1402 = vector.broadcast %squeeze3A_790 : f32 to vector<16xf32>
        %mul3A_1403 = arith.mulf %get3A_1401, %mul3A_1402 : vector<16xf32>
        %add3A_1404 = arith.constant 6 : i32
        %add3A_1405 = arith.addi %mul3A_750, %add3A_1404 : i32
        %swap3A_1406 = arith.index_cast %add3A_1405 : i32 to index
        %swap3A_1407 = arith.constant 32 : index
        %swap3A_1408 = tpu.vector_load %arg13[%swap3A_1406, %swap3A_1407] {strides = array<i32>} : memref<80x128xf32, #tpu.memory_space<vmem>>, vector<16xf32>,
        tpu.vector_store %arg13[%swap3A_1406, %swap3A_1407], %mul3A_1403 {strides = array<i32>} : memref<80x128xf32, #tpu.memory_space<vmem>>, vector<16xf32>,
        %add3A_1409 = arith.constant 6 : i32
        %add3A_1410 = arith.addi %mul3A_750, %add3A_1409 : i32
        %get3A_1411 = arith.index_cast %add3A_1410 : i32 to index
        %get3A_1412 = arith.constant 48 : index
        %get3A_1413 = tpu.vector_load %arg13[%get3A_1411, %get3A_1412] {strides = array<i32>} : memref<80x128xf32, #tpu.memory_space<vmem>>, vector<16xf32>,
        %mul3A_1414 = vector.broadcast %squeeze3A_790 : f32 to vector<16xf32>
        %mul3A_1415 = arith.mulf %get3A_1413, %mul3A_1414 : vector<16xf32>
        %add3A_1416 = arith.constant 6 : i32
        %add3A_1417 = arith.addi %mul3A_750, %add3A_1416 : i32
        %swap3A_1418 = arith.index_cast %add3A_1417 : i32 to index
        %swap3A_1419 = arith.constant 48 : index
        %swap3A_1420 = tpu.vector_load %arg13[%swap3A_1418, %swap3A_1419] {strides = array<i32>} : memref<80x128xf32, #tpu.memory_space<vmem>>, vector<16xf32>,
        tpu.vector_store %arg13[%swap3A_1418, %swap3A_1419], %mul3A_1415 {strides = array<i32>} : memref<80x128xf32, #tpu.memory_space<vmem>>, vector<16xf32>,
        %add3A_1421 = arith.constant 6 : i32
        %add3A_1422 = arith.addi %mul3A_750, %add3A_1421 : i32
        %get3A_1423 = arith.index_cast %add3A_1422 : i32 to index
        %get3A_1424 = arith.constant 64 : index
        %get3A_1425 = tpu.vector_load %arg13[%get3A_1423, %get3A_1424] {strides = array<i32>} : memref<80x128xf32, #tpu.memory_space<vmem>>, vector<16xf32>,
        %mul3A_1426 = vector.broadcast %squeeze3A_790 : f32 to vector<16xf32>
        %mul3A_1427 = arith.mulf %get3A_1425, %mul3A_1426 : vector<16xf32>
        %add3A_1428 = arith.constant 6 : i32
        %add3A_1429 = arith.addi %mul3A_750, %add3A_1428 : i32
        %swap3A_1430 = arith.index_cast %add3A_1429 : i32 to index
        %swap3A_1431 = arith.constant 64 : index
        %swap3A_1432 = tpu.vector_load %arg13[%swap3A_1430, %swap3A_1431] {strides = array<i32>} : memref<80x128xf32, #tpu.memory_space<vmem>>, vector<16xf32>,
        tpu.vector_store %arg13[%swap3A_1430, %swap3A_1431], %mul3A_1427 {strides = array<i32>} : memref<80x128xf32, #tpu.memory_space<vmem>>, vector<16xf32>,
        %add3A_1433 = arith.constant 6 : i32
        %add3A_1434 = arith.addi %mul3A_750, %add3A_1433 : i32
        %get3A_1435 = arith.index_cast %add3A_1434 : i32 to index
        %get3A_1436 = arith.constant 80 : index
        %get3A_1437 = tpu.vector_load %arg13[%get3A_1435, %get3A_1436] {strides = array<i32>} : memref<80x128xf32, #tpu.memory_space<vmem>>, vector<16xf32>,
        %mul3A_1438 = vector.broadcast %squeeze3A_790 : f32 to vector<16xf32>
        %mul3A_1439 = arith.mulf %get3A_1437, %mul3A_1438 : vector<16xf32>
        %add3A_1440 = arith.constant 6 : i32
        %add3A_1441 = arith.addi %mul3A_750, %add3A_1440 : i32
        %swap3A_1442 = arith.index_cast %add3A_1441 : i32 to index
        %swap3A_1443 = arith.constant 80 : index
        %swap3A_1444 = tpu.vector_load %arg13[%swap3A_1442, %swap3A_1443] {strides = array<i32>} : memref<80x128xf32, #tpu.memory_space<vmem>>, vector<16xf32>,
        tpu.vector_store %arg13[%swap3A_1442, %swap3A_1443], %mul3A_1439 {strides = array<i32>} : memref<80x128xf32, #tpu.memory_space<vmem>>, vector<16xf32>,
        %add3A_1445 = arith.constant 6 : i32
        %add3A_1446 = arith.addi %mul3A_750, %add3A_1445 : i32
        %get3A_1447 = arith.index_cast %add3A_1446 : i32 to index
        %get3A_1448 = arith.constant 96 : index
        %get3A_1449 = tpu.vector_load %arg13[%get3A_1447, %get3A_1448] {strides = array<i32>} : memref<80x128xf32, #tpu.memory_space<vmem>>, vector<16xf32>,
        %mul3A_1450 = vector.broadcast %squeeze3A_790 : f32 to vector<16xf32>
        %mul3A_1451 = arith.mulf %get3A_1449, %mul3A_1450 : vector<16xf32>
        %add3A_1452 = arith.constant 6 : i32
        %add3A_1453 = arith.addi %mul3A_750, %add3A_1452 : i32
        %swap3A_1454 = arith.index_cast %add3A_1453 : i32 to index
        %swap3A_1455 = arith.constant 96 : index
        %swap3A_1456 = tpu.vector_load %arg13[%swap3A_1454, %swap3A_1455] {strides = array<i32>} : memref<80x128xf32, #tpu.memory_space<vmem>>, vector<16xf32>,
        tpu.vector_store %arg13[%swap3A_1454, %swap3A_1455], %mul3A_1451 {strides = array<i32>} : memref<80x128xf32, #tpu.memory_space<vmem>>, vector<16xf32>,
        %add3A_1457 = arith.constant 6 : i32
        %add3A_1458 = arith.addi %mul3A_750, %add3A_1457 : i32
        %get3A_1459 = arith.index_cast %add3A_1458 : i32 to index
        %get3A_1460 = arith.constant 112 : index
        %get3A_1461 = tpu.vector_load %arg13[%get3A_1459, %get3A_1460] {strides = array<i32>} : memref<80x128xf32, #tpu.memory_space<vmem>>, vector<16xf32>,
        %mul3A_1462 = vector.broadcast %squeeze3A_790 : f32 to vector<16xf32>
        %mul3A_1463 = arith.mulf %get3A_1461, %mul3A_1462 : vector<16xf32>
        %add3A_1464 = arith.constant 6 : i32
        %add3A_1465 = arith.addi %mul3A_750, %add3A_1464 : i32
        %swap3A_1466 = arith.index_cast %add3A_1465 : i32 to index
        %swap3A_1467 = arith.constant 112 : index
        %swap3A_1468 = tpu.vector_load %arg13[%swap3A_1466, %swap3A_1467] {strides = array<i32>} : memref<80x128xf32, #tpu.memory_space<vmem>>, vector<16xf32>,
        tpu.vector_store %arg13[%swap3A_1466, %swap3A_1467], %mul3A_1463 {strides = array<i32>} : memref<80x128xf32, #tpu.memory_space<vmem>>, vector<16xf32>,
        %add3A_1469 = arith.constant 7 : i32
        %add3A_1470 = arith.addi %mul3A_750, %add3A_1469 : i32
        %get3A_1471 = arith.index_cast %add3A_1470 : i32 to index
        %get3A_1472 = arith.constant 0 : index
        %get3A_1473 = tpu.vector_load %arg13[%get3A_1471, %get3A_1472] {strides = array<i32>} : memref<80x128xf32, #tpu.memory_space<vmem>>, vector<16xf32>,
        %mul3A_1474 = vector.broadcast %squeeze3A_796 : f32 to vector<16xf32>
        %mul3A_1475 = arith.mulf %get3A_1473, %mul3A_1474 : vector<16xf32>
        %add3A_1476 = arith.constant 7 : i32
        %add3A_1477 = arith.addi %mul3A_750, %add3A_1476 : i32
        %swap3A_1478 = arith.index_cast %add3A_1477 : i32 to index
        %swap3A_1479 = arith.constant 0 : index
        %swap3A_1480 = tpu.vector_load %arg13[%swap3A_1478, %swap3A_1479] {strides = array<i32>} : memref<80x128xf32, #tpu.memory_space<vmem>>, vector<16xf32>,
        tpu.vector_store %arg13[%swap3A_1478, %swap3A_1479], %mul3A_1475 {strides = array<i32>} : memref<80x128xf32, #tpu.memory_space<vmem>>, vector<16xf32>,
        %add3A_1481 = arith.constant 7 : i32
        %add3A_1482 = arith.addi %mul3A_750, %add3A_1481 : i32
        %get3A_1483 = arith.index_cast %add3A_1482 : i32 to index
        %get3A_1484 = arith.constant 16 : index
        %get3A_1485 = tpu.vector_load %arg13[%get3A_1483, %get3A_1484] {strides = array<i32>} : memref<80x128xf32, #tpu.memory_space<vmem>>, vector<16xf32>,
        %mul3A_1486 = vector.broadcast %squeeze3A_796 : f32 to vector<16xf32>
        %mul3A_1487 = arith.mulf %get3A_1485, %mul3A_1486 : vector<16xf32>
        %add3A_1488 = arith.constant 7 : i32
        %add3A_1489 = arith.addi %mul3A_750, %add3A_1488 : i32
        %swap3A_1490 = arith.index_cast %add3A_1489 : i32 to index
        %swap3A_1491 = arith.constant 16 : index
        %swap3A_1492 = tpu.vector_load %arg13[%swap3A_1490, %swap3A_1491] {strides = array<i32>} : memref<80x128xf32, #tpu.memory_space<vmem>>, vector<16xf32>,
        tpu.vector_store %arg13[%swap3A_1490, %swap3A_1491], %mul3A_1487 {strides = array<i32>} : memref<80x128xf32, #tpu.memory_space<vmem>>, vector<16xf32>,
        %add3A_1493 = arith.constant 7 : i32
        %add3A_1494 = arith.addi %mul3A_750, %add3A_1493 : i32
        %get3A_1495 = arith.index_cast %add3A_1494 : i32 to index
        %get3A_1496 = arith.constant 32 : index
        %get3A_1497 = tpu.vector_load %arg13[%get3A_1495, %get3A_1496] {strides = array<i32>} : memref<80x128xf32, #tpu.memory_space<vmem>>, vector<16xf32>,
        %mul3A_1498 = vector.broadcast %squeeze3A_796 : f32 to vector<16xf32>
        %mul3A_1499 = arith.mulf %get3A_1497, %mul3A_1498 : vector<16xf32>
        %add3A_1500 = arith.constant 7 : i32
        %add3A_1501 = arith.addi %mul3A_750, %add3A_1500 : i32
        %swap3A_1502 = arith.index_cast %add3A_1501 : i32 to index
        %swap3A_1503 = arith.constant 32 : index
        %swap3A_1504 = tpu.vector_load %arg13[%swap3A_1502, %swap3A_1503] {strides = array<i32>} : memref<80x128xf32, #tpu.memory_space<vmem>>, vector<16xf32>,
        tpu.vector_store %arg13[%swap3A_1502, %swap3A_1503], %mul3A_1499 {strides = array<i32>} : memref<80x128xf32, #tpu.memory_space<vmem>>, vector<16xf32>,
        %add3A_1505 = arith.constant 7 : i32
        %add3A_1506 = arith.addi %mul3A_750, %add3A_1505 : i32
        %get3A_1507 = arith.index_cast %add3A_1506 : i32 to index
        %get3A_1508 = arith.constant 48 : index
        %get3A_1509 = tpu.vector_load %arg13[%get3A_1507, %get3A_1508] {strides = array<i32>} : memref<80x128xf32, #tpu.memory_space<vmem>>, vector<16xf32>,
        %mul3A_1510 = vector.broadcast %squeeze3A_796 : f32 to vector<16xf32>
        %mul3A_1511 = arith.mulf %get3A_1509, %mul3A_1510 : vector<16xf32>
        %add3A_1512 = arith.constant 7 : i32
        %add3A_1513 = arith.addi %mul3A_750, %add3A_1512 : i32
        %swap3A_1514 = arith.index_cast %add3A_1513 : i32 to index
        %swap3A_1515 = arith.constant 48 : index
        %swap3A_1516 = tpu.vector_load %arg13[%swap3A_1514, %swap3A_1515] {strides = array<i32>} : memref<80x128xf32, #tpu.memory_space<vmem>>, vector<16xf32>,
        tpu.vector_store %arg13[%swap3A_1514, %swap3A_1515], %mul3A_1511 {strides = array<i32>} : memref<80x128xf32, #tpu.memory_space<vmem>>, vector<16xf32>,
        %add3A_1517 = arith.constant 7 : i32
        %add3A_1518 = arith.addi %mul3A_750, %add3A_1517 : i32
        %get3A_1519 = arith.index_cast %add3A_1518 : i32 to index
        %get3A_1520 = arith.constant 64 : index
        %get3A_1521 = tpu.vector_load %arg13[%get3A_1519, %get3A_1520] {strides = array<i32>} : memref<80x128xf32, #tpu.memory_space<vmem>>, vector<16xf32>,
        %mul3A_1522 = vector.broadcast %squeeze3A_796 : f32 to vector<16xf32>
        %mul3A_1523 = arith.mulf %get3A_1521, %mul3A_1522 : vector<16xf32>
        %add3A_1524 = arith.constant 7 : i32
        %add3A_1525 = arith.addi %mul3A_750, %add3A_1524 : i32
        %swap3A_1526 = arith.index_cast %add3A_1525 : i32 to index
        %swap3A_1527 = arith.constant 64 : index
        %swap3A_1528 = tpu.vector_load %arg13[%swap3A_1526, %swap3A_1527] {strides = array<i32>} : memref<80x128xf32, #tpu.memory_space<vmem>>, vector<16xf32>,
        tpu.vector_store %arg13[%swap3A_1526, %swap3A_1527], %mul3A_1523 {strides = array<i32>} : memref<80x128xf32, #tpu.memory_space<vmem>>, vector<16xf32>,
        %add3A_1529 = arith.constant 7 : i32
        %add3A_1530 = arith.addi %mul3A_750, %add3A_1529 : i32
        %get3A_1531 = arith.index_cast %add3A_1530 : i32 to index
        %get3A_1532 = arith.constant 80 : index
        %get3A_1533 = tpu.vector_load %arg13[%get3A_1531, %get3A_1532] {strides = array<i32>} : memref<80x128xf32, #tpu.memory_space<vmem>>, vector<16xf32>,
        %mul3A_1534 = vector.broadcast %squeeze3A_796 : f32 to vector<16xf32>
        %mul3A_1535 = arith.mulf %get3A_1533, %mul3A_1534 : vector<16xf32>
        %add3A_1536 = arith.constant 7 : i32
        %add3A_1537 = arith.addi %mul3A_750, %add3A_1536 : i32
        %swap3A_1538 = arith.index_cast %add3A_1537 : i32 to index
        %swap3A_1539 = arith.constant 80 : index
        %swap3A_1540 = tpu.vector_load %arg13[%swap3A_1538, %swap3A_1539] {strides = array<i32>} : memref<80x128xf32, #tpu.memory_space<vmem>>, vector<16xf32>,
        tpu.vector_store %arg13[%swap3A_1538, %swap3A_1539], %mul3A_1535 {strides = array<i32>} : memref<80x128xf32, #tpu.memory_space<vmem>>, vector<16xf32>,
        %add3A_1541 = arith.constant 7 : i32
        %add3A_1542 = arith.addi %mul3A_750, %add3A_1541 : i32
        %get3A_1543 = arith.index_cast %add3A_1542 : i32 to index
        %get3A_1544 = arith.constant 96 : index
        %get3A_1545 = tpu.vector_load %arg13[%get3A_1543, %get3A_1544] {strides = array<i32>} : memref<80x128xf32, #tpu.memory_space<vmem>>, vector<16xf32>,
        %mul3A_1546 = vector.broadcast %squeeze3A_796 : f32 to vector<16xf32>
        %mul3A_1547 = arith.mulf %get3A_1545, %mul3A_1546 : vector<16xf32>
        %add3A_1548 = arith.constant 7 : i32
        %add3A_1549 = arith.addi %mul3A_750, %add3A_1548 : i32
        %swap3A_1550 = arith.index_cast %add3A_1549 : i32 to index
        %swap3A_1551 = arith.constant 96 : index
        %swap3A_1552 = tpu.vector_load %arg13[%swap3A_1550, %swap3A_1551] {strides = array<i32>} : memref<80x128xf32, #tpu.memory_space<vmem>>, vector<16xf32>,
        tpu.vector_store %arg13[%swap3A_1550, %swap3A_1551], %mul3A_1547 {strides = array<i32>} : memref<80x128xf32, #tpu.memory_space<vmem>>, vector<16xf32>,
        %add3A_1553 = arith.constant 7 : i32
        %add3A_1554 = arith.addi %mul3A_750, %add3A_1553 : i32
        %get3A_1555 = arith.index_cast %add3A_1554 : i32 to index
        %get3A_1556 = arith.constant 112 : index
        %get3A_1557 = tpu.vector_load %arg13[%get3A_1555, %get3A_1556] {strides = array<i32>} : memref<80x128xf32, #tpu.memory_space<vmem>>, vector<16xf32>,
        %mul3A_1558 = vector.broadcast %squeeze3A_796 : f32 to vector<16xf32>
        %mul3A_1559 = arith.mulf %get3A_1557, %mul3A_1558 : vector<16xf32>
        %add3A_1560 = arith.constant 7 : i32
        %add3A_1561 = arith.addi %mul3A_750, %add3A_1560 : i32
        %swap3A_1562 = arith.index_cast %add3A_1561 : i32 to index
        %swap3A_1563 = arith.constant 112 : index
        %swap3A_1564 = tpu.vector_load %arg13[%swap3A_1562, %swap3A_1563] {strides = array<i32>} : memref<80x128xf32, #tpu.memory_space<vmem>>, vector<16xf32>,
        tpu.vector_store %arg13[%swap3A_1562, %swap3A_1563], %mul3A_1559 {strides = array<i32>} : memref<80x128xf32, #tpu.memory_space<vmem>>, vector<16xf32>,
      }
      %scan3A_538 = arith.constant 10 : i32
      %dma_start3A_539 = arith.constant 0 : i32
      %dma_start3A_540 = arith.constant 0 : i32
      %dma_start3A_541 = tpu.memref_slice %arg19[%dma_start3A_539, %dma_start3A_540] : memref<10000x128xf32, #tpu.memory_space<vmem_shared>> -> memref<10000x128xf32, #tpu.memory_space<vmem_shared>>
      tpu.enqueue_indirect_dma source(%arg13 : memref<80x128xf32, #tpu.memory_space<vmem>>) target(%dma_start3A_541 : memref<10000x128xf32, #tpu.memory_space<vmem_shared>>) offsets(%arg15 : memref<80xi32, #tpu.memory_space<vmem>>) semaphore(%arg25 : memref<!tpu.dma_semaphore, #tpu.memory_space<semaphore_mem>>) {add = true}
      %add3A_542 = arith.constant 2 : i32
      %add3A_543 = arith.addi %mul3A_356, %add3A_542 : i32
      %mul3A_544 = arith.constant 80 : i32
      %mul3A_545 = arith.muli %add3A_543, %mul3A_544 : i32
      %add3A_546 = arith.addi %mul3A_2, %mul3A_545 : i32
      %dma_start3A_547 = arith.constant 0 : i32
      %dma_start3A_548 = tpu.memref_slice %arg3[%dma_start3A_547, %add3A_546] : memref<2x320000xi32, #tpu.memory_space<hbm>> -> memref<1x80xi32, #tpu.memory_space<hbm>>
      %dma_start3A_549 = tpu.memref_squeeze %dma_start3A_548 : memref<1x80xi32, #tpu.memory_space<hbm>> -> memref<80xi32, #tpu.memory_space<hbm>>
      %dma_start3A_550 = tpu.memref_slice %arg3[%dma_start3A_547, %add3A_546] : memref<2x320000xi32, #tpu.memory_space<hbm>> -> memref<1x80xi32, #tpu.memory_space<hbm>>
      %dma_start3A_551 = tpu.memref_squeeze %dma_start3A_550 : memref<1x80xi32, #tpu.memory_space<hbm>> -> memref<80xi32, #tpu.memory_space<hbm>>
      tpu.enqueue_dma source(%dma_start3A_551 : memref<80xi32, #tpu.memory_space<hbm>>) target(%arg7 : memref<80xi32, #tpu.memory_space<vmem>>) target_semaphore(%arg23 : memref<!tpu.dma_semaphore, #tpu.memory_space<semaphore_mem>>)
      %add3A_552 = arith.constant 2 : i32
      %add3A_553 = arith.addi %mul3A_356, %add3A_552 : i32
      %mul3A_554 = arith.constant 80 : i32
      %mul3A_555 = arith.muli %add3A_553, %mul3A_554 : i32
      %add3A_556 = arith.addi %mul3A_2, %mul3A_555 : i32
      %dma_start3A_557 = arith.constant 1 : i32
      %dma_start3A_558 = tpu.memref_slice %arg3[%dma_start3A_557, %add3A_556] : memref<2x320000xi32, #tpu.memory_space<hbm>> -> memref<1x80xi32, #tpu.memory_space<hbm>>
      %dma_start3A_559 = tpu.memref_squeeze %dma_start3A_558 : memref<1x80xi32, #tpu.memory_space<hbm>> -> memref<80xi32, #tpu.memory_space<hbm>>
      %dma_start3A_560 = tpu.memref_slice %arg3[%dma_start3A_557, %add3A_556] : memref<2x320000xi32, #tpu.memory_space<hbm>> -> memref<1x80xi32, #tpu.memory_space<hbm>>
      %dma_start3A_561 = tpu.memref_squeeze %dma_start3A_560 : memref<1x80xi32, #tpu.memory_space<hbm>> -> memref<80xi32, #tpu.memory_space<hbm>>
      tpu.enqueue_dma source(%dma_start3A_561 : memref<80xi32, #tpu.memory_space<hbm>>) target(%arg8 : memref<80xi32, #tpu.memory_space<vmem>>) target_semaphore(%arg23 : memref<!tpu.dma_semaphore, #tpu.memory_space<semaphore_mem>>)
      %dma_wait3A_562 = arith.constant 0 : i32
      %dma_wait3A_563 = arith.constant 0 : i32
      %dma_wait3A_564 = tpu.memref_slice %arg2[%dma_wait3A_562, %dma_wait3A_563] : memref<10000x128xf32, #tpu.memory_space<hbm>> -> memref<80x128xf32, #tpu.memory_space<hbm>>
      %dma_wait3A_565 = arith.constant 0 : i32
      %dma_wait3A_566 = arith.constant 0 : i32
      %dma_wait3A_567 = tpu.memref_slice %arg2[%dma_wait3A_565, %dma_wait3A_566] : memref<10000x128xf32, #tpu.memory_space<hbm>> -> memref<80x128xf32, #tpu.memory_space<hbm>>
      tpu.wait_dma2 semaphore(%arg22 : memref<!tpu.dma_semaphore, #tpu.memory_space<semaphore_mem>>) src(%dma_wait3A_567 : memref<80x128xf32, #tpu.memory_space<hbm>>) dst(%arg14 : memref<80x128xf32, #tpu.memory_space<vmem>>)
      %get3A_568 = arith.constant 0 : index
      %get3A_569 = tpu.vector_load %arg9[%get3A_568] {strides = array<i32>} : memref<80xi32, #tpu.memory_space<vmem>>, vector<16xi32>,
      %get3A_570 = arith.constant 0 : index
      %get3A_571 = tpu.vector_load %arg10[%get3A_570] {strides = array<i32>} : memref<80xi32, #tpu.memory_space<vmem>>, vector<16xi32>,
      %shift_left3A_572 = arith.constant 1 : i32
      %shift_left3A_573 = vector.broadcast %shift_left3A_572 : i32 to vector<16xi32>
      %shift_left3A_574 = arith.shli %get3A_569, %shift_left3A_573 : vector<16xi32>
      %gather3A_575 = tpu.vector_load_idx %arg11[%shift_left3A_574] : memref<20480xf32, #tpu.memory_space<vmem>>[vector<16xi32>], vector<16xf32>,
      %shift_left3A_576 = arith.constant 1 : i32
      %shift_left3A_577 = vector.broadcast %shift_left3A_576 : i32 to vector<16xi32>
      %shift_left3A_578 = arith.shli %get3A_571, %shift_left3A_577 : vector<16xi32>
      %or3A_579 = arith.constant 1 : i32
      %or3A_580 = vector.broadcast %or3A_579 : i32 to vector<16xi32>
      %or3A_581 = arith.ori %shift_left3A_578, %or3A_580 : vector<16xi32>
      %gather3A_582 = tpu.vector_load_idx %arg11[%or3A_581] : memref<20480xf32, #tpu.memory_space<vmem>>[vector<16xi32>], vector<16xf32>,
      %add3A_583 = arith.addf %gather3A_575, %gather3A_582 : vector<16xf32>
      %ge3A_584 = arith.constant 0.000000e+00 : f32
      %ge3A_585 = vector.broadcast %ge3A_584 : f32 to vector<16xf32>
      %ge3A_586 = arith.cmpf oge, %add3A_583, %ge3A_585 : vector<16xf32>
      %mul3A_587 = arith.constant 2.000000e-01 : f32
      %mul3A_588 = vector.broadcast %mul3A_587 : f32 to vector<16xf32>
      %mul3A_589 = arith.mulf %mul3A_588, %add3A_583 : vector<16xf32>
      %select_n3A_590 = arith.select %ge3A_586, %add3A_583, %mul3A_589 : vector<16xi1>, vector<16xf32>
      %exp3A_591 = math.exp %select_n3A_590 : vector<16xf32>
      %swap3A_592 = arith.constant 0 : index
      %swap3A_593 = tpu.vector_load %arg18[%swap3A_592] {strides = array<i32>} : memref<96xf32, #tpu.memory_space<vmem>>, vector<16xf32>,
      tpu.vector_store %arg18[%swap3A_592], %exp3A_591 {strides = array<i32>} : memref<96xf32, #tpu.memory_space<vmem>>, vector<16xf32>,
      %swap3A_594 = arith.constant 0 : index
      %swap3A_595 = tpu.vector_load %arg16[%swap3A_594] {strides = array<i32>} : memref<80xi32, #tpu.memory_space<vmem>>, vector<16xi32>,
      tpu.vector_store %arg16[%swap3A_594], %get3A_571 {strides = array<i32>} : memref<80xi32, #tpu.memory_space<vmem>>, vector<16xi32>,
      %get3A_596 = arith.constant 16 : index
      %get3A_597 = tpu.vector_load %arg9[%get3A_596] {strides = array<i32>} : memref<80xi32, #tpu.memory_space<vmem>>, vector<16xi32>,
      %get3A_598 = arith.constant 16 : index
      %get3A_599 = tpu.vector_load %arg10[%get3A_598] {strides = array<i32>} : memref<80xi32, #tpu.memory_space<vmem>>, vector<16xi32>,
      %shift_left3A_600 = arith.constant 1 : i32
      %shift_left3A_601 = vector.broadcast %shift_left3A_600 : i32 to vector<16xi32>
      %shift_left3A_602 = arith.shli %get3A_597, %shift_left3A_601 : vector<16xi32>
      %gather3A_603 = tpu.vector_load_idx %arg11[%shift_left3A_602] : memref<20480xf32, #tpu.memory_space<vmem>>[vector<16xi32>], vector<16xf32>,
      %shift_left3A_604 = arith.constant 1 : i32
      %shift_left3A_605 = vector.broadcast %shift_left3A_604 : i32 to vector<16xi32>
      %shift_left3A_606 = arith.shli %get3A_599, %shift_left3A_605 : vector<16xi32>
      %or3A_607 = arith.constant 1 : i32
      %or3A_608 = vector.broadcast %or3A_607 : i32 to vector<16xi32>
      %or3A_609 = arith.ori %shift_left3A_606, %or3A_608 : vector<16xi32>
      %gather3A_610 = tpu.vector_load_idx %arg11[%or3A_609] : memref<20480xf32, #tpu.memory_space<vmem>>[vector<16xi32>], vector<16xf32>,
      %add3A_611 = arith.addf %gather3A_603, %gather3A_610 : vector<16xf32>
      %ge3A_612 = arith.constant 0.000000e+00 : f32
      %ge3A_613 = vector.broadcast %ge3A_612 : f32 to vector<16xf32>
      %ge3A_614 = arith.cmpf oge, %add3A_611, %ge3A_613 : vector<16xf32>
      %mul3A_615 = arith.constant 2.000000e-01 : f32
      %mul3A_616 = vector.broadcast %mul3A_615 : f32 to vector<16xf32>
      %mul3A_617 = arith.mulf %mul3A_616, %add3A_611 : vector<16xf32>
      %select_n3A_618 = arith.select %ge3A_614, %add3A_611, %mul3A_617 : vector<16xi1>, vector<16xf32>
      %exp3A_619 = math.exp %select_n3A_618 : vector<16xf32>
      %swap3A_620 = arith.constant 16 : index
      %swap3A_621 = tpu.vector_load %arg18[%swap3A_620] {strides = array<i32>} : memref<96xf32, #tpu.memory_space<vmem>>, vector<16xf32>,
      tpu.vector_store %arg18[%swap3A_620], %exp3A_619 {strides = array<i32>} : memref<96xf32, #tpu.memory_space<vmem>>, vector<16xf32>,
      %swap3A_622 = arith.constant 16 : index
      %swap3A_623 = tpu.vector_load %arg16[%swap3A_622] {strides = array<i32>} : memref<80xi32, #tpu.memory_space<vmem>>, vector<16xi32>,
      tpu.vector_store %arg16[%swap3A_622], %get3A_599 {strides = array<i32>} : memref<80xi32, #tpu.memory_space<vmem>>, vector<16xi32>,
      %get3A_624 = arith.constant 32 : index
      %get3A_625 = tpu.vector_load %arg9[%get3A_624] {strides = array<i32>} : memref<80xi32, #tpu.memory_space<vmem>>, vector<16xi32>,
      %get3A_626 = arith.constant 32 : index
      %get3A_627 = tpu.vector_load %arg10[%get3A_626] {strides = array<i32>} : memref<80xi32, #tpu.memory_space<vmem>>, vector<16xi32>,
      %shift_left3A_628 = arith.constant 1 : i32
      %shift_left3A_629 = vector.broadcast %shift_left3A_628 : i32 to vector<16xi32>
      %shift_left3A_630 = arith.shli %get3A_625, %shift_left3A_629 : vector<16xi32>
      %gather3A_631 = tpu.vector_load_idx %arg11[%shift_left3A_630] : memref<20480xf32, #tpu.memory_space<vmem>>[vector<16xi32>], vector<16xf32>,
      %shift_left3A_632 = arith.constant 1 : i32
      %shift_left3A_633 = vector.broadcast %shift_left3A_632 : i32 to vector<16xi32>
      %shift_left3A_634 = arith.shli %get3A_627, %shift_left3A_633 : vector<16xi32>
      %or3A_635 = arith.constant 1 : i32
      %or3A_636 = vector.broadcast %or3A_635 : i32 to vector<16xi32>
      %or3A_637 = arith.ori %shift_left3A_634, %or3A_636 : vector<16xi32>
      %gather3A_638 = tpu.vector_load_idx %arg11[%or3A_637] : memref<20480xf32, #tpu.memory_space<vmem>>[vector<16xi32>], vector<16xf32>,
      %add3A_639 = arith.addf %gather3A_631, %gather3A_638 : vector<16xf32>
      %ge3A_640 = arith.constant 0.000000e+00 : f32
      %ge3A_641 = vector.broadcast %ge3A_640 : f32 to vector<16xf32>
      %ge3A_642 = arith.cmpf oge, %add3A_639, %ge3A_641 : vector<16xf32>
      %mul3A_643 = arith.constant 2.000000e-01 : f32
      %mul3A_644 = vector.broadcast %mul3A_643 : f32 to vector<16xf32>
      %mul3A_645 = arith.mulf %mul3A_644, %add3A_639 : vector<16xf32>
      %select_n3A_646 = arith.select %ge3A_642, %add3A_639, %mul3A_645 : vector<16xi1>, vector<16xf32>
      %exp3A_647 = math.exp %select_n3A_646 : vector<16xf32>
      %swap3A_648 = arith.constant 32 : index
      %swap3A_649 = tpu.vector_load %arg18[%swap3A_648] {strides = array<i32>} : memref<96xf32, #tpu.memory_space<vmem>>, vector<16xf32>,
      tpu.vector_store %arg18[%swap3A_648], %exp3A_647 {strides = array<i32>} : memref<96xf32, #tpu.memory_space<vmem>>, vector<16xf32>,
      %swap3A_650 = arith.constant 32 : index
      %swap3A_651 = tpu.vector_load %arg16[%swap3A_650] {strides = array<i32>} : memref<80xi32, #tpu.memory_space<vmem>>, vector<16xi32>,
      tpu.vector_store %arg16[%swap3A_650], %get3A_627 {strides = array<i32>} : memref<80xi32, #tpu.memory_space<vmem>>, vector<16xi32>,
      %get3A_652 = arith.constant 48 : index
      %get3A_653 = tpu.vector_load %arg9[%get3A_652] {strides = array<i32>} : memref<80xi32, #tpu.memory_space<vmem>>, vector<16xi32>,
      %get3A_654 = arith.constant 48 : index
      %get3A_655 = tpu.vector_load %arg10[%get3A_654] {strides = array<i32>} : memref<80xi32, #tpu.memory_space<vmem>>, vector<16xi32>,
      %shift_left3A_656 = arith.constant 1 : i32
      %shift_left3A_657 = vector.broadcast %shift_left3A_656 : i32 to vector<16xi32>
      %shift_left3A_658 = arith.shli %get3A_653, %shift_left3A_657 : vector<16xi32>
      %gather3A_659 = tpu.vector_load_idx %arg11[%shift_left3A_658] : memref<20480xf32, #tpu.memory_space<vmem>>[vector<16xi32>], vector<16xf32>,
      %shift_left3A_660 = arith.constant 1 : i32
      %shift_left3A_661 = vector.broadcast %shift_left3A_660 : i32 to vector<16xi32>
      %shift_left3A_662 = arith.shli %get3A_655, %shift_left3A_661 : vector<16xi32>
      %or3A_663 = arith.constant 1 : i32
      %or3A_664 = vector.broadcast %or3A_663 : i32 to vector<16xi32>
      %or3A_665 = arith.ori %shift_left3A_662, %or3A_664 : vector<16xi32>
      %gather3A_666 = tpu.vector_load_idx %arg11[%or3A_665] : memref<20480xf32, #tpu.memory_space<vmem>>[vector<16xi32>], vector<16xf32>,
      %add3A_667 = arith.addf %gather3A_659, %gather3A_666 : vector<16xf32>
      %ge3A_668 = arith.constant 0.000000e+00 : f32
      %ge3A_669 = vector.broadcast %ge3A_668 : f32 to vector<16xf32>
      %ge3A_670 = arith.cmpf oge, %add3A_667, %ge3A_669 : vector<16xf32>
      %mul3A_671 = arith.constant 2.000000e-01 : f32
      %mul3A_672 = vector.broadcast %mul3A_671 : f32 to vector<16xf32>
      %mul3A_673 = arith.mulf %mul3A_672, %add3A_667 : vector<16xf32>
      %select_n3A_674 = arith.select %ge3A_670, %add3A_667, %mul3A_673 : vector<16xi1>, vector<16xf32>
      %exp3A_675 = math.exp %select_n3A_674 : vector<16xf32>
      %swap3A_676 = arith.constant 48 : index
      %swap3A_677 = tpu.vector_load %arg18[%swap3A_676] {strides = array<i32>} : memref<96xf32, #tpu.memory_space<vmem>>, vector<16xf32>,
      tpu.vector_store %arg18[%swap3A_676], %exp3A_675 {strides = array<i32>} : memref<96xf32, #tpu.memory_space<vmem>>, vector<16xf32>,
      %swap3A_678 = arith.constant 48 : index
      %swap3A_679 = tpu.vector_load %arg16[%swap3A_678] {strides = array<i32>} : memref<80xi32, #tpu.memory_space<vmem>>, vector<16xi32>,
      tpu.vector_store %arg16[%swap3A_678], %get3A_655 {strides = array<i32>} : memref<80xi32, #tpu.memory_space<vmem>>, vector<16xi32>,
      %get3A_680 = arith.constant 64 : index
      %get3A_681 = tpu.vector_load %arg9[%get3A_680] {strides = array<i32>} : memref<80xi32, #tpu.memory_space<vmem>>, vector<16xi32>,
      %get3A_682 = arith.constant 64 : index
      %get3A_683 = tpu.vector_load %arg10[%get3A_682] {strides = array<i32>} : memref<80xi32, #tpu.memory_space<vmem>>, vector<16xi32>,
      %shift_left3A_684 = arith.constant 1 : i32
      %shift_left3A_685 = vector.broadcast %shift_left3A_684 : i32 to vector<16xi32>
      %shift_left3A_686 = arith.shli %get3A_681, %shift_left3A_685 : vector<16xi32>
      %gather3A_687 = tpu.vector_load_idx %arg11[%shift_left3A_686] : memref<20480xf32, #tpu.memory_space<vmem>>[vector<16xi32>], vector<16xf32>,
      %shift_left3A_688 = arith.constant 1 : i32
      %shift_left3A_689 = vector.broadcast %shift_left3A_688 : i32 to vector<16xi32>
      %shift_left3A_690 = arith.shli %get3A_683, %shift_left3A_689 : vector<16xi32>
      %or3A_691 = arith.constant 1 : i32
      %or3A_692 = vector.broadcast %or3A_691 : i32 to vector<16xi32>
      %or3A_693 = arith.ori %shift_left3A_690, %or3A_692 : vector<16xi32>
      %gather3A_694 = tpu.vector_load_idx %arg11[%or3A_693] : memref<20480xf32, #tpu.memory_space<vmem>>[vector<16xi32>], vector<16xf32>,
      %add3A_695 = arith.addf %gather3A_687, %gather3A_694 : vector<16xf32>
      %ge3A_696 = arith.constant 0.000000e+00 : f32
      %ge3A_697 = vector.broadcast %ge3A_696 : f32 to vector<16xf32>
      %ge3A_698 = arith.cmpf oge, %add3A_695, %ge3A_697 : vector<16xf32>
      %mul3A_699 = arith.constant 2.000000e-01 : f32
      %mul3A_700 = vector.broadcast %mul3A_699 : f32 to vector<16xf32>
      %mul3A_701 = arith.mulf %mul3A_700, %add3A_695 : vector<16xf32>
      %select_n3A_702 = arith.select %ge3A_698, %add3A_695, %mul3A_701 : vector<16xi1>, vector<16xf32>
      %exp3A_703 = math.exp %select_n3A_702 : vector<16xf32>
      %swap3A_704 = arith.constant 64 : index
      %swap3A_705 = tpu.vector_load %arg18[%swap3A_704] {strides = array<i32>} : memref<96xf32, #tpu.memory_space<vmem>>, vector<16xf32>,
      tpu.vector_store %arg18[%swap3A_704], %exp3A_703 {strides = array<i32>} : memref<96xf32, #tpu.memory_space<vmem>>, vector<16xf32>,
      %swap3A_706 = arith.constant 64 : index
      %swap3A_707 = tpu.vector_load %arg16[%swap3A_706] {strides = array<i32>} : memref<80xi32, #tpu.memory_space<vmem>>, vector<16xi32>,
      tpu.vector_store %arg16[%swap3A_706], %get3A_683 {strides = array<i32>} : memref<80xi32, #tpu.memory_space<vmem>>, vector<16xi32>,
      %dma_start3A_708 = arith.constant 0 : i32
      %dma_start3A_709 = tpu.memref_slice %arg18[%dma_start3A_708] : memref<96xf32, #tpu.memory_space<vmem>> -> memref<80xf32, #tpu.memory_space<vmem>>
      %dma_start3A_710 = arith.constant 0 : i32
      %dma_start3A_711 = tpu.memref_slice %arg20[%dma_start3A_710] : memref<10240xf32, #tpu.memory_space<vmem_shared>> -> memref<10240xf32, #tpu.memory_space<vmem_shared>>
      tpu.enqueue_indirect_dma source(%dma_start3A_709 : memref<80xf32, #tpu.memory_space<vmem>>) target(%dma_start3A_711 : memref<10240xf32, #tpu.memory_space<vmem_shared>>) offsets(%arg16 : memref<80xi32, #tpu.memory_space<vmem>>) semaphore(%arg28 : memref<!tpu.dma_semaphore, #tpu.memory_space<semaphore_mem>>) {add = true}
      %scan3A_712 = arith.constant 0 : i32
      %scan3A_713 = arith.constant 0 : i32
      %scan3A_714 = arith.constant 10 : i32
      %scan3A_715 = arith.addi %scan3A_713, %scan3A_714 : i32
      %scan3A_716 = arith.constant 1 : i32
      scf.for %scan3A_748 = %scan3A_713 to %scan3A_715 step %scan3A_716  : i32 {
        %mul3A_749 = arith.constant 8 : i32
        %mul3A_750 = arith.muli %mul3A_749, %scan3A_748 : i32
        %add3A_751 = arith.constant 0 : i32
        %add3A_752 = arith.addi %mul3A_750, %add3A_751 : i32
        %get3A_753 = arith.index_cast %add3A_752 : i32 to index
        %get3A_754 = tpu.vector_load %arg18[%get3A_753] {strides = array<i32>} : memref<96xf32, #tpu.memory_space<vmem>>, vector<16xf32>,
        %slice3A = vector.extract_strided_slice %get3A_754 {offsets = [0], sizes = [1], strides = [1]} : vector<16xf32> to vector<1xf32>
        %squeeze3A = vector.extract %slice3A[0] : f32 from vector<1xf32>
        %add3A_755 = arith.constant 1 : i32
        %add3A_756 = arith.addi %mul3A_750, %add3A_755 : i32
        %get3A_757 = arith.index_cast %add3A_756 : i32 to index
        %get3A_758 = tpu.vector_load %arg18[%get3A_757] {strides = array<i32>} : memref<96xf32, #tpu.memory_space<vmem>>, vector<16xf32>,
        %slice3A_759 = vector.extract_strided_slice %get3A_758 {offsets = [0], sizes = [1], strides = [1]} : vector<16xf32> to vector<1xf32>
        %squeeze3A_760 = vector.extract %slice3A_759[0] : f32 from vector<1xf32>
        %add3A_761 = arith.constant 2 : i32
        %add3A_762 = arith.addi %mul3A_750, %add3A_761 : i32
        %get3A_763 = arith.index_cast %add3A_762 : i32 to index
        %get3A_764 = tpu.vector_load %arg18[%get3A_763] {strides = array<i32>} : memref<96xf32, #tpu.memory_space<vmem>>, vector<16xf32>,
        %slice3A_765 = vector.extract_strided_slice %get3A_764 {offsets = [0], sizes = [1], strides = [1]} : vector<16xf32> to vector<1xf32>
        %squeeze3A_766 = vector.extract %slice3A_765[0] : f32 from vector<1xf32>
        %add3A_767 = arith.constant 3 : i32
        %add3A_768 = arith.addi %mul3A_750, %add3A_767 : i32
        %get3A_769 = arith.index_cast %add3A_768 : i32 to index
        %get3A_770 = tpu.vector_load %arg18[%get3A_769] {strides = array<i32>} : memref<96xf32, #tpu.memory_space<vmem>>, vector<16xf32>,
        %slice3A_771 = vector.extract_strided_slice %get3A_770 {offsets = [0], sizes = [1], strides = [1]} : vector<16xf32> to vector<1xf32>
        %squeeze3A_772 = vector.extract %slice3A_771[0] : f32 from vector<1xf32>
        %add3A_773 = arith.constant 4 : i32
        %add3A_774 = arith.addi %mul3A_750, %add3A_773 : i32
        %get3A_775 = arith.index_cast %add3A_774 : i32 to index
        %get3A_776 = tpu.vector_load %arg18[%get3A_775] {strides = array<i32>} : memref<96xf32, #tpu.memory_space<vmem>>, vector<16xf32>,
        %slice3A_777 = vector.extract_strided_slice %get3A_776 {offsets = [0], sizes = [1], strides = [1]} : vector<16xf32> to vector<1xf32>
        %squeeze3A_778 = vector.extract %slice3A_777[0] : f32 from vector<1xf32>
        %add3A_779 = arith.constant 5 : i32
        %add3A_780 = arith.addi %mul3A_750, %add3A_779 : i32
        %get3A_781 = arith.index_cast %add3A_780 : i32 to index
        %get3A_782 = tpu.vector_load %arg18[%get3A_781] {strides = array<i32>} : memref<96xf32, #tpu.memory_space<vmem>>, vector<16xf32>,
        %slice3A_783 = vector.extract_strided_slice %get3A_782 {offsets = [0], sizes = [1], strides = [1]} : vector<16xf32> to vector<1xf32>
        %squeeze3A_784 = vector.extract %slice3A_783[0] : f32 from vector<1xf32>
        %add3A_785 = arith.constant 6 : i32
        %add3A_786 = arith.addi %mul3A_750, %add3A_785 : i32
        %get3A_787 = arith.index_cast %add3A_786 : i32 to index
        %get3A_788 = tpu.vector_load %arg18[%get3A_787] {strides = array<i32>} : memref<96xf32, #tpu.memory_space<vmem>>, vector<16xf32>,
        %slice3A_789 = vector.extract_strided_slice %get3A_788 {offsets = [0], sizes = [1], strides = [1]} : vector<16xf32> to vector<1xf32>
        %squeeze3A_790 = vector.extract %slice3A_789[0] : f32 from vector<1xf32>
        %add3A_791 = arith.constant 7 : i32
        %add3A_792 = arith.addi %mul3A_750, %add3A_791 : i32
        %get3A_793 = arith.index_cast %add3A_792 : i32 to index
        %get3A_794 = tpu.vector_load %arg18[%get3A_793] {strides = array<i32>} : memref<96xf32, #tpu.memory_space<vmem>>, vector<16xf32>,
        %slice3A_795 = vector.extract_strided_slice %get3A_794 {offsets = [0], sizes = [1], strides = [1]} : vector<16xf32> to vector<1xf32>
        %squeeze3A_796 = vector.extract %slice3A_795[0] : f32 from vector<1xf32>
        %add3A_797 = arith.constant 0 : i32
        %add3A_798 = arith.addi %mul3A_750, %add3A_797 : i32
        %get3A_799 = arith.index_cast %add3A_798 : i32 to index
        %get3A_800 = arith.constant 0 : index
        %get3A_801 = tpu.vector_load %arg14[%get3A_799, %get3A_800] {strides = array<i32>} : memref<80x128xf32, #tpu.memory_space<vmem>>, vector<16xf32>,
        %mul3A_802 = vector.broadcast %squeeze3A : f32 to vector<16xf32>
        %mul3A_803 = arith.mulf %get3A_801, %mul3A_802 : vector<16xf32>
        %add3A_804 = arith.constant 0 : i32
        %add3A_805 = arith.addi %mul3A_750, %add3A_804 : i32
        %swap3A_806 = arith.index_cast %add3A_805 : i32 to index
        %swap3A_807 = arith.constant 0 : index
        %swap3A_808 = tpu.vector_load %arg14[%swap3A_806, %swap3A_807] {strides = array<i32>} : memref<80x128xf32, #tpu.memory_space<vmem>>, vector<16xf32>,
        tpu.vector_store %arg14[%swap3A_806, %swap3A_807], %mul3A_803 {strides = array<i32>} : memref<80x128xf32, #tpu.memory_space<vmem>>, vector<16xf32>,
        %add3A_809 = arith.constant 0 : i32
        %add3A_810 = arith.addi %mul3A_750, %add3A_809 : i32
        %get3A_811 = arith.index_cast %add3A_810 : i32 to index
        %get3A_812 = arith.constant 16 : index
        %get3A_813 = tpu.vector_load %arg14[%get3A_811, %get3A_812] {strides = array<i32>} : memref<80x128xf32, #tpu.memory_space<vmem>>, vector<16xf32>,
        %mul3A_814 = vector.broadcast %squeeze3A : f32 to vector<16xf32>
        %mul3A_815 = arith.mulf %get3A_813, %mul3A_814 : vector<16xf32>
        %add3A_816 = arith.constant 0 : i32
        %add3A_817 = arith.addi %mul3A_750, %add3A_816 : i32
        %swap3A_818 = arith.index_cast %add3A_817 : i32 to index
        %swap3A_819 = arith.constant 16 : index
        %swap3A_820 = tpu.vector_load %arg14[%swap3A_818, %swap3A_819] {strides = array<i32>} : memref<80x128xf32, #tpu.memory_space<vmem>>, vector<16xf32>,
        tpu.vector_store %arg14[%swap3A_818, %swap3A_819], %mul3A_815 {strides = array<i32>} : memref<80x128xf32, #tpu.memory_space<vmem>>, vector<16xf32>,
        %add3A_821 = arith.constant 0 : i32
        %add3A_822 = arith.addi %mul3A_750, %add3A_821 : i32
        %get3A_823 = arith.index_cast %add3A_822 : i32 to index
        %get3A_824 = arith.constant 32 : index
        %get3A_825 = tpu.vector_load %arg14[%get3A_823, %get3A_824] {strides = array<i32>} : memref<80x128xf32, #tpu.memory_space<vmem>>, vector<16xf32>,
        %mul3A_826 = vector.broadcast %squeeze3A : f32 to vector<16xf32>
        %mul3A_827 = arith.mulf %get3A_825, %mul3A_826 : vector<16xf32>
        %add3A_828 = arith.constant 0 : i32
        %add3A_829 = arith.addi %mul3A_750, %add3A_828 : i32
        %swap3A_830 = arith.index_cast %add3A_829 : i32 to index
        %swap3A_831 = arith.constant 32 : index
        %swap3A_832 = tpu.vector_load %arg14[%swap3A_830, %swap3A_831] {strides = array<i32>} : memref<80x128xf32, #tpu.memory_space<vmem>>, vector<16xf32>,
        tpu.vector_store %arg14[%swap3A_830, %swap3A_831], %mul3A_827 {strides = array<i32>} : memref<80x128xf32, #tpu.memory_space<vmem>>, vector<16xf32>,
        %add3A_833 = arith.constant 0 : i32
        %add3A_834 = arith.addi %mul3A_750, %add3A_833 : i32
        %get3A_835 = arith.index_cast %add3A_834 : i32 to index
        %get3A_836 = arith.constant 48 : index
        %get3A_837 = tpu.vector_load %arg14[%get3A_835, %get3A_836] {strides = array<i32>} : memref<80x128xf32, #tpu.memory_space<vmem>>, vector<16xf32>,
        %mul3A_838 = vector.broadcast %squeeze3A : f32 to vector<16xf32>
        %mul3A_839 = arith.mulf %get3A_837, %mul3A_838 : vector<16xf32>
        %add3A_840 = arith.constant 0 : i32
        %add3A_841 = arith.addi %mul3A_750, %add3A_840 : i32
        %swap3A_842 = arith.index_cast %add3A_841 : i32 to index
        %swap3A_843 = arith.constant 48 : index
        %swap3A_844 = tpu.vector_load %arg14[%swap3A_842, %swap3A_843] {strides = array<i32>} : memref<80x128xf32, #tpu.memory_space<vmem>>, vector<16xf32>,
        tpu.vector_store %arg14[%swap3A_842, %swap3A_843], %mul3A_839 {strides = array<i32>} : memref<80x128xf32, #tpu.memory_space<vmem>>, vector<16xf32>,
        %add3A_845 = arith.constant 0 : i32
        %add3A_846 = arith.addi %mul3A_750, %add3A_845 : i32
        %get3A_847 = arith.index_cast %add3A_846 : i32 to index
        %get3A_848 = arith.constant 64 : index
        %get3A_849 = tpu.vector_load %arg14[%get3A_847, %get3A_848] {strides = array<i32>} : memref<80x128xf32, #tpu.memory_space<vmem>>, vector<16xf32>,
        %mul3A_850 = vector.broadcast %squeeze3A : f32 to vector<16xf32>
        %mul3A_851 = arith.mulf %get3A_849, %mul3A_850 : vector<16xf32>
        %add3A_852 = arith.constant 0 : i32
        %add3A_853 = arith.addi %mul3A_750, %add3A_852 : i32
        %swap3A_854 = arith.index_cast %add3A_853 : i32 to index
        %swap3A_855 = arith.constant 64 : index
        %swap3A_856 = tpu.vector_load %arg14[%swap3A_854, %swap3A_855] {strides = array<i32>} : memref<80x128xf32, #tpu.memory_space<vmem>>, vector<16xf32>,
        tpu.vector_store %arg14[%swap3A_854, %swap3A_855], %mul3A_851 {strides = array<i32>} : memref<80x128xf32, #tpu.memory_space<vmem>>, vector<16xf32>,
        %add3A_857 = arith.constant 0 : i32
        %add3A_858 = arith.addi %mul3A_750, %add3A_857 : i32
        %get3A_859 = arith.index_cast %add3A_858 : i32 to index
        %get3A_860 = arith.constant 80 : index
        %get3A_861 = tpu.vector_load %arg14[%get3A_859, %get3A_860] {strides = array<i32>} : memref<80x128xf32, #tpu.memory_space<vmem>>, vector<16xf32>,
        %mul3A_862 = vector.broadcast %squeeze3A : f32 to vector<16xf32>
        %mul3A_863 = arith.mulf %get3A_861, %mul3A_862 : vector<16xf32>
        %add3A_864 = arith.constant 0 : i32
        %add3A_865 = arith.addi %mul3A_750, %add3A_864 : i32
        %swap3A_866 = arith.index_cast %add3A_865 : i32 to index
        %swap3A_867 = arith.constant 80 : index
        %swap3A_868 = tpu.vector_load %arg14[%swap3A_866, %swap3A_867] {strides = array<i32>} : memref<80x128xf32, #tpu.memory_space<vmem>>, vector<16xf32>,
        tpu.vector_store %arg14[%swap3A_866, %swap3A_867], %mul3A_863 {strides = array<i32>} : memref<80x128xf32, #tpu.memory_space<vmem>>, vector<16xf32>,
        %add3A_869 = arith.constant 0 : i32
        %add3A_870 = arith.addi %mul3A_750, %add3A_869 : i32
        %get3A_871 = arith.index_cast %add3A_870 : i32 to index
        %get3A_872 = arith.constant 96 : index
        %get3A_873 = tpu.vector_load %arg14[%get3A_871, %get3A_872] {strides = array<i32>} : memref<80x128xf32, #tpu.memory_space<vmem>>, vector<16xf32>,
        %mul3A_874 = vector.broadcast %squeeze3A : f32 to vector<16xf32>
        %mul3A_875 = arith.mulf %get3A_873, %mul3A_874 : vector<16xf32>
        %add3A_876 = arith.constant 0 : i32
        %add3A_877 = arith.addi %mul3A_750, %add3A_876 : i32
        %swap3A_878 = arith.index_cast %add3A_877 : i32 to index
        %swap3A_879 = arith.constant 96 : index
        %swap3A_880 = tpu.vector_load %arg14[%swap3A_878, %swap3A_879] {strides = array<i32>} : memref<80x128xf32, #tpu.memory_space<vmem>>, vector<16xf32>,
        tpu.vector_store %arg14[%swap3A_878, %swap3A_879], %mul3A_875 {strides = array<i32>} : memref<80x128xf32, #tpu.memory_space<vmem>>, vector<16xf32>,
        %add3A_881 = arith.constant 0 : i32
        %add3A_882 = arith.addi %mul3A_750, %add3A_881 : i32
        %get3A_883 = arith.index_cast %add3A_882 : i32 to index
        %get3A_884 = arith.constant 112 : index
        %get3A_885 = tpu.vector_load %arg14[%get3A_883, %get3A_884] {strides = array<i32>} : memref<80x128xf32, #tpu.memory_space<vmem>>, vector<16xf32>,
        %mul3A_886 = vector.broadcast %squeeze3A : f32 to vector<16xf32>
        %mul3A_887 = arith.mulf %get3A_885, %mul3A_886 : vector<16xf32>
        %add3A_888 = arith.constant 0 : i32
        %add3A_889 = arith.addi %mul3A_750, %add3A_888 : i32
        %swap3A_890 = arith.index_cast %add3A_889 : i32 to index
        %swap3A_891 = arith.constant 112 : index
        %swap3A_892 = tpu.vector_load %arg14[%swap3A_890, %swap3A_891] {strides = array<i32>} : memref<80x128xf32, #tpu.memory_space<vmem>>, vector<16xf32>,
        tpu.vector_store %arg14[%swap3A_890, %swap3A_891], %mul3A_887 {strides = array<i32>} : memref<80x128xf32, #tpu.memory_space<vmem>>, vector<16xf32>,
        %add3A_893 = arith.constant 1 : i32
        %add3A_894 = arith.addi %mul3A_750, %add3A_893 : i32
        %get3A_895 = arith.index_cast %add3A_894 : i32 to index
        %get3A_896 = arith.constant 0 : index
        %get3A_897 = tpu.vector_load %arg14[%get3A_895, %get3A_896] {strides = array<i32>} : memref<80x128xf32, #tpu.memory_space<vmem>>, vector<16xf32>,
        %mul3A_898 = vector.broadcast %squeeze3A_760 : f32 to vector<16xf32>
        %mul3A_899 = arith.mulf %get3A_897, %mul3A_898 : vector<16xf32>
        %add3A_900 = arith.constant 1 : i32
        %add3A_901 = arith.addi %mul3A_750, %add3A_900 : i32
        %swap3A_902 = arith.index_cast %add3A_901 : i32 to index
        %swap3A_903 = arith.constant 0 : index
        %swap3A_904 = tpu.vector_load %arg14[%swap3A_902, %swap3A_903] {strides = array<i32>} : memref<80x128xf32, #tpu.memory_space<vmem>>, vector<16xf32>,
        tpu.vector_store %arg14[%swap3A_902, %swap3A_903], %mul3A_899 {strides = array<i32>} : memref<80x128xf32, #tpu.memory_space<vmem>>, vector<16xf32>,
        %add3A_905 = arith.constant 1 : i32
        %add3A_906 = arith.addi %mul3A_750, %add3A_905 : i32
        %get3A_907 = arith.index_cast %add3A_906 : i32 to index
        %get3A_908 = arith.constant 16 : index
        %get3A_909 = tpu.vector_load %arg14[%get3A_907, %get3A_908] {strides = array<i32>} : memref<80x128xf32, #tpu.memory_space<vmem>>, vector<16xf32>,
        %mul3A_910 = vector.broadcast %squeeze3A_760 : f32 to vector<16xf32>
        %mul3A_911 = arith.mulf %get3A_909, %mul3A_910 : vector<16xf32>
        %add3A_912 = arith.constant 1 : i32
        %add3A_913 = arith.addi %mul3A_750, %add3A_912 : i32
        %swap3A_914 = arith.index_cast %add3A_913 : i32 to index
        %swap3A_915 = arith.constant 16 : index
        %swap3A_916 = tpu.vector_load %arg14[%swap3A_914, %swap3A_915] {strides = array<i32>} : memref<80x128xf32, #tpu.memory_space<vmem>>, vector<16xf32>,
        tpu.vector_store %arg14[%swap3A_914, %swap3A_915], %mul3A_911 {strides = array<i32>} : memref<80x128xf32, #tpu.memory_space<vmem>>, vector<16xf32>,
        %add3A_917 = arith.constant 1 : i32
        %add3A_918 = arith.addi %mul3A_750, %add3A_917 : i32
        %get3A_919 = arith.index_cast %add3A_918 : i32 to index
        %get3A_920 = arith.constant 32 : index
        %get3A_921 = tpu.vector_load %arg14[%get3A_919, %get3A_920] {strides = array<i32>} : memref<80x128xf32, #tpu.memory_space<vmem>>, vector<16xf32>,
        %mul3A_922 = vector.broadcast %squeeze3A_760 : f32 to vector<16xf32>
        %mul3A_923 = arith.mulf %get3A_921, %mul3A_922 : vector<16xf32>
        %add3A_924 = arith.constant 1 : i32
        %add3A_925 = arith.addi %mul3A_750, %add3A_924 : i32
        %swap3A_926 = arith.index_cast %add3A_925 : i32 to index
        %swap3A_927 = arith.constant 32 : index
        %swap3A_928 = tpu.vector_load %arg14[%swap3A_926, %swap3A_927] {strides = array<i32>} : memref<80x128xf32, #tpu.memory_space<vmem>>, vector<16xf32>,
        tpu.vector_store %arg14[%swap3A_926, %swap3A_927], %mul3A_923 {strides = array<i32>} : memref<80x128xf32, #tpu.memory_space<vmem>>, vector<16xf32>,
        %add3A_929 = arith.constant 1 : i32
        %add3A_930 = arith.addi %mul3A_750, %add3A_929 : i32
        %get3A_931 = arith.index_cast %add3A_930 : i32 to index
        %get3A_932 = arith.constant 48 : index
        %get3A_933 = tpu.vector_load %arg14[%get3A_931, %get3A_932] {strides = array<i32>} : memref<80x128xf32, #tpu.memory_space<vmem>>, vector<16xf32>,
        %mul3A_934 = vector.broadcast %squeeze3A_760 : f32 to vector<16xf32>
        %mul3A_935 = arith.mulf %get3A_933, %mul3A_934 : vector<16xf32>
        %add3A_936 = arith.constant 1 : i32
        %add3A_937 = arith.addi %mul3A_750, %add3A_936 : i32
        %swap3A_938 = arith.index_cast %add3A_937 : i32 to index
        %swap3A_939 = arith.constant 48 : index
        %swap3A_940 = tpu.vector_load %arg14[%swap3A_938, %swap3A_939] {strides = array<i32>} : memref<80x128xf32, #tpu.memory_space<vmem>>, vector<16xf32>,
        tpu.vector_store %arg14[%swap3A_938, %swap3A_939], %mul3A_935 {strides = array<i32>} : memref<80x128xf32, #tpu.memory_space<vmem>>, vector<16xf32>,
        %add3A_941 = arith.constant 1 : i32
        %add3A_942 = arith.addi %mul3A_750, %add3A_941 : i32
        %get3A_943 = arith.index_cast %add3A_942 : i32 to index
        %get3A_944 = arith.constant 64 : index
        %get3A_945 = tpu.vector_load %arg14[%get3A_943, %get3A_944] {strides = array<i32>} : memref<80x128xf32, #tpu.memory_space<vmem>>, vector<16xf32>,
        %mul3A_946 = vector.broadcast %squeeze3A_760 : f32 to vector<16xf32>
        %mul3A_947 = arith.mulf %get3A_945, %mul3A_946 : vector<16xf32>
        %add3A_948 = arith.constant 1 : i32
        %add3A_949 = arith.addi %mul3A_750, %add3A_948 : i32
        %swap3A_950 = arith.index_cast %add3A_949 : i32 to index
        %swap3A_951 = arith.constant 64 : index
        %swap3A_952 = tpu.vector_load %arg14[%swap3A_950, %swap3A_951] {strides = array<i32>} : memref<80x128xf32, #tpu.memory_space<vmem>>, vector<16xf32>,
        tpu.vector_store %arg14[%swap3A_950, %swap3A_951], %mul3A_947 {strides = array<i32>} : memref<80x128xf32, #tpu.memory_space<vmem>>, vector<16xf32>,
        %add3A_953 = arith.constant 1 : i32
        %add3A_954 = arith.addi %mul3A_750, %add3A_953 : i32
        %get3A_955 = arith.index_cast %add3A_954 : i32 to index
        %get3A_956 = arith.constant 80 : index
        %get3A_957 = tpu.vector_load %arg14[%get3A_955, %get3A_956] {strides = array<i32>} : memref<80x128xf32, #tpu.memory_space<vmem>>, vector<16xf32>,
        %mul3A_958 = vector.broadcast %squeeze3A_760 : f32 to vector<16xf32>
        %mul3A_959 = arith.mulf %get3A_957, %mul3A_958 : vector<16xf32>
        %add3A_960 = arith.constant 1 : i32
        %add3A_961 = arith.addi %mul3A_750, %add3A_960 : i32
        %swap3A_962 = arith.index_cast %add3A_961 : i32 to index
        %swap3A_963 = arith.constant 80 : index
        %swap3A_964 = tpu.vector_load %arg14[%swap3A_962, %swap3A_963] {strides = array<i32>} : memref<80x128xf32, #tpu.memory_space<vmem>>, vector<16xf32>,
        tpu.vector_store %arg14[%swap3A_962, %swap3A_963], %mul3A_959 {strides = array<i32>} : memref<80x128xf32, #tpu.memory_space<vmem>>, vector<16xf32>,
        %add3A_965 = arith.constant 1 : i32
        %add3A_966 = arith.addi %mul3A_750, %add3A_965 : i32
        %get3A_967 = arith.index_cast %add3A_966 : i32 to index
        %get3A_968 = arith.constant 96 : index
        %get3A_969 = tpu.vector_load %arg14[%get3A_967, %get3A_968] {strides = array<i32>} : memref<80x128xf32, #tpu.memory_space<vmem>>, vector<16xf32>,
        %mul3A_970 = vector.broadcast %squeeze3A_760 : f32 to vector<16xf32>
        %mul3A_971 = arith.mulf %get3A_969, %mul3A_970 : vector<16xf32>
        %add3A_972 = arith.constant 1 : i32
        %add3A_973 = arith.addi %mul3A_750, %add3A_972 : i32
        %swap3A_974 = arith.index_cast %add3A_973 : i32 to index
        %swap3A_975 = arith.constant 96 : index
        %swap3A_976 = tpu.vector_load %arg14[%swap3A_974, %swap3A_975] {strides = array<i32>} : memref<80x128xf32, #tpu.memory_space<vmem>>, vector<16xf32>,
        tpu.vector_store %arg14[%swap3A_974, %swap3A_975], %mul3A_971 {strides = array<i32>} : memref<80x128xf32, #tpu.memory_space<vmem>>, vector<16xf32>,
        %add3A_977 = arith.constant 1 : i32
        %add3A_978 = arith.addi %mul3A_750, %add3A_977 : i32
        %get3A_979 = arith.index_cast %add3A_978 : i32 to index
        %get3A_980 = arith.constant 112 : index
        %get3A_981 = tpu.vector_load %arg14[%get3A_979, %get3A_980] {strides = array<i32>} : memref<80x128xf32, #tpu.memory_space<vmem>>, vector<16xf32>,
        %mul3A_982 = vector.broadcast %squeeze3A_760 : f32 to vector<16xf32>
        %mul3A_983 = arith.mulf %get3A_981, %mul3A_982 : vector<16xf32>
        %add3A_984 = arith.constant 1 : i32
        %add3A_985 = arith.addi %mul3A_750, %add3A_984 : i32
        %swap3A_986 = arith.index_cast %add3A_985 : i32 to index
        %swap3A_987 = arith.constant 112 : index
        %swap3A_988 = tpu.vector_load %arg14[%swap3A_986, %swap3A_987] {strides = array<i32>} : memref<80x128xf32, #tpu.memory_space<vmem>>, vector<16xf32>,
        tpu.vector_store %arg14[%swap3A_986, %swap3A_987], %mul3A_983 {strides = array<i32>} : memref<80x128xf32, #tpu.memory_space<vmem>>, vector<16xf32>,
        %add3A_989 = arith.constant 2 : i32
        %add3A_990 = arith.addi %mul3A_750, %add3A_989 : i32
        %get3A_991 = arith.index_cast %add3A_990 : i32 to index
        %get3A_992 = arith.constant 0 : index
        %get3A_993 = tpu.vector_load %arg14[%get3A_991, %get3A_992] {strides = array<i32>} : memref<80x128xf32, #tpu.memory_space<vmem>>, vector<16xf32>,
        %mul3A_994 = vector.broadcast %squeeze3A_766 : f32 to vector<16xf32>
        %mul3A_995 = arith.mulf %get3A_993, %mul3A_994 : vector<16xf32>
        %add3A_996 = arith.constant 2 : i32
        %add3A_997 = arith.addi %mul3A_750, %add3A_996 : i32
        %swap3A_998 = arith.index_cast %add3A_997 : i32 to index
        %swap3A_999 = arith.constant 0 : index
        %swap3A_1000 = tpu.vector_load %arg14[%swap3A_998, %swap3A_999] {strides = array<i32>} : memref<80x128xf32, #tpu.memory_space<vmem>>, vector<16xf32>,
        tpu.vector_store %arg14[%swap3A_998, %swap3A_999], %mul3A_995 {strides = array<i32>} : memref<80x128xf32, #tpu.memory_space<vmem>>, vector<16xf32>,
        %add3A_1001 = arith.constant 2 : i32
        %add3A_1002 = arith.addi %mul3A_750, %add3A_1001 : i32
        %get3A_1003 = arith.index_cast %add3A_1002 : i32 to index
        %get3A_1004 = arith.constant 16 : index
        %get3A_1005 = tpu.vector_load %arg14[%get3A_1003, %get3A_1004] {strides = array<i32>} : memref<80x128xf32, #tpu.memory_space<vmem>>, vector<16xf32>,
        %mul3A_1006 = vector.broadcast %squeeze3A_766 : f32 to vector<16xf32>
        %mul3A_1007 = arith.mulf %get3A_1005, %mul3A_1006 : vector<16xf32>
        %add3A_1008 = arith.constant 2 : i32
        %add3A_1009 = arith.addi %mul3A_750, %add3A_1008 : i32
        %swap3A_1010 = arith.index_cast %add3A_1009 : i32 to index
        %swap3A_1011 = arith.constant 16 : index
        %swap3A_1012 = tpu.vector_load %arg14[%swap3A_1010, %swap3A_1011] {strides = array<i32>} : memref<80x128xf32, #tpu.memory_space<vmem>>, vector<16xf32>,
        tpu.vector_store %arg14[%swap3A_1010, %swap3A_1011], %mul3A_1007 {strides = array<i32>} : memref<80x128xf32, #tpu.memory_space<vmem>>, vector<16xf32>,
        %add3A_1013 = arith.constant 2 : i32
        %add3A_1014 = arith.addi %mul3A_750, %add3A_1013 : i32
        %get3A_1015 = arith.index_cast %add3A_1014 : i32 to index
        %get3A_1016 = arith.constant 32 : index
        %get3A_1017 = tpu.vector_load %arg14[%get3A_1015, %get3A_1016] {strides = array<i32>} : memref<80x128xf32, #tpu.memory_space<vmem>>, vector<16xf32>,
        %mul3A_1018 = vector.broadcast %squeeze3A_766 : f32 to vector<16xf32>
        %mul3A_1019 = arith.mulf %get3A_1017, %mul3A_1018 : vector<16xf32>
        %add3A_1020 = arith.constant 2 : i32
        %add3A_1021 = arith.addi %mul3A_750, %add3A_1020 : i32
        %swap3A_1022 = arith.index_cast %add3A_1021 : i32 to index
        %swap3A_1023 = arith.constant 32 : index
        %swap3A_1024 = tpu.vector_load %arg14[%swap3A_1022, %swap3A_1023] {strides = array<i32>} : memref<80x128xf32, #tpu.memory_space<vmem>>, vector<16xf32>,
        tpu.vector_store %arg14[%swap3A_1022, %swap3A_1023], %mul3A_1019 {strides = array<i32>} : memref<80x128xf32, #tpu.memory_space<vmem>>, vector<16xf32>,
        %add3A_1025 = arith.constant 2 : i32
        %add3A_1026 = arith.addi %mul3A_750, %add3A_1025 : i32
        %get3A_1027 = arith.index_cast %add3A_1026 : i32 to index
        %get3A_1028 = arith.constant 48 : index
        %get3A_1029 = tpu.vector_load %arg14[%get3A_1027, %get3A_1028] {strides = array<i32>} : memref<80x128xf32, #tpu.memory_space<vmem>>, vector<16xf32>,
        %mul3A_1030 = vector.broadcast %squeeze3A_766 : f32 to vector<16xf32>
        %mul3A_1031 = arith.mulf %get3A_1029, %mul3A_1030 : vector<16xf32>
        %add3A_1032 = arith.constant 2 : i32
        %add3A_1033 = arith.addi %mul3A_750, %add3A_1032 : i32
        %swap3A_1034 = arith.index_cast %add3A_1033 : i32 to index
        %swap3A_1035 = arith.constant 48 : index
        %swap3A_1036 = tpu.vector_load %arg14[%swap3A_1034, %swap3A_1035] {strides = array<i32>} : memref<80x128xf32, #tpu.memory_space<vmem>>, vector<16xf32>,
        tpu.vector_store %arg14[%swap3A_1034, %swap3A_1035], %mul3A_1031 {strides = array<i32>} : memref<80x128xf32, #tpu.memory_space<vmem>>, vector<16xf32>,
        %add3A_1037 = arith.constant 2 : i32
        %add3A_1038 = arith.addi %mul3A_750, %add3A_1037 : i32
        %get3A_1039 = arith.index_cast %add3A_1038 : i32 to index
        %get3A_1040 = arith.constant 64 : index
        %get3A_1041 = tpu.vector_load %arg14[%get3A_1039, %get3A_1040] {strides = array<i32>} : memref<80x128xf32, #tpu.memory_space<vmem>>, vector<16xf32>,
        %mul3A_1042 = vector.broadcast %squeeze3A_766 : f32 to vector<16xf32>
        %mul3A_1043 = arith.mulf %get3A_1041, %mul3A_1042 : vector<16xf32>
        %add3A_1044 = arith.constant 2 : i32
        %add3A_1045 = arith.addi %mul3A_750, %add3A_1044 : i32
        %swap3A_1046 = arith.index_cast %add3A_1045 : i32 to index
        %swap3A_1047 = arith.constant 64 : index
        %swap3A_1048 = tpu.vector_load %arg14[%swap3A_1046, %swap3A_1047] {strides = array<i32>} : memref<80x128xf32, #tpu.memory_space<vmem>>, vector<16xf32>,
        tpu.vector_store %arg14[%swap3A_1046, %swap3A_1047], %mul3A_1043 {strides = array<i32>} : memref<80x128xf32, #tpu.memory_space<vmem>>, vector<16xf32>,
        %add3A_1049 = arith.constant 2 : i32
        %add3A_1050 = arith.addi %mul3A_750, %add3A_1049 : i32
        %get3A_1051 = arith.index_cast %add3A_1050 : i32 to index
        %get3A_1052 = arith.constant 80 : index
        %get3A_1053 = tpu.vector_load %arg14[%get3A_1051, %get3A_1052] {strides = array<i32>} : memref<80x128xf32, #tpu.memory_space<vmem>>, vector<16xf32>,
        %mul3A_1054 = vector.broadcast %squeeze3A_766 : f32 to vector<16xf32>
        %mul3A_1055 = arith.mulf %get3A_1053, %mul3A_1054 : vector<16xf32>
        %add3A_1056 = arith.constant 2 : i32
        %add3A_1057 = arith.addi %mul3A_750, %add3A_1056 : i32
        %swap3A_1058 = arith.index_cast %add3A_1057 : i32 to index
        %swap3A_1059 = arith.constant 80 : index
        %swap3A_1060 = tpu.vector_load %arg14[%swap3A_1058, %swap3A_1059] {strides = array<i32>} : memref<80x128xf32, #tpu.memory_space<vmem>>, vector<16xf32>,
        tpu.vector_store %arg14[%swap3A_1058, %swap3A_1059], %mul3A_1055 {strides = array<i32>} : memref<80x128xf32, #tpu.memory_space<vmem>>, vector<16xf32>,
        %add3A_1061 = arith.constant 2 : i32
        %add3A_1062 = arith.addi %mul3A_750, %add3A_1061 : i32
        %get3A_1063 = arith.index_cast %add3A_1062 : i32 to index
        %get3A_1064 = arith.constant 96 : index
        %get3A_1065 = tpu.vector_load %arg14[%get3A_1063, %get3A_1064] {strides = array<i32>} : memref<80x128xf32, #tpu.memory_space<vmem>>, vector<16xf32>,
        %mul3A_1066 = vector.broadcast %squeeze3A_766 : f32 to vector<16xf32>
        %mul3A_1067 = arith.mulf %get3A_1065, %mul3A_1066 : vector<16xf32>
        %add3A_1068 = arith.constant 2 : i32
        %add3A_1069 = arith.addi %mul3A_750, %add3A_1068 : i32
        %swap3A_1070 = arith.index_cast %add3A_1069 : i32 to index
        %swap3A_1071 = arith.constant 96 : index
        %swap3A_1072 = tpu.vector_load %arg14[%swap3A_1070, %swap3A_1071] {strides = array<i32>} : memref<80x128xf32, #tpu.memory_space<vmem>>, vector<16xf32>,
        tpu.vector_store %arg14[%swap3A_1070, %swap3A_1071], %mul3A_1067 {strides = array<i32>} : memref<80x128xf32, #tpu.memory_space<vmem>>, vector<16xf32>,
        %add3A_1073 = arith.constant 2 : i32
        %add3A_1074 = arith.addi %mul3A_750, %add3A_1073 : i32
        %get3A_1075 = arith.index_cast %add3A_1074 : i32 to index
        %get3A_1076 = arith.constant 112 : index
        %get3A_1077 = tpu.vector_load %arg14[%get3A_1075, %get3A_1076] {strides = array<i32>} : memref<80x128xf32, #tpu.memory_space<vmem>>, vector<16xf32>,
        %mul3A_1078 = vector.broadcast %squeeze3A_766 : f32 to vector<16xf32>
        %mul3A_1079 = arith.mulf %get3A_1077, %mul3A_1078 : vector<16xf32>
        %add3A_1080 = arith.constant 2 : i32
        %add3A_1081 = arith.addi %mul3A_750, %add3A_1080 : i32
        %swap3A_1082 = arith.index_cast %add3A_1081 : i32 to index
        %swap3A_1083 = arith.constant 112 : index
        %swap3A_1084 = tpu.vector_load %arg14[%swap3A_1082, %swap3A_1083] {strides = array<i32>} : memref<80x128xf32, #tpu.memory_space<vmem>>, vector<16xf32>,
        tpu.vector_store %arg14[%swap3A_1082, %swap3A_1083], %mul3A_1079 {strides = array<i32>} : memref<80x128xf32, #tpu.memory_space<vmem>>, vector<16xf32>,
        %add3A_1085 = arith.constant 3 : i32
        %add3A_1086 = arith.addi %mul3A_750, %add3A_1085 : i32
        %get3A_1087 = arith.index_cast %add3A_1086 : i32 to index
        %get3A_1088 = arith.constant 0 : index
        %get3A_1089 = tpu.vector_load %arg14[%get3A_1087, %get3A_1088] {strides = array<i32>} : memref<80x128xf32, #tpu.memory_space<vmem>>, vector<16xf32>,
        %mul3A_1090 = vector.broadcast %squeeze3A_772 : f32 to vector<16xf32>
        %mul3A_1091 = arith.mulf %get3A_1089, %mul3A_1090 : vector<16xf32>
        %add3A_1092 = arith.constant 3 : i32
        %add3A_1093 = arith.addi %mul3A_750, %add3A_1092 : i32
        %swap3A_1094 = arith.index_cast %add3A_1093 : i32 to index
        %swap3A_1095 = arith.constant 0 : index
        %swap3A_1096 = tpu.vector_load %arg14[%swap3A_1094, %swap3A_1095] {strides = array<i32>} : memref<80x128xf32, #tpu.memory_space<vmem>>, vector<16xf32>,
        tpu.vector_store %arg14[%swap3A_1094, %swap3A_1095], %mul3A_1091 {strides = array<i32>} : memref<80x128xf32, #tpu.memory_space<vmem>>, vector<16xf32>,
        %add3A_1097 = arith.constant 3 : i32
        %add3A_1098 = arith.addi %mul3A_750, %add3A_1097 : i32
        %get3A_1099 = arith.index_cast %add3A_1098 : i32 to index
        %get3A_1100 = arith.constant 16 : index
        %get3A_1101 = tpu.vector_load %arg14[%get3A_1099, %get3A_1100] {strides = array<i32>} : memref<80x128xf32, #tpu.memory_space<vmem>>, vector<16xf32>,
        %mul3A_1102 = vector.broadcast %squeeze3A_772 : f32 to vector<16xf32>
        %mul3A_1103 = arith.mulf %get3A_1101, %mul3A_1102 : vector<16xf32>
        %add3A_1104 = arith.constant 3 : i32
        %add3A_1105 = arith.addi %mul3A_750, %add3A_1104 : i32
        %swap3A_1106 = arith.index_cast %add3A_1105 : i32 to index
        %swap3A_1107 = arith.constant 16 : index
        %swap3A_1108 = tpu.vector_load %arg14[%swap3A_1106, %swap3A_1107] {strides = array<i32>} : memref<80x128xf32, #tpu.memory_space<vmem>>, vector<16xf32>,
        tpu.vector_store %arg14[%swap3A_1106, %swap3A_1107], %mul3A_1103 {strides = array<i32>} : memref<80x128xf32, #tpu.memory_space<vmem>>, vector<16xf32>,
        %add3A_1109 = arith.constant 3 : i32
        %add3A_1110 = arith.addi %mul3A_750, %add3A_1109 : i32
        %get3A_1111 = arith.index_cast %add3A_1110 : i32 to index
        %get3A_1112 = arith.constant 32 : index
        %get3A_1113 = tpu.vector_load %arg14[%get3A_1111, %get3A_1112] {strides = array<i32>} : memref<80x128xf32, #tpu.memory_space<vmem>>, vector<16xf32>,
        %mul3A_1114 = vector.broadcast %squeeze3A_772 : f32 to vector<16xf32>
        %mul3A_1115 = arith.mulf %get3A_1113, %mul3A_1114 : vector<16xf32>
        %add3A_1116 = arith.constant 3 : i32
        %add3A_1117 = arith.addi %mul3A_750, %add3A_1116 : i32
        %swap3A_1118 = arith.index_cast %add3A_1117 : i32 to index
        %swap3A_1119 = arith.constant 32 : index
        %swap3A_1120 = tpu.vector_load %arg14[%swap3A_1118, %swap3A_1119] {strides = array<i32>} : memref<80x128xf32, #tpu.memory_space<vmem>>, vector<16xf32>,
        tpu.vector_store %arg14[%swap3A_1118, %swap3A_1119], %mul3A_1115 {strides = array<i32>} : memref<80x128xf32, #tpu.memory_space<vmem>>, vector<16xf32>,
        %add3A_1121 = arith.constant 3 : i32
        %add3A_1122 = arith.addi %mul3A_750, %add3A_1121 : i32
        %get3A_1123 = arith.index_cast %add3A_1122 : i32 to index
        %get3A_1124 = arith.constant 48 : index
        %get3A_1125 = tpu.vector_load %arg14[%get3A_1123, %get3A_1124] {strides = array<i32>} : memref<80x128xf32, #tpu.memory_space<vmem>>, vector<16xf32>,
        %mul3A_1126 = vector.broadcast %squeeze3A_772 : f32 to vector<16xf32>
        %mul3A_1127 = arith.mulf %get3A_1125, %mul3A_1126 : vector<16xf32>
        %add3A_1128 = arith.constant 3 : i32
        %add3A_1129 = arith.addi %mul3A_750, %add3A_1128 : i32
        %swap3A_1130 = arith.index_cast %add3A_1129 : i32 to index
        %swap3A_1131 = arith.constant 48 : index
        %swap3A_1132 = tpu.vector_load %arg14[%swap3A_1130, %swap3A_1131] {strides = array<i32>} : memref<80x128xf32, #tpu.memory_space<vmem>>, vector<16xf32>,
        tpu.vector_store %arg14[%swap3A_1130, %swap3A_1131], %mul3A_1127 {strides = array<i32>} : memref<80x128xf32, #tpu.memory_space<vmem>>, vector<16xf32>,
        %add3A_1133 = arith.constant 3 : i32
        %add3A_1134 = arith.addi %mul3A_750, %add3A_1133 : i32
        %get3A_1135 = arith.index_cast %add3A_1134 : i32 to index
        %get3A_1136 = arith.constant 64 : index
        %get3A_1137 = tpu.vector_load %arg14[%get3A_1135, %get3A_1136] {strides = array<i32>} : memref<80x128xf32, #tpu.memory_space<vmem>>, vector<16xf32>,
        %mul3A_1138 = vector.broadcast %squeeze3A_772 : f32 to vector<16xf32>
        %mul3A_1139 = arith.mulf %get3A_1137, %mul3A_1138 : vector<16xf32>
        %add3A_1140 = arith.constant 3 : i32
        %add3A_1141 = arith.addi %mul3A_750, %add3A_1140 : i32
        %swap3A_1142 = arith.index_cast %add3A_1141 : i32 to index
        %swap3A_1143 = arith.constant 64 : index
        %swap3A_1144 = tpu.vector_load %arg14[%swap3A_1142, %swap3A_1143] {strides = array<i32>} : memref<80x128xf32, #tpu.memory_space<vmem>>, vector<16xf32>,
        tpu.vector_store %arg14[%swap3A_1142, %swap3A_1143], %mul3A_1139 {strides = array<i32>} : memref<80x128xf32, #tpu.memory_space<vmem>>, vector<16xf32>,
        %add3A_1145 = arith.constant 3 : i32
        %add3A_1146 = arith.addi %mul3A_750, %add3A_1145 : i32
        %get3A_1147 = arith.index_cast %add3A_1146 : i32 to index
        %get3A_1148 = arith.constant 80 : index
        %get3A_1149 = tpu.vector_load %arg14[%get3A_1147, %get3A_1148] {strides = array<i32>} : memref<80x128xf32, #tpu.memory_space<vmem>>, vector<16xf32>,
        %mul3A_1150 = vector.broadcast %squeeze3A_772 : f32 to vector<16xf32>
        %mul3A_1151 = arith.mulf %get3A_1149, %mul3A_1150 : vector<16xf32>
        %add3A_1152 = arith.constant 3 : i32
        %add3A_1153 = arith.addi %mul3A_750, %add3A_1152 : i32
        %swap3A_1154 = arith.index_cast %add3A_1153 : i32 to index
        %swap3A_1155 = arith.constant 80 : index
        %swap3A_1156 = tpu.vector_load %arg14[%swap3A_1154, %swap3A_1155] {strides = array<i32>} : memref<80x128xf32, #tpu.memory_space<vmem>>, vector<16xf32>,
        tpu.vector_store %arg14[%swap3A_1154, %swap3A_1155], %mul3A_1151 {strides = array<i32>} : memref<80x128xf32, #tpu.memory_space<vmem>>, vector<16xf32>,
        %add3A_1157 = arith.constant 3 : i32
        %add3A_1158 = arith.addi %mul3A_750, %add3A_1157 : i32
        %get3A_1159 = arith.index_cast %add3A_1158 : i32 to index
        %get3A_1160 = arith.constant 96 : index
        %get3A_1161 = tpu.vector_load %arg14[%get3A_1159, %get3A_1160] {strides = array<i32>} : memref<80x128xf32, #tpu.memory_space<vmem>>, vector<16xf32>,
        %mul3A_1162 = vector.broadcast %squeeze3A_772 : f32 to vector<16xf32>
        %mul3A_1163 = arith.mulf %get3A_1161, %mul3A_1162 : vector<16xf32>
        %add3A_1164 = arith.constant 3 : i32
        %add3A_1165 = arith.addi %mul3A_750, %add3A_1164 : i32
        %swap3A_1166 = arith.index_cast %add3A_1165 : i32 to index
        %swap3A_1167 = arith.constant 96 : index
        %swap3A_1168 = tpu.vector_load %arg14[%swap3A_1166, %swap3A_1167] {strides = array<i32>} : memref<80x128xf32, #tpu.memory_space<vmem>>, vector<16xf32>,
        tpu.vector_store %arg14[%swap3A_1166, %swap3A_1167], %mul3A_1163 {strides = array<i32>} : memref<80x128xf32, #tpu.memory_space<vmem>>, vector<16xf32>,
        %add3A_1169 = arith.constant 3 : i32
        %add3A_1170 = arith.addi %mul3A_750, %add3A_1169 : i32
        %get3A_1171 = arith.index_cast %add3A_1170 : i32 to index
        %get3A_1172 = arith.constant 112 : index
        %get3A_1173 = tpu.vector_load %arg14[%get3A_1171, %get3A_1172] {strides = array<i32>} : memref<80x128xf32, #tpu.memory_space<vmem>>, vector<16xf32>,
        %mul3A_1174 = vector.broadcast %squeeze3A_772 : f32 to vector<16xf32>
        %mul3A_1175 = arith.mulf %get3A_1173, %mul3A_1174 : vector<16xf32>
        %add3A_1176 = arith.constant 3 : i32
        %add3A_1177 = arith.addi %mul3A_750, %add3A_1176 : i32
        %swap3A_1178 = arith.index_cast %add3A_1177 : i32 to index
        %swap3A_1179 = arith.constant 112 : index
        %swap3A_1180 = tpu.vector_load %arg14[%swap3A_1178, %swap3A_1179] {strides = array<i32>} : memref<80x128xf32, #tpu.memory_space<vmem>>, vector<16xf32>,
        tpu.vector_store %arg14[%swap3A_1178, %swap3A_1179], %mul3A_1175 {strides = array<i32>} : memref<80x128xf32, #tpu.memory_space<vmem>>, vector<16xf32>,
        %add3A_1181 = arith.constant 4 : i32
        %add3A_1182 = arith.addi %mul3A_750, %add3A_1181 : i32
        %get3A_1183 = arith.index_cast %add3A_1182 : i32 to index
        %get3A_1184 = arith.constant 0 : index
        %get3A_1185 = tpu.vector_load %arg14[%get3A_1183, %get3A_1184] {strides = array<i32>} : memref<80x128xf32, #tpu.memory_space<vmem>>, vector<16xf32>,
        %mul3A_1186 = vector.broadcast %squeeze3A_778 : f32 to vector<16xf32>
        %mul3A_1187 = arith.mulf %get3A_1185, %mul3A_1186 : vector<16xf32>
        %add3A_1188 = arith.constant 4 : i32
        %add3A_1189 = arith.addi %mul3A_750, %add3A_1188 : i32
        %swap3A_1190 = arith.index_cast %add3A_1189 : i32 to index
        %swap3A_1191 = arith.constant 0 : index
        %swap3A_1192 = tpu.vector_load %arg14[%swap3A_1190, %swap3A_1191] {strides = array<i32>} : memref<80x128xf32, #tpu.memory_space<vmem>>, vector<16xf32>,
        tpu.vector_store %arg14[%swap3A_1190, %swap3A_1191], %mul3A_1187 {strides = array<i32>} : memref<80x128xf32, #tpu.memory_space<vmem>>, vector<16xf32>,
        %add3A_1193 = arith.constant 4 : i32
        %add3A_1194 = arith.addi %mul3A_750, %add3A_1193 : i32
        %get3A_1195 = arith.index_cast %add3A_1194 : i32 to index
        %get3A_1196 = arith.constant 16 : index
        %get3A_1197 = tpu.vector_load %arg14[%get3A_1195, %get3A_1196] {strides = array<i32>} : memref<80x128xf32, #tpu.memory_space<vmem>>, vector<16xf32>,
        %mul3A_1198 = vector.broadcast %squeeze3A_778 : f32 to vector<16xf32>
        %mul3A_1199 = arith.mulf %get3A_1197, %mul3A_1198 : vector<16xf32>
        %add3A_1200 = arith.constant 4 : i32
        %add3A_1201 = arith.addi %mul3A_750, %add3A_1200 : i32
        %swap3A_1202 = arith.index_cast %add3A_1201 : i32 to index
        %swap3A_1203 = arith.constant 16 : index
        %swap3A_1204 = tpu.vector_load %arg14[%swap3A_1202, %swap3A_1203] {strides = array<i32>} : memref<80x128xf32, #tpu.memory_space<vmem>>, vector<16xf32>,
        tpu.vector_store %arg14[%swap3A_1202, %swap3A_1203], %mul3A_1199 {strides = array<i32>} : memref<80x128xf32, #tpu.memory_space<vmem>>, vector<16xf32>,
        %add3A_1205 = arith.constant 4 : i32
        %add3A_1206 = arith.addi %mul3A_750, %add3A_1205 : i32
        %get3A_1207 = arith.index_cast %add3A_1206 : i32 to index
        %get3A_1208 = arith.constant 32 : index
        %get3A_1209 = tpu.vector_load %arg14[%get3A_1207, %get3A_1208] {strides = array<i32>} : memref<80x128xf32, #tpu.memory_space<vmem>>, vector<16xf32>,
        %mul3A_1210 = vector.broadcast %squeeze3A_778 : f32 to vector<16xf32>
        %mul3A_1211 = arith.mulf %get3A_1209, %mul3A_1210 : vector<16xf32>
        %add3A_1212 = arith.constant 4 : i32
        %add3A_1213 = arith.addi %mul3A_750, %add3A_1212 : i32
        %swap3A_1214 = arith.index_cast %add3A_1213 : i32 to index
        %swap3A_1215 = arith.constant 32 : index
        %swap3A_1216 = tpu.vector_load %arg14[%swap3A_1214, %swap3A_1215] {strides = array<i32>} : memref<80x128xf32, #tpu.memory_space<vmem>>, vector<16xf32>,
        tpu.vector_store %arg14[%swap3A_1214, %swap3A_1215], %mul3A_1211 {strides = array<i32>} : memref<80x128xf32, #tpu.memory_space<vmem>>, vector<16xf32>,
        %add3A_1217 = arith.constant 4 : i32
        %add3A_1218 = arith.addi %mul3A_750, %add3A_1217 : i32
        %get3A_1219 = arith.index_cast %add3A_1218 : i32 to index
        %get3A_1220 = arith.constant 48 : index
        %get3A_1221 = tpu.vector_load %arg14[%get3A_1219, %get3A_1220] {strides = array<i32>} : memref<80x128xf32, #tpu.memory_space<vmem>>, vector<16xf32>,
        %mul3A_1222 = vector.broadcast %squeeze3A_778 : f32 to vector<16xf32>
        %mul3A_1223 = arith.mulf %get3A_1221, %mul3A_1222 : vector<16xf32>
        %add3A_1224 = arith.constant 4 : i32
        %add3A_1225 = arith.addi %mul3A_750, %add3A_1224 : i32
        %swap3A_1226 = arith.index_cast %add3A_1225 : i32 to index
        %swap3A_1227 = arith.constant 48 : index
        %swap3A_1228 = tpu.vector_load %arg14[%swap3A_1226, %swap3A_1227] {strides = array<i32>} : memref<80x128xf32, #tpu.memory_space<vmem>>, vector<16xf32>,
        tpu.vector_store %arg14[%swap3A_1226, %swap3A_1227], %mul3A_1223 {strides = array<i32>} : memref<80x128xf32, #tpu.memory_space<vmem>>, vector<16xf32>,
        %add3A_1229 = arith.constant 4 : i32
        %add3A_1230 = arith.addi %mul3A_750, %add3A_1229 : i32
        %get3A_1231 = arith.index_cast %add3A_1230 : i32 to index
        %get3A_1232 = arith.constant 64 : index
        %get3A_1233 = tpu.vector_load %arg14[%get3A_1231, %get3A_1232] {strides = array<i32>} : memref<80x128xf32, #tpu.memory_space<vmem>>, vector<16xf32>,
        %mul3A_1234 = vector.broadcast %squeeze3A_778 : f32 to vector<16xf32>
        %mul3A_1235 = arith.mulf %get3A_1233, %mul3A_1234 : vector<16xf32>
        %add3A_1236 = arith.constant 4 : i32
        %add3A_1237 = arith.addi %mul3A_750, %add3A_1236 : i32
        %swap3A_1238 = arith.index_cast %add3A_1237 : i32 to index
        %swap3A_1239 = arith.constant 64 : index
        %swap3A_1240 = tpu.vector_load %arg14[%swap3A_1238, %swap3A_1239] {strides = array<i32>} : memref<80x128xf32, #tpu.memory_space<vmem>>, vector<16xf32>,
        tpu.vector_store %arg14[%swap3A_1238, %swap3A_1239], %mul3A_1235 {strides = array<i32>} : memref<80x128xf32, #tpu.memory_space<vmem>>, vector<16xf32>,
        %add3A_1241 = arith.constant 4 : i32
        %add3A_1242 = arith.addi %mul3A_750, %add3A_1241 : i32
        %get3A_1243 = arith.index_cast %add3A_1242 : i32 to index
        %get3A_1244 = arith.constant 80 : index
        %get3A_1245 = tpu.vector_load %arg14[%get3A_1243, %get3A_1244] {strides = array<i32>} : memref<80x128xf32, #tpu.memory_space<vmem>>, vector<16xf32>,
        %mul3A_1246 = vector.broadcast %squeeze3A_778 : f32 to vector<16xf32>
        %mul3A_1247 = arith.mulf %get3A_1245, %mul3A_1246 : vector<16xf32>
        %add3A_1248 = arith.constant 4 : i32
        %add3A_1249 = arith.addi %mul3A_750, %add3A_1248 : i32
        %swap3A_1250 = arith.index_cast %add3A_1249 : i32 to index
        %swap3A_1251 = arith.constant 80 : index
        %swap3A_1252 = tpu.vector_load %arg14[%swap3A_1250, %swap3A_1251] {strides = array<i32>} : memref<80x128xf32, #tpu.memory_space<vmem>>, vector<16xf32>,
        tpu.vector_store %arg14[%swap3A_1250, %swap3A_1251], %mul3A_1247 {strides = array<i32>} : memref<80x128xf32, #tpu.memory_space<vmem>>, vector<16xf32>,
        %add3A_1253 = arith.constant 4 : i32
        %add3A_1254 = arith.addi %mul3A_750, %add3A_1253 : i32
        %get3A_1255 = arith.index_cast %add3A_1254 : i32 to index
        %get3A_1256 = arith.constant 96 : index
        %get3A_1257 = tpu.vector_load %arg14[%get3A_1255, %get3A_1256] {strides = array<i32>} : memref<80x128xf32, #tpu.memory_space<vmem>>, vector<16xf32>,
        %mul3A_1258 = vector.broadcast %squeeze3A_778 : f32 to vector<16xf32>
        %mul3A_1259 = arith.mulf %get3A_1257, %mul3A_1258 : vector<16xf32>
        %add3A_1260 = arith.constant 4 : i32
        %add3A_1261 = arith.addi %mul3A_750, %add3A_1260 : i32
        %swap3A_1262 = arith.index_cast %add3A_1261 : i32 to index
        %swap3A_1263 = arith.constant 96 : index
        %swap3A_1264 = tpu.vector_load %arg14[%swap3A_1262, %swap3A_1263] {strides = array<i32>} : memref<80x128xf32, #tpu.memory_space<vmem>>, vector<16xf32>,
        tpu.vector_store %arg14[%swap3A_1262, %swap3A_1263], %mul3A_1259 {strides = array<i32>} : memref<80x128xf32, #tpu.memory_space<vmem>>, vector<16xf32>,
        %add3A_1265 = arith.constant 4 : i32
        %add3A_1266 = arith.addi %mul3A_750, %add3A_1265 : i32
        %get3A_1267 = arith.index_cast %add3A_1266 : i32 to index
        %get3A_1268 = arith.constant 112 : index
        %get3A_1269 = tpu.vector_load %arg14[%get3A_1267, %get3A_1268] {strides = array<i32>} : memref<80x128xf32, #tpu.memory_space<vmem>>, vector<16xf32>,
        %mul3A_1270 = vector.broadcast %squeeze3A_778 : f32 to vector<16xf32>
        %mul3A_1271 = arith.mulf %get3A_1269, %mul3A_1270 : vector<16xf32>
        %add3A_1272 = arith.constant 4 : i32
        %add3A_1273 = arith.addi %mul3A_750, %add3A_1272 : i32
        %swap3A_1274 = arith.index_cast %add3A_1273 : i32 to index
        %swap3A_1275 = arith.constant 112 : index
        %swap3A_1276 = tpu.vector_load %arg14[%swap3A_1274, %swap3A_1275] {strides = array<i32>} : memref<80x128xf32, #tpu.memory_space<vmem>>, vector<16xf32>,
        tpu.vector_store %arg14[%swap3A_1274, %swap3A_1275], %mul3A_1271 {strides = array<i32>} : memref<80x128xf32, #tpu.memory_space<vmem>>, vector<16xf32>,
        %add3A_1277 = arith.constant 5 : i32
        %add3A_1278 = arith.addi %mul3A_750, %add3A_1277 : i32
        %get3A_1279 = arith.index_cast %add3A_1278 : i32 to index
        %get3A_1280 = arith.constant 0 : index
        %get3A_1281 = tpu.vector_load %arg14[%get3A_1279, %get3A_1280] {strides = array<i32>} : memref<80x128xf32, #tpu.memory_space<vmem>>, vector<16xf32>,
        %mul3A_1282 = vector.broadcast %squeeze3A_784 : f32 to vector<16xf32>
        %mul3A_1283 = arith.mulf %get3A_1281, %mul3A_1282 : vector<16xf32>
        %add3A_1284 = arith.constant 5 : i32
        %add3A_1285 = arith.addi %mul3A_750, %add3A_1284 : i32
        %swap3A_1286 = arith.index_cast %add3A_1285 : i32 to index
        %swap3A_1287 = arith.constant 0 : index
        %swap3A_1288 = tpu.vector_load %arg14[%swap3A_1286, %swap3A_1287] {strides = array<i32>} : memref<80x128xf32, #tpu.memory_space<vmem>>, vector<16xf32>,
        tpu.vector_store %arg14[%swap3A_1286, %swap3A_1287], %mul3A_1283 {strides = array<i32>} : memref<80x128xf32, #tpu.memory_space<vmem>>, vector<16xf32>,
        %add3A_1289 = arith.constant 5 : i32
        %add3A_1290 = arith.addi %mul3A_750, %add3A_1289 : i32
        %get3A_1291 = arith.index_cast %add3A_1290 : i32 to index
        %get3A_1292 = arith.constant 16 : index
        %get3A_1293 = tpu.vector_load %arg14[%get3A_1291, %get3A_1292] {strides = array<i32>} : memref<80x128xf32, #tpu.memory_space<vmem>>, vector<16xf32>,
        %mul3A_1294 = vector.broadcast %squeeze3A_784 : f32 to vector<16xf32>
        %mul3A_1295 = arith.mulf %get3A_1293, %mul3A_1294 : vector<16xf32>
        %add3A_1296 = arith.constant 5 : i32
        %add3A_1297 = arith.addi %mul3A_750, %add3A_1296 : i32
        %swap3A_1298 = arith.index_cast %add3A_1297 : i32 to index
        %swap3A_1299 = arith.constant 16 : index
        %swap3A_1300 = tpu.vector_load %arg14[%swap3A_1298, %swap3A_1299] {strides = array<i32>} : memref<80x128xf32, #tpu.memory_space<vmem>>, vector<16xf32>,
        tpu.vector_store %arg14[%swap3A_1298, %swap3A_1299], %mul3A_1295 {strides = array<i32>} : memref<80x128xf32, #tpu.memory_space<vmem>>, vector<16xf32>,
        %add3A_1301 = arith.constant 5 : i32
        %add3A_1302 = arith.addi %mul3A_750, %add3A_1301 : i32
        %get3A_1303 = arith.index_cast %add3A_1302 : i32 to index
        %get3A_1304 = arith.constant 32 : index
        %get3A_1305 = tpu.vector_load %arg14[%get3A_1303, %get3A_1304] {strides = array<i32>} : memref<80x128xf32, #tpu.memory_space<vmem>>, vector<16xf32>,
        %mul3A_1306 = vector.broadcast %squeeze3A_784 : f32 to vector<16xf32>
        %mul3A_1307 = arith.mulf %get3A_1305, %mul3A_1306 : vector<16xf32>
        %add3A_1308 = arith.constant 5 : i32
        %add3A_1309 = arith.addi %mul3A_750, %add3A_1308 : i32
        %swap3A_1310 = arith.index_cast %add3A_1309 : i32 to index
        %swap3A_1311 = arith.constant 32 : index
        %swap3A_1312 = tpu.vector_load %arg14[%swap3A_1310, %swap3A_1311] {strides = array<i32>} : memref<80x128xf32, #tpu.memory_space<vmem>>, vector<16xf32>,
        tpu.vector_store %arg14[%swap3A_1310, %swap3A_1311], %mul3A_1307 {strides = array<i32>} : memref<80x128xf32, #tpu.memory_space<vmem>>, vector<16xf32>,
        %add3A_1313 = arith.constant 5 : i32
        %add3A_1314 = arith.addi %mul3A_750, %add3A_1313 : i32
        %get3A_1315 = arith.index_cast %add3A_1314 : i32 to index
        %get3A_1316 = arith.constant 48 : index
        %get3A_1317 = tpu.vector_load %arg14[%get3A_1315, %get3A_1316] {strides = array<i32>} : memref<80x128xf32, #tpu.memory_space<vmem>>, vector<16xf32>,
        %mul3A_1318 = vector.broadcast %squeeze3A_784 : f32 to vector<16xf32>
        %mul3A_1319 = arith.mulf %get3A_1317, %mul3A_1318 : vector<16xf32>
        %add3A_1320 = arith.constant 5 : i32
        %add3A_1321 = arith.addi %mul3A_750, %add3A_1320 : i32
        %swap3A_1322 = arith.index_cast %add3A_1321 : i32 to index
        %swap3A_1323 = arith.constant 48 : index
        %swap3A_1324 = tpu.vector_load %arg14[%swap3A_1322, %swap3A_1323] {strides = array<i32>} : memref<80x128xf32, #tpu.memory_space<vmem>>, vector<16xf32>,
        tpu.vector_store %arg14[%swap3A_1322, %swap3A_1323], %mul3A_1319 {strides = array<i32>} : memref<80x128xf32, #tpu.memory_space<vmem>>, vector<16xf32>,
        %add3A_1325 = arith.constant 5 : i32
        %add3A_1326 = arith.addi %mul3A_750, %add3A_1325 : i32
        %get3A_1327 = arith.index_cast %add3A_1326 : i32 to index
        %get3A_1328 = arith.constant 64 : index
        %get3A_1329 = tpu.vector_load %arg14[%get3A_1327, %get3A_1328] {strides = array<i32>} : memref<80x128xf32, #tpu.memory_space<vmem>>, vector<16xf32>,
        %mul3A_1330 = vector.broadcast %squeeze3A_784 : f32 to vector<16xf32>
        %mul3A_1331 = arith.mulf %get3A_1329, %mul3A_1330 : vector<16xf32>
        %add3A_1332 = arith.constant 5 : i32
        %add3A_1333 = arith.addi %mul3A_750, %add3A_1332 : i32
        %swap3A_1334 = arith.index_cast %add3A_1333 : i32 to index
        %swap3A_1335 = arith.constant 64 : index
        %swap3A_1336 = tpu.vector_load %arg14[%swap3A_1334, %swap3A_1335] {strides = array<i32>} : memref<80x128xf32, #tpu.memory_space<vmem>>, vector<16xf32>,
        tpu.vector_store %arg14[%swap3A_1334, %swap3A_1335], %mul3A_1331 {strides = array<i32>} : memref<80x128xf32, #tpu.memory_space<vmem>>, vector<16xf32>,
        %add3A_1337 = arith.constant 5 : i32
        %add3A_1338 = arith.addi %mul3A_750, %add3A_1337 : i32
        %get3A_1339 = arith.index_cast %add3A_1338 : i32 to index
        %get3A_1340 = arith.constant 80 : index
        %get3A_1341 = tpu.vector_load %arg14[%get3A_1339, %get3A_1340] {strides = array<i32>} : memref<80x128xf32, #tpu.memory_space<vmem>>, vector<16xf32>,
        %mul3A_1342 = vector.broadcast %squeeze3A_784 : f32 to vector<16xf32>
        %mul3A_1343 = arith.mulf %get3A_1341, %mul3A_1342 : vector<16xf32>
        %add3A_1344 = arith.constant 5 : i32
        %add3A_1345 = arith.addi %mul3A_750, %add3A_1344 : i32
        %swap3A_1346 = arith.index_cast %add3A_1345 : i32 to index
        %swap3A_1347 = arith.constant 80 : index
        %swap3A_1348 = tpu.vector_load %arg14[%swap3A_1346, %swap3A_1347] {strides = array<i32>} : memref<80x128xf32, #tpu.memory_space<vmem>>, vector<16xf32>,
        tpu.vector_store %arg14[%swap3A_1346, %swap3A_1347], %mul3A_1343 {strides = array<i32>} : memref<80x128xf32, #tpu.memory_space<vmem>>, vector<16xf32>,
        %add3A_1349 = arith.constant 5 : i32
        %add3A_1350 = arith.addi %mul3A_750, %add3A_1349 : i32
        %get3A_1351 = arith.index_cast %add3A_1350 : i32 to index
        %get3A_1352 = arith.constant 96 : index
        %get3A_1353 = tpu.vector_load %arg14[%get3A_1351, %get3A_1352] {strides = array<i32>} : memref<80x128xf32, #tpu.memory_space<vmem>>, vector<16xf32>,
        %mul3A_1354 = vector.broadcast %squeeze3A_784 : f32 to vector<16xf32>
        %mul3A_1355 = arith.mulf %get3A_1353, %mul3A_1354 : vector<16xf32>
        %add3A_1356 = arith.constant 5 : i32
        %add3A_1357 = arith.addi %mul3A_750, %add3A_1356 : i32
        %swap3A_1358 = arith.index_cast %add3A_1357 : i32 to index
        %swap3A_1359 = arith.constant 96 : index
        %swap3A_1360 = tpu.vector_load %arg14[%swap3A_1358, %swap3A_1359] {strides = array<i32>} : memref<80x128xf32, #tpu.memory_space<vmem>>, vector<16xf32>,
        tpu.vector_store %arg14[%swap3A_1358, %swap3A_1359], %mul3A_1355 {strides = array<i32>} : memref<80x128xf32, #tpu.memory_space<vmem>>, vector<16xf32>,
        %add3A_1361 = arith.constant 5 : i32
        %add3A_1362 = arith.addi %mul3A_750, %add3A_1361 : i32
        %get3A_1363 = arith.index_cast %add3A_1362 : i32 to index
        %get3A_1364 = arith.constant 112 : index
        %get3A_1365 = tpu.vector_load %arg14[%get3A_1363, %get3A_1364] {strides = array<i32>} : memref<80x128xf32, #tpu.memory_space<vmem>>, vector<16xf32>,
        %mul3A_1366 = vector.broadcast %squeeze3A_784 : f32 to vector<16xf32>
        %mul3A_1367 = arith.mulf %get3A_1365, %mul3A_1366 : vector<16xf32>
        %add3A_1368 = arith.constant 5 : i32
        %add3A_1369 = arith.addi %mul3A_750, %add3A_1368 : i32
        %swap3A_1370 = arith.index_cast %add3A_1369 : i32 to index
        %swap3A_1371 = arith.constant 112 : index
        %swap3A_1372 = tpu.vector_load %arg14[%swap3A_1370, %swap3A_1371] {strides = array<i32>} : memref<80x128xf32, #tpu.memory_space<vmem>>, vector<16xf32>,
        tpu.vector_store %arg14[%swap3A_1370, %swap3A_1371], %mul3A_1367 {strides = array<i32>} : memref<80x128xf32, #tpu.memory_space<vmem>>, vector<16xf32>,
        %add3A_1373 = arith.constant 6 : i32
        %add3A_1374 = arith.addi %mul3A_750, %add3A_1373 : i32
        %get3A_1375 = arith.index_cast %add3A_1374 : i32 to index
        %get3A_1376 = arith.constant 0 : index
        %get3A_1377 = tpu.vector_load %arg14[%get3A_1375, %get3A_1376] {strides = array<i32>} : memref<80x128xf32, #tpu.memory_space<vmem>>, vector<16xf32>,
        %mul3A_1378 = vector.broadcast %squeeze3A_790 : f32 to vector<16xf32>
        %mul3A_1379 = arith.mulf %get3A_1377, %mul3A_1378 : vector<16xf32>
        %add3A_1380 = arith.constant 6 : i32
        %add3A_1381 = arith.addi %mul3A_750, %add3A_1380 : i32
        %swap3A_1382 = arith.index_cast %add3A_1381 : i32 to index
        %swap3A_1383 = arith.constant 0 : index
        %swap3A_1384 = tpu.vector_load %arg14[%swap3A_1382, %swap3A_1383] {strides = array<i32>} : memref<80x128xf32, #tpu.memory_space<vmem>>, vector<16xf32>,
        tpu.vector_store %arg14[%swap3A_1382, %swap3A_1383], %mul3A_1379 {strides = array<i32>} : memref<80x128xf32, #tpu.memory_space<vmem>>, vector<16xf32>,
        %add3A_1385 = arith.constant 6 : i32
        %add3A_1386 = arith.addi %mul3A_750, %add3A_1385 : i32
        %get3A_1387 = arith.index_cast %add3A_1386 : i32 to index
        %get3A_1388 = arith.constant 16 : index
        %get3A_1389 = tpu.vector_load %arg14[%get3A_1387, %get3A_1388] {strides = array<i32>} : memref<80x128xf32, #tpu.memory_space<vmem>>, vector<16xf32>,
        %mul3A_1390 = vector.broadcast %squeeze3A_790 : f32 to vector<16xf32>
        %mul3A_1391 = arith.mulf %get3A_1389, %mul3A_1390 : vector<16xf32>
        %add3A_1392 = arith.constant 6 : i32
        %add3A_1393 = arith.addi %mul3A_750, %add3A_1392 : i32
        %swap3A_1394 = arith.index_cast %add3A_1393 : i32 to index
        %swap3A_1395 = arith.constant 16 : index
        %swap3A_1396 = tpu.vector_load %arg14[%swap3A_1394, %swap3A_1395] {strides = array<i32>} : memref<80x128xf32, #tpu.memory_space<vmem>>, vector<16xf32>,
        tpu.vector_store %arg14[%swap3A_1394, %swap3A_1395], %mul3A_1391 {strides = array<i32>} : memref<80x128xf32, #tpu.memory_space<vmem>>, vector<16xf32>,
        %add3A_1397 = arith.constant 6 : i32
        %add3A_1398 = arith.addi %mul3A_750, %add3A_1397 : i32
        %get3A_1399 = arith.index_cast %add3A_1398 : i32 to index
        %get3A_1400 = arith.constant 32 : index
        %get3A_1401 = tpu.vector_load %arg14[%get3A_1399, %get3A_1400] {strides = array<i32>} : memref<80x128xf32, #tpu.memory_space<vmem>>, vector<16xf32>,
        %mul3A_1402 = vector.broadcast %squeeze3A_790 : f32 to vector<16xf32>
        %mul3A_1403 = arith.mulf %get3A_1401, %mul3A_1402 : vector<16xf32>
        %add3A_1404 = arith.constant 6 : i32
        %add3A_1405 = arith.addi %mul3A_750, %add3A_1404 : i32
        %swap3A_1406 = arith.index_cast %add3A_1405 : i32 to index
        %swap3A_1407 = arith.constant 32 : index
        %swap3A_1408 = tpu.vector_load %arg14[%swap3A_1406, %swap3A_1407] {strides = array<i32>} : memref<80x128xf32, #tpu.memory_space<vmem>>, vector<16xf32>,
        tpu.vector_store %arg14[%swap3A_1406, %swap3A_1407], %mul3A_1403 {strides = array<i32>} : memref<80x128xf32, #tpu.memory_space<vmem>>, vector<16xf32>,
        %add3A_1409 = arith.constant 6 : i32
        %add3A_1410 = arith.addi %mul3A_750, %add3A_1409 : i32
        %get3A_1411 = arith.index_cast %add3A_1410 : i32 to index
        %get3A_1412 = arith.constant 48 : index
        %get3A_1413 = tpu.vector_load %arg14[%get3A_1411, %get3A_1412] {strides = array<i32>} : memref<80x128xf32, #tpu.memory_space<vmem>>, vector<16xf32>,
        %mul3A_1414 = vector.broadcast %squeeze3A_790 : f32 to vector<16xf32>
        %mul3A_1415 = arith.mulf %get3A_1413, %mul3A_1414 : vector<16xf32>
        %add3A_1416 = arith.constant 6 : i32
        %add3A_1417 = arith.addi %mul3A_750, %add3A_1416 : i32
        %swap3A_1418 = arith.index_cast %add3A_1417 : i32 to index
        %swap3A_1419 = arith.constant 48 : index
        %swap3A_1420 = tpu.vector_load %arg14[%swap3A_1418, %swap3A_1419] {strides = array<i32>} : memref<80x128xf32, #tpu.memory_space<vmem>>, vector<16xf32>,
        tpu.vector_store %arg14[%swap3A_1418, %swap3A_1419], %mul3A_1415 {strides = array<i32>} : memref<80x128xf32, #tpu.memory_space<vmem>>, vector<16xf32>,
        %add3A_1421 = arith.constant 6 : i32
        %add3A_1422 = arith.addi %mul3A_750, %add3A_1421 : i32
        %get3A_1423 = arith.index_cast %add3A_1422 : i32 to index
        %get3A_1424 = arith.constant 64 : index
        %get3A_1425 = tpu.vector_load %arg14[%get3A_1423, %get3A_1424] {strides = array<i32>} : memref<80x128xf32, #tpu.memory_space<vmem>>, vector<16xf32>,
        %mul3A_1426 = vector.broadcast %squeeze3A_790 : f32 to vector<16xf32>
        %mul3A_1427 = arith.mulf %get3A_1425, %mul3A_1426 : vector<16xf32>
        %add3A_1428 = arith.constant 6 : i32
        %add3A_1429 = arith.addi %mul3A_750, %add3A_1428 : i32
        %swap3A_1430 = arith.index_cast %add3A_1429 : i32 to index
        %swap3A_1431 = arith.constant 64 : index
        %swap3A_1432 = tpu.vector_load %arg14[%swap3A_1430, %swap3A_1431] {strides = array<i32>} : memref<80x128xf32, #tpu.memory_space<vmem>>, vector<16xf32>,
        tpu.vector_store %arg14[%swap3A_1430, %swap3A_1431], %mul3A_1427 {strides = array<i32>} : memref<80x128xf32, #tpu.memory_space<vmem>>, vector<16xf32>,
        %add3A_1433 = arith.constant 6 : i32
        %add3A_1434 = arith.addi %mul3A_750, %add3A_1433 : i32
        %get3A_1435 = arith.index_cast %add3A_1434 : i32 to index
        %get3A_1436 = arith.constant 80 : index
        %get3A_1437 = tpu.vector_load %arg14[%get3A_1435, %get3A_1436] {strides = array<i32>} : memref<80x128xf32, #tpu.memory_space<vmem>>, vector<16xf32>,
        %mul3A_1438 = vector.broadcast %squeeze3A_790 : f32 to vector<16xf32>
        %mul3A_1439 = arith.mulf %get3A_1437, %mul3A_1438 : vector<16xf32>
        %add3A_1440 = arith.constant 6 : i32
        %add3A_1441 = arith.addi %mul3A_750, %add3A_1440 : i32
        %swap3A_1442 = arith.index_cast %add3A_1441 : i32 to index
        %swap3A_1443 = arith.constant 80 : index
        %swap3A_1444 = tpu.vector_load %arg14[%swap3A_1442, %swap3A_1443] {strides = array<i32>} : memref<80x128xf32, #tpu.memory_space<vmem>>, vector<16xf32>,
        tpu.vector_store %arg14[%swap3A_1442, %swap3A_1443], %mul3A_1439 {strides = array<i32>} : memref<80x128xf32, #tpu.memory_space<vmem>>, vector<16xf32>,
        %add3A_1445 = arith.constant 6 : i32
        %add3A_1446 = arith.addi %mul3A_750, %add3A_1445 : i32
        %get3A_1447 = arith.index_cast %add3A_1446 : i32 to index
        %get3A_1448 = arith.constant 96 : index
        %get3A_1449 = tpu.vector_load %arg14[%get3A_1447, %get3A_1448] {strides = array<i32>} : memref<80x128xf32, #tpu.memory_space<vmem>>, vector<16xf32>,
        %mul3A_1450 = vector.broadcast %squeeze3A_790 : f32 to vector<16xf32>
        %mul3A_1451 = arith.mulf %get3A_1449, %mul3A_1450 : vector<16xf32>
        %add3A_1452 = arith.constant 6 : i32
        %add3A_1453 = arith.addi %mul3A_750, %add3A_1452 : i32
        %swap3A_1454 = arith.index_cast %add3A_1453 : i32 to index
        %swap3A_1455 = arith.constant 96 : index
        %swap3A_1456 = tpu.vector_load %arg14[%swap3A_1454, %swap3A_1455] {strides = array<i32>} : memref<80x128xf32, #tpu.memory_space<vmem>>, vector<16xf32>,
        tpu.vector_store %arg14[%swap3A_1454, %swap3A_1455], %mul3A_1451 {strides = array<i32>} : memref<80x128xf32, #tpu.memory_space<vmem>>, vector<16xf32>,
        %add3A_1457 = arith.constant 6 : i32
        %add3A_1458 = arith.addi %mul3A_750, %add3A_1457 : i32
        %get3A_1459 = arith.index_cast %add3A_1458 : i32 to index
        %get3A_1460 = arith.constant 112 : index
        %get3A_1461 = tpu.vector_load %arg14[%get3A_1459, %get3A_1460] {strides = array<i32>} : memref<80x128xf32, #tpu.memory_space<vmem>>, vector<16xf32>,
        %mul3A_1462 = vector.broadcast %squeeze3A_790 : f32 to vector<16xf32>
        %mul3A_1463 = arith.mulf %get3A_1461, %mul3A_1462 : vector<16xf32>
        %add3A_1464 = arith.constant 6 : i32
        %add3A_1465 = arith.addi %mul3A_750, %add3A_1464 : i32
        %swap3A_1466 = arith.index_cast %add3A_1465 : i32 to index
        %swap3A_1467 = arith.constant 112 : index
        %swap3A_1468 = tpu.vector_load %arg14[%swap3A_1466, %swap3A_1467] {strides = array<i32>} : memref<80x128xf32, #tpu.memory_space<vmem>>, vector<16xf32>,
        tpu.vector_store %arg14[%swap3A_1466, %swap3A_1467], %mul3A_1463 {strides = array<i32>} : memref<80x128xf32, #tpu.memory_space<vmem>>, vector<16xf32>,
        %add3A_1469 = arith.constant 7 : i32
        %add3A_1470 = arith.addi %mul3A_750, %add3A_1469 : i32
        %get3A_1471 = arith.index_cast %add3A_1470 : i32 to index
        %get3A_1472 = arith.constant 0 : index
        %get3A_1473 = tpu.vector_load %arg14[%get3A_1471, %get3A_1472] {strides = array<i32>} : memref<80x128xf32, #tpu.memory_space<vmem>>, vector<16xf32>,
        %mul3A_1474 = vector.broadcast %squeeze3A_796 : f32 to vector<16xf32>
        %mul3A_1475 = arith.mulf %get3A_1473, %mul3A_1474 : vector<16xf32>
        %add3A_1476 = arith.constant 7 : i32
        %add3A_1477 = arith.addi %mul3A_750, %add3A_1476 : i32
        %swap3A_1478 = arith.index_cast %add3A_1477 : i32 to index
        %swap3A_1479 = arith.constant 0 : index
        %swap3A_1480 = tpu.vector_load %arg14[%swap3A_1478, %swap3A_1479] {strides = array<i32>} : memref<80x128xf32, #tpu.memory_space<vmem>>, vector<16xf32>,
        tpu.vector_store %arg14[%swap3A_1478, %swap3A_1479], %mul3A_1475 {strides = array<i32>} : memref<80x128xf32, #tpu.memory_space<vmem>>, vector<16xf32>,
        %add3A_1481 = arith.constant 7 : i32
        %add3A_1482 = arith.addi %mul3A_750, %add3A_1481 : i32
        %get3A_1483 = arith.index_cast %add3A_1482 : i32 to index
        %get3A_1484 = arith.constant 16 : index
        %get3A_1485 = tpu.vector_load %arg14[%get3A_1483, %get3A_1484] {strides = array<i32>} : memref<80x128xf32, #tpu.memory_space<vmem>>, vector<16xf32>,
        %mul3A_1486 = vector.broadcast %squeeze3A_796 : f32 to vector<16xf32>
        %mul3A_1487 = arith.mulf %get3A_1485, %mul3A_1486 : vector<16xf32>
        %add3A_1488 = arith.constant 7 : i32
        %add3A_1489 = arith.addi %mul3A_750, %add3A_1488 : i32
        %swap3A_1490 = arith.index_cast %add3A_1489 : i32 to index
        %swap3A_1491 = arith.constant 16 : index
        %swap3A_1492 = tpu.vector_load %arg14[%swap3A_1490, %swap3A_1491] {strides = array<i32>} : memref<80x128xf32, #tpu.memory_space<vmem>>, vector<16xf32>,
        tpu.vector_store %arg14[%swap3A_1490, %swap3A_1491], %mul3A_1487 {strides = array<i32>} : memref<80x128xf32, #tpu.memory_space<vmem>>, vector<16xf32>,
        %add3A_1493 = arith.constant 7 : i32
        %add3A_1494 = arith.addi %mul3A_750, %add3A_1493 : i32
        %get3A_1495 = arith.index_cast %add3A_1494 : i32 to index
        %get3A_1496 = arith.constant 32 : index
        %get3A_1497 = tpu.vector_load %arg14[%get3A_1495, %get3A_1496] {strides = array<i32>} : memref<80x128xf32, #tpu.memory_space<vmem>>, vector<16xf32>,
        %mul3A_1498 = vector.broadcast %squeeze3A_796 : f32 to vector<16xf32>
        %mul3A_1499 = arith.mulf %get3A_1497, %mul3A_1498 : vector<16xf32>
        %add3A_1500 = arith.constant 7 : i32
        %add3A_1501 = arith.addi %mul3A_750, %add3A_1500 : i32
        %swap3A_1502 = arith.index_cast %add3A_1501 : i32 to index
        %swap3A_1503 = arith.constant 32 : index
        %swap3A_1504 = tpu.vector_load %arg14[%swap3A_1502, %swap3A_1503] {strides = array<i32>} : memref<80x128xf32, #tpu.memory_space<vmem>>, vector<16xf32>,
        tpu.vector_store %arg14[%swap3A_1502, %swap3A_1503], %mul3A_1499 {strides = array<i32>} : memref<80x128xf32, #tpu.memory_space<vmem>>, vector<16xf32>,
        %add3A_1505 = arith.constant 7 : i32
        %add3A_1506 = arith.addi %mul3A_750, %add3A_1505 : i32
        %get3A_1507 = arith.index_cast %add3A_1506 : i32 to index
        %get3A_1508 = arith.constant 48 : index
        %get3A_1509 = tpu.vector_load %arg14[%get3A_1507, %get3A_1508] {strides = array<i32>} : memref<80x128xf32, #tpu.memory_space<vmem>>, vector<16xf32>,
        %mul3A_1510 = vector.broadcast %squeeze3A_796 : f32 to vector<16xf32>
        %mul3A_1511 = arith.mulf %get3A_1509, %mul3A_1510 : vector<16xf32>
        %add3A_1512 = arith.constant 7 : i32
        %add3A_1513 = arith.addi %mul3A_750, %add3A_1512 : i32
        %swap3A_1514 = arith.index_cast %add3A_1513 : i32 to index
        %swap3A_1515 = arith.constant 48 : index
        %swap3A_1516 = tpu.vector_load %arg14[%swap3A_1514, %swap3A_1515] {strides = array<i32>} : memref<80x128xf32, #tpu.memory_space<vmem>>, vector<16xf32>,
        tpu.vector_store %arg14[%swap3A_1514, %swap3A_1515], %mul3A_1511 {strides = array<i32>} : memref<80x128xf32, #tpu.memory_space<vmem>>, vector<16xf32>,
        %add3A_1517 = arith.constant 7 : i32
        %add3A_1518 = arith.addi %mul3A_750, %add3A_1517 : i32
        %get3A_1519 = arith.index_cast %add3A_1518 : i32 to index
        %get3A_1520 = arith.constant 64 : index
        %get3A_1521 = tpu.vector_load %arg14[%get3A_1519, %get3A_1520] {strides = array<i32>} : memref<80x128xf32, #tpu.memory_space<vmem>>, vector<16xf32>,
        %mul3A_1522 = vector.broadcast %squeeze3A_796 : f32 to vector<16xf32>
        %mul3A_1523 = arith.mulf %get3A_1521, %mul3A_1522 : vector<16xf32>
        %add3A_1524 = arith.constant 7 : i32
        %add3A_1525 = arith.addi %mul3A_750, %add3A_1524 : i32
        %swap3A_1526 = arith.index_cast %add3A_1525 : i32 to index
        %swap3A_1527 = arith.constant 64 : index
        %swap3A_1528 = tpu.vector_load %arg14[%swap3A_1526, %swap3A_1527] {strides = array<i32>} : memref<80x128xf32, #tpu.memory_space<vmem>>, vector<16xf32>,
        tpu.vector_store %arg14[%swap3A_1526, %swap3A_1527], %mul3A_1523 {strides = array<i32>} : memref<80x128xf32, #tpu.memory_space<vmem>>, vector<16xf32>,
        %add3A_1529 = arith.constant 7 : i32
        %add3A_1530 = arith.addi %mul3A_750, %add3A_1529 : i32
        %get3A_1531 = arith.index_cast %add3A_1530 : i32 to index
        %get3A_1532 = arith.constant 80 : index
        %get3A_1533 = tpu.vector_load %arg14[%get3A_1531, %get3A_1532] {strides = array<i32>} : memref<80x128xf32, #tpu.memory_space<vmem>>, vector<16xf32>,
        %mul3A_1534 = vector.broadcast %squeeze3A_796 : f32 to vector<16xf32>
        %mul3A_1535 = arith.mulf %get3A_1533, %mul3A_1534 : vector<16xf32>
        %add3A_1536 = arith.constant 7 : i32
        %add3A_1537 = arith.addi %mul3A_750, %add3A_1536 : i32
        %swap3A_1538 = arith.index_cast %add3A_1537 : i32 to index
        %swap3A_1539 = arith.constant 80 : index
        %swap3A_1540 = tpu.vector_load %arg14[%swap3A_1538, %swap3A_1539] {strides = array<i32>} : memref<80x128xf32, #tpu.memory_space<vmem>>, vector<16xf32>,
        tpu.vector_store %arg14[%swap3A_1538, %swap3A_1539], %mul3A_1535 {strides = array<i32>} : memref<80x128xf32, #tpu.memory_space<vmem>>, vector<16xf32>,
        %add3A_1541 = arith.constant 7 : i32
        %add3A_1542 = arith.addi %mul3A_750, %add3A_1541 : i32
        %get3A_1543 = arith.index_cast %add3A_1542 : i32 to index
        %get3A_1544 = arith.constant 96 : index
        %get3A_1545 = tpu.vector_load %arg14[%get3A_1543, %get3A_1544] {strides = array<i32>} : memref<80x128xf32, #tpu.memory_space<vmem>>, vector<16xf32>,
        %mul3A_1546 = vector.broadcast %squeeze3A_796 : f32 to vector<16xf32>
        %mul3A_1547 = arith.mulf %get3A_1545, %mul3A_1546 : vector<16xf32>
        %add3A_1548 = arith.constant 7 : i32
        %add3A_1549 = arith.addi %mul3A_750, %add3A_1548 : i32
        %swap3A_1550 = arith.index_cast %add3A_1549 : i32 to index
        %swap3A_1551 = arith.constant 96 : index
        %swap3A_1552 = tpu.vector_load %arg14[%swap3A_1550, %swap3A_1551] {strides = array<i32>} : memref<80x128xf32, #tpu.memory_space<vmem>>, vector<16xf32>,
        tpu.vector_store %arg14[%swap3A_1550, %swap3A_1551], %mul3A_1547 {strides = array<i32>} : memref<80x128xf32, #tpu.memory_space<vmem>>, vector<16xf32>,
        %add3A_1553 = arith.constant 7 : i32
        %add3A_1554 = arith.addi %mul3A_750, %add3A_1553 : i32
        %get3A_1555 = arith.index_cast %add3A_1554 : i32 to index
        %get3A_1556 = arith.constant 112 : index
        %get3A_1557 = tpu.vector_load %arg14[%get3A_1555, %get3A_1556] {strides = array<i32>} : memref<80x128xf32, #tpu.memory_space<vmem>>, vector<16xf32>,
        %mul3A_1558 = vector.broadcast %squeeze3A_796 : f32 to vector<16xf32>
        %mul3A_1559 = arith.mulf %get3A_1557, %mul3A_1558 : vector<16xf32>
        %add3A_1560 = arith.constant 7 : i32
        %add3A_1561 = arith.addi %mul3A_750, %add3A_1560 : i32
        %swap3A_1562 = arith.index_cast %add3A_1561 : i32 to index
        %swap3A_1563 = arith.constant 112 : index
        %swap3A_1564 = tpu.vector_load %arg14[%swap3A_1562, %swap3A_1563] {strides = array<i32>} : memref<80x128xf32, #tpu.memory_space<vmem>>, vector<16xf32>,
        tpu.vector_store %arg14[%swap3A_1562, %swap3A_1563], %mul3A_1559 {strides = array<i32>} : memref<80x128xf32, #tpu.memory_space<vmem>>, vector<16xf32>,
      }
      %scan3A_717 = arith.constant 10 : i32
      %dma_start3A_718 = arith.constant 0 : i32
      %dma_start3A_719 = arith.constant 0 : i32
      %dma_start3A_720 = tpu.memref_slice %arg19[%dma_start3A_718, %dma_start3A_719] : memref<10000x128xf32, #tpu.memory_space<vmem_shared>> -> memref<10000x128xf32, #tpu.memory_space<vmem_shared>>
      tpu.enqueue_indirect_dma source(%arg14 : memref<80x128xf32, #tpu.memory_space<vmem>>) target(%dma_start3A_720 : memref<10000x128xf32, #tpu.memory_space<vmem_shared>>) offsets(%arg16 : memref<80xi32, #tpu.memory_space<vmem>>) semaphore(%arg26 : memref<!tpu.dma_semaphore, #tpu.memory_space<semaphore_mem>>) {add = true}
      %lt3A = arith.constant 61 : i32
      %lt3A_721 = arith.cmpi slt, %scan3A_354, %lt3A : i32
      %convert_element_type3A_722 = arith.extui %lt3A_721 : i1 to i32
      %cond3A_723 = arith.constant 0 : i32
      %cond3A_724 = arith.cmpi ne, %convert_element_type3A_722, %cond3A_723 : i32
      scf.if %cond3A_724 {
        %add3A_748 = arith.constant 3 : i32
        %add3A_749 = arith.addi %mul3A_356, %add3A_748 : i32
        %mul3A_750 = arith.constant 80 : i32
        %mul3A_751 = arith.muli %add3A_749, %mul3A_750 : i32
        %add3A_752 = arith.addi %mul3A_2, %mul3A_751 : i32
        %dma_start3A_753 = arith.constant 0 : i32
        %dma_start3A_754 = tpu.memref_slice %arg3[%dma_start3A_753, %add3A_752] : memref<2x320000xi32, #tpu.memory_space<hbm>> -> memref<1x80xi32, #tpu.memory_space<hbm>>
        %dma_start3A_755 = tpu.memref_squeeze %dma_start3A_754 : memref<1x80xi32, #tpu.memory_space<hbm>> -> memref<80xi32, #tpu.memory_space<hbm>>
        %dma_start3A_756 = tpu.memref_slice %arg3[%dma_start3A_753, %add3A_752] : memref<2x320000xi32, #tpu.memory_space<hbm>> -> memref<1x80xi32, #tpu.memory_space<hbm>>
        %dma_start3A_757 = tpu.memref_squeeze %dma_start3A_756 : memref<1x80xi32, #tpu.memory_space<hbm>> -> memref<80xi32, #tpu.memory_space<hbm>>
        tpu.enqueue_dma source(%dma_start3A_757 : memref<80xi32, #tpu.memory_space<hbm>>) target(%arg9 : memref<80xi32, #tpu.memory_space<vmem>>) target_semaphore(%arg24 : memref<!tpu.dma_semaphore, #tpu.memory_space<semaphore_mem>>)
        %add3A_758 = arith.constant 3 : i32
        %add3A_759 = arith.addi %mul3A_356, %add3A_758 : i32
        %mul3A_760 = arith.constant 80 : i32
        %mul3A_761 = arith.muli %add3A_759, %mul3A_760 : i32
        %add3A_762 = arith.addi %mul3A_2, %mul3A_761 : i32
        %dma_start3A_763 = arith.constant 1 : i32
        %dma_start3A_764 = tpu.memref_slice %arg3[%dma_start3A_763, %add3A_762] : memref<2x320000xi32, #tpu.memory_space<hbm>> -> memref<1x80xi32, #tpu.memory_space<hbm>>
        %dma_start3A_765 = tpu.memref_squeeze %dma_start3A_764 : memref<1x80xi32, #tpu.memory_space<hbm>> -> memref<80xi32, #tpu.memory_space<hbm>>
        %dma_start3A_766 = tpu.memref_slice %arg3[%dma_start3A_763, %add3A_762] : memref<2x320000xi32, #tpu.memory_space<hbm>> -> memref<1x80xi32, #tpu.memory_space<hbm>>
        %dma_start3A_767 = tpu.memref_squeeze %dma_start3A_766 : memref<1x80xi32, #tpu.memory_space<hbm>> -> memref<80xi32, #tpu.memory_space<hbm>>
        tpu.enqueue_dma source(%dma_start3A_767 : memref<80xi32, #tpu.memory_space<hbm>>) target(%arg10 : memref<80xi32, #tpu.memory_space<vmem>>) target_semaphore(%arg24 : memref<!tpu.dma_semaphore, #tpu.memory_space<semaphore_mem>>)
      } else {
      }
      %dma_wait3A_725 = arith.constant 0 : i32
      %dma_wait3A_726 = arith.constant 0 : i32
      %dma_wait3A_727 = tpu.memref_slice %arg3[%dma_wait3A_725, %dma_wait3A_726] : memref<2x320000xi32, #tpu.memory_space<hbm>> -> memref<1x80xi32, #tpu.memory_space<hbm>>
      %dma_wait3A_728 = tpu.memref_squeeze %dma_wait3A_727 : memref<1x80xi32, #tpu.memory_space<hbm>> -> memref<80xi32, #tpu.memory_space<hbm>>
      %dma_wait3A_729 = arith.constant 0 : i32
      %dma_wait3A_730 = tpu.memref_slice %arg3[%dma_wait3A_725, %dma_wait3A_729] : memref<2x320000xi32, #tpu.memory_space<hbm>> -> memref<1x80xi32, #tpu.memory_space<hbm>>
      %dma_wait3A_731 = tpu.memref_squeeze %dma_wait3A_730 : memref<1x80xi32, #tpu.memory_space<hbm>> -> memref<80xi32, #tpu.memory_space<hbm>>
      tpu.wait_dma2 semaphore(%arg23 : memref<!tpu.dma_semaphore, #tpu.memory_space<semaphore_mem>>) src(%dma_wait3A_731 : memref<80xi32, #tpu.memory_space<hbm>>) dst(%arg7 : memref<80xi32, #tpu.memory_space<vmem>>)
      %dma_wait3A_732 = arith.constant 1 : i32
      %dma_wait3A_733 = arith.constant 0 : i32
      %dma_wait3A_734 = tpu.memref_slice %arg3[%dma_wait3A_732, %dma_wait3A_733] : memref<2x320000xi32, #tpu.memory_space<hbm>> -> memref<1x80xi32, #tpu.memory_space<hbm>>
      %dma_wait3A_735 = tpu.memref_squeeze %dma_wait3A_734 : memref<1x80xi32, #tpu.memory_space<hbm>> -> memref<80xi32, #tpu.memory_space<hbm>>
      %dma_wait3A_736 = arith.constant 0 : i32
      %dma_wait3A_737 = tpu.memref_slice %arg3[%dma_wait3A_732, %dma_wait3A_736] : memref<2x320000xi32, #tpu.memory_space<hbm>> -> memref<1x80xi32, #tpu.memory_space<hbm>>
      %dma_wait3A_738 = tpu.memref_squeeze %dma_wait3A_737 : memref<1x80xi32, #tpu.memory_space<hbm>> -> memref<80xi32, #tpu.memory_space<hbm>>
      tpu.wait_dma2 semaphore(%arg23 : memref<!tpu.dma_semaphore, #tpu.memory_space<semaphore_mem>>) src(%dma_wait3A_738 : memref<80xi32, #tpu.memory_space<hbm>>) dst(%arg8 : memref<80xi32, #tpu.memory_space<vmem>>)
      %dma_wait3A_739 = arith.constant 0 : i32
      %dma_wait3A_740 = arith.constant 0 : i32
      %dma_wait3A_741 = tpu.memref_slice %arg2[%dma_wait3A_739, %dma_wait3A_740] : memref<10000x128xf32, #tpu.memory_space<hbm>> -> memref<80x128xf32, #tpu.memory_space<hbm>>
      %dma_wait3A_742 = arith.constant 0 : i32
      %dma_wait3A_743 = arith.constant 0 : i32
      %dma_wait3A_744 = tpu.memref_slice %arg2[%dma_wait3A_742, %dma_wait3A_743] : memref<10000x128xf32, #tpu.memory_space<hbm>> -> memref<80x128xf32, #tpu.memory_space<hbm>>
      tpu.wait_dma2 semaphore(%arg25 : memref<!tpu.dma_semaphore, #tpu.memory_space<semaphore_mem>>) src(%dma_wait3A_744 : memref<80x128xf32, #tpu.memory_space<hbm>>) dst(%arg13 : memref<80x128xf32, #tpu.memory_space<vmem>>)
      %dma_start3A_745 = arith.constant 0 : i32
      %dma_start3A_746 = arith.constant 0 : i32
      %dma_start3A_747 = tpu.memref_slice %arg2[%dma_start3A_745, %dma_start3A_746] : memref<10000x128xf32, #tpu.memory_space<hbm>> -> memref<10000x128xf32, #tpu.memory_space<hbm>>
      tpu.enqueue_indirect_dma source(%dma_start3A_747 : memref<10000x128xf32, #tpu.memory_space<hbm>>) target(%arg13 : memref<80x128xf32, #tpu.memory_space<vmem>>) offsets(%arg7 : memref<80xi32, #tpu.memory_space<vmem>>) semaphore(%arg21 : memref<!tpu.dma_semaphore, #tpu.memory_space<semaphore_mem>>)
    }
    %scan3A_156 = arith.constant 62 : i32
    %dma_wait3A_157 = arith.constant 0 : i32
    %dma_wait3A_158 = arith.constant 0 : i32
    %dma_wait3A_159 = tpu.memref_slice %arg2[%dma_wait3A_157, %dma_wait3A_158] : memref<10000x128xf32, #tpu.memory_space<hbm>> -> memref<80x128xf32, #tpu.memory_space<hbm>>
    %dma_wait3A_160 = arith.constant 0 : i32
    %dma_wait3A_161 = arith.constant 0 : i32
    %dma_wait3A_162 = tpu.memref_slice %arg2[%dma_wait3A_160, %dma_wait3A_161] : memref<10000x128xf32, #tpu.memory_space<hbm>> -> memref<80x128xf32, #tpu.memory_space<hbm>>
    tpu.wait_dma2 semaphore(%arg21 : memref<!tpu.dma_semaphore, #tpu.memory_space<semaphore_mem>>) src(%dma_wait3A_162 : memref<80x128xf32, #tpu.memory_space<hbm>>) dst(%arg13 : memref<80x128xf32, #tpu.memory_space<vmem>>)
    %dma_wait3A_163 = arith.constant 0 : i32
    %dma_wait3A_164 = tpu.memref_slice %arg17[%dma_wait3A_163] : memref<96xf32, #tpu.memory_space<vmem>> -> memref<80xf32, #tpu.memory_space<vmem>>
    %dma_wait3A_165 = arith.constant 0 : i32
    %dma_wait3A_166 = tpu.memref_slice %arg4[%dma_wait3A_165] : memref<20000xf32, #tpu.memory_space<hbm>> -> memref<80xf32, #tpu.memory_space<hbm>>
    %dma_wait3A_167 = arith.constant 0 : i32
    %dma_wait3A_168 = tpu.memref_slice %arg17[%dma_wait3A_167] : memref<96xf32, #tpu.memory_space<vmem>> -> memref<80xf32, #tpu.memory_space<vmem>>
    %dma_wait3A_169 = arith.constant 0 : i32
    %dma_wait3A_170 = tpu.memref_slice %arg4[%dma_wait3A_169] : memref<20000xf32, #tpu.memory_space<hbm>> -> memref<80xf32, #tpu.memory_space<hbm>>
    tpu.wait_dma2 semaphore(%arg27 : memref<!tpu.dma_semaphore, #tpu.memory_space<semaphore_mem>>) src(%dma_wait3A_170 : memref<80xf32, #tpu.memory_space<hbm>>) dst(%dma_wait3A_168 : memref<80xf32, #tpu.memory_space<vmem>>)
    %get3A = arith.constant 0 : index
    %get3A_171 = tpu.vector_load %arg7[%get3A] {strides = array<i32>} : memref<80xi32, #tpu.memory_space<vmem>>, vector<16xi32>,
    %get3A_172 = arith.constant 0 : index
    %get3A_173 = tpu.vector_load %arg8[%get3A_172] {strides = array<i32>} : memref<80xi32, #tpu.memory_space<vmem>>, vector<16xi32>,
    %shift_left3A = arith.constant 1 : i32
    %shift_left3A_174 = vector.broadcast %shift_left3A : i32 to vector<16xi32>
    %shift_left3A_175 = arith.shli %get3A_171, %shift_left3A_174 : vector<16xi32>
    %gather3A = tpu.vector_load_idx %arg11[%shift_left3A_175] : memref<20480xf32, #tpu.memory_space<vmem>>[vector<16xi32>], vector<16xf32>,
    %shift_left3A_176 = arith.constant 1 : i32
    %shift_left3A_177 = vector.broadcast %shift_left3A_176 : i32 to vector<16xi32>
    %shift_left3A_178 = arith.shli %get3A_173, %shift_left3A_177 : vector<16xi32>
    %or3A = arith.constant 1 : i32
    %or3A_179 = vector.broadcast %or3A : i32 to vector<16xi32>
    %or3A_180 = arith.ori %shift_left3A_178, %or3A_179 : vector<16xi32>
    %gather3A_181 = tpu.vector_load_idx %arg11[%or3A_180] : memref<20480xf32, #tpu.memory_space<vmem>>[vector<16xi32>], vector<16xf32>,
    %add3A_182 = arith.addf %gather3A, %gather3A_181 : vector<16xf32>
    %ge3A = arith.constant 0.000000e+00 : f32
    %ge3A_183 = vector.broadcast %ge3A : f32 to vector<16xf32>
    %ge3A_184 = arith.cmpf oge, %add3A_182, %ge3A_183 : vector<16xf32>
    %mul3A_185 = arith.constant 2.000000e-01 : f32
    %mul3A_186 = vector.broadcast %mul3A_185 : f32 to vector<16xf32>
    %mul3A_187 = arith.mulf %mul3A_186, %add3A_182 : vector<16xf32>
    %select_n3A = arith.select %ge3A_184, %add3A_182, %mul3A_187 : vector<16xi1>, vector<16xf32>
    %exp3A = math.exp %select_n3A : vector<16xf32>
    %swap3A = arith.constant 0 : index
    %swap3A_188 = tpu.vector_load %arg17[%swap3A] {strides = array<i32>} : memref<96xf32, #tpu.memory_space<vmem>>, vector<16xf32>,
    tpu.vector_store %arg17[%swap3A], %exp3A {strides = array<i32>} : memref<96xf32, #tpu.memory_space<vmem>>, vector<16xf32>,
    %swap3A_189 = arith.constant 0 : index
    %swap3A_190 = tpu.vector_load %arg15[%swap3A_189] {strides = array<i32>} : memref<80xi32, #tpu.memory_space<vmem>>, vector<16xi32>,
    tpu.vector_store %arg15[%swap3A_189], %get3A_173 {strides = array<i32>} : memref<80xi32, #tpu.memory_space<vmem>>, vector<16xi32>,
    %get3A_191 = arith.constant 16 : index
    %get3A_192 = tpu.vector_load %arg7[%get3A_191] {strides = array<i32>} : memref<80xi32, #tpu.memory_space<vmem>>, vector<16xi32>,
    %get3A_193 = arith.constant 16 : index
    %get3A_194 = tpu.vector_load %arg8[%get3A_193] {strides = array<i32>} : memref<80xi32, #tpu.memory_space<vmem>>, vector<16xi32>,
    %shift_left3A_195 = arith.constant 1 : i32
    %shift_left3A_196 = vector.broadcast %shift_left3A_195 : i32 to vector<16xi32>
    %shift_left3A_197 = arith.shli %get3A_192, %shift_left3A_196 : vector<16xi32>
    %gather3A_198 = tpu.vector_load_idx %arg11[%shift_left3A_197] : memref<20480xf32, #tpu.memory_space<vmem>>[vector<16xi32>], vector<16xf32>,
    %shift_left3A_199 = arith.constant 1 : i32
    %shift_left3A_200 = vector.broadcast %shift_left3A_199 : i32 to vector<16xi32>
    %shift_left3A_201 = arith.shli %get3A_194, %shift_left3A_200 : vector<16xi32>
    %or3A_202 = arith.constant 1 : i32
    %or3A_203 = vector.broadcast %or3A_202 : i32 to vector<16xi32>
    %or3A_204 = arith.ori %shift_left3A_201, %or3A_203 : vector<16xi32>
    %gather3A_205 = tpu.vector_load_idx %arg11[%or3A_204] : memref<20480xf32, #tpu.memory_space<vmem>>[vector<16xi32>], vector<16xf32>,
    %add3A_206 = arith.addf %gather3A_198, %gather3A_205 : vector<16xf32>
    %ge3A_207 = arith.constant 0.000000e+00 : f32
    %ge3A_208 = vector.broadcast %ge3A_207 : f32 to vector<16xf32>
    %ge3A_209 = arith.cmpf oge, %add3A_206, %ge3A_208 : vector<16xf32>
    %mul3A_210 = arith.constant 2.000000e-01 : f32
    %mul3A_211 = vector.broadcast %mul3A_210 : f32 to vector<16xf32>
    %mul3A_212 = arith.mulf %mul3A_211, %add3A_206 : vector<16xf32>
    %select_n3A_213 = arith.select %ge3A_209, %add3A_206, %mul3A_212 : vector<16xi1>, vector<16xf32>
    %exp3A_214 = math.exp %select_n3A_213 : vector<16xf32>
    %swap3A_215 = arith.constant 16 : index
    %swap3A_216 = tpu.vector_load %arg17[%swap3A_215] {strides = array<i32>} : memref<96xf32, #tpu.memory_space<vmem>>, vector<16xf32>,
    tpu.vector_store %arg17[%swap3A_215], %exp3A_214 {strides = array<i32>} : memref<96xf32, #tpu.memory_space<vmem>>, vector<16xf32>,
    %swap3A_217 = arith.constant 16 : index
    %swap3A_218 = tpu.vector_load %arg15[%swap3A_217] {strides = array<i32>} : memref<80xi32, #tpu.memory_space<vmem>>, vector<16xi32>,
    tpu.vector_store %arg15[%swap3A_217], %get3A_194 {strides = array<i32>} : memref<80xi32, #tpu.memory_space<vmem>>, vector<16xi32>,
    %get3A_219 = arith.constant 32 : index
    %get3A_220 = tpu.vector_load %arg7[%get3A_219] {strides = array<i32>} : memref<80xi32, #tpu.memory_space<vmem>>, vector<16xi32>,
    %get3A_221 = arith.constant 32 : index
    %get3A_222 = tpu.vector_load %arg8[%get3A_221] {strides = array<i32>} : memref<80xi32, #tpu.memory_space<vmem>>, vector<16xi32>,
    %shift_left3A_223 = arith.constant 1 : i32
    %shift_left3A_224 = vector.broadcast %shift_left3A_223 : i32 to vector<16xi32>
    %shift_left3A_225 = arith.shli %get3A_220, %shift_left3A_224 : vector<16xi32>
    %gather3A_226 = tpu.vector_load_idx %arg11[%shift_left3A_225] : memref<20480xf32, #tpu.memory_space<vmem>>[vector<16xi32>], vector<16xf32>,
    %shift_left3A_227 = arith.constant 1 : i32
    %shift_left3A_228 = vector.broadcast %shift_left3A_227 : i32 to vector<16xi32>
    %shift_left3A_229 = arith.shli %get3A_222, %shift_left3A_228 : vector<16xi32>
    %or3A_230 = arith.constant 1 : i32
    %or3A_231 = vector.broadcast %or3A_230 : i32 to vector<16xi32>
    %or3A_232 = arith.ori %shift_left3A_229, %or3A_231 : vector<16xi32>
    %gather3A_233 = tpu.vector_load_idx %arg11[%or3A_232] : memref<20480xf32, #tpu.memory_space<vmem>>[vector<16xi32>], vector<16xf32>,
    %add3A_234 = arith.addf %gather3A_226, %gather3A_233 : vector<16xf32>
    %ge3A_235 = arith.constant 0.000000e+00 : f32
    %ge3A_236 = vector.broadcast %ge3A_235 : f32 to vector<16xf32>
    %ge3A_237 = arith.cmpf oge, %add3A_234, %ge3A_236 : vector<16xf32>
    %mul3A_238 = arith.constant 2.000000e-01 : f32
    %mul3A_239 = vector.broadcast %mul3A_238 : f32 to vector<16xf32>
    %mul3A_240 = arith.mulf %mul3A_239, %add3A_234 : vector<16xf32>
    %select_n3A_241 = arith.select %ge3A_237, %add3A_234, %mul3A_240 : vector<16xi1>, vector<16xf32>
    %exp3A_242 = math.exp %select_n3A_241 : vector<16xf32>
    %swap3A_243 = arith.constant 32 : index
    %swap3A_244 = tpu.vector_load %arg17[%swap3A_243] {strides = array<i32>} : memref<96xf32, #tpu.memory_space<vmem>>, vector<16xf32>,
    tpu.vector_store %arg17[%swap3A_243], %exp3A_242 {strides = array<i32>} : memref<96xf32, #tpu.memory_space<vmem>>, vector<16xf32>,
    %swap3A_245 = arith.constant 32 : index
    %swap3A_246 = tpu.vector_load %arg15[%swap3A_245] {strides = array<i32>} : memref<80xi32, #tpu.memory_space<vmem>>, vector<16xi32>,
    tpu.vector_store %arg15[%swap3A_245], %get3A_222 {strides = array<i32>} : memref<80xi32, #tpu.memory_space<vmem>>, vector<16xi32>,
    %get3A_247 = arith.constant 48 : index
    %get3A_248 = tpu.vector_load %arg7[%get3A_247] {strides = array<i32>} : memref<80xi32, #tpu.memory_space<vmem>>, vector<16xi32>,
    %get3A_249 = arith.constant 48 : index
    %get3A_250 = tpu.vector_load %arg8[%get3A_249] {strides = array<i32>} : memref<80xi32, #tpu.memory_space<vmem>>, vector<16xi32>,
    %shift_left3A_251 = arith.constant 1 : i32
    %shift_left3A_252 = vector.broadcast %shift_left3A_251 : i32 to vector<16xi32>
    %shift_left3A_253 = arith.shli %get3A_248, %shift_left3A_252 : vector<16xi32>
    %gather3A_254 = tpu.vector_load_idx %arg11[%shift_left3A_253] : memref<20480xf32, #tpu.memory_space<vmem>>[vector<16xi32>], vector<16xf32>,
    %shift_left3A_255 = arith.constant 1 : i32
    %shift_left3A_256 = vector.broadcast %shift_left3A_255 : i32 to vector<16xi32>
    %shift_left3A_257 = arith.shli %get3A_250, %shift_left3A_256 : vector<16xi32>
    %or3A_258 = arith.constant 1 : i32
    %or3A_259 = vector.broadcast %or3A_258 : i32 to vector<16xi32>
    %or3A_260 = arith.ori %shift_left3A_257, %or3A_259 : vector<16xi32>
    %gather3A_261 = tpu.vector_load_idx %arg11[%or3A_260] : memref<20480xf32, #tpu.memory_space<vmem>>[vector<16xi32>], vector<16xf32>,
    %add3A_262 = arith.addf %gather3A_254, %gather3A_261 : vector<16xf32>
    %ge3A_263 = arith.constant 0.000000e+00 : f32
    %ge3A_264 = vector.broadcast %ge3A_263 : f32 to vector<16xf32>
    %ge3A_265 = arith.cmpf oge, %add3A_262, %ge3A_264 : vector<16xf32>
    %mul3A_266 = arith.constant 2.000000e-01 : f32
    %mul3A_267 = vector.broadcast %mul3A_266 : f32 to vector<16xf32>
    %mul3A_268 = arith.mulf %mul3A_267, %add3A_262 : vector<16xf32>
    %select_n3A_269 = arith.select %ge3A_265, %add3A_262, %mul3A_268 : vector<16xi1>, vector<16xf32>
    %exp3A_270 = math.exp %select_n3A_269 : vector<16xf32>
    %swap3A_271 = arith.constant 48 : index
    %swap3A_272 = tpu.vector_load %arg17[%swap3A_271] {strides = array<i32>} : memref<96xf32, #tpu.memory_space<vmem>>, vector<16xf32>,
    tpu.vector_store %arg17[%swap3A_271], %exp3A_270 {strides = array<i32>} : memref<96xf32, #tpu.memory_space<vmem>>, vector<16xf32>,
    %swap3A_273 = arith.constant 48 : index
    %swap3A_274 = tpu.vector_load %arg15[%swap3A_273] {strides = array<i32>} : memref<80xi32, #tpu.memory_space<vmem>>, vector<16xi32>,
    tpu.vector_store %arg15[%swap3A_273], %get3A_250 {strides = array<i32>} : memref<80xi32, #tpu.memory_space<vmem>>, vector<16xi32>,
    %get3A_275 = arith.constant 64 : index
    %get3A_276 = tpu.vector_load %arg7[%get3A_275] {strides = array<i32>} : memref<80xi32, #tpu.memory_space<vmem>>, vector<16xi32>,
    %get3A_277 = arith.constant 64 : index
    %get3A_278 = tpu.vector_load %arg8[%get3A_277] {strides = array<i32>} : memref<80xi32, #tpu.memory_space<vmem>>, vector<16xi32>,
    %shift_left3A_279 = arith.constant 1 : i32
    %shift_left3A_280 = vector.broadcast %shift_left3A_279 : i32 to vector<16xi32>
    %shift_left3A_281 = arith.shli %get3A_276, %shift_left3A_280 : vector<16xi32>
    %gather3A_282 = tpu.vector_load_idx %arg11[%shift_left3A_281] : memref<20480xf32, #tpu.memory_space<vmem>>[vector<16xi32>], vector<16xf32>,
    %shift_left3A_283 = arith.constant 1 : i32
    %shift_left3A_284 = vector.broadcast %shift_left3A_283 : i32 to vector<16xi32>
    %shift_left3A_285 = arith.shli %get3A_278, %shift_left3A_284 : vector<16xi32>
    %or3A_286 = arith.constant 1 : i32
    %or3A_287 = vector.broadcast %or3A_286 : i32 to vector<16xi32>
    %or3A_288 = arith.ori %shift_left3A_285, %or3A_287 : vector<16xi32>
    %gather3A_289 = tpu.vector_load_idx %arg11[%or3A_288] : memref<20480xf32, #tpu.memory_space<vmem>>[vector<16xi32>], vector<16xf32>,
    %add3A_290 = arith.addf %gather3A_282, %gather3A_289 : vector<16xf32>
    %ge3A_291 = arith.constant 0.000000e+00 : f32
    %ge3A_292 = vector.broadcast %ge3A_291 : f32 to vector<16xf32>
    %ge3A_293 = arith.cmpf oge, %add3A_290, %ge3A_292 : vector<16xf32>
    %mul3A_294 = arith.constant 2.000000e-01 : f32
    %mul3A_295 = vector.broadcast %mul3A_294 : f32 to vector<16xf32>
    %mul3A_296 = arith.mulf %mul3A_295, %add3A_290 : vector<16xf32>
    %select_n3A_297 = arith.select %ge3A_293, %add3A_290, %mul3A_296 : vector<16xi1>, vector<16xf32>
    %exp3A_298 = math.exp %select_n3A_297 : vector<16xf32>
    %swap3A_299 = arith.constant 64 : index
    %swap3A_300 = tpu.vector_load %arg17[%swap3A_299] {strides = array<i32>} : memref<96xf32, #tpu.memory_space<vmem>>, vector<16xf32>,
    tpu.vector_store %arg17[%swap3A_299], %exp3A_298 {strides = array<i32>} : memref<96xf32, #tpu.memory_space<vmem>>, vector<16xf32>,
    %swap3A_301 = arith.constant 64 : index
    %swap3A_302 = tpu.vector_load %arg15[%swap3A_301] {strides = array<i32>} : memref<80xi32, #tpu.memory_space<vmem>>, vector<16xi32>,
    tpu.vector_store %arg15[%swap3A_301], %get3A_278 {strides = array<i32>} : memref<80xi32, #tpu.memory_space<vmem>>, vector<16xi32>,
    %dma_start3A_303 = arith.constant 0 : i32
    %dma_start3A_304 = tpu.memref_slice %arg17[%dma_start3A_303] : memref<96xf32, #tpu.memory_space<vmem>> -> memref<80xf32, #tpu.memory_space<vmem>>
    %dma_start3A_305 = arith.constant 0 : i32
    %dma_start3A_306 = tpu.memref_slice %arg20[%dma_start3A_305] : memref<10240xf32, #tpu.memory_space<vmem_shared>> -> memref<10240xf32, #tpu.memory_space<vmem_shared>>
    tpu.enqueue_indirect_dma source(%dma_start3A_304 : memref<80xf32, #tpu.memory_space<vmem>>) target(%dma_start3A_306 : memref<10240xf32, #tpu.memory_space<vmem_shared>>) offsets(%arg15 : memref<80xi32, #tpu.memory_space<vmem>>) semaphore(%arg27 : memref<!tpu.dma_semaphore, #tpu.memory_space<semaphore_mem>>) {add = true}
    %scan3A_307 = arith.constant 0 : i32
    %scan3A_308 = arith.constant 0 : i32
    %scan3A_309 = arith.constant 10 : i32
    %scan3A_310 = arith.addi %scan3A_308, %scan3A_309 : i32
    %scan3A_311 = arith.constant 1 : i32
    scf.for %scan3A_354 = %scan3A_308 to %scan3A_310 step %scan3A_311  : i32 {
      %mul3A_355 = arith.constant 8 : i32
      %mul3A_356 = arith.muli %mul3A_355, %scan3A_354 : i32
      %add3A_357 = arith.constant 0 : i32
      %add3A_358 = arith.addi %mul3A_356, %add3A_357 : i32
      %get3A_359 = arith.index_cast %add3A_358 : i32 to index
      %get3A_360 = tpu.vector_load %arg17[%get3A_359] {strides = array<i32>} : memref<96xf32, #tpu.memory_space<vmem>>, vector<16xf32>,
      %slice3A = vector.extract_strided_slice %get3A_360 {offsets = [0], sizes = [1], strides = [1]} : vector<16xf32> to vector<1xf32>
      %squeeze3A = vector.extract %slice3A[0] : f32 from vector<1xf32>
      %add3A_361 = arith.constant 1 : i32
      %add3A_362 = arith.addi %mul3A_356, %add3A_361 : i32
      %get3A_363 = arith.index_cast %add3A_362 : i32 to index
      %get3A_364 = tpu.vector_load %arg17[%get3A_363] {strides = array<i32>} : memref<96xf32, #tpu.memory_space<vmem>>, vector<16xf32>,
      %slice3A_365 = vector.extract_strided_slice %get3A_364 {offsets = [0], sizes = [1], strides = [1]} : vector<16xf32> to vector<1xf32>
      %squeeze3A_366 = vector.extract %slice3A_365[0] : f32 from vector<1xf32>
      %add3A_367 = arith.constant 2 : i32
      %add3A_368 = arith.addi %mul3A_356, %add3A_367 : i32
      %get3A_369 = arith.index_cast %add3A_368 : i32 to index
      %get3A_370 = tpu.vector_load %arg17[%get3A_369] {strides = array<i32>} : memref<96xf32, #tpu.memory_space<vmem>>, vector<16xf32>,
      %slice3A_371 = vector.extract_strided_slice %get3A_370 {offsets = [0], sizes = [1], strides = [1]} : vector<16xf32> to vector<1xf32>
      %squeeze3A_372 = vector.extract %slice3A_371[0] : f32 from vector<1xf32>
      %add3A_373 = arith.constant 3 : i32
      %add3A_374 = arith.addi %mul3A_356, %add3A_373 : i32
      %get3A_375 = arith.index_cast %add3A_374 : i32 to index
      %get3A_376 = tpu.vector_load %arg17[%get3A_375] {strides = array<i32>} : memref<96xf32, #tpu.memory_space<vmem>>, vector<16xf32>,
      %slice3A_377 = vector.extract_strided_slice %get3A_376 {offsets = [0], sizes = [1], strides = [1]} : vector<16xf32> to vector<1xf32>
      %squeeze3A_378 = vector.extract %slice3A_377[0] : f32 from vector<1xf32>
      %add3A_379 = arith.constant 4 : i32
      %add3A_380 = arith.addi %mul3A_356, %add3A_379 : i32
      %get3A_381 = arith.index_cast %add3A_380 : i32 to index
      %get3A_382 = tpu.vector_load %arg17[%get3A_381] {strides = array<i32>} : memref<96xf32, #tpu.memory_space<vmem>>, vector<16xf32>,
      %slice3A_383 = vector.extract_strided_slice %get3A_382 {offsets = [0], sizes = [1], strides = [1]} : vector<16xf32> to vector<1xf32>
      %squeeze3A_384 = vector.extract %slice3A_383[0] : f32 from vector<1xf32>
      %add3A_385 = arith.constant 5 : i32
      %add3A_386 = arith.addi %mul3A_356, %add3A_385 : i32
      %get3A_387 = arith.index_cast %add3A_386 : i32 to index
      %get3A_388 = tpu.vector_load %arg17[%get3A_387] {strides = array<i32>} : memref<96xf32, #tpu.memory_space<vmem>>, vector<16xf32>,
      %slice3A_389 = vector.extract_strided_slice %get3A_388 {offsets = [0], sizes = [1], strides = [1]} : vector<16xf32> to vector<1xf32>
      %squeeze3A_390 = vector.extract %slice3A_389[0] : f32 from vector<1xf32>
      %add3A_391 = arith.constant 6 : i32
      %add3A_392 = arith.addi %mul3A_356, %add3A_391 : i32
      %get3A_393 = arith.index_cast %add3A_392 : i32 to index
      %get3A_394 = tpu.vector_load %arg17[%get3A_393] {strides = array<i32>} : memref<96xf32, #tpu.memory_space<vmem>>, vector<16xf32>,
      %slice3A_395 = vector.extract_strided_slice %get3A_394 {offsets = [0], sizes = [1], strides = [1]} : vector<16xf32> to vector<1xf32>
      %squeeze3A_396 = vector.extract %slice3A_395[0] : f32 from vector<1xf32>
      %add3A_397 = arith.constant 7 : i32
      %add3A_398 = arith.addi %mul3A_356, %add3A_397 : i32
      %get3A_399 = arith.index_cast %add3A_398 : i32 to index
      %get3A_400 = tpu.vector_load %arg17[%get3A_399] {strides = array<i32>} : memref<96xf32, #tpu.memory_space<vmem>>, vector<16xf32>,
      %slice3A_401 = vector.extract_strided_slice %get3A_400 {offsets = [0], sizes = [1], strides = [1]} : vector<16xf32> to vector<1xf32>
      %squeeze3A_402 = vector.extract %slice3A_401[0] : f32 from vector<1xf32>
      %add3A_403 = arith.constant 0 : i32
      %add3A_404 = arith.addi %mul3A_356, %add3A_403 : i32
      %get3A_405 = arith.index_cast %add3A_404 : i32 to index
      %get3A_406 = arith.constant 0 : index
      %get3A_407 = tpu.vector_load %arg13[%get3A_405, %get3A_406] {strides = array<i32>} : memref<80x128xf32, #tpu.memory_space<vmem>>, vector<16xf32>,
      %mul3A_408 = vector.broadcast %squeeze3A : f32 to vector<16xf32>
      %mul3A_409 = arith.mulf %get3A_407, %mul3A_408 : vector<16xf32>
      %add3A_410 = arith.constant 0 : i32
      %add3A_411 = arith.addi %mul3A_356, %add3A_410 : i32
      %swap3A_412 = arith.index_cast %add3A_411 : i32 to index
      %swap3A_413 = arith.constant 0 : index
      %swap3A_414 = tpu.vector_load %arg13[%swap3A_412, %swap3A_413] {strides = array<i32>} : memref<80x128xf32, #tpu.memory_space<vmem>>, vector<16xf32>,
      tpu.vector_store %arg13[%swap3A_412, %swap3A_413], %mul3A_409 {strides = array<i32>} : memref<80x128xf32, #tpu.memory_space<vmem>>, vector<16xf32>,
      %add3A_415 = arith.constant 0 : i32
      %add3A_416 = arith.addi %mul3A_356, %add3A_415 : i32
      %get3A_417 = arith.index_cast %add3A_416 : i32 to index
      %get3A_418 = arith.constant 16 : index
      %get3A_419 = tpu.vector_load %arg13[%get3A_417, %get3A_418] {strides = array<i32>} : memref<80x128xf32, #tpu.memory_space<vmem>>, vector<16xf32>,
      %mul3A_420 = vector.broadcast %squeeze3A : f32 to vector<16xf32>
      %mul3A_421 = arith.mulf %get3A_419, %mul3A_420 : vector<16xf32>
      %add3A_422 = arith.constant 0 : i32
      %add3A_423 = arith.addi %mul3A_356, %add3A_422 : i32
      %swap3A_424 = arith.index_cast %add3A_423 : i32 to index
      %swap3A_425 = arith.constant 16 : index
      %swap3A_426 = tpu.vector_load %arg13[%swap3A_424, %swap3A_425] {strides = array<i32>} : memref<80x128xf32, #tpu.memory_space<vmem>>, vector<16xf32>,
      tpu.vector_store %arg13[%swap3A_424, %swap3A_425], %mul3A_421 {strides = array<i32>} : memref<80x128xf32, #tpu.memory_space<vmem>>, vector<16xf32>,
      %add3A_427 = arith.constant 0 : i32
      %add3A_428 = arith.addi %mul3A_356, %add3A_427 : i32
      %get3A_429 = arith.index_cast %add3A_428 : i32 to index
      %get3A_430 = arith.constant 32 : index
      %get3A_431 = tpu.vector_load %arg13[%get3A_429, %get3A_430] {strides = array<i32>} : memref<80x128xf32, #tpu.memory_space<vmem>>, vector<16xf32>,
      %mul3A_432 = vector.broadcast %squeeze3A : f32 to vector<16xf32>
      %mul3A_433 = arith.mulf %get3A_431, %mul3A_432 : vector<16xf32>
      %add3A_434 = arith.constant 0 : i32
      %add3A_435 = arith.addi %mul3A_356, %add3A_434 : i32
      %swap3A_436 = arith.index_cast %add3A_435 : i32 to index
      %swap3A_437 = arith.constant 32 : index
      %swap3A_438 = tpu.vector_load %arg13[%swap3A_436, %swap3A_437] {strides = array<i32>} : memref<80x128xf32, #tpu.memory_space<vmem>>, vector<16xf32>,
      tpu.vector_store %arg13[%swap3A_436, %swap3A_437], %mul3A_433 {strides = array<i32>} : memref<80x128xf32, #tpu.memory_space<vmem>>, vector<16xf32>,
      %add3A_439 = arith.constant 0 : i32
      %add3A_440 = arith.addi %mul3A_356, %add3A_439 : i32
      %get3A_441 = arith.index_cast %add3A_440 : i32 to index
      %get3A_442 = arith.constant 48 : index
      %get3A_443 = tpu.vector_load %arg13[%get3A_441, %get3A_442] {strides = array<i32>} : memref<80x128xf32, #tpu.memory_space<vmem>>, vector<16xf32>,
      %mul3A_444 = vector.broadcast %squeeze3A : f32 to vector<16xf32>
      %mul3A_445 = arith.mulf %get3A_443, %mul3A_444 : vector<16xf32>
      %add3A_446 = arith.constant 0 : i32
      %add3A_447 = arith.addi %mul3A_356, %add3A_446 : i32
      %swap3A_448 = arith.index_cast %add3A_447 : i32 to index
      %swap3A_449 = arith.constant 48 : index
      %swap3A_450 = tpu.vector_load %arg13[%swap3A_448, %swap3A_449] {strides = array<i32>} : memref<80x128xf32, #tpu.memory_space<vmem>>, vector<16xf32>,
      tpu.vector_store %arg13[%swap3A_448, %swap3A_449], %mul3A_445 {strides = array<i32>} : memref<80x128xf32, #tpu.memory_space<vmem>>, vector<16xf32>,
      %add3A_451 = arith.constant 0 : i32
      %add3A_452 = arith.addi %mul3A_356, %add3A_451 : i32
      %get3A_453 = arith.index_cast %add3A_452 : i32 to index
      %get3A_454 = arith.constant 64 : index
      %get3A_455 = tpu.vector_load %arg13[%get3A_453, %get3A_454] {strides = array<i32>} : memref<80x128xf32, #tpu.memory_space<vmem>>, vector<16xf32>,
      %mul3A_456 = vector.broadcast %squeeze3A : f32 to vector<16xf32>
      %mul3A_457 = arith.mulf %get3A_455, %mul3A_456 : vector<16xf32>
      %add3A_458 = arith.constant 0 : i32
      %add3A_459 = arith.addi %mul3A_356, %add3A_458 : i32
      %swap3A_460 = arith.index_cast %add3A_459 : i32 to index
      %swap3A_461 = arith.constant 64 : index
      %swap3A_462 = tpu.vector_load %arg13[%swap3A_460, %swap3A_461] {strides = array<i32>} : memref<80x128xf32, #tpu.memory_space<vmem>>, vector<16xf32>,
      tpu.vector_store %arg13[%swap3A_460, %swap3A_461], %mul3A_457 {strides = array<i32>} : memref<80x128xf32, #tpu.memory_space<vmem>>, vector<16xf32>,
      %add3A_463 = arith.constant 0 : i32
      %add3A_464 = arith.addi %mul3A_356, %add3A_463 : i32
      %get3A_465 = arith.index_cast %add3A_464 : i32 to index
      %get3A_466 = arith.constant 80 : index
      %get3A_467 = tpu.vector_load %arg13[%get3A_465, %get3A_466] {strides = array<i32>} : memref<80x128xf32, #tpu.memory_space<vmem>>, vector<16xf32>,
      %mul3A_468 = vector.broadcast %squeeze3A : f32 to vector<16xf32>
      %mul3A_469 = arith.mulf %get3A_467, %mul3A_468 : vector<16xf32>
      %add3A_470 = arith.constant 0 : i32
      %add3A_471 = arith.addi %mul3A_356, %add3A_470 : i32
      %swap3A_472 = arith.index_cast %add3A_471 : i32 to index
      %swap3A_473 = arith.constant 80 : index
      %swap3A_474 = tpu.vector_load %arg13[%swap3A_472, %swap3A_473] {strides = array<i32>} : memref<80x128xf32, #tpu.memory_space<vmem>>, vector<16xf32>,
      tpu.vector_store %arg13[%swap3A_472, %swap3A_473], %mul3A_469 {strides = array<i32>} : memref<80x128xf32, #tpu.memory_space<vmem>>, vector<16xf32>,
      %add3A_475 = arith.constant 0 : i32
      %add3A_476 = arith.addi %mul3A_356, %add3A_475 : i32
      %get3A_477 = arith.index_cast %add3A_476 : i32 to index
      %get3A_478 = arith.constant 96 : index
      %get3A_479 = tpu.vector_load %arg13[%get3A_477, %get3A_478] {strides = array<i32>} : memref<80x128xf32, #tpu.memory_space<vmem>>, vector<16xf32>,
      %mul3A_480 = vector.broadcast %squeeze3A : f32 to vector<16xf32>
      %mul3A_481 = arith.mulf %get3A_479, %mul3A_480 : vector<16xf32>
      %add3A_482 = arith.constant 0 : i32
      %add3A_483 = arith.addi %mul3A_356, %add3A_482 : i32
      %swap3A_484 = arith.index_cast %add3A_483 : i32 to index
      %swap3A_485 = arith.constant 96 : index
      %swap3A_486 = tpu.vector_load %arg13[%swap3A_484, %swap3A_485] {strides = array<i32>} : memref<80x128xf32, #tpu.memory_space<vmem>>, vector<16xf32>,
      tpu.vector_store %arg13[%swap3A_484, %swap3A_485], %mul3A_481 {strides = array<i32>} : memref<80x128xf32, #tpu.memory_space<vmem>>, vector<16xf32>,
      %add3A_487 = arith.constant 0 : i32
      %add3A_488 = arith.addi %mul3A_356, %add3A_487 : i32
      %get3A_489 = arith.index_cast %add3A_488 : i32 to index
      %get3A_490 = arith.constant 112 : index
      %get3A_491 = tpu.vector_load %arg13[%get3A_489, %get3A_490] {strides = array<i32>} : memref<80x128xf32, #tpu.memory_space<vmem>>, vector<16xf32>,
      %mul3A_492 = vector.broadcast %squeeze3A : f32 to vector<16xf32>
      %mul3A_493 = arith.mulf %get3A_491, %mul3A_492 : vector<16xf32>
      %add3A_494 = arith.constant 0 : i32
      %add3A_495 = arith.addi %mul3A_356, %add3A_494 : i32
      %swap3A_496 = arith.index_cast %add3A_495 : i32 to index
      %swap3A_497 = arith.constant 112 : index
      %swap3A_498 = tpu.vector_load %arg13[%swap3A_496, %swap3A_497] {strides = array<i32>} : memref<80x128xf32, #tpu.memory_space<vmem>>, vector<16xf32>,
      tpu.vector_store %arg13[%swap3A_496, %swap3A_497], %mul3A_493 {strides = array<i32>} : memref<80x128xf32, #tpu.memory_space<vmem>>, vector<16xf32>,
      %add3A_499 = arith.constant 1 : i32
      %add3A_500 = arith.addi %mul3A_356, %add3A_499 : i32
      %get3A_501 = arith.index_cast %add3A_500 : i32 to index
      %get3A_502 = arith.constant 0 : index
      %get3A_503 = tpu.vector_load %arg13[%get3A_501, %get3A_502] {strides = array<i32>} : memref<80x128xf32, #tpu.memory_space<vmem>>, vector<16xf32>,
      %mul3A_504 = vector.broadcast %squeeze3A_366 : f32 to vector<16xf32>
      %mul3A_505 = arith.mulf %get3A_503, %mul3A_504 : vector<16xf32>
      %add3A_506 = arith.constant 1 : i32
      %add3A_507 = arith.addi %mul3A_356, %add3A_506 : i32
      %swap3A_508 = arith.index_cast %add3A_507 : i32 to index
      %swap3A_509 = arith.constant 0 : index
      %swap3A_510 = tpu.vector_load %arg13[%swap3A_508, %swap3A_509] {strides = array<i32>} : memref<80x128xf32, #tpu.memory_space<vmem>>, vector<16xf32>,
      tpu.vector_store %arg13[%swap3A_508, %swap3A_509], %mul3A_505 {strides = array<i32>} : memref<80x128xf32, #tpu.memory_space<vmem>>, vector<16xf32>,
      %add3A_511 = arith.constant 1 : i32
      %add3A_512 = arith.addi %mul3A_356, %add3A_511 : i32
      %get3A_513 = arith.index_cast %add3A_512 : i32 to index
      %get3A_514 = arith.constant 16 : index
      %get3A_515 = tpu.vector_load %arg13[%get3A_513, %get3A_514] {strides = array<i32>} : memref<80x128xf32, #tpu.memory_space<vmem>>, vector<16xf32>,
      %mul3A_516 = vector.broadcast %squeeze3A_366 : f32 to vector<16xf32>
      %mul3A_517 = arith.mulf %get3A_515, %mul3A_516 : vector<16xf32>
      %add3A_518 = arith.constant 1 : i32
      %add3A_519 = arith.addi %mul3A_356, %add3A_518 : i32
      %swap3A_520 = arith.index_cast %add3A_519 : i32 to index
      %swap3A_521 = arith.constant 16 : index
      %swap3A_522 = tpu.vector_load %arg13[%swap3A_520, %swap3A_521] {strides = array<i32>} : memref<80x128xf32, #tpu.memory_space<vmem>>, vector<16xf32>,
      tpu.vector_store %arg13[%swap3A_520, %swap3A_521], %mul3A_517 {strides = array<i32>} : memref<80x128xf32, #tpu.memory_space<vmem>>, vector<16xf32>,
      %add3A_523 = arith.constant 1 : i32
      %add3A_524 = arith.addi %mul3A_356, %add3A_523 : i32
      %get3A_525 = arith.index_cast %add3A_524 : i32 to index
      %get3A_526 = arith.constant 32 : index
      %get3A_527 = tpu.vector_load %arg13[%get3A_525, %get3A_526] {strides = array<i32>} : memref<80x128xf32, #tpu.memory_space<vmem>>, vector<16xf32>,
      %mul3A_528 = vector.broadcast %squeeze3A_366 : f32 to vector<16xf32>
      %mul3A_529 = arith.mulf %get3A_527, %mul3A_528 : vector<16xf32>
      %add3A_530 = arith.constant 1 : i32
      %add3A_531 = arith.addi %mul3A_356, %add3A_530 : i32
      %swap3A_532 = arith.index_cast %add3A_531 : i32 to index
      %swap3A_533 = arith.constant 32 : index
      %swap3A_534 = tpu.vector_load %arg13[%swap3A_532, %swap3A_533] {strides = array<i32>} : memref<80x128xf32, #tpu.memory_space<vmem>>, vector<16xf32>,
      tpu.vector_store %arg13[%swap3A_532, %swap3A_533], %mul3A_529 {strides = array<i32>} : memref<80x128xf32, #tpu.memory_space<vmem>>, vector<16xf32>,
      %add3A_535 = arith.constant 1 : i32
      %add3A_536 = arith.addi %mul3A_356, %add3A_535 : i32
      %get3A_537 = arith.index_cast %add3A_536 : i32 to index
      %get3A_538 = arith.constant 48 : index
      %get3A_539 = tpu.vector_load %arg13[%get3A_537, %get3A_538] {strides = array<i32>} : memref<80x128xf32, #tpu.memory_space<vmem>>, vector<16xf32>,
      %mul3A_540 = vector.broadcast %squeeze3A_366 : f32 to vector<16xf32>
      %mul3A_541 = arith.mulf %get3A_539, %mul3A_540 : vector<16xf32>
      %add3A_542 = arith.constant 1 : i32
      %add3A_543 = arith.addi %mul3A_356, %add3A_542 : i32
      %swap3A_544 = arith.index_cast %add3A_543 : i32 to index
      %swap3A_545 = arith.constant 48 : index
      %swap3A_546 = tpu.vector_load %arg13[%swap3A_544, %swap3A_545] {strides = array<i32>} : memref<80x128xf32, #tpu.memory_space<vmem>>, vector<16xf32>,
      tpu.vector_store %arg13[%swap3A_544, %swap3A_545], %mul3A_541 {strides = array<i32>} : memref<80x128xf32, #tpu.memory_space<vmem>>, vector<16xf32>,
      %add3A_547 = arith.constant 1 : i32
      %add3A_548 = arith.addi %mul3A_356, %add3A_547 : i32
      %get3A_549 = arith.index_cast %add3A_548 : i32 to index
      %get3A_550 = arith.constant 64 : index
      %get3A_551 = tpu.vector_load %arg13[%get3A_549, %get3A_550] {strides = array<i32>} : memref<80x128xf32, #tpu.memory_space<vmem>>, vector<16xf32>,
      %mul3A_552 = vector.broadcast %squeeze3A_366 : f32 to vector<16xf32>
      %mul3A_553 = arith.mulf %get3A_551, %mul3A_552 : vector<16xf32>
      %add3A_554 = arith.constant 1 : i32
      %add3A_555 = arith.addi %mul3A_356, %add3A_554 : i32
      %swap3A_556 = arith.index_cast %add3A_555 : i32 to index
      %swap3A_557 = arith.constant 64 : index
      %swap3A_558 = tpu.vector_load %arg13[%swap3A_556, %swap3A_557] {strides = array<i32>} : memref<80x128xf32, #tpu.memory_space<vmem>>, vector<16xf32>,
      tpu.vector_store %arg13[%swap3A_556, %swap3A_557], %mul3A_553 {strides = array<i32>} : memref<80x128xf32, #tpu.memory_space<vmem>>, vector<16xf32>,
      %add3A_559 = arith.constant 1 : i32
      %add3A_560 = arith.addi %mul3A_356, %add3A_559 : i32
      %get3A_561 = arith.index_cast %add3A_560 : i32 to index
      %get3A_562 = arith.constant 80 : index
      %get3A_563 = tpu.vector_load %arg13[%get3A_561, %get3A_562] {strides = array<i32>} : memref<80x128xf32, #tpu.memory_space<vmem>>, vector<16xf32>,
      %mul3A_564 = vector.broadcast %squeeze3A_366 : f32 to vector<16xf32>
      %mul3A_565 = arith.mulf %get3A_563, %mul3A_564 : vector<16xf32>
      %add3A_566 = arith.constant 1 : i32
      %add3A_567 = arith.addi %mul3A_356, %add3A_566 : i32
      %swap3A_568 = arith.index_cast %add3A_567 : i32 to index
      %swap3A_569 = arith.constant 80 : index
      %swap3A_570 = tpu.vector_load %arg13[%swap3A_568, %swap3A_569] {strides = array<i32>} : memref<80x128xf32, #tpu.memory_space<vmem>>, vector<16xf32>,
      tpu.vector_store %arg13[%swap3A_568, %swap3A_569], %mul3A_565 {strides = array<i32>} : memref<80x128xf32, #tpu.memory_space<vmem>>, vector<16xf32>,
      %add3A_571 = arith.constant 1 : i32
      %add3A_572 = arith.addi %mul3A_356, %add3A_571 : i32
      %get3A_573 = arith.index_cast %add3A_572 : i32 to index
      %get3A_574 = arith.constant 96 : index
      %get3A_575 = tpu.vector_load %arg13[%get3A_573, %get3A_574] {strides = array<i32>} : memref<80x128xf32, #tpu.memory_space<vmem>>, vector<16xf32>,
      %mul3A_576 = vector.broadcast %squeeze3A_366 : f32 to vector<16xf32>
      %mul3A_577 = arith.mulf %get3A_575, %mul3A_576 : vector<16xf32>
      %add3A_578 = arith.constant 1 : i32
      %add3A_579 = arith.addi %mul3A_356, %add3A_578 : i32
      %swap3A_580 = arith.index_cast %add3A_579 : i32 to index
      %swap3A_581 = arith.constant 96 : index
      %swap3A_582 = tpu.vector_load %arg13[%swap3A_580, %swap3A_581] {strides = array<i32>} : memref<80x128xf32, #tpu.memory_space<vmem>>, vector<16xf32>,
      tpu.vector_store %arg13[%swap3A_580, %swap3A_581], %mul3A_577 {strides = array<i32>} : memref<80x128xf32, #tpu.memory_space<vmem>>, vector<16xf32>,
      %add3A_583 = arith.constant 1 : i32
      %add3A_584 = arith.addi %mul3A_356, %add3A_583 : i32
      %get3A_585 = arith.index_cast %add3A_584 : i32 to index
      %get3A_586 = arith.constant 112 : index
      %get3A_587 = tpu.vector_load %arg13[%get3A_585, %get3A_586] {strides = array<i32>} : memref<80x128xf32, #tpu.memory_space<vmem>>, vector<16xf32>,
      %mul3A_588 = vector.broadcast %squeeze3A_366 : f32 to vector<16xf32>
      %mul3A_589 = arith.mulf %get3A_587, %mul3A_588 : vector<16xf32>
      %add3A_590 = arith.constant 1 : i32
      %add3A_591 = arith.addi %mul3A_356, %add3A_590 : i32
      %swap3A_592 = arith.index_cast %add3A_591 : i32 to index
      %swap3A_593 = arith.constant 112 : index
      %swap3A_594 = tpu.vector_load %arg13[%swap3A_592, %swap3A_593] {strides = array<i32>} : memref<80x128xf32, #tpu.memory_space<vmem>>, vector<16xf32>,
      tpu.vector_store %arg13[%swap3A_592, %swap3A_593], %mul3A_589 {strides = array<i32>} : memref<80x128xf32, #tpu.memory_space<vmem>>, vector<16xf32>,
      %add3A_595 = arith.constant 2 : i32
      %add3A_596 = arith.addi %mul3A_356, %add3A_595 : i32
      %get3A_597 = arith.index_cast %add3A_596 : i32 to index
      %get3A_598 = arith.constant 0 : index
      %get3A_599 = tpu.vector_load %arg13[%get3A_597, %get3A_598] {strides = array<i32>} : memref<80x128xf32, #tpu.memory_space<vmem>>, vector<16xf32>,
      %mul3A_600 = vector.broadcast %squeeze3A_372 : f32 to vector<16xf32>
      %mul3A_601 = arith.mulf %get3A_599, %mul3A_600 : vector<16xf32>
      %add3A_602 = arith.constant 2 : i32
      %add3A_603 = arith.addi %mul3A_356, %add3A_602 : i32
      %swap3A_604 = arith.index_cast %add3A_603 : i32 to index
      %swap3A_605 = arith.constant 0 : index
      %swap3A_606 = tpu.vector_load %arg13[%swap3A_604, %swap3A_605] {strides = array<i32>} : memref<80x128xf32, #tpu.memory_space<vmem>>, vector<16xf32>,
      tpu.vector_store %arg13[%swap3A_604, %swap3A_605], %mul3A_601 {strides = array<i32>} : memref<80x128xf32, #tpu.memory_space<vmem>>, vector<16xf32>,
      %add3A_607 = arith.constant 2 : i32
      %add3A_608 = arith.addi %mul3A_356, %add3A_607 : i32
      %get3A_609 = arith.index_cast %add3A_608 : i32 to index
      %get3A_610 = arith.constant 16 : index
      %get3A_611 = tpu.vector_load %arg13[%get3A_609, %get3A_610] {strides = array<i32>} : memref<80x128xf32, #tpu.memory_space<vmem>>, vector<16xf32>,
      %mul3A_612 = vector.broadcast %squeeze3A_372 : f32 to vector<16xf32>
      %mul3A_613 = arith.mulf %get3A_611, %mul3A_612 : vector<16xf32>
      %add3A_614 = arith.constant 2 : i32
      %add3A_615 = arith.addi %mul3A_356, %add3A_614 : i32
      %swap3A_616 = arith.index_cast %add3A_615 : i32 to index
      %swap3A_617 = arith.constant 16 : index
      %swap3A_618 = tpu.vector_load %arg13[%swap3A_616, %swap3A_617] {strides = array<i32>} : memref<80x128xf32, #tpu.memory_space<vmem>>, vector<16xf32>,
      tpu.vector_store %arg13[%swap3A_616, %swap3A_617], %mul3A_613 {strides = array<i32>} : memref<80x128xf32, #tpu.memory_space<vmem>>, vector<16xf32>,
      %add3A_619 = arith.constant 2 : i32
      %add3A_620 = arith.addi %mul3A_356, %add3A_619 : i32
      %get3A_621 = arith.index_cast %add3A_620 : i32 to index
      %get3A_622 = arith.constant 32 : index
      %get3A_623 = tpu.vector_load %arg13[%get3A_621, %get3A_622] {strides = array<i32>} : memref<80x128xf32, #tpu.memory_space<vmem>>, vector<16xf32>,
      %mul3A_624 = vector.broadcast %squeeze3A_372 : f32 to vector<16xf32>
      %mul3A_625 = arith.mulf %get3A_623, %mul3A_624 : vector<16xf32>
      %add3A_626 = arith.constant 2 : i32
      %add3A_627 = arith.addi %mul3A_356, %add3A_626 : i32
      %swap3A_628 = arith.index_cast %add3A_627 : i32 to index
      %swap3A_629 = arith.constant 32 : index
      %swap3A_630 = tpu.vector_load %arg13[%swap3A_628, %swap3A_629] {strides = array<i32>} : memref<80x128xf32, #tpu.memory_space<vmem>>, vector<16xf32>,
      tpu.vector_store %arg13[%swap3A_628, %swap3A_629], %mul3A_625 {strides = array<i32>} : memref<80x128xf32, #tpu.memory_space<vmem>>, vector<16xf32>,
      %add3A_631 = arith.constant 2 : i32
      %add3A_632 = arith.addi %mul3A_356, %add3A_631 : i32
      %get3A_633 = arith.index_cast %add3A_632 : i32 to index
      %get3A_634 = arith.constant 48 : index
      %get3A_635 = tpu.vector_load %arg13[%get3A_633, %get3A_634] {strides = array<i32>} : memref<80x128xf32, #tpu.memory_space<vmem>>, vector<16xf32>,
      %mul3A_636 = vector.broadcast %squeeze3A_372 : f32 to vector<16xf32>
      %mul3A_637 = arith.mulf %get3A_635, %mul3A_636 : vector<16xf32>
      %add3A_638 = arith.constant 2 : i32
      %add3A_639 = arith.addi %mul3A_356, %add3A_638 : i32
      %swap3A_640 = arith.index_cast %add3A_639 : i32 to index
      %swap3A_641 = arith.constant 48 : index
      %swap3A_642 = tpu.vector_load %arg13[%swap3A_640, %swap3A_641] {strides = array<i32>} : memref<80x128xf32, #tpu.memory_space<vmem>>, vector<16xf32>,
      tpu.vector_store %arg13[%swap3A_640, %swap3A_641], %mul3A_637 {strides = array<i32>} : memref<80x128xf32, #tpu.memory_space<vmem>>, vector<16xf32>,
      %add3A_643 = arith.constant 2 : i32
      %add3A_644 = arith.addi %mul3A_356, %add3A_643 : i32
      %get3A_645 = arith.index_cast %add3A_644 : i32 to index
      %get3A_646 = arith.constant 64 : index
      %get3A_647 = tpu.vector_load %arg13[%get3A_645, %get3A_646] {strides = array<i32>} : memref<80x128xf32, #tpu.memory_space<vmem>>, vector<16xf32>,
      %mul3A_648 = vector.broadcast %squeeze3A_372 : f32 to vector<16xf32>
      %mul3A_649 = arith.mulf %get3A_647, %mul3A_648 : vector<16xf32>
      %add3A_650 = arith.constant 2 : i32
      %add3A_651 = arith.addi %mul3A_356, %add3A_650 : i32
      %swap3A_652 = arith.index_cast %add3A_651 : i32 to index
      %swap3A_653 = arith.constant 64 : index
      %swap3A_654 = tpu.vector_load %arg13[%swap3A_652, %swap3A_653] {strides = array<i32>} : memref<80x128xf32, #tpu.memory_space<vmem>>, vector<16xf32>,
      tpu.vector_store %arg13[%swap3A_652, %swap3A_653], %mul3A_649 {strides = array<i32>} : memref<80x128xf32, #tpu.memory_space<vmem>>, vector<16xf32>,
      %add3A_655 = arith.constant 2 : i32
      %add3A_656 = arith.addi %mul3A_356, %add3A_655 : i32
      %get3A_657 = arith.index_cast %add3A_656 : i32 to index
      %get3A_658 = arith.constant 80 : index
      %get3A_659 = tpu.vector_load %arg13[%get3A_657, %get3A_658] {strides = array<i32>} : memref<80x128xf32, #tpu.memory_space<vmem>>, vector<16xf32>,
      %mul3A_660 = vector.broadcast %squeeze3A_372 : f32 to vector<16xf32>
      %mul3A_661 = arith.mulf %get3A_659, %mul3A_660 : vector<16xf32>
      %add3A_662 = arith.constant 2 : i32
      %add3A_663 = arith.addi %mul3A_356, %add3A_662 : i32
      %swap3A_664 = arith.index_cast %add3A_663 : i32 to index
      %swap3A_665 = arith.constant 80 : index
      %swap3A_666 = tpu.vector_load %arg13[%swap3A_664, %swap3A_665] {strides = array<i32>} : memref<80x128xf32, #tpu.memory_space<vmem>>, vector<16xf32>,
      tpu.vector_store %arg13[%swap3A_664, %swap3A_665], %mul3A_661 {strides = array<i32>} : memref<80x128xf32, #tpu.memory_space<vmem>>, vector<16xf32>,
      %add3A_667 = arith.constant 2 : i32
      %add3A_668 = arith.addi %mul3A_356, %add3A_667 : i32
      %get3A_669 = arith.index_cast %add3A_668 : i32 to index
      %get3A_670 = arith.constant 96 : index
      %get3A_671 = tpu.vector_load %arg13[%get3A_669, %get3A_670] {strides = array<i32>} : memref<80x128xf32, #tpu.memory_space<vmem>>, vector<16xf32>,
      %mul3A_672 = vector.broadcast %squeeze3A_372 : f32 to vector<16xf32>
      %mul3A_673 = arith.mulf %get3A_671, %mul3A_672 : vector<16xf32>
      %add3A_674 = arith.constant 2 : i32
      %add3A_675 = arith.addi %mul3A_356, %add3A_674 : i32
      %swap3A_676 = arith.index_cast %add3A_675 : i32 to index
      %swap3A_677 = arith.constant 96 : index
      %swap3A_678 = tpu.vector_load %arg13[%swap3A_676, %swap3A_677] {strides = array<i32>} : memref<80x128xf32, #tpu.memory_space<vmem>>, vector<16xf32>,
      tpu.vector_store %arg13[%swap3A_676, %swap3A_677], %mul3A_673 {strides = array<i32>} : memref<80x128xf32, #tpu.memory_space<vmem>>, vector<16xf32>,
      %add3A_679 = arith.constant 2 : i32
      %add3A_680 = arith.addi %mul3A_356, %add3A_679 : i32
      %get3A_681 = arith.index_cast %add3A_680 : i32 to index
      %get3A_682 = arith.constant 112 : index
      %get3A_683 = tpu.vector_load %arg13[%get3A_681, %get3A_682] {strides = array<i32>} : memref<80x128xf32, #tpu.memory_space<vmem>>, vector<16xf32>,
      %mul3A_684 = vector.broadcast %squeeze3A_372 : f32 to vector<16xf32>
      %mul3A_685 = arith.mulf %get3A_683, %mul3A_684 : vector<16xf32>
      %add3A_686 = arith.constant 2 : i32
      %add3A_687 = arith.addi %mul3A_356, %add3A_686 : i32
      %swap3A_688 = arith.index_cast %add3A_687 : i32 to index
      %swap3A_689 = arith.constant 112 : index
      %swap3A_690 = tpu.vector_load %arg13[%swap3A_688, %swap3A_689] {strides = array<i32>} : memref<80x128xf32, #tpu.memory_space<vmem>>, vector<16xf32>,
      tpu.vector_store %arg13[%swap3A_688, %swap3A_689], %mul3A_685 {strides = array<i32>} : memref<80x128xf32, #tpu.memory_space<vmem>>, vector<16xf32>,
      %add3A_691 = arith.constant 3 : i32
      %add3A_692 = arith.addi %mul3A_356, %add3A_691 : i32
      %get3A_693 = arith.index_cast %add3A_692 : i32 to index
      %get3A_694 = arith.constant 0 : index
      %get3A_695 = tpu.vector_load %arg13[%get3A_693, %get3A_694] {strides = array<i32>} : memref<80x128xf32, #tpu.memory_space<vmem>>, vector<16xf32>,
      %mul3A_696 = vector.broadcast %squeeze3A_378 : f32 to vector<16xf32>
      %mul3A_697 = arith.mulf %get3A_695, %mul3A_696 : vector<16xf32>
      %add3A_698 = arith.constant 3 : i32
      %add3A_699 = arith.addi %mul3A_356, %add3A_698 : i32
      %swap3A_700 = arith.index_cast %add3A_699 : i32 to index
      %swap3A_701 = arith.constant 0 : index
      %swap3A_702 = tpu.vector_load %arg13[%swap3A_700, %swap3A_701] {strides = array<i32>} : memref<80x128xf32, #tpu.memory_space<vmem>>, vector<16xf32>,
      tpu.vector_store %arg13[%swap3A_700, %swap3A_701], %mul3A_697 {strides = array<i32>} : memref<80x128xf32, #tpu.memory_space<vmem>>, vector<16xf32>,
      %add3A_703 = arith.constant 3 : i32
      %add3A_704 = arith.addi %mul3A_356, %add3A_703 : i32
      %get3A_705 = arith.index_cast %add3A_704 : i32 to index
      %get3A_706 = arith.constant 16 : index
      %get3A_707 = tpu.vector_load %arg13[%get3A_705, %get3A_706] {strides = array<i32>} : memref<80x128xf32, #tpu.memory_space<vmem>>, vector<16xf32>,
      %mul3A_708 = vector.broadcast %squeeze3A_378 : f32 to vector<16xf32>
      %mul3A_709 = arith.mulf %get3A_707, %mul3A_708 : vector<16xf32>
      %add3A_710 = arith.constant 3 : i32
      %add3A_711 = arith.addi %mul3A_356, %add3A_710 : i32
      %swap3A_712 = arith.index_cast %add3A_711 : i32 to index
      %swap3A_713 = arith.constant 16 : index
      %swap3A_714 = tpu.vector_load %arg13[%swap3A_712, %swap3A_713] {strides = array<i32>} : memref<80x128xf32, #tpu.memory_space<vmem>>, vector<16xf32>,
      tpu.vector_store %arg13[%swap3A_712, %swap3A_713], %mul3A_709 {strides = array<i32>} : memref<80x128xf32, #tpu.memory_space<vmem>>, vector<16xf32>,
      %add3A_715 = arith.constant 3 : i32
      %add3A_716 = arith.addi %mul3A_356, %add3A_715 : i32
      %get3A_717 = arith.index_cast %add3A_716 : i32 to index
      %get3A_718 = arith.constant 32 : index
      %get3A_719 = tpu.vector_load %arg13[%get3A_717, %get3A_718] {strides = array<i32>} : memref<80x128xf32, #tpu.memory_space<vmem>>, vector<16xf32>,
      %mul3A_720 = vector.broadcast %squeeze3A_378 : f32 to vector<16xf32>
      %mul3A_721 = arith.mulf %get3A_719, %mul3A_720 : vector<16xf32>
      %add3A_722 = arith.constant 3 : i32
      %add3A_723 = arith.addi %mul3A_356, %add3A_722 : i32
      %swap3A_724 = arith.index_cast %add3A_723 : i32 to index
      %swap3A_725 = arith.constant 32 : index
      %swap3A_726 = tpu.vector_load %arg13[%swap3A_724, %swap3A_725] {strides = array<i32>} : memref<80x128xf32, #tpu.memory_space<vmem>>, vector<16xf32>,
      tpu.vector_store %arg13[%swap3A_724, %swap3A_725], %mul3A_721 {strides = array<i32>} : memref<80x128xf32, #tpu.memory_space<vmem>>, vector<16xf32>,
      %add3A_727 = arith.constant 3 : i32
      %add3A_728 = arith.addi %mul3A_356, %add3A_727 : i32
      %get3A_729 = arith.index_cast %add3A_728 : i32 to index
      %get3A_730 = arith.constant 48 : index
      %get3A_731 = tpu.vector_load %arg13[%get3A_729, %get3A_730] {strides = array<i32>} : memref<80x128xf32, #tpu.memory_space<vmem>>, vector<16xf32>,
      %mul3A_732 = vector.broadcast %squeeze3A_378 : f32 to vector<16xf32>
      %mul3A_733 = arith.mulf %get3A_731, %mul3A_732 : vector<16xf32>
      %add3A_734 = arith.constant 3 : i32
      %add3A_735 = arith.addi %mul3A_356, %add3A_734 : i32
      %swap3A_736 = arith.index_cast %add3A_735 : i32 to index
      %swap3A_737 = arith.constant 48 : index
      %swap3A_738 = tpu.vector_load %arg13[%swap3A_736, %swap3A_737] {strides = array<i32>} : memref<80x128xf32, #tpu.memory_space<vmem>>, vector<16xf32>,
      tpu.vector_store %arg13[%swap3A_736, %swap3A_737], %mul3A_733 {strides = array<i32>} : memref<80x128xf32, #tpu.memory_space<vmem>>, vector<16xf32>,
      %add3A_739 = arith.constant 3 : i32
      %add3A_740 = arith.addi %mul3A_356, %add3A_739 : i32
      %get3A_741 = arith.index_cast %add3A_740 : i32 to index
      %get3A_742 = arith.constant 64 : index
      %get3A_743 = tpu.vector_load %arg13[%get3A_741, %get3A_742] {strides = array<i32>} : memref<80x128xf32, #tpu.memory_space<vmem>>, vector<16xf32>,
      %mul3A_744 = vector.broadcast %squeeze3A_378 : f32 to vector<16xf32>
      %mul3A_745 = arith.mulf %get3A_743, %mul3A_744 : vector<16xf32>
      %add3A_746 = arith.constant 3 : i32
      %add3A_747 = arith.addi %mul3A_356, %add3A_746 : i32
      %swap3A_748 = arith.index_cast %add3A_747 : i32 to index
      %swap3A_749 = arith.constant 64 : index
      %swap3A_750 = tpu.vector_load %arg13[%swap3A_748, %swap3A_749] {strides = array<i32>} : memref<80x128xf32, #tpu.memory_space<vmem>>, vector<16xf32>,
      tpu.vector_store %arg13[%swap3A_748, %swap3A_749], %mul3A_745 {strides = array<i32>} : memref<80x128xf32, #tpu.memory_space<vmem>>, vector<16xf32>,
      %add3A_751 = arith.constant 3 : i32
      %add3A_752 = arith.addi %mul3A_356, %add3A_751 : i32
      %get3A_753 = arith.index_cast %add3A_752 : i32 to index
      %get3A_754 = arith.constant 80 : index
      %get3A_755 = tpu.vector_load %arg13[%get3A_753, %get3A_754] {strides = array<i32>} : memref<80x128xf32, #tpu.memory_space<vmem>>, vector<16xf32>,
      %mul3A_756 = vector.broadcast %squeeze3A_378 : f32 to vector<16xf32>
      %mul3A_757 = arith.mulf %get3A_755, %mul3A_756 : vector<16xf32>
      %add3A_758 = arith.constant 3 : i32
      %add3A_759 = arith.addi %mul3A_356, %add3A_758 : i32
      %swap3A_760 = arith.index_cast %add3A_759 : i32 to index
      %swap3A_761 = arith.constant 80 : index
      %swap3A_762 = tpu.vector_load %arg13[%swap3A_760, %swap3A_761] {strides = array<i32>} : memref<80x128xf32, #tpu.memory_space<vmem>>, vector<16xf32>,
      tpu.vector_store %arg13[%swap3A_760, %swap3A_761], %mul3A_757 {strides = array<i32>} : memref<80x128xf32, #tpu.memory_space<vmem>>, vector<16xf32>,
      %add3A_763 = arith.constant 3 : i32
      %add3A_764 = arith.addi %mul3A_356, %add3A_763 : i32
      %get3A_765 = arith.index_cast %add3A_764 : i32 to index
      %get3A_766 = arith.constant 96 : index
      %get3A_767 = tpu.vector_load %arg13[%get3A_765, %get3A_766] {strides = array<i32>} : memref<80x128xf32, #tpu.memory_space<vmem>>, vector<16xf32>,
      %mul3A_768 = vector.broadcast %squeeze3A_378 : f32 to vector<16xf32>
      %mul3A_769 = arith.mulf %get3A_767, %mul3A_768 : vector<16xf32>
      %add3A_770 = arith.constant 3 : i32
      %add3A_771 = arith.addi %mul3A_356, %add3A_770 : i32
      %swap3A_772 = arith.index_cast %add3A_771 : i32 to index
      %swap3A_773 = arith.constant 96 : index
      %swap3A_774 = tpu.vector_load %arg13[%swap3A_772, %swap3A_773] {strides = array<i32>} : memref<80x128xf32, #tpu.memory_space<vmem>>, vector<16xf32>,
      tpu.vector_store %arg13[%swap3A_772, %swap3A_773], %mul3A_769 {strides = array<i32>} : memref<80x128xf32, #tpu.memory_space<vmem>>, vector<16xf32>,
      %add3A_775 = arith.constant 3 : i32
      %add3A_776 = arith.addi %mul3A_356, %add3A_775 : i32
      %get3A_777 = arith.index_cast %add3A_776 : i32 to index
      %get3A_778 = arith.constant 112 : index
      %get3A_779 = tpu.vector_load %arg13[%get3A_777, %get3A_778] {strides = array<i32>} : memref<80x128xf32, #tpu.memory_space<vmem>>, vector<16xf32>,
      %mul3A_780 = vector.broadcast %squeeze3A_378 : f32 to vector<16xf32>
      %mul3A_781 = arith.mulf %get3A_779, %mul3A_780 : vector<16xf32>
      %add3A_782 = arith.constant 3 : i32
      %add3A_783 = arith.addi %mul3A_356, %add3A_782 : i32
      %swap3A_784 = arith.index_cast %add3A_783 : i32 to index
      %swap3A_785 = arith.constant 112 : index
      %swap3A_786 = tpu.vector_load %arg13[%swap3A_784, %swap3A_785] {strides = array<i32>} : memref<80x128xf32, #tpu.memory_space<vmem>>, vector<16xf32>,
      tpu.vector_store %arg13[%swap3A_784, %swap3A_785], %mul3A_781 {strides = array<i32>} : memref<80x128xf32, #tpu.memory_space<vmem>>, vector<16xf32>,
      %add3A_787 = arith.constant 4 : i32
      %add3A_788 = arith.addi %mul3A_356, %add3A_787 : i32
      %get3A_789 = arith.index_cast %add3A_788 : i32 to index
      %get3A_790 = arith.constant 0 : index
      %get3A_791 = tpu.vector_load %arg13[%get3A_789, %get3A_790] {strides = array<i32>} : memref<80x128xf32, #tpu.memory_space<vmem>>, vector<16xf32>,
      %mul3A_792 = vector.broadcast %squeeze3A_384 : f32 to vector<16xf32>
      %mul3A_793 = arith.mulf %get3A_791, %mul3A_792 : vector<16xf32>
      %add3A_794 = arith.constant 4 : i32
      %add3A_795 = arith.addi %mul3A_356, %add3A_794 : i32
      %swap3A_796 = arith.index_cast %add3A_795 : i32 to index
      %swap3A_797 = arith.constant 0 : index
      %swap3A_798 = tpu.vector_load %arg13[%swap3A_796, %swap3A_797] {strides = array<i32>} : memref<80x128xf32, #tpu.memory_space<vmem>>, vector<16xf32>,
      tpu.vector_store %arg13[%swap3A_796, %swap3A_797], %mul3A_793 {strides = array<i32>} : memref<80x128xf32, #tpu.memory_space<vmem>>, vector<16xf32>,
      %add3A_799 = arith.constant 4 : i32
      %add3A_800 = arith.addi %mul3A_356, %add3A_799 : i32
      %get3A_801 = arith.index_cast %add3A_800 : i32 to index
      %get3A_802 = arith.constant 16 : index
      %get3A_803 = tpu.vector_load %arg13[%get3A_801, %get3A_802] {strides = array<i32>} : memref<80x128xf32, #tpu.memory_space<vmem>>, vector<16xf32>,
      %mul3A_804 = vector.broadcast %squeeze3A_384 : f32 to vector<16xf32>
      %mul3A_805 = arith.mulf %get3A_803, %mul3A_804 : vector<16xf32>
      %add3A_806 = arith.constant 4 : i32
      %add3A_807 = arith.addi %mul3A_356, %add3A_806 : i32
      %swap3A_808 = arith.index_cast %add3A_807 : i32 to index
      %swap3A_809 = arith.constant 16 : index
      %swap3A_810 = tpu.vector_load %arg13[%swap3A_808, %swap3A_809] {strides = array<i32>} : memref<80x128xf32, #tpu.memory_space<vmem>>, vector<16xf32>,
      tpu.vector_store %arg13[%swap3A_808, %swap3A_809], %mul3A_805 {strides = array<i32>} : memref<80x128xf32, #tpu.memory_space<vmem>>, vector<16xf32>,
      %add3A_811 = arith.constant 4 : i32
      %add3A_812 = arith.addi %mul3A_356, %add3A_811 : i32
      %get3A_813 = arith.index_cast %add3A_812 : i32 to index
      %get3A_814 = arith.constant 32 : index
      %get3A_815 = tpu.vector_load %arg13[%get3A_813, %get3A_814] {strides = array<i32>} : memref<80x128xf32, #tpu.memory_space<vmem>>, vector<16xf32>,
      %mul3A_816 = vector.broadcast %squeeze3A_384 : f32 to vector<16xf32>
      %mul3A_817 = arith.mulf %get3A_815, %mul3A_816 : vector<16xf32>
      %add3A_818 = arith.constant 4 : i32
      %add3A_819 = arith.addi %mul3A_356, %add3A_818 : i32
      %swap3A_820 = arith.index_cast %add3A_819 : i32 to index
      %swap3A_821 = arith.constant 32 : index
      %swap3A_822 = tpu.vector_load %arg13[%swap3A_820, %swap3A_821] {strides = array<i32>} : memref<80x128xf32, #tpu.memory_space<vmem>>, vector<16xf32>,
      tpu.vector_store %arg13[%swap3A_820, %swap3A_821], %mul3A_817 {strides = array<i32>} : memref<80x128xf32, #tpu.memory_space<vmem>>, vector<16xf32>,
      %add3A_823 = arith.constant 4 : i32
      %add3A_824 = arith.addi %mul3A_356, %add3A_823 : i32
      %get3A_825 = arith.index_cast %add3A_824 : i32 to index
      %get3A_826 = arith.constant 48 : index
      %get3A_827 = tpu.vector_load %arg13[%get3A_825, %get3A_826] {strides = array<i32>} : memref<80x128xf32, #tpu.memory_space<vmem>>, vector<16xf32>,
      %mul3A_828 = vector.broadcast %squeeze3A_384 : f32 to vector<16xf32>
      %mul3A_829 = arith.mulf %get3A_827, %mul3A_828 : vector<16xf32>
      %add3A_830 = arith.constant 4 : i32
      %add3A_831 = arith.addi %mul3A_356, %add3A_830 : i32
      %swap3A_832 = arith.index_cast %add3A_831 : i32 to index
      %swap3A_833 = arith.constant 48 : index
      %swap3A_834 = tpu.vector_load %arg13[%swap3A_832, %swap3A_833] {strides = array<i32>} : memref<80x128xf32, #tpu.memory_space<vmem>>, vector<16xf32>,
      tpu.vector_store %arg13[%swap3A_832, %swap3A_833], %mul3A_829 {strides = array<i32>} : memref<80x128xf32, #tpu.memory_space<vmem>>, vector<16xf32>,
      %add3A_835 = arith.constant 4 : i32
      %add3A_836 = arith.addi %mul3A_356, %add3A_835 : i32
      %get3A_837 = arith.index_cast %add3A_836 : i32 to index
      %get3A_838 = arith.constant 64 : index
      %get3A_839 = tpu.vector_load %arg13[%get3A_837, %get3A_838] {strides = array<i32>} : memref<80x128xf32, #tpu.memory_space<vmem>>, vector<16xf32>,
      %mul3A_840 = vector.broadcast %squeeze3A_384 : f32 to vector<16xf32>
      %mul3A_841 = arith.mulf %get3A_839, %mul3A_840 : vector<16xf32>
      %add3A_842 = arith.constant 4 : i32
      %add3A_843 = arith.addi %mul3A_356, %add3A_842 : i32
      %swap3A_844 = arith.index_cast %add3A_843 : i32 to index
      %swap3A_845 = arith.constant 64 : index
      %swap3A_846 = tpu.vector_load %arg13[%swap3A_844, %swap3A_845] {strides = array<i32>} : memref<80x128xf32, #tpu.memory_space<vmem>>, vector<16xf32>,
      tpu.vector_store %arg13[%swap3A_844, %swap3A_845], %mul3A_841 {strides = array<i32>} : memref<80x128xf32, #tpu.memory_space<vmem>>, vector<16xf32>,
      %add3A_847 = arith.constant 4 : i32
      %add3A_848 = arith.addi %mul3A_356, %add3A_847 : i32
      %get3A_849 = arith.index_cast %add3A_848 : i32 to index
      %get3A_850 = arith.constant 80 : index
      %get3A_851 = tpu.vector_load %arg13[%get3A_849, %get3A_850] {strides = array<i32>} : memref<80x128xf32, #tpu.memory_space<vmem>>, vector<16xf32>,
      %mul3A_852 = vector.broadcast %squeeze3A_384 : f32 to vector<16xf32>
      %mul3A_853 = arith.mulf %get3A_851, %mul3A_852 : vector<16xf32>
      %add3A_854 = arith.constant 4 : i32
      %add3A_855 = arith.addi %mul3A_356, %add3A_854 : i32
      %swap3A_856 = arith.index_cast %add3A_855 : i32 to index
      %swap3A_857 = arith.constant 80 : index
      %swap3A_858 = tpu.vector_load %arg13[%swap3A_856, %swap3A_857] {strides = array<i32>} : memref<80x128xf32, #tpu.memory_space<vmem>>, vector<16xf32>,
      tpu.vector_store %arg13[%swap3A_856, %swap3A_857], %mul3A_853 {strides = array<i32>} : memref<80x128xf32, #tpu.memory_space<vmem>>, vector<16xf32>,
      %add3A_859 = arith.constant 4 : i32
      %add3A_860 = arith.addi %mul3A_356, %add3A_859 : i32
      %get3A_861 = arith.index_cast %add3A_860 : i32 to index
      %get3A_862 = arith.constant 96 : index
      %get3A_863 = tpu.vector_load %arg13[%get3A_861, %get3A_862] {strides = array<i32>} : memref<80x128xf32, #tpu.memory_space<vmem>>, vector<16xf32>,
      %mul3A_864 = vector.broadcast %squeeze3A_384 : f32 to vector<16xf32>
      %mul3A_865 = arith.mulf %get3A_863, %mul3A_864 : vector<16xf32>
      %add3A_866 = arith.constant 4 : i32
      %add3A_867 = arith.addi %mul3A_356, %add3A_866 : i32
      %swap3A_868 = arith.index_cast %add3A_867 : i32 to index
      %swap3A_869 = arith.constant 96 : index
      %swap3A_870 = tpu.vector_load %arg13[%swap3A_868, %swap3A_869] {strides = array<i32>} : memref<80x128xf32, #tpu.memory_space<vmem>>, vector<16xf32>,
      tpu.vector_store %arg13[%swap3A_868, %swap3A_869], %mul3A_865 {strides = array<i32>} : memref<80x128xf32, #tpu.memory_space<vmem>>, vector<16xf32>,
      %add3A_871 = arith.constant 4 : i32
      %add3A_872 = arith.addi %mul3A_356, %add3A_871 : i32
      %get3A_873 = arith.index_cast %add3A_872 : i32 to index
      %get3A_874 = arith.constant 112 : index
      %get3A_875 = tpu.vector_load %arg13[%get3A_873, %get3A_874] {strides = array<i32>} : memref<80x128xf32, #tpu.memory_space<vmem>>, vector<16xf32>,
      %mul3A_876 = vector.broadcast %squeeze3A_384 : f32 to vector<16xf32>
      %mul3A_877 = arith.mulf %get3A_875, %mul3A_876 : vector<16xf32>
      %add3A_878 = arith.constant 4 : i32
      %add3A_879 = arith.addi %mul3A_356, %add3A_878 : i32
      %swap3A_880 = arith.index_cast %add3A_879 : i32 to index
      %swap3A_881 = arith.constant 112 : index
      %swap3A_882 = tpu.vector_load %arg13[%swap3A_880, %swap3A_881] {strides = array<i32>} : memref<80x128xf32, #tpu.memory_space<vmem>>, vector<16xf32>,
      tpu.vector_store %arg13[%swap3A_880, %swap3A_881], %mul3A_877 {strides = array<i32>} : memref<80x128xf32, #tpu.memory_space<vmem>>, vector<16xf32>,
      %add3A_883 = arith.constant 5 : i32
      %add3A_884 = arith.addi %mul3A_356, %add3A_883 : i32
      %get3A_885 = arith.index_cast %add3A_884 : i32 to index
      %get3A_886 = arith.constant 0 : index
      %get3A_887 = tpu.vector_load %arg13[%get3A_885, %get3A_886] {strides = array<i32>} : memref<80x128xf32, #tpu.memory_space<vmem>>, vector<16xf32>,
      %mul3A_888 = vector.broadcast %squeeze3A_390 : f32 to vector<16xf32>
      %mul3A_889 = arith.mulf %get3A_887, %mul3A_888 : vector<16xf32>
      %add3A_890 = arith.constant 5 : i32
      %add3A_891 = arith.addi %mul3A_356, %add3A_890 : i32
      %swap3A_892 = arith.index_cast %add3A_891 : i32 to index
      %swap3A_893 = arith.constant 0 : index
      %swap3A_894 = tpu.vector_load %arg13[%swap3A_892, %swap3A_893] {strides = array<i32>} : memref<80x128xf32, #tpu.memory_space<vmem>>, vector<16xf32>,
      tpu.vector_store %arg13[%swap3A_892, %swap3A_893], %mul3A_889 {strides = array<i32>} : memref<80x128xf32, #tpu.memory_space<vmem>>, vector<16xf32>,
      %add3A_895 = arith.constant 5 : i32
      %add3A_896 = arith.addi %mul3A_356, %add3A_895 : i32
      %get3A_897 = arith.index_cast %add3A_896 : i32 to index
      %get3A_898 = arith.constant 16 : index
      %get3A_899 = tpu.vector_load %arg13[%get3A_897, %get3A_898] {strides = array<i32>} : memref<80x128xf32, #tpu.memory_space<vmem>>, vector<16xf32>,
      %mul3A_900 = vector.broadcast %squeeze3A_390 : f32 to vector<16xf32>
      %mul3A_901 = arith.mulf %get3A_899, %mul3A_900 : vector<16xf32>
      %add3A_902 = arith.constant 5 : i32
      %add3A_903 = arith.addi %mul3A_356, %add3A_902 : i32
      %swap3A_904 = arith.index_cast %add3A_903 : i32 to index
      %swap3A_905 = arith.constant 16 : index
      %swap3A_906 = tpu.vector_load %arg13[%swap3A_904, %swap3A_905] {strides = array<i32>} : memref<80x128xf32, #tpu.memory_space<vmem>>, vector<16xf32>,
      tpu.vector_store %arg13[%swap3A_904, %swap3A_905], %mul3A_901 {strides = array<i32>} : memref<80x128xf32, #tpu.memory_space<vmem>>, vector<16xf32>,
      %add3A_907 = arith.constant 5 : i32
      %add3A_908 = arith.addi %mul3A_356, %add3A_907 : i32
      %get3A_909 = arith.index_cast %add3A_908 : i32 to index
      %get3A_910 = arith.constant 32 : index
      %get3A_911 = tpu.vector_load %arg13[%get3A_909, %get3A_910] {strides = array<i32>} : memref<80x128xf32, #tpu.memory_space<vmem>>, vector<16xf32>,
      %mul3A_912 = vector.broadcast %squeeze3A_390 : f32 to vector<16xf32>
      %mul3A_913 = arith.mulf %get3A_911, %mul3A_912 : vector<16xf32>
      %add3A_914 = arith.constant 5 : i32
      %add3A_915 = arith.addi %mul3A_356, %add3A_914 : i32
      %swap3A_916 = arith.index_cast %add3A_915 : i32 to index
      %swap3A_917 = arith.constant 32 : index
      %swap3A_918 = tpu.vector_load %arg13[%swap3A_916, %swap3A_917] {strides = array<i32>} : memref<80x128xf32, #tpu.memory_space<vmem>>, vector<16xf32>,
      tpu.vector_store %arg13[%swap3A_916, %swap3A_917], %mul3A_913 {strides = array<i32>} : memref<80x128xf32, #tpu.memory_space<vmem>>, vector<16xf32>,
      %add3A_919 = arith.constant 5 : i32
      %add3A_920 = arith.addi %mul3A_356, %add3A_919 : i32
      %get3A_921 = arith.index_cast %add3A_920 : i32 to index
      %get3A_922 = arith.constant 48 : index
      %get3A_923 = tpu.vector_load %arg13[%get3A_921, %get3A_922] {strides = array<i32>} : memref<80x128xf32, #tpu.memory_space<vmem>>, vector<16xf32>,
      %mul3A_924 = vector.broadcast %squeeze3A_390 : f32 to vector<16xf32>
      %mul3A_925 = arith.mulf %get3A_923, %mul3A_924 : vector<16xf32>
      %add3A_926 = arith.constant 5 : i32
      %add3A_927 = arith.addi %mul3A_356, %add3A_926 : i32
      %swap3A_928 = arith.index_cast %add3A_927 : i32 to index
      %swap3A_929 = arith.constant 48 : index
      %swap3A_930 = tpu.vector_load %arg13[%swap3A_928, %swap3A_929] {strides = array<i32>} : memref<80x128xf32, #tpu.memory_space<vmem>>, vector<16xf32>,
      tpu.vector_store %arg13[%swap3A_928, %swap3A_929], %mul3A_925 {strides = array<i32>} : memref<80x128xf32, #tpu.memory_space<vmem>>, vector<16xf32>,
      %add3A_931 = arith.constant 5 : i32
      %add3A_932 = arith.addi %mul3A_356, %add3A_931 : i32
      %get3A_933 = arith.index_cast %add3A_932 : i32 to index
      %get3A_934 = arith.constant 64 : index
      %get3A_935 = tpu.vector_load %arg13[%get3A_933, %get3A_934] {strides = array<i32>} : memref<80x128xf32, #tpu.memory_space<vmem>>, vector<16xf32>,
      %mul3A_936 = vector.broadcast %squeeze3A_390 : f32 to vector<16xf32>
      %mul3A_937 = arith.mulf %get3A_935, %mul3A_936 : vector<16xf32>
      %add3A_938 = arith.constant 5 : i32
      %add3A_939 = arith.addi %mul3A_356, %add3A_938 : i32
      %swap3A_940 = arith.index_cast %add3A_939 : i32 to index
      %swap3A_941 = arith.constant 64 : index
      %swap3A_942 = tpu.vector_load %arg13[%swap3A_940, %swap3A_941] {strides = array<i32>} : memref<80x128xf32, #tpu.memory_space<vmem>>, vector<16xf32>,
      tpu.vector_store %arg13[%swap3A_940, %swap3A_941], %mul3A_937 {strides = array<i32>} : memref<80x128xf32, #tpu.memory_space<vmem>>, vector<16xf32>,
      %add3A_943 = arith.constant 5 : i32
      %add3A_944 = arith.addi %mul3A_356, %add3A_943 : i32
      %get3A_945 = arith.index_cast %add3A_944 : i32 to index
      %get3A_946 = arith.constant 80 : index
      %get3A_947 = tpu.vector_load %arg13[%get3A_945, %get3A_946] {strides = array<i32>} : memref<80x128xf32, #tpu.memory_space<vmem>>, vector<16xf32>,
      %mul3A_948 = vector.broadcast %squeeze3A_390 : f32 to vector<16xf32>
      %mul3A_949 = arith.mulf %get3A_947, %mul3A_948 : vector<16xf32>
      %add3A_950 = arith.constant 5 : i32
      %add3A_951 = arith.addi %mul3A_356, %add3A_950 : i32
      %swap3A_952 = arith.index_cast %add3A_951 : i32 to index
      %swap3A_953 = arith.constant 80 : index
      %swap3A_954 = tpu.vector_load %arg13[%swap3A_952, %swap3A_953] {strides = array<i32>} : memref<80x128xf32, #tpu.memory_space<vmem>>, vector<16xf32>,
      tpu.vector_store %arg13[%swap3A_952, %swap3A_953], %mul3A_949 {strides = array<i32>} : memref<80x128xf32, #tpu.memory_space<vmem>>, vector<16xf32>,
      %add3A_955 = arith.constant 5 : i32
      %add3A_956 = arith.addi %mul3A_356, %add3A_955 : i32
      %get3A_957 = arith.index_cast %add3A_956 : i32 to index
      %get3A_958 = arith.constant 96 : index
      %get3A_959 = tpu.vector_load %arg13[%get3A_957, %get3A_958] {strides = array<i32>} : memref<80x128xf32, #tpu.memory_space<vmem>>, vector<16xf32>,
      %mul3A_960 = vector.broadcast %squeeze3A_390 : f32 to vector<16xf32>
      %mul3A_961 = arith.mulf %get3A_959, %mul3A_960 : vector<16xf32>
      %add3A_962 = arith.constant 5 : i32
      %add3A_963 = arith.addi %mul3A_356, %add3A_962 : i32
      %swap3A_964 = arith.index_cast %add3A_963 : i32 to index
      %swap3A_965 = arith.constant 96 : index
      %swap3A_966 = tpu.vector_load %arg13[%swap3A_964, %swap3A_965] {strides = array<i32>} : memref<80x128xf32, #tpu.memory_space<vmem>>, vector<16xf32>,
      tpu.vector_store %arg13[%swap3A_964, %swap3A_965], %mul3A_961 {strides = array<i32>} : memref<80x128xf32, #tpu.memory_space<vmem>>, vector<16xf32>,
      %add3A_967 = arith.constant 5 : i32
      %add3A_968 = arith.addi %mul3A_356, %add3A_967 : i32
      %get3A_969 = arith.index_cast %add3A_968 : i32 to index
      %get3A_970 = arith.constant 112 : index
      %get3A_971 = tpu.vector_load %arg13[%get3A_969, %get3A_970] {strides = array<i32>} : memref<80x128xf32, #tpu.memory_space<vmem>>, vector<16xf32>,
      %mul3A_972 = vector.broadcast %squeeze3A_390 : f32 to vector<16xf32>
      %mul3A_973 = arith.mulf %get3A_971, %mul3A_972 : vector<16xf32>
      %add3A_974 = arith.constant 5 : i32
      %add3A_975 = arith.addi %mul3A_356, %add3A_974 : i32
      %swap3A_976 = arith.index_cast %add3A_975 : i32 to index
      %swap3A_977 = arith.constant 112 : index
      %swap3A_978 = tpu.vector_load %arg13[%swap3A_976, %swap3A_977] {strides = array<i32>} : memref<80x128xf32, #tpu.memory_space<vmem>>, vector<16xf32>,
      tpu.vector_store %arg13[%swap3A_976, %swap3A_977], %mul3A_973 {strides = array<i32>} : memref<80x128xf32, #tpu.memory_space<vmem>>, vector<16xf32>,
      %add3A_979 = arith.constant 6 : i32
      %add3A_980 = arith.addi %mul3A_356, %add3A_979 : i32
      %get3A_981 = arith.index_cast %add3A_980 : i32 to index
      %get3A_982 = arith.constant 0 : index
      %get3A_983 = tpu.vector_load %arg13[%get3A_981, %get3A_982] {strides = array<i32>} : memref<80x128xf32, #tpu.memory_space<vmem>>, vector<16xf32>,
      %mul3A_984 = vector.broadcast %squeeze3A_396 : f32 to vector<16xf32>
      %mul3A_985 = arith.mulf %get3A_983, %mul3A_984 : vector<16xf32>
      %add3A_986 = arith.constant 6 : i32
      %add3A_987 = arith.addi %mul3A_356, %add3A_986 : i32
      %swap3A_988 = arith.index_cast %add3A_987 : i32 to index
      %swap3A_989 = arith.constant 0 : index
      %swap3A_990 = tpu.vector_load %arg13[%swap3A_988, %swap3A_989] {strides = array<i32>} : memref<80x128xf32, #tpu.memory_space<vmem>>, vector<16xf32>,
      tpu.vector_store %arg13[%swap3A_988, %swap3A_989], %mul3A_985 {strides = array<i32>} : memref<80x128xf32, #tpu.memory_space<vmem>>, vector<16xf32>,
      %add3A_991 = arith.constant 6 : i32
      %add3A_992 = arith.addi %mul3A_356, %add3A_991 : i32
      %get3A_993 = arith.index_cast %add3A_992 : i32 to index
      %get3A_994 = arith.constant 16 : index
      %get3A_995 = tpu.vector_load %arg13[%get3A_993, %get3A_994] {strides = array<i32>} : memref<80x128xf32, #tpu.memory_space<vmem>>, vector<16xf32>,
      %mul3A_996 = vector.broadcast %squeeze3A_396 : f32 to vector<16xf32>
      %mul3A_997 = arith.mulf %get3A_995, %mul3A_996 : vector<16xf32>
      %add3A_998 = arith.constant 6 : i32
      %add3A_999 = arith.addi %mul3A_356, %add3A_998 : i32
      %swap3A_1000 = arith.index_cast %add3A_999 : i32 to index
      %swap3A_1001 = arith.constant 16 : index
      %swap3A_1002 = tpu.vector_load %arg13[%swap3A_1000, %swap3A_1001] {strides = array<i32>} : memref<80x128xf32, #tpu.memory_space<vmem>>, vector<16xf32>,
      tpu.vector_store %arg13[%swap3A_1000, %swap3A_1001], %mul3A_997 {strides = array<i32>} : memref<80x128xf32, #tpu.memory_space<vmem>>, vector<16xf32>,
      %add3A_1003 = arith.constant 6 : i32
      %add3A_1004 = arith.addi %mul3A_356, %add3A_1003 : i32
      %get3A_1005 = arith.index_cast %add3A_1004 : i32 to index
      %get3A_1006 = arith.constant 32 : index
      %get3A_1007 = tpu.vector_load %arg13[%get3A_1005, %get3A_1006] {strides = array<i32>} : memref<80x128xf32, #tpu.memory_space<vmem>>, vector<16xf32>,
      %mul3A_1008 = vector.broadcast %squeeze3A_396 : f32 to vector<16xf32>
      %mul3A_1009 = arith.mulf %get3A_1007, %mul3A_1008 : vector<16xf32>
      %add3A_1010 = arith.constant 6 : i32
      %add3A_1011 = arith.addi %mul3A_356, %add3A_1010 : i32
      %swap3A_1012 = arith.index_cast %add3A_1011 : i32 to index
      %swap3A_1013 = arith.constant 32 : index
      %swap3A_1014 = tpu.vector_load %arg13[%swap3A_1012, %swap3A_1013] {strides = array<i32>} : memref<80x128xf32, #tpu.memory_space<vmem>>, vector<16xf32>,
      tpu.vector_store %arg13[%swap3A_1012, %swap3A_1013], %mul3A_1009 {strides = array<i32>} : memref<80x128xf32, #tpu.memory_space<vmem>>, vector<16xf32>,
      %add3A_1015 = arith.constant 6 : i32
      %add3A_1016 = arith.addi %mul3A_356, %add3A_1015 : i32
      %get3A_1017 = arith.index_cast %add3A_1016 : i32 to index
      %get3A_1018 = arith.constant 48 : index
      %get3A_1019 = tpu.vector_load %arg13[%get3A_1017, %get3A_1018] {strides = array<i32>} : memref<80x128xf32, #tpu.memory_space<vmem>>, vector<16xf32>,
      %mul3A_1020 = vector.broadcast %squeeze3A_396 : f32 to vector<16xf32>
      %mul3A_1021 = arith.mulf %get3A_1019, %mul3A_1020 : vector<16xf32>
      %add3A_1022 = arith.constant 6 : i32
      %add3A_1023 = arith.addi %mul3A_356, %add3A_1022 : i32
      %swap3A_1024 = arith.index_cast %add3A_1023 : i32 to index
      %swap3A_1025 = arith.constant 48 : index
      %swap3A_1026 = tpu.vector_load %arg13[%swap3A_1024, %swap3A_1025] {strides = array<i32>} : memref<80x128xf32, #tpu.memory_space<vmem>>, vector<16xf32>,
      tpu.vector_store %arg13[%swap3A_1024, %swap3A_1025], %mul3A_1021 {strides = array<i32>} : memref<80x128xf32, #tpu.memory_space<vmem>>, vector<16xf32>,
      %add3A_1027 = arith.constant 6 : i32
      %add3A_1028 = arith.addi %mul3A_356, %add3A_1027 : i32
      %get3A_1029 = arith.index_cast %add3A_1028 : i32 to index
      %get3A_1030 = arith.constant 64 : index
      %get3A_1031 = tpu.vector_load %arg13[%get3A_1029, %get3A_1030] {strides = array<i32>} : memref<80x128xf32, #tpu.memory_space<vmem>>, vector<16xf32>,
      %mul3A_1032 = vector.broadcast %squeeze3A_396 : f32 to vector<16xf32>
      %mul3A_1033 = arith.mulf %get3A_1031, %mul3A_1032 : vector<16xf32>
      %add3A_1034 = arith.constant 6 : i32
      %add3A_1035 = arith.addi %mul3A_356, %add3A_1034 : i32
      %swap3A_1036 = arith.index_cast %add3A_1035 : i32 to index
      %swap3A_1037 = arith.constant 64 : index
      %swap3A_1038 = tpu.vector_load %arg13[%swap3A_1036, %swap3A_1037] {strides = array<i32>} : memref<80x128xf32, #tpu.memory_space<vmem>>, vector<16xf32>,
      tpu.vector_store %arg13[%swap3A_1036, %swap3A_1037], %mul3A_1033 {strides = array<i32>} : memref<80x128xf32, #tpu.memory_space<vmem>>, vector<16xf32>,
      %add3A_1039 = arith.constant 6 : i32
      %add3A_1040 = arith.addi %mul3A_356, %add3A_1039 : i32
      %get3A_1041 = arith.index_cast %add3A_1040 : i32 to index
      %get3A_1042 = arith.constant 80 : index
      %get3A_1043 = tpu.vector_load %arg13[%get3A_1041, %get3A_1042] {strides = array<i32>} : memref<80x128xf32, #tpu.memory_space<vmem>>, vector<16xf32>,
      %mul3A_1044 = vector.broadcast %squeeze3A_396 : f32 to vector<16xf32>
      %mul3A_1045 = arith.mulf %get3A_1043, %mul3A_1044 : vector<16xf32>
      %add3A_1046 = arith.constant 6 : i32
      %add3A_1047 = arith.addi %mul3A_356, %add3A_1046 : i32
      %swap3A_1048 = arith.index_cast %add3A_1047 : i32 to index
      %swap3A_1049 = arith.constant 80 : index
      %swap3A_1050 = tpu.vector_load %arg13[%swap3A_1048, %swap3A_1049] {strides = array<i32>} : memref<80x128xf32, #tpu.memory_space<vmem>>, vector<16xf32>,
      tpu.vector_store %arg13[%swap3A_1048, %swap3A_1049], %mul3A_1045 {strides = array<i32>} : memref<80x128xf32, #tpu.memory_space<vmem>>, vector<16xf32>,
      %add3A_1051 = arith.constant 6 : i32
      %add3A_1052 = arith.addi %mul3A_356, %add3A_1051 : i32
      %get3A_1053 = arith.index_cast %add3A_1052 : i32 to index
      %get3A_1054 = arith.constant 96 : index
      %get3A_1055 = tpu.vector_load %arg13[%get3A_1053, %get3A_1054] {strides = array<i32>} : memref<80x128xf32, #tpu.memory_space<vmem>>, vector<16xf32>,
      %mul3A_1056 = vector.broadcast %squeeze3A_396 : f32 to vector<16xf32>
      %mul3A_1057 = arith.mulf %get3A_1055, %mul3A_1056 : vector<16xf32>
      %add3A_1058 = arith.constant 6 : i32
      %add3A_1059 = arith.addi %mul3A_356, %add3A_1058 : i32
      %swap3A_1060 = arith.index_cast %add3A_1059 : i32 to index
      %swap3A_1061 = arith.constant 96 : index
      %swap3A_1062 = tpu.vector_load %arg13[%swap3A_1060, %swap3A_1061] {strides = array<i32>} : memref<80x128xf32, #tpu.memory_space<vmem>>, vector<16xf32>,
      tpu.vector_store %arg13[%swap3A_1060, %swap3A_1061], %mul3A_1057 {strides = array<i32>} : memref<80x128xf32, #tpu.memory_space<vmem>>, vector<16xf32>,
      %add3A_1063 = arith.constant 6 : i32
      %add3A_1064 = arith.addi %mul3A_356, %add3A_1063 : i32
      %get3A_1065 = arith.index_cast %add3A_1064 : i32 to index
      %get3A_1066 = arith.constant 112 : index
      %get3A_1067 = tpu.vector_load %arg13[%get3A_1065, %get3A_1066] {strides = array<i32>} : memref<80x128xf32, #tpu.memory_space<vmem>>, vector<16xf32>,
      %mul3A_1068 = vector.broadcast %squeeze3A_396 : f32 to vector<16xf32>
      %mul3A_1069 = arith.mulf %get3A_1067, %mul3A_1068 : vector<16xf32>
      %add3A_1070 = arith.constant 6 : i32
      %add3A_1071 = arith.addi %mul3A_356, %add3A_1070 : i32
      %swap3A_1072 = arith.index_cast %add3A_1071 : i32 to index
      %swap3A_1073 = arith.constant 112 : index
      %swap3A_1074 = tpu.vector_load %arg13[%swap3A_1072, %swap3A_1073] {strides = array<i32>} : memref<80x128xf32, #tpu.memory_space<vmem>>, vector<16xf32>,
      tpu.vector_store %arg13[%swap3A_1072, %swap3A_1073], %mul3A_1069 {strides = array<i32>} : memref<80x128xf32, #tpu.memory_space<vmem>>, vector<16xf32>,
      %add3A_1075 = arith.constant 7 : i32
      %add3A_1076 = arith.addi %mul3A_356, %add3A_1075 : i32
      %get3A_1077 = arith.index_cast %add3A_1076 : i32 to index
      %get3A_1078 = arith.constant 0 : index
      %get3A_1079 = tpu.vector_load %arg13[%get3A_1077, %get3A_1078] {strides = array<i32>} : memref<80x128xf32, #tpu.memory_space<vmem>>, vector<16xf32>,
      %mul3A_1080 = vector.broadcast %squeeze3A_402 : f32 to vector<16xf32>
      %mul3A_1081 = arith.mulf %get3A_1079, %mul3A_1080 : vector<16xf32>
      %add3A_1082 = arith.constant 7 : i32
      %add3A_1083 = arith.addi %mul3A_356, %add3A_1082 : i32
      %swap3A_1084 = arith.index_cast %add3A_1083 : i32 to index
      %swap3A_1085 = arith.constant 0 : index
      %swap3A_1086 = tpu.vector_load %arg13[%swap3A_1084, %swap3A_1085] {strides = array<i32>} : memref<80x128xf32, #tpu.memory_space<vmem>>, vector<16xf32>,
      tpu.vector_store %arg13[%swap3A_1084, %swap3A_1085], %mul3A_1081 {strides = array<i32>} : memref<80x128xf32, #tpu.memory_space<vmem>>, vector<16xf32>,
      %add3A_1087 = arith.constant 7 : i32
      %add3A_1088 = arith.addi %mul3A_356, %add3A_1087 : i32
      %get3A_1089 = arith.index_cast %add3A_1088 : i32 to index
      %get3A_1090 = arith.constant 16 : index
      %get3A_1091 = tpu.vector_load %arg13[%get3A_1089, %get3A_1090] {strides = array<i32>} : memref<80x128xf32, #tpu.memory_space<vmem>>, vector<16xf32>,
      %mul3A_1092 = vector.broadcast %squeeze3A_402 : f32 to vector<16xf32>
      %mul3A_1093 = arith.mulf %get3A_1091, %mul3A_1092 : vector<16xf32>
      %add3A_1094 = arith.constant 7 : i32
      %add3A_1095 = arith.addi %mul3A_356, %add3A_1094 : i32
      %swap3A_1096 = arith.index_cast %add3A_1095 : i32 to index
      %swap3A_1097 = arith.constant 16 : index
      %swap3A_1098 = tpu.vector_load %arg13[%swap3A_1096, %swap3A_1097] {strides = array<i32>} : memref<80x128xf32, #tpu.memory_space<vmem>>, vector<16xf32>,
      tpu.vector_store %arg13[%swap3A_1096, %swap3A_1097], %mul3A_1093 {strides = array<i32>} : memref<80x128xf32, #tpu.memory_space<vmem>>, vector<16xf32>,
      %add3A_1099 = arith.constant 7 : i32
      %add3A_1100 = arith.addi %mul3A_356, %add3A_1099 : i32
      %get3A_1101 = arith.index_cast %add3A_1100 : i32 to index
      %get3A_1102 = arith.constant 32 : index
      %get3A_1103 = tpu.vector_load %arg13[%get3A_1101, %get3A_1102] {strides = array<i32>} : memref<80x128xf32, #tpu.memory_space<vmem>>, vector<16xf32>,
      %mul3A_1104 = vector.broadcast %squeeze3A_402 : f32 to vector<16xf32>
      %mul3A_1105 = arith.mulf %get3A_1103, %mul3A_1104 : vector<16xf32>
      %add3A_1106 = arith.constant 7 : i32
      %add3A_1107 = arith.addi %mul3A_356, %add3A_1106 : i32
      %swap3A_1108 = arith.index_cast %add3A_1107 : i32 to index
      %swap3A_1109 = arith.constant 32 : index
      %swap3A_1110 = tpu.vector_load %arg13[%swap3A_1108, %swap3A_1109] {strides = array<i32>} : memref<80x128xf32, #tpu.memory_space<vmem>>, vector<16xf32>,
      tpu.vector_store %arg13[%swap3A_1108, %swap3A_1109], %mul3A_1105 {strides = array<i32>} : memref<80x128xf32, #tpu.memory_space<vmem>>, vector<16xf32>,
      %add3A_1111 = arith.constant 7 : i32
      %add3A_1112 = arith.addi %mul3A_356, %add3A_1111 : i32
      %get3A_1113 = arith.index_cast %add3A_1112 : i32 to index
      %get3A_1114 = arith.constant 48 : index
      %get3A_1115 = tpu.vector_load %arg13[%get3A_1113, %get3A_1114] {strides = array<i32>} : memref<80x128xf32, #tpu.memory_space<vmem>>, vector<16xf32>,
      %mul3A_1116 = vector.broadcast %squeeze3A_402 : f32 to vector<16xf32>
      %mul3A_1117 = arith.mulf %get3A_1115, %mul3A_1116 : vector<16xf32>
      %add3A_1118 = arith.constant 7 : i32
      %add3A_1119 = arith.addi %mul3A_356, %add3A_1118 : i32
      %swap3A_1120 = arith.index_cast %add3A_1119 : i32 to index
      %swap3A_1121 = arith.constant 48 : index
      %swap3A_1122 = tpu.vector_load %arg13[%swap3A_1120, %swap3A_1121] {strides = array<i32>} : memref<80x128xf32, #tpu.memory_space<vmem>>, vector<16xf32>,
      tpu.vector_store %arg13[%swap3A_1120, %swap3A_1121], %mul3A_1117 {strides = array<i32>} : memref<80x128xf32, #tpu.memory_space<vmem>>, vector<16xf32>,
      %add3A_1123 = arith.constant 7 : i32
      %add3A_1124 = arith.addi %mul3A_356, %add3A_1123 : i32
      %get3A_1125 = arith.index_cast %add3A_1124 : i32 to index
      %get3A_1126 = arith.constant 64 : index
      %get3A_1127 = tpu.vector_load %arg13[%get3A_1125, %get3A_1126] {strides = array<i32>} : memref<80x128xf32, #tpu.memory_space<vmem>>, vector<16xf32>,
      %mul3A_1128 = vector.broadcast %squeeze3A_402 : f32 to vector<16xf32>
      %mul3A_1129 = arith.mulf %get3A_1127, %mul3A_1128 : vector<16xf32>
      %add3A_1130 = arith.constant 7 : i32
      %add3A_1131 = arith.addi %mul3A_356, %add3A_1130 : i32
      %swap3A_1132 = arith.index_cast %add3A_1131 : i32 to index
      %swap3A_1133 = arith.constant 64 : index
      %swap3A_1134 = tpu.vector_load %arg13[%swap3A_1132, %swap3A_1133] {strides = array<i32>} : memref<80x128xf32, #tpu.memory_space<vmem>>, vector<16xf32>,
      tpu.vector_store %arg13[%swap3A_1132, %swap3A_1133], %mul3A_1129 {strides = array<i32>} : memref<80x128xf32, #tpu.memory_space<vmem>>, vector<16xf32>,
      %add3A_1135 = arith.constant 7 : i32
      %add3A_1136 = arith.addi %mul3A_356, %add3A_1135 : i32
      %get3A_1137 = arith.index_cast %add3A_1136 : i32 to index
      %get3A_1138 = arith.constant 80 : index
      %get3A_1139 = tpu.vector_load %arg13[%get3A_1137, %get3A_1138] {strides = array<i32>} : memref<80x128xf32, #tpu.memory_space<vmem>>, vector<16xf32>,
      %mul3A_1140 = vector.broadcast %squeeze3A_402 : f32 to vector<16xf32>
      %mul3A_1141 = arith.mulf %get3A_1139, %mul3A_1140 : vector<16xf32>
      %add3A_1142 = arith.constant 7 : i32
      %add3A_1143 = arith.addi %mul3A_356, %add3A_1142 : i32
      %swap3A_1144 = arith.index_cast %add3A_1143 : i32 to index
      %swap3A_1145 = arith.constant 80 : index
      %swap3A_1146 = tpu.vector_load %arg13[%swap3A_1144, %swap3A_1145] {strides = array<i32>} : memref<80x128xf32, #tpu.memory_space<vmem>>, vector<16xf32>,
      tpu.vector_store %arg13[%swap3A_1144, %swap3A_1145], %mul3A_1141 {strides = array<i32>} : memref<80x128xf32, #tpu.memory_space<vmem>>, vector<16xf32>,
      %add3A_1147 = arith.constant 7 : i32
      %add3A_1148 = arith.addi %mul3A_356, %add3A_1147 : i32
      %get3A_1149 = arith.index_cast %add3A_1148 : i32 to index
      %get3A_1150 = arith.constant 96 : index
      %get3A_1151 = tpu.vector_load %arg13[%get3A_1149, %get3A_1150] {strides = array<i32>} : memref<80x128xf32, #tpu.memory_space<vmem>>, vector<16xf32>,
      %mul3A_1152 = vector.broadcast %squeeze3A_402 : f32 to vector<16xf32>
      %mul3A_1153 = arith.mulf %get3A_1151, %mul3A_1152 : vector<16xf32>
      %add3A_1154 = arith.constant 7 : i32
      %add3A_1155 = arith.addi %mul3A_356, %add3A_1154 : i32
      %swap3A_1156 = arith.index_cast %add3A_1155 : i32 to index
      %swap3A_1157 = arith.constant 96 : index
      %swap3A_1158 = tpu.vector_load %arg13[%swap3A_1156, %swap3A_1157] {strides = array<i32>} : memref<80x128xf32, #tpu.memory_space<vmem>>, vector<16xf32>,
      tpu.vector_store %arg13[%swap3A_1156, %swap3A_1157], %mul3A_1153 {strides = array<i32>} : memref<80x128xf32, #tpu.memory_space<vmem>>, vector<16xf32>,
      %add3A_1159 = arith.constant 7 : i32
      %add3A_1160 = arith.addi %mul3A_356, %add3A_1159 : i32
      %get3A_1161 = arith.index_cast %add3A_1160 : i32 to index
      %get3A_1162 = arith.constant 112 : index
      %get3A_1163 = tpu.vector_load %arg13[%get3A_1161, %get3A_1162] {strides = array<i32>} : memref<80x128xf32, #tpu.memory_space<vmem>>, vector<16xf32>,
      %mul3A_1164 = vector.broadcast %squeeze3A_402 : f32 to vector<16xf32>
      %mul3A_1165 = arith.mulf %get3A_1163, %mul3A_1164 : vector<16xf32>
      %add3A_1166 = arith.constant 7 : i32
      %add3A_1167 = arith.addi %mul3A_356, %add3A_1166 : i32
      %swap3A_1168 = arith.index_cast %add3A_1167 : i32 to index
      %swap3A_1169 = arith.constant 112 : index
      %swap3A_1170 = tpu.vector_load %arg13[%swap3A_1168, %swap3A_1169] {strides = array<i32>} : memref<80x128xf32, #tpu.memory_space<vmem>>, vector<16xf32>,
      tpu.vector_store %arg13[%swap3A_1168, %swap3A_1169], %mul3A_1165 {strides = array<i32>} : memref<80x128xf32, #tpu.memory_space<vmem>>, vector<16xf32>,
    }
    %scan3A_312 = arith.constant 10 : i32
    %dma_start3A_313 = arith.constant 0 : i32
    %dma_start3A_314 = arith.constant 0 : i32
    %dma_start3A_315 = tpu.memref_slice %arg19[%dma_start3A_313, %dma_start3A_314] : memref<10000x128xf32, #tpu.memory_space<vmem_shared>> -> memref<10000x128xf32, #tpu.memory_space<vmem_shared>>
    tpu.enqueue_indirect_dma source(%arg13 : memref<80x128xf32, #tpu.memory_space<vmem>>) target(%dma_start3A_315 : memref<10000x128xf32, #tpu.memory_space<vmem_shared>>) offsets(%arg15 : memref<80xi32, #tpu.memory_space<vmem>>) semaphore(%arg25 : memref<!tpu.dma_semaphore, #tpu.memory_space<semaphore_mem>>) {add = true}
    %dma_wait3A_316 = arith.constant 0 : i32
    %dma_wait3A_317 = arith.constant 0 : i32
    %dma_wait3A_318 = tpu.memref_slice %arg2[%dma_wait3A_316, %dma_wait3A_317] : memref<10000x128xf32, #tpu.memory_space<hbm>> -> memref<80x128xf32, #tpu.memory_space<hbm>>
    %dma_wait3A_319 = arith.constant 0 : i32
    %dma_wait3A_320 = arith.constant 0 : i32
    %dma_wait3A_321 = tpu.memref_slice %arg2[%dma_wait3A_319, %dma_wait3A_320] : memref<10000x128xf32, #tpu.memory_space<hbm>> -> memref<80x128xf32, #tpu.memory_space<hbm>>
    tpu.wait_dma2 semaphore(%arg25 : memref<!tpu.dma_semaphore, #tpu.memory_space<semaphore_mem>>) src(%dma_wait3A_321 : memref<80x128xf32, #tpu.memory_space<hbm>>) dst(%arg13 : memref<80x128xf32, #tpu.memory_space<vmem>>)
    %dma_wait3A_322 = arith.constant 0 : i32
    %dma_wait3A_323 = tpu.memref_slice %arg17[%dma_wait3A_322] : memref<96xf32, #tpu.memory_space<vmem>> -> memref<80xf32, #tpu.memory_space<vmem>>
    %dma_wait3A_324 = arith.constant 0 : i32
    %dma_wait3A_325 = tpu.memref_slice %arg4[%dma_wait3A_324] : memref<20000xf32, #tpu.memory_space<hbm>> -> memref<80xf32, #tpu.memory_space<hbm>>
    %dma_wait3A_326 = arith.constant 0 : i32
    %dma_wait3A_327 = tpu.memref_slice %arg17[%dma_wait3A_326] : memref<96xf32, #tpu.memory_space<vmem>> -> memref<80xf32, #tpu.memory_space<vmem>>
    %dma_wait3A_328 = arith.constant 0 : i32
    %dma_wait3A_329 = tpu.memref_slice %arg4[%dma_wait3A_328] : memref<20000xf32, #tpu.memory_space<hbm>> -> memref<80xf32, #tpu.memory_space<hbm>>
    tpu.wait_dma2 semaphore(%arg27 : memref<!tpu.dma_semaphore, #tpu.memory_space<semaphore_mem>>) src(%dma_wait3A_329 : memref<80xf32, #tpu.memory_space<hbm>>) dst(%dma_wait3A_327 : memref<80xf32, #tpu.memory_space<vmem>>)
    %dma_wait3A_330 = arith.constant 0 : i32
    %dma_wait3A_331 = arith.constant 0 : i32
    %dma_wait3A_332 = tpu.memref_slice %arg2[%dma_wait3A_330, %dma_wait3A_331] : memref<10000x128xf32, #tpu.memory_space<hbm>> -> memref<80x128xf32, #tpu.memory_space<hbm>>
    %dma_wait3A_333 = arith.constant 0 : i32
    %dma_wait3A_334 = arith.constant 0 : i32
    %dma_wait3A_335 = tpu.memref_slice %arg2[%dma_wait3A_333, %dma_wait3A_334] : memref<10000x128xf32, #tpu.memory_space<hbm>> -> memref<80x128xf32, #tpu.memory_space<hbm>>
    tpu.wait_dma2 semaphore(%arg26 : memref<!tpu.dma_semaphore, #tpu.memory_space<semaphore_mem>>) src(%dma_wait3A_335 : memref<80x128xf32, #tpu.memory_space<hbm>>) dst(%arg14 : memref<80x128xf32, #tpu.memory_space<vmem>>)
    %dma_wait3A_336 = arith.constant 0 : i32
    %dma_wait3A_337 = tpu.memref_slice %arg18[%dma_wait3A_336] : memref<96xf32, #tpu.memory_space<vmem>> -> memref<80xf32, #tpu.memory_space<vmem>>
    %dma_wait3A_338 = arith.constant 0 : i32
    %dma_wait3A_339 = tpu.memref_slice %arg4[%dma_wait3A_338] : memref<20000xf32, #tpu.memory_space<hbm>> -> memref<80xf32, #tpu.memory_space<hbm>>
    %dma_wait3A_340 = arith.constant 0 : i32
    %dma_wait3A_341 = tpu.memref_slice %arg18[%dma_wait3A_340] : memref<96xf32, #tpu.memory_space<vmem>> -> memref<80xf32, #tpu.memory_space<vmem>>
    %dma_wait3A_342 = arith.constant 0 : i32
    %dma_wait3A_343 = tpu.memref_slice %arg4[%dma_wait3A_342] : memref<20000xf32, #tpu.memory_space<hbm>> -> memref<80xf32, #tpu.memory_space<hbm>>
    tpu.wait_dma2 semaphore(%arg28 : memref<!tpu.dma_semaphore, #tpu.memory_space<semaphore_mem>>) src(%dma_wait3A_343 : memref<80xf32, #tpu.memory_space<hbm>>) dst(%dma_wait3A_341 : memref<80xf32, #tpu.memory_space<vmem>>)
    %barrier3A_344 = arith.constant 0 : index
    tpu.barrier barrier_id(%barrier3A_344)
    "tpu.region"() ({
      %run_scoped3A = tpu.sem_alloc : memref<!tpu.dma_semaphore, #tpu.memory_space<semaphore_mem>>
      %dma_start3A_354 = arith.constant 0 : i32
      %dma_start3A_355 = tpu.memref_slice %arg5[%arg0, %mul3A_15, %dma_start3A_354] : memref<2x10000x128xf32, #tpu.memory_space<hbm>> -> memref<1x624x128xf32, #tpu.memory_space<hbm>>
      %dma_start3A_356 = tpu.memref_squeeze %dma_start3A_355 : memref<1x624x128xf32, #tpu.memory_space<hbm>> -> memref<624x128xf32, #tpu.memory_space<hbm>>
      %dma_start3A_357 = arith.constant 0 : i32
      %dma_start3A_358 = tpu.memref_slice %arg19[%mul3A_15, %dma_start3A_357] : memref<10000x128xf32, #tpu.memory_space<vmem_shared>> -> memref<624x128xf32, #tpu.memory_space<vmem_shared>>
      tpu.enqueue_dma source(%dma_start3A_358 : memref<624x128xf32, #tpu.memory_space<vmem_shared>>) target(%dma_start3A_356 : memref<624x128xf32, #tpu.memory_space<hbm>>) target_semaphore(%run_scoped3A : memref<!tpu.dma_semaphore, #tpu.memory_space<semaphore_mem>>)
      %dma_wait3A_359 = arith.constant 0 : i32
      %dma_wait3A_360 = tpu.memref_slice %arg5[%arg0, %mul3A_15, %dma_wait3A_359] : memref<2x10000x128xf32, #tpu.memory_space<hbm>> -> memref<1x624x128xf32, #tpu.memory_space<hbm>>
      %dma_wait3A_361 = tpu.memref_squeeze %dma_wait3A_360 : memref<1x624x128xf32, #tpu.memory_space<hbm>> -> memref<624x128xf32, #tpu.memory_space<hbm>>
      %dma_wait3A_362 = arith.constant 0 : i32
      %dma_wait3A_363 = tpu.memref_slice %arg19[%mul3A_15, %dma_wait3A_362] : memref<10000x128xf32, #tpu.memory_space<vmem_shared>> -> memref<624x128xf32, #tpu.memory_space<vmem_shared>>
      tpu.wait_dma2 semaphore(%run_scoped3A : memref<!tpu.dma_semaphore, #tpu.memory_space<semaphore_mem>>) src(%dma_wait3A_363 : memref<624x128xf32, #tpu.memory_space<vmem_shared>>) dst(%dma_wait3A_361 : memref<624x128xf32, #tpu.memory_space<hbm>>)
      tpu.yield
    }) : () -> ()
    %eq3A_345 = arith.constant 15 : i32
    %eq3A_346 = arith.cmpi eq, %arg1, %eq3A_345 : i32
    %convert_element_type3A_347 = arith.extui %eq3A_346 : i1 to i32
    %cond3A_348 = arith.constant 0 : i32
    %cond3A_349 = arith.cmpi ne, %convert_element_type3A_347, %cond3A_348 : i32
    scf.if %cond3A_349 {
      "tpu.region"() ({
        %run_scoped3A = tpu.sem_alloc : memref<!tpu.dma_semaphore, #tpu.memory_space<semaphore_mem>>
        %dma_start3A_354 = arith.constant 9984 : i32
        %dma_start3A_355 = arith.constant 0 : i32
        %dma_start3A_356 = tpu.memref_slice %arg5[%arg0, %dma_start3A_354, %dma_start3A_355] : memref<2x10000x128xf32, #tpu.memory_space<hbm>> -> memref<1x16x128xf32, #tpu.memory_space<hbm>>
        %dma_start3A_357 = tpu.memref_squeeze %dma_start3A_356 : memref<1x16x128xf32, #tpu.memory_space<hbm>> -> memref<16x128xf32, #tpu.memory_space<hbm>>
        %dma_start3A_358 = arith.constant 9984 : i32
        %dma_start3A_359 = arith.constant 0 : i32
        %dma_start3A_360 = tpu.memref_slice %arg19[%dma_start3A_358, %dma_start3A_359] : memref<10000x128xf32, #tpu.memory_space<vmem_shared>> -> memref<16x128xf32, #tpu.memory_space<vmem_shared>>
        tpu.enqueue_dma source(%dma_start3A_360 : memref<16x128xf32, #tpu.memory_space<vmem_shared>>) target(%dma_start3A_357 : memref<16x128xf32, #tpu.memory_space<hbm>>) target_semaphore(%run_scoped3A : memref<!tpu.dma_semaphore, #tpu.memory_space<semaphore_mem>>)
        %dma_wait3A_361 = arith.constant 9984 : i32
        %dma_wait3A_362 = arith.constant 0 : i32
        %dma_wait3A_363 = tpu.memref_slice %arg5[%arg0, %dma_wait3A_361, %dma_wait3A_362] : memref<2x10000x128xf32, #tpu.memory_space<hbm>> -> memref<1x16x128xf32, #tpu.memory_space<hbm>>
        %dma_wait3A_364 = tpu.memref_squeeze %dma_wait3A_363 : memref<1x16x128xf32, #tpu.memory_space<hbm>> -> memref<16x128xf32, #tpu.memory_space<hbm>>
        %dma_wait3A_365 = arith.constant 9984 : i32
        %dma_wait3A_366 = arith.constant 0 : i32
        %dma_wait3A_367 = tpu.memref_slice %arg19[%dma_wait3A_365, %dma_wait3A_366] : memref<10000x128xf32, #tpu.memory_space<vmem_shared>> -> memref<16x128xf32, #tpu.memory_space<vmem_shared>>
        tpu.wait_dma2 semaphore(%run_scoped3A : memref<!tpu.dma_semaphore, #tpu.memory_space<semaphore_mem>>) src(%dma_wait3A_367 : memref<16x128xf32, #tpu.memory_space<vmem_shared>>) dst(%dma_wait3A_364 : memref<16x128xf32, #tpu.memory_space<hbm>>)
        tpu.yield
      }) : () -> ()
    } else {
    }
    %mul3A_350 = arith.constant 640 : i32
    %mul3A_351 = arith.muli %arg1, %mul3A_350 : i32
    %mul3A_352 = arith.constant 640 : i32
    %mul3A_353 = arith.muli %arg1, %mul3A_352 : i32
    "tpu.region"() ({
      %run_scoped3A = tpu.sem_alloc : memref<!tpu.dma_semaphore, #tpu.memory_space<semaphore_mem>>
      %dma_start3A_354 = tpu.memref_slice %arg6[%arg0, %mul3A_353] : memref<2x10240xf32, #tpu.memory_space<hbm>> -> memref<1x640xf32, #tpu.memory_space<hbm>>
      %dma_start3A_355 = tpu.memref_squeeze %dma_start3A_354 : memref<1x640xf32, #tpu.memory_space<hbm>> -> memref<640xf32, #tpu.memory_space<hbm>>
      %dma_start3A_356 = tpu.memref_slice %arg20[%mul3A_351] : memref<10240xf32, #tpu.memory_space<vmem_shared>> -> memref<640xf32, #tpu.memory_space<vmem_shared>>
      tpu.enqueue_dma source(%dma_start3A_356 : memref<640xf32, #tpu.memory_space<vmem_shared>>) target(%dma_start3A_355 : memref<640xf32, #tpu.memory_space<hbm>>) target_semaphore(%run_scoped3A : memref<!tpu.dma_semaphore, #tpu.memory_space<semaphore_mem>>)
      %dma_wait3A_357 = tpu.memref_slice %arg6[%arg0, %mul3A_353] : memref<2x10240xf32, #tpu.memory_space<hbm>> -> memref<1x640xf32, #tpu.memory_space<hbm>>
      %dma_wait3A_358 = tpu.memref_squeeze %dma_wait3A_357 : memref<1x640xf32, #tpu.memory_space<hbm>> -> memref<640xf32, #tpu.memory_space<hbm>>
      %dma_wait3A_359 = tpu.memref_slice %arg20[%mul3A_351] : memref<10240xf32, #tpu.memory_space<vmem_shared>> -> memref<640xf32, #tpu.memory_space<vmem_shared>>
      tpu.wait_dma2 semaphore(%run_scoped3A : memref<!tpu.dma_semaphore, #tpu.memory_space<semaphore_mem>>) src(%dma_wait3A_359 : memref<640xf32, #tpu.memory_space<vmem_shared>>) dst(%dma_wait3A_358 : memref<640xf32, #tpu.memory_space<hbm>>)
      tpu.yield
    }) : () -> ()
    return
  }
}

module attributes {stable_mosaic.version = 14 : i64} {
  func.func @_ab_body(%arg0: i32, %arg1: memref<1000x128xf32, #tpu.memory_space<vmem>>, %arg2: memref<2x128xf32, #tpu.memory_space<vmem>>, %arg3: memref<1000x2xf32, #tpu.memory_space<vmem>>) attributes {dimension_semantics = [#tpu.dimension_semantics<arbitrary>], iteration_bounds = array<i64: 10>, scalar_prefetch = 0 : i64, scratch_operands = 0 : i64, tpu.core_type = #tpu.core_type<tc>, window_params = [{transform_indices = @transform_0, window_bounds = array<i64: 1000, 128>}, {pipeline_mode = #tpu.pipeline_mode<synchronous>, transform_indices = @transform_1, window_bounds = array<i64: 2, 128>}, {transform_indices = @transform_2, window_bounds = array<i64: 1000, 2>}]} {
    %get3A = arith.constant 0 : index
    %get3A_0 = arith.constant 0 : index
    %get3A_1 = vector.load %arg1[%get3A, %get3A_0] : memref<1000x128xf32, #tpu.memory_space<vmem>>, vector<1000x128xf32>
    %get3A_2 = arith.constant 0 : index
    %get3A_3 = arith.constant 0 : index
    %get3A_4 = vector.load %arg2[%get3A_2, %get3A_3] : memref<2x128xf32, #tpu.memory_space<vmem>>, vector<2x128xf32>
    %dot_general3A = arith.constant dense<0.000000e+00> : vector<1000x2xf32>
    %dot_general3A_5 = tpu.matmul %get3A_1, %get3A_4, %dot_general3A {dimension_numbers = #tpu.dot_dimension_numbers<[1], [1], [0], [0], [0, 0, 1, 0], [], []>, transpose_lhs_hint = false} : vector<1000x128xf32>, vector<2x128xf32>, vector<1000x2xf32> -> vector<1000x2xf32>
    %swap3A = arith.constant 0 : index
    %swap3A_6 = arith.constant 0 : index
    %swap3A_7 = vector.load %arg3[%swap3A, %swap3A_6] : memref<1000x2xf32, #tpu.memory_space<vmem>>, vector<1000x2xf32>
    tpu.vector_store %arg3[%swap3A, %swap3A_6], %dot_general3A_5 {strides = array<i32>} : memref<1000x2xf32, #tpu.memory_space<vmem>>, vector<1000x2xf32>,
    return
  }
  func.func @transform_0(%arg0: i32) -> (i32, i32) {
    %c0_i32 = arith.constant 0 : i32
    %c0_i32_0 = arith.constant 0 : i32
    return %arg0, %c0_i32 : i32, i32
  }
  func.func @transform_1(%arg0: i32) -> (i32, i32) {
    %c0_i32 = arith.constant 0 : i32
    %c0_i32_0 = arith.constant 0 : i32
    %c0_i32_1 = arith.constant 0 : i32
    return %c0_i32, %c0_i32_0 : i32, i32
  }
  func.func @transform_2(%arg0: i32) -> (i32, i32) {
    %c0_i32 = arith.constant 0 : i32
    %c0_i32_0 = arith.constant 0 : i32
    return %arg0, %c0_i32 : i32, i32
  }
}

module attributes {stable_mosaic.version = 14 : i64} {
  func.func @_fin_body(%arg0: i32, %arg1: memref<1x400x128xf32, #tpu.memory_space<vmem>>, %arg2: memref<1x400x128xf32, #tpu.memory_space<vmem>>, %arg3: memref<400x2xf32, #tpu.memory_space<vmem>>, %arg4: memref<400x128xf32, #tpu.memory_space<vmem>>) attributes {dimension_semantics = [#tpu.dimension_semantics<arbitrary>], iteration_bounds = array<i64: 25>, scalar_prefetch = 0 : i64, scratch_operands = 0 : i64, tpu.core_type = #tpu.core_type<tc>, window_params = [{transform_indices = @transform_0, window_bounds = array<i64: 1, 400, 128>}, {transform_indices = @transform_1, window_bounds = array<i64: 1, 400, 128>}, {transform_indices = @transform_2, window_bounds = array<i64: 400, 2>}, {transform_indices = @transform_3, window_bounds = array<i64: 400, 128>}]} {
    %get3A = arith.constant 0 : index
    %get3A_0 = arith.constant 0 : index
    %get3A_1 = arith.constant 0 : index
    %get3A_2 = vector.load %arg1[%get3A, %get3A_0, %get3A_1] : memref<1x400x128xf32, #tpu.memory_space<vmem>>, vector<1x400x128xf32>
    %get3A_3 = vector.shape_cast %get3A_2 : vector<1x400x128xf32> to vector<400x128xf32>
    %get3A_4 = arith.constant 0 : index
    %get3A_5 = arith.constant 0 : index
    %get3A_6 = arith.constant 0 : index
    %get3A_7 = vector.load %arg2[%get3A_4, %get3A_5, %get3A_6] : memref<1x400x128xf32, #tpu.memory_space<vmem>>, vector<1x400x128xf32>
    %get3A_8 = vector.shape_cast %get3A_7 : vector<1x400x128xf32> to vector<400x128xf32>
    %add3A = arith.addf %get3A_3, %get3A_8 : vector<400x128xf32>
    %get3A_9 = arith.constant 0 : index
    %get3A_10 = arith.constant 0 : index
    %get3A_11 = vector.load %arg3[%get3A_9, %get3A_10] : memref<400x2xf32, #tpu.memory_space<vmem>>, vector<400x2xf32>
    %reduce_sum3A = arith.constant dense<0.000000e+00> : vector<400xf32>
    %reduce_sum3A_12 = vector.multi_reduction <add>, %get3A_11, %reduce_sum3A [1] : vector<400x2xf32> to vector<400xf32>
    %max3A = arith.constant 9.99999971E-10 : f32
    %max3A_13 = vector.broadcast %max3A : f32 to vector<400xf32>
    %max3A_14 = arith.maximumf %reduce_sum3A_12, %max3A_13 : vector<400xf32>
    %broadcast_in_dim3A = vector.shape_cast %max3A_14 : vector<400xf32> to vector<400x1xf32>
    %div3A = vector.broadcast %broadcast_in_dim3A : vector<400x1xf32> to vector<400x128xf32>
    %div3A_15 = arith.divf %add3A, %div3A : vector<400x128xf32>
    %swap3A = arith.constant 0 : index
    %swap3A_16 = arith.constant 0 : index
    %swap3A_17 = vector.load %arg4[%swap3A, %swap3A_16] : memref<400x128xf32, #tpu.memory_space<vmem>>, vector<400x128xf32>
    tpu.vector_store %arg4[%swap3A, %swap3A_16], %div3A_15 {strides = array<i32>} : memref<400x128xf32, #tpu.memory_space<vmem>>, vector<400x128xf32>,
    return
  }
  func.func @transform_0(%arg0: i32) -> (i32, i32, i32) {
    %c0_i32 = arith.constant 0 : i32
    %c0_i32_0 = arith.constant 0 : i32
    %c0_i32_1 = arith.constant 0 : i32
    return %c0_i32, %arg0, %c0_i32_0 : i32, i32, i32
  }
  func.func @transform_1(%arg0: i32) -> (i32, i32, i32) {
    %c1_i32 = arith.constant 1 : i32
    %c0_i32 = arith.constant 0 : i32
    %c0_i32_0 = arith.constant 0 : i32
    return %c1_i32, %arg0, %c0_i32 : i32, i32, i32
  }
  func.func @transform_2(%arg0: i32) -> (i32, i32) {
    %c0_i32 = arith.constant 0 : i32
    %c0_i32_0 = arith.constant 0 : i32
    return %arg0, %c0_i32 : i32, i32
  }
  func.func @transform_3(%arg0: i32) -> (i32, i32) {
    %c0_i32 = arith.constant 0 : i32
    %c0_i32_0 = arith.constant 0 : i32
    return %arg0, %c0_i32 : i32, i32
  }
}

</mosaic_0001>

<sc_bundles>
// kernel: kernel.5.cloned.1.call-start
scs
__scs_entry_jumppad:
0x0: {  	(pc) =	sbr.rel $0x88, $3  }
0x1: {  	(tag) =	ssettag $0x0;
	lr =	simm.s32 $0x1  }
0x2: {  	[smem:$0x3F9E] =	sst lr;
	_ =	strace $0xD0000000  }
0x3: {  	_ = 	snop  }
0x4: {  	_ = 	snop  }
0x5: {  	_ = 	snop  }
0x6: {  	_ = 	snop  }
0x7: {  	_ = 	snop  }
__scs_overlays_trampoline_lowered:
0x8: {  	[smem:$0x3FAD] =	sst s0  }
0x9: {  	[smem:$0x3FAE] =	sst s1  }
0xa: {  	[smem:$0x3FAF] =	sst s2  }
0xb: {  	[smem:$0x3FB0] =	sst s3  }
0xc: {  	[smem:$0x3FB1] =	sst s4  }
0xd: {  	[smem:$0x3FB2] =	sst s5  }
0xe: {  	[smem:$0x3FB3] =	sst s6  }
0xf: {  	[smem:$0x3FB4] =	sst s7  }
0x10: {  	[smem:$0x3FB5] =	sst s8  }
0x11: {  	[smem:$0x3FB6] =	sst s9;
	s0 =	simm.s32 @!p0 $0x0  }
0x12: {  	s1 =	sld [smem:$0x3F9C];
	s0 =	simm.s32 @p0 $0x1  }
0x13: {  	[smem:$0x3FB7] =	sst s0;
	s0 =	simm.s32 @!p1 $0x0  }
0x14: {  	s2 =	sld [smem:$0x3F9B];
	s0 =	simm.s32 @p1 $0x1  }
0x15: {  	[smem:$0x3FB8] =	sst s0;
	s0 =	simm.s32 @!p2 $0x0  }
0x16: {  	s3 =	sld [smem:$0x3FDB];
	s0 =	simm.s32 @p2 $0x1  }
0x17: {  	s4 =	simm.s32 $0x1BF5;
	[smem:$0x3FBA] =	sst s0  }
0x18: {  	s0 =	sld [smem:$0x3F9D];
	_ =	swait.ge [sflag:s4], $0x0  }
0x19: {  	s7 =	sld [smem:$0x3F9E]  }
0x1a: {  	s8 =	sadd.s32 $0xFFFFE003, lr  }
0x1b: {  	s9 =	sadd.s32 $0xFFFFFEF7, lr;
	s5 =	simm.s32 $0xFFFFFFFF;
	p2 =	slt.u32 s8, $0xFFFFF086  }
0x1c: {  	p1 =	slt.u32 s9, $0xF7A;
	s5 =	simm.s32 @!p2 $0x0  }
0x1d: {  	s5 =	simm.s32 @p1 $0x1;
	p0 =	seq.s32 s7, s2  }
0x1e: {  	s7 =	smul.u32 @!p0 $0xF7A, s2;
	p2 =	seq.s32 @!p0 s5, $0x0  }
0x1f: {  	s9 =	smul.u32 $0xF7A, s1;
	s8 =	simm.s32 @!p0 $0x1BF5;
	p2 =	por !p2, p0  }
0x20: {  	[sflag:s8] =	ssyncset.s32 @!p0 $0xFFFFF086;
	s6 =	sadd.s32 @!p0 s3, s7;
	s7 =	simm.s32 @!p0 $0x108  }
0x21: {  	s3 =	sadd.s32 s3, s9;
	s6 =	sadd.s32 @!p0 $0x88, s6;
	s7 =	simm.s32 @p2 $0x1082  }
0x22: {  	[simem:s7], [sflag:s8] =	dma.local @!p0 [hbm:s6], $0xF7A  }
0x23: {  	s9 =	sor.u32 $0xD0000000, s2;
	s6 =	simm.s32 $0x108;
	_ =	swait.ge @!p0 [sflag:s8], $0x0  }
0x24: {  	s3 =	sadd.s32 $0x88, s3;
	s6 =	simm.s32 @!p1 $0x1082;
	[sflag:s4] =	ssyncset.s32 $0xFFFFF086  }
0x25: {  	[simem:s6], [sflag:s4] =	dma.local [hbm:s3], $0xF7A  }
0x26: {  	[smem:$0x3F9E] =	sst s1;
	(tag) =	ssettag s2;
	_ =	strace s9  }
0x27: {  	s1 =	sld [smem:$0x3FAE]  }
0x28: {  	s2 =	sld [smem:$0x3FAF]  }
0x29: {  	s4 =	sld [smem:$0x3FB1]  }
0x2a: {  	p0 =	seq.s32 s5, $0x0;
	s5 =	sld [smem:$0x3FB2]  }
0x2b: {  	s6 =	sld [smem:$0x3FB3]  }
0x2c: {  	s7 =	sld [smem:$0x3FB4]  }
0x2d: {  	s3 =	simm.s32 $0x108;
	s8 =	sld [smem:$0x3FB5]  }
0x2e: {  	s3 =	simm.s32 @!p0 $0x1082;
	s9 =	sld [smem:$0x3FB6]  }
0x2f: {  	lr =	sadd.s32 s0, s3;
	s0 =	sld [smem:$0x3FAD]  }
0x30: {  	s3 =	sld [smem:$0x3FB0]  }
0x31: {  	[smem:$0x3FB9] =	sst s10  }
0x32: {  	s10 =	sld [smem:$0x3FB7];
	_ =	sdelay $0x3  }
0x33: {  	p0 =	seq.s32 s10, $0x1;
	s10 =	sld [smem:$0x3FB9];
	_ =	sdelay $0x3  }
0x34: {  	[smem:$0x3FB9] =	sst s10  }
0x35: {  	s10 =	sld [smem:$0x3FB8];
	_ =	sdelay $0x3  }
0x36: {  	p1 =	seq.s32 s10, $0x1;
	s10 =	sld [smem:$0x3FB9];
	_ =	sdelay $0x3  }
0x37: {  	[smem:$0x3FB9] =	sst s10  }
0x38: {  	s10 =	sld [smem:$0x3FBA]  }
0x39: {  	_ = 	snop;
	(pc) =	sbr.ind lr, $3  }
0x3a: {  	_ = 	snop  }
0x3b: {  	_ = 	snop  }
0x3c: {  	p2 =	seq.s32 s10, $0x1;
	s10 =	sld [smem:$0x3FB9]  }
0x3d: {  	_ =	shalt  }
0x3e: {  	_ =	shalt  }
0x3f: {  	_ =	shalt  }
0x40: {  	_ =	shalt  }
0x41: {  	_ =	shalt  }
0x42: {  	_ =	shalt  }
0x43: {  	_ =	shalt  }
0x44: {  	_ =	shalt  }
0x45: {  	_ =	shalt  }
0x46: {  	_ =	shalt  }
0x47: {  	_ =	shalt  }
0x48: {  	_ =	shalt  }
0x49: {  	_ =	shalt  }
0x4a: {  	_ =	shalt  }
0x4b: {  	_ =	shalt  }
0x4c: {  	_ =	shalt  }
0x4d: {  	_ =	shalt  }
0x4e: {  	_ =	shalt  }
0x4f: {  	_ =	shalt  }
0x50: {  	_ =	shalt  }
0x51: {  	_ =	shalt  }
0x52: {  	_ =	shalt  }
0x53: {  	_ =	shalt  }
0x54: {  	_ =	shalt  }
0x55: {  	_ =	shalt  }
0x56: {  	_ =	shalt  }
0x57: {  	_ =	shalt  }
0x58: {  	_ =	shalt  }
0x59: {  	_ =	shalt  }
0x5a: {  	_ =	shalt  }
0x5b: {  	_ =	shalt  }
0x5c: {  	_ =	shalt  }
0x5d: {  	_ =	shalt  }
0x5e: {  	_ =	shalt  }
0x5f: {  	_ =	shalt  }
0x60: {  	_ =	shalt  }
0x61: {  	_ =	shalt  }
0x62: {  	_ =	shalt  }
0x63: {  	_ =	shalt  }
0x64: {  	_ =	shalt  }
0x65: {  	_ =	shalt  }
0x66: {  	_ =	shalt  }
0x67: {  	_ =	shalt  }
0x68: {  	_ =	shalt  }
0x69: {  	_ =	shalt  }
0x6a: {  	_ =	shalt  }
0x6b: {  	_ =	shalt  }
0x6c: {  	_ =	shalt  }
0x6d: {  	_ =	shalt  }
0x6e: {  	_ =	shalt  }
0x6f: {  	_ =	shalt  }
0x70: {  	_ =	shalt  }
0x71: {  	_ =	shalt  }
0x72: {  	_ =	shalt  }
0x73: {  	_ =	shalt  }
0x74: {  	_ =	shalt  }
0x75: {  	_ =	shalt  }
0x76: {  	_ =	shalt  }
0x77: {  	_ =	shalt  }
0x78: {  	_ =	shalt  }
0x79: {  	_ =	shalt  }
0x7a: {  	_ =	shalt  }
0x7b: {  	_ =	shalt  }
0x7c: {  	_ =	shalt  }
0x7d: {  	_ =	shalt  }
0x7e: {  	_ =	shalt  }
0x7f: {  	_ =	shalt  }
0x80: {  	_ =	shalt  }
0x81: {  	_ =	shalt  }
0x82: {  	_ =	shalt  }
0x83: {  	_ =	shalt  }
0x84: {  	_ =	shalt  }
0x85: {  	_ =	shalt  }
0x86: {  	_ =	shalt  }
0x87: {  	_ =	shalt  }
.Lfunc_end0:
.L_simem_size_0:
called_computation_lowered:
.L_overlay_start_0:
0x88: {  	s2 =	sld [smem:$0x3FD9]  }
0x89: {  	s3 =	sld [smem:$0x3FFE];
	_ =	sdelay $0x1  }
0x8a: {  	s1 =	srdreg.scid  }
0x8b: {  	s0 =	sand.u32 $0x1, s1  }
0x8c: {  	s17 =	sshll.u32 s0, $0xA;
	s2 =	sadd.s32 s3, s2  }
0x8d: {  	s2 =	sadd.s32 s2, s17  }
0x8e: {  	[smem:$0x3FC5] =	sst s2  }
0x8f: {  	_ = 	snop  }
0x90: {  	s2 =	sld [smem:$0x3FC9]  }
0x91: {  	s18 =	sld [smem:$0x3FD0];
	(tm) =	ssettm $0x1  }
0x92: {  	s4 =	sld [smem:$0x3FFB];
	_ =	sdelay $0x3  }
0x93: {  	_ =	strace s4  }
0x94: {  	s4 =	sld [smem:$0x3FFC];
	_ =	sdelay $0x3  }
0x95: {  	_ =	strace s4  }
0x96: {  	s4 =	sld [smem:$0x3FFD];
	_ =	sdelay $0x3  }
0x97: {  	_ =	strace s4  }
0x98: {  	_ =	strace $0x8FFFFFFF  }
0x99: {  	s19 =	sld [smem:$0x3FDB];
	_ =	sdelay $0x1  }
0x9a: {  	s5 =	simm.s32 $_scs_section_size  }
0x9b: {  	s6 =	simm.s32 $_size__tile_overlayer_lowered;
	s7 =	simm.s32 $_tile_overlayer_lowered  }
0x9c: {  	s22 =	simm.s32 $0x1BFF;
	s21 =	sshll.u32 s7, $0x1;
	s4 =	sadd.s32 s5, s19  }
0x9d: {  	s8 =	simm.s32 $0x0;
	s20 =	sshll.u32 s6, $0x1;
	s6 =	sadd.s32 s21, s4  }
0x9e: {  	[timem:s8], [sflag:s22] =	dma.local [hbm:s6], s20  }
0x9f: {  	_ =	swait.ge [sflag:s22], s20  }
0xa0: {  	s5 =	ssub.s32 $0x0, s20;
	[sflag:s22] =	ssyncset.done $0x0  }
0xa1: {  	[sflag:s22] =	ssyncadd.s32 s5;
	_ =	sdelay $0x1  }
0xa2: {  	s23 =	simm.s32 $0x1B8B  }
0xa3: {  	_ =	swait.ge [sflag:s23], $0x1  }
0xa4: {  	[sflag:s23] =	ssyncset.done $0x0  }
0xa5: {  	s25 =	simm.s32 $0x1B8E;
	s24 =	sld [smem:$0x3FFE];
	[sflag:s23] =	ssyncadd.s32 $0xFFFFFFFF  }
0xa6: {  	s26 =	simm.s32 $execute0_lowered;
	[smem:$0x3FD2] =	sst s25  }
0xa7: {  	s6 =	sshll.u32 s26, $0x1;
	_ =	strace $0x80000046;
	[dreg:$0x1] =	wrdreg $0xFFFFFFFF  }
0xa8: {  	s28 =	simm.s32 $_size_execute0_lowered;
	s4 =	sadd.s32 s4, s6;
	[dreg:$0x0] =	wrdreg $0x0  }
0xa9: {  	s6 =	sshll.u32 s28, $0x1;
	[dreg:$0x2] =	wrdreg s4  }
0xaa: {  	[dreg:$0x3] =	wrdreg s6  }
0xab: {  	[dreg:$0x4] =	wrdreg $0xC0  }
0xac: {  	_ =	task [dreg:s8], $0x5FFFF  }
0xad: {  	[dreg:$0x1] =	wrdreg $0xFFFFFFFF  }
0xae: {  	[dreg:$0x0] =	wrdreg $0x60  }
0xaf: {  	[dreg:$0x2] =	wrdreg s2  }
0xb0: {  	[dreg:$0x3] =	wrdreg s18  }
0xb1: {  	[dreg:$0x4] =	wrdreg s24  }
0xb2: {  	[dreg:$0x5] =	wrdreg $0xA5200  }
0xb3: {  	[dreg:$0x6] =	wrdreg $0x1DDA00  }
0xb4: {  	[dreg:$0x7] =	wrdreg $0x9  }
0xb5: {  	_ =	task.clear_ibuf [dreg:s8], $0x8FFFF;
	_ =	strace $0x90000046  }
0xb6: {  	s29 =	simm.s32 $0x9;
	_ =	strace $0x80000048  }
0xb7: {  	_ =	swait.ge [sflag:s29], $0x1  }
0xb8: {  	[sflag:s29] =	ssyncadd.s32 $0xFFFFFFFF  }
0xb9: {  	_ =	strace $0x90000048  }
0xba: {  	_ =	sfence  }
0xbb: {  	s30 =	sld [smem:$0x0];
	_ =	sdelay $0x2  }
0xbc: {  	s31 =	sshll.u32 s1, $0xD;
	s1 =	sshrl.u32 s1, $0x2  }
0xbd: {  	s3 =	sand.u32 $0x4000, s31;
	s1 =	sadd.s32 s1, s30  }
0xbe: {  	s0 =	sor.u32 s3, s0;
	s1 =	sshll.u32 s1, $0x11  }
0xbf: {  	s0 =	sor.u32 s1, s0  }
0xc0: {  	s0 =	sadd.s32 $0x8F2B, s0  }
0xc1: {  	[sflag:s0] =	ssyncadd.remote.s32 $0x1  }
0xc2: {  	_ =	sfence.sel $0xFFFF  }
0xc3: {  	[dreg:$0x0] =	wrdreg $0xFFFFFFFF;
	(pc) =	sbr.abs _section_cstart, $3  }
0xc4: {  	[dreg:$0x1] =	wrdreg $0xFFFFFFFF  }
0xc5: {  	_ =	task.clear_ibuf [dreg:s8], $0x2FFFF;
	_ =	strace $0x9FFFFFFF  }
0xc6: {  	(tm) =	ssettm $0x7FFFFFFF  }
0xc7: {  	_ =	shalt  }
tec
execute0_lowered:
.L_overlay_start_1:
0x0: {  	(tag) =	ssettag $0x1  }
0x1: {  	s0 =	rddreg [dreg:$0x0]  }
0x2: {  	s2 =	rddreg [dreg:$0x1]  }
0x3: {  	s1 =	rddreg [dreg:$0x2]  }
0x4: {  	s4 =	rddreg [dreg:$0x3];
	s3 =	srdreg.scid  }
0x5: {  	s14 =	stileid.u32;
	s5 =	rddreg [dreg:$0x4];
	s6 =	simm.s32 $0x0  }
0x6: {  	s29 =	simm.s32 $0x140;
	s30 =	simm.s32 $0x9;
	s31 =	simm.s32 $0x53C0  }
0x7: {  	s3 =	sand.u32 $0x1, s3;
	s7 =	smul.u32 $0x280, s14;
	[smem:$0x7FF] =	sst s6  }
0x8: {  	s9 =	sadd.s32 $0xE00, s1;
	s10 =	smul.u32 $0x4E000, s14;
	s11 =	sadd.s32 $0x2200, s1  }
0x9: {  	s12 =	sshll.u32 s14, $0x1;
	s13 =	smul.u32 $0x13800, s14;
	p0 =	sne.s32 s14, $0xF  }
0xa: {  	s14 =	simm.s32 $0x7BC0;
	s8 =	smul.u32 $0x2800, s3;
	_ =	strace $0x80000047  }
0xb: {  	[dreg:$0x6] =	wrdreg s9;
	s23 =	ssub.s32 $0x2, s3;
	s25 =	sor.u32 s3, s12  }
0xc: {  	s3 =	smul.u32 $0x138800, s3;
	s24 =	sshrl.u32 s23, $0x1;
	s10 =	sshrl.u32 s10, $0x2  }
0xd: {  	s12 =	smul.u32 $0x2710, s25;
	s8 =	sadd.s32 s7, s8;
	s9 =	ssub.s32 s23, s24  }
0xe: {  	s10 =	sadd.s32 s10, s4;
	s23 =	sadd.s32 s13, s3;
	s3 =	sshrl.u32 s3, $0x3  }
0xf: {  	s8 =	sshrl.u32 s8, $0x3;
	s15 =	sadd.s32 $0x2800, s10;
	s26 =	sadd.s32 $0x5000, s10  }
0x10: {  	s28 =	sadd.s32 $0x7800, s10;
	s16 =	sadd.s32 $0xA000, s10;
	[dreg:$0x7] =	wrdreg s15  }
0x11: {  	s17 =	sadd.s32 $0xC800, s10;
	s18 =	sadd.s32 $0xF000, s10;
	[dreg:$0x8] =	wrdreg s26  }
0x12: {  	s10 =	sadd.s32 $0x11800, s10;
	s19 =	sshrl.u32 s12, $0x3;
	[dreg:$0x9] =	wrdreg s28  }
0x13: {  	s3 =	sadd.s32 s11, s3;
	s21 =	sadd.s32 $0xA0, s12;
	[dreg:$0xa] =	wrdreg s16  }
0x14: {  	s22 =	sadd.s32 $0xF0, s12;
	s25 =	smax.u32 s9, $0x1;
	[dreg:$0xb] =	wrdreg s17  }
0x15: {  	s9 =	simm.s32 $0xA3C0;
	s12 =	simm.s32 $0xA410;
	[dreg:$0xc] =	wrdreg s18  }
0x16: {  	s1 =	sadd.s32 s8, s1;
	s8 =	sadd.s32 s13, s4;
	[dreg:$0xd] =	wrdreg s10  }
0x17: {  	s16 =	sadd.s32 s7, s5;
	s3 =	sadd.s32 $0x27000, s3;
	[dreg:$0x13] =	wrdreg s25  }
0x18: {  	s17 =	sadd.s32 $0x138000, s4;
	s20 =	sadd.s32 s2, s19;
	[dreg:$0x11] =	wrdreg s3  }
0x19: {  	s7 =	sshrl.u32 s23, $0x3;
	s24 =	sadd.s32 $0x9C40, s20;
	[dreg:$0xe] =	wrdreg s20  }
0x1a: {  	s10 =	simm.s32 $0xA460;
	s7 =	sadd.s32 s11, s7;
	[dreg:$0xf] =	wrdreg s24  }
0x1b: {  	s13 =	simm.s32 $0xA4C0;
	s1 =	sadd.s32 $0x1800, s1;
	[dreg:$0x10] =	wrdreg s7  }
0x1c: {  	s15 =	simm.s32 $0x5;
	s26 =	sadd.s32 $0xA, s20;
	[dreg:$0x12] =	wrdreg s1  }
0x1d: {  	s19 =	simm.s32 $0x7;
	s28 =	sadd.s32 $0x9C4A, s20;
	[dreg:$0x14] =	wrdreg s26  }
0x1e: {  	s3 =	simm.s32 $0x1;
	s11 =	simm.s32 $0x2;
	[dreg:$0x15] =	wrdreg s28  }
0x1f: {  	v0 =	vimm.f32 $0.0e+00;
	s1 =	simm.s32 $0x3;
	s7 =	simm.s32 $0x50;
	s24 =	simm.s32 $0x0  }
.LBB2_1:
0x20: {  	s18 =	rddreg [dreg:$0x6]  }
0x21: {  	[tilespmem:s29], [sflag:$0x9] =	stream.linear.gather [hbm4b:s18+s6], $0x4E20, $0x38;
	[tilespmem:$0x1E020] =	vst v63  }
0x22: {  	_ =	swait.ge [sflag:s30], $0x4E20  }
0x23: {  	[sflag:s30] =	ssyncset.done $0x0  }
0x24: {  	s20 =	simm.s32 $0x200;
	s18 =	simm.s32 $0x0;
	[sflag:s30] =	ssyncadd.s32 $0xFFFFB1E0  }
.LBB2_2:
0x25: {  	p1 =	sne.s32 s20, $0x9E00;
	[tilespmem:s18+$0x5430] =	vst v0  }
0x26: {  	[tilespmem:s18+$0x53C0] =	vst v0  }
0x27: {  	[tilespmem:s18+$0x53D0] =	vst v0  }
.Ltmp0:
0x28: {  	[tilespmem:s18+$0x53E0] =	vst v0;
	(pc) =	sbr.rel @p1 .LBB2_2-.Ltmp0, $4  }
0x29: {  	[tilespmem:s18+$0x53F0] =	vst v0  }
0x2a: {  	[tilespmem:s18+$0x5400] =	vst v0  }
0x2b: {  	[tilespmem:s18+$0x5410] =	vst v0  }
0x2c: {  	[tilespmem:s18+$0x5420] =	vst v0;
	s18 =	sshra.s32 s20, $0x2;
	s20 =	sadd.s32 $0x200, s20  }
0x2d: {  	[tilespmem:s18+$0x5430] =	vst v0  }
0x2e: {  	[tilespmem:s18+$0x53C0] =	vst v0  }
0x2f: {  	[tilespmem:s18+$0x53D0] =	vst v0  }
0x30: {  	[tilespmem:s18+$0x53E0] =	vst v0  }
0x31: {  	[tilespmem:s18+$0x53F0] =	vst v0  }
0x32: {  	[tilespmem:s18+$0x5400] =	vst v0  }
0x33: {  	[tilespmem:s18+$0x5410] =	vst v0  }
0x34: {  	[tilespmem:s18+$0x5420] =	vst v0  }
0x35: {  	[tilespmem:$0x5140] =	vst v0  }
0x36: {  	[tilespmem:$0x5150] =	vst v0  }
0x37: {  	[tilespmem:$0x5160] =	vst v0  }
0x38: {  	[tilespmem:$0x5170] =	vst v0  }
0x39: {  	[tilespmem:$0x5180] =	vst v0  }
0x3a: {  	[tilespmem:$0x5190] =	vst v0  }
0x3b: {  	[tilespmem:$0x51A0] =	vst v0  }
0x3c: {  	[tilespmem:$0x51B0] =	vst v0  }
0x3d: {  	[tilespmem:$0x51C0] =	vst v0  }
0x3e: {  	[tilespmem:$0x51D0] =	vst v0  }
0x3f: {  	[tilespmem:$0x51E0] =	vst v0  }
0x40: {  	[tilespmem:$0x51F0] =	vst v0  }
0x41: {  	[tilespmem:$0x5200] =	vst v0  }
0x42: {  	[tilespmem:$0x5210] =	vst v0  }
0x43: {  	[tilespmem:$0x5220] =	vst v0  }
0x44: {  	[tilespmem:$0x5230] =	vst v0  }
0x45: {  	[tilespmem:$0x5240] =	vst v0  }
0x46: {  	[tilespmem:$0x5250] =	vst v0  }
0x47: {  	[tilespmem:$0x5260] =	vst v0  }
0x48: {  	[tilespmem:$0x5270] =	vst v0  }
0x49: {  	[tilespmem:$0x5280] =	vst v0  }
0x4a: {  	[tilespmem:$0x5290] =	vst v0  }
0x4b: {  	[tilespmem:$0x52A0] =	vst v0  }
0x4c: {  	[tilespmem:$0x52B0] =	vst v0  }
0x4d: {  	[tilespmem:$0x52C0] =	vst v0  }
0x4e: {  	[tilespmem:$0x52D0] =	vst v0  }
0x4f: {  	[tilespmem:$0x52E0] =	vst v0  }
0x50: {  	[tilespmem:$0x52F0] =	vst v0  }
0x51: {  	[tilespmem:$0x5300] =	vst v0  }
0x52: {  	[tilespmem:$0x5310] =	vst v0  }
0x53: {  	[tilespmem:$0x5320] =	vst v0  }
0x54: {  	[tilespmem:$0x5330] =	vst v0  }
0x55: {  	[tilespmem:$0x5340] =	vst v0  }
0x56: {  	[tilespmem:$0x5350] =	vst v0  }
0x57: {  	[tilespmem:$0x5360] =	vst v0  }
0x58: {  	[tilespmem:$0x5370] =	vst v0  }
0x59: {  	[tilespmem:$0x5380] =	vst v0  }
0x5a: {  	[tilespmem:$0x5390] =	vst v0  }
0x5b: {  	[tilespmem:$0x53A0] =	vst v0  }
0x5c: {  	[tilespmem:$0x53B0] =	vst v0  }
0x5d: {  	[spmem:s8] =	stream.linear.scatter [tilespmem:s31], [sflag:$0x1], $0x2800, $0x38;
	[tilespmem:$0x1E020] =	vst v63  }
0x5e: {  	s23 =	rddreg [dreg:$0x7]  }
0x5f: {  	[spmem:s23] =	stream.linear.scatter [tilespmem:s31], [sflag:$0x1], $0x2800, $0x38;
	[tilespmem:$0x1E020] =	vst v63  }
0x60: {  	s25 =	rddreg [dreg:$0x8]  }
0x61: {  	[spmem:s25] =	stream.linear.scatter [tilespmem:s31], [sflag:$0x1], $0x2800, $0x38;
	[tilespmem:$0x1E020] =	vst v63  }
0x62: {  	s26 =	rddreg [dreg:$0x9]  }
0x63: {  	[spmem:s26] =	stream.linear.scatter [tilespmem:s31], [sflag:$0x1], $0x2800, $0x38;
	[tilespmem:$0x1E020] =	vst v63  }
0x64: {  	s28 =	rddreg [dreg:$0xa]  }
0x65: {  	[spmem:s28] =	stream.linear.scatter [tilespmem:s31], [sflag:$0x1], $0x2800, $0x38;
	[tilespmem:$0x1E020] =	vst v63  }
0x66: {  	s20 =	rddreg [dreg:$0xb]  }
0x67: {  	[spmem:s20] =	stream.linear.scatter [tilespmem:s31], [sflag:$0x1], $0x2800, $0x38;
	[tilespmem:$0x1E020] =	vst v63  }
0x68: {  	s23 =	rddreg [dreg:$0xc]  }
0x69: {  	[spmem:s23] =	stream.linear.scatter [tilespmem:s31], [sflag:$0x1], $0x2800, $0x38;
	[tilespmem:$0x1E020] =	vst v63  }
0x6a: {  	s25 =	rddreg [dreg:$0xd]  }
0x6b: {  	[spmem:s25] =	stream.linear.scatter [tilespmem:s31], [sflag:$0x1], $0x2000, $0x38;
	[tilespmem:$0x1E020] =	vst v63  }
0x6c: {  	s26 =	simm.s32 $0x5140  }
0x6d: {  	[spmem:s16] =	stream.linear.scatter [tilespmem:s26], [sflag:$0x1], $0x280, $0x38;
	[tilespmem:$0x1E020] =	vst v63  }
0x6e: {  	s18 =	simm.s32 @!p0 $0x53C0  }
0x6f: {  	[spmem:s17] =	stream.linear.scatter @!p0 [tilespmem:s18], [sflag:$0x9], $0x800, $0x38;
	[tilespmem:$0x1E020] =	vst v63  }
0x70: {  	s18 =	simm.s32 @!p0 $0x9  }
0x71: {  	_ =	swait.ge @!p0 [sflag:s18], $0x800  }
0x72: {  	[sflag:s18] =	ssyncset.done @!p0 $0x0  }
0x73: {  	[sflag:s18] =	ssyncadd.s32 @!p0 $0xFFFFF800  }
0x74: {  	_ =	swait.ge [sflag:s3], $0x2800  }
0x75: {  	[sflag:s3] =	ssyncset.done $0x0  }
0x76: {  	[sflag:s3] =	ssyncadd.s32 $0xFFFFD800  }
0x77: {  	_ =	swait.ge [sflag:s3], $0x2800  }
0x78: {  	[sflag:s3] =	ssyncset.done $0x0  }
0x79: {  	[sflag:s3] =	ssyncadd.s32 $0xFFFFD800  }
0x7a: {  	_ =	swait.ge [sflag:s3], $0x2800  }
0x7b: {  	[sflag:s3] =	ssyncset.done $0x0  }
0x7c: {  	[sflag:s3] =	ssyncadd.s32 $0xFFFFD800  }
0x7d: {  	_ =	swait.ge [sflag:s3], $0x2800  }
0x7e: {  	[sflag:s3] =	ssyncset.done $0x0  }
0x7f: {  	[sflag:s3] =	ssyncadd.s32 $0xFFFFD800  }
0x80: {  	_ =	swait.ge [sflag:s3], $0x2800  }
0x81: {  	[sflag:s3] =	ssyncset.done $0x0  }
0x82: {  	[sflag:s3] =	ssyncadd.s32 $0xFFFFD800  }
0x83: {  	_ =	swait.ge [sflag:s3], $0x2800  }
0x84: {  	[sflag:s3] =	ssyncset.done $0x0  }
0x85: {  	[sflag:s3] =	ssyncadd.s32 $0xFFFFD800  }
0x86: {  	_ =	swait.ge [sflag:s3], $0x2800  }
0x87: {  	[sflag:s3] =	ssyncset.done $0x0  }
0x88: {  	[sflag:s3] =	ssyncadd.s32 $0xFFFFD800  }
0x89: {  	_ =	swait.ge [sflag:s3], $0x2000  }
0x8a: {  	[sflag:s3] =	ssyncset.done $0x0  }
0x8b: {  	[sflag:s3] =	ssyncadd.s32 $0xFFFFE000  }
0x8c: {  	_ =	swait.ge [sflag:s3], $0x280  }
0x8d: {  	[sflag:s3] =	ssyncset.done $0x0  }
0x8e: {  	[sflag:s3] =	ssyncadd.s32 $0xFFFFFD80  }
0x8f: {  	[bflag:$0x0] =	sbarrier.arrive $0xFFFF  }
0x90: {  	s25 =	simm.s32 $0x0;
	s28 =	rddreg [dreg:$0xe]  }
0x91: {  	[tilespmem:s25], [sflag:$0x3] =	stream.linear.gather [hbm4b:s28+s25], $0x50, $0x38;
	[tilespmem:$0x1E020] =	vst v63  }
0x92: {  	_ =	swait.ge [sflag:s1], $0x50  }
0x93: {  	[sflag:s1] =	ssyncset.done $0x0  }
0x94: {  	s20 =	rddreg [dreg:$0xf];
	[sflag:s1] =	ssyncadd.s32 $0xFFFFFFB0  }
0x95: {  	[tilespmem:s7], [sflag:$0x3] =	stream.linear.gather [hbm4b:s20+s25], $0x50, $0x38;
	[tilespmem:$0x1E020] =	vst v63  }
0x96: {  	_ =	swait.ge [sflag:s1], $0x50  }
0x97: {  	[sflag:s1] =	ssyncset.done $0x0  }
0x98: {  	s20 =	simm.s32 $0xA0;
	s23 =	rddreg [dreg:$0x14];
	[sflag:s1] =	ssyncadd.s32 $0xFFFFFFB0  }
0x99: {  	[tilespmem:s20], [sflag:$0x4] =	stream.linear.gather [hbm4b:s23+s25], $0x50, $0x38;
	[tilespmem:$0x1E020] =	vst v63  }
0x9a: {  	s28 =	simm.s32 $0xF0;
	s26 =	rddreg [dreg:$0x15]  }
0x9b: {  	[tilespmem:s28], [sflag:$0x4] =	stream.linear.gather [hbm4b:s26+s25], $0x50, $0x38;
	[tilespmem:$0x1E020] =	vst v63  }
0x9c: {  	_ = 	snop  }
0x9d: {  	[tilespmem:s31], [sflag:$0x1] =	stream.indirect.gather [hbm4b:s0+s7], $0x80, s25, s7, $0xb8;
	[tilespmem:$0x1E020] =	vst v63  }
.LBB2_4:
0x9e: {  	p1 =	seq.s32 s25, $0x0  }
0x9f: {  	s18 =	simm.s32 @p1 $0x4  }
0xa0: {  	_ =	swait.ge @p1 [sflag:s18], $0x50  }
0xa1: {  	[sflag:s18] =	ssyncset.done @p1 $0x0  }
0xa2: {  	[sflag:s18] =	ssyncadd.s32 @p1 $0xFFFFFFB0  }
0xa3: {  	_ =	swait.ge @p1 [sflag:s18], $0x50  }
0xa4: {  	s20 =	simm.s32 @p1 $0xA0;
	[sflag:s18] =	ssyncset.done @p1 $0x0  }
0xa5: {  	s26 =	simm.s32 @p1 $0x7BC0;
	[sflag:s18] =	ssyncadd.s32 @p1 $0xFFFFFFB0;
	s18 =	simm.s32 @p1 $0x50  }
0xa6: {  	[tilespmem:s26], [sflag:$0x2] =	stream.indirect.gather @p1 [hbm4b:s0+s18], $0x80, s20, s18, $0xb8;
	[tilespmem:$0x1E020] =	vst v63  }
0xa7: {  	s18 =	simm.s32 @!p1 $0x6  }
0xa8: {  	_ =	swait.ge @!p1 [sflag:s18], $0x2800  }
0xa9: {  	[sflag:s18] =	ssyncset.done @!p1 $0x0  }
0xaa: {  	[sflag:s18] =	ssyncadd.s32 @!p1 $0xFFFFD800;
	s18 =	simm.s32 @!p1 $0x8  }
0xab: {  	_ =	swait.ge @!p1 [sflag:s18], $0x50  }
0xac: {  	[sflag:s18] =	ssyncset.done @!p1 $0x0  }
0xad: {  	[sflag:s18] =	ssyncadd.s32 @!p1 $0xFFFFFFB0;
	s18 =	simm.s32 @!p1 $0x4  }
0xae: {  	_ =	swait.ge @!p1 [sflag:s18], $0x50  }
0xaf: {  	[sflag:s18] =	ssyncset.done @!p1 $0x0  }
0xb0: {  	[sflag:s18] =	ssyncadd.s32 @!p1 $0xFFFFFFB0  }
0xb1: {  	_ =	swait.ge @!p1 [sflag:s18], $0x50  }
0xb2: {  	s20 =	simm.s32 @!p1 $0xA0;
	[sflag:s18] =	ssyncset.done @!p1 $0x0  }
0xb3: {  	s26 =	simm.s32 @!p1 $0x7BC0;
	[sflag:s18] =	ssyncadd.s32 @!p1 $0xFFFFFFB0;
	s18 =	simm.s32 @!p1 $0x50  }
0xb4: {  	[tilespmem:s26], [sflag:$0x2] =	stream.indirect.gather @!p1 [hbm4b:s0+s18], $0x80, s20, s18, $0xb8;
	[tilespmem:$0x1E020] =	vst v63  }
0xb5: {  	s18 =	simm.s32 @!p1 $0x7  }
0xb6: {  	_ =	swait.ge @!p1 [sflag:s18], $0x50  }
0xb7: {  	[sflag:s18] =	ssyncset.done @!p1 $0x0  }
0xb8: {  	[sflag:s18] =	ssyncadd.s32 @!p1 $0xFFFFFFB0  }
0xb9: {  	_ =	swait.ge [sflag:s3], $0x2800  }
0xba: {  	[sflag:s3] =	ssyncset.done $0x0  }
0xbb: {  	[sflag:s3] =	ssyncadd.s32 $0xFFFFD800  }
0xbc: {  	v1 =	vld [tilespmem:$0x0]  }
0xbd: {  	v2 =	vld [tilespmem:$0x50];
	_ =	sdelay $0x4  }
0xbe: {  	v1 =	vshll.u32 v1, $0x1;
	v3 =	vshll.u32 v2, $0x1  }
0xbf: {  	v3 =	vor.u32 $0x1, v3;
	_ =	sdelay $0x3  }
0xc0: {  	v1 =	vld.idx.msk [tilespmem:v1+s29+$0x0], $0xffff  }
0xc1: {  	v3 =	vld.idx.msk [tilespmem:v3+s29+$0x0], $0xffff;
	_ =	sdelay $0x4  }
0xc2: {  	v1 =	vadd.f32 v3, v1;
	_ =	sdelay $0x1  }
0xc3: {  	v3 =	vmul.f32 $2.000000030e-01, v1  }
0xc4: {  	vm0 =	vge.f32 v1, $0.0e+00  }
0xc5: {  	v1 =	vsel vm0, v1, v3  }
0xc6: {  	v1 =	vmul.f32 $1.442695020e+00, v1;
	_ =	sdelay $0x1  }
0xc7: {  	v3 =	vld [tilespmem:$0x60];
	(erf) = vpow2.f32 v1  }
0xc8: {  	v1 =	vld [tilespmem:$0x10];
	_ =	sdelay $0x4  }
0xc9: {  	v4 =	vshll.u32 v3, $0x1;
	v1 =	vshll.u32 v1, $0x1  }
0xca: {  	v4 =	vor.u32 $0x1, v4;
	_ =	sdelay $0x1  }
0xcb: {  	[tilespmem:$0xA3C0] =	vst v2;
	v5 =	vpop (erf)  }
0xcc: {  	[tilespmem:$0xA460] =	vst v5  }
0xcd: {  	v1 =	vld.idx.msk [tilespmem:v1+s29+$0x0], $0xffff  }
0xce: {  	v2 =	vld.idx.msk [tilespmem:v4+s29+$0x0], $0xffff;
	_ =	sdelay $0x4  }
0xcf: {  	v1 =	vadd.f32 v2, v1;
	_ =	sdelay $0x1  }
0xd0: {  	v2 =	vmul.f32 $2.000000030e-01, v1  }
0xd1: {  	vm12 =	vge.f32 v1, $0.0e+00  }
0xd2: {  	v1 =	vsel vm12, v1, v2  }
0xd3: {  	v1 =	vmul.f32 $1.442695020e+00, v1;
	_ =	sdelay $0x1  }
0xd4: {  	v2 =	vld [tilespmem:$0x70];
	(erf) = vpow2.f32 v1  }
0xd5: {  	v1 =	vld [tilespmem:$0x20];
	_ =	sdelay $0x4  }
0xd6: {  	v37 =	vshll.u32 v2, $0x1;
	v1 =	vshll.u32 v1, $0x1  }
0xd7: {  	v4 =	vor.u32 $0x1, v37;
	_ =	sdelay $0x1  }
0xd8: {  	[tilespmem:$0xA3D0] =	vst v3;
	v38 =	vpop (erf)  }
0xd9: {  	[tilespmem:$0xA470] =	vst v38  }
0xda: {  	v1 =	vld.idx.msk [tilespmem:v1+s29+$0x0], $0xffff  }
0xdb: {  	v3 =	vld.idx.msk [tilespmem:v4+s29+$0x0], $0xffff;
	_ =	sdelay $0x4  }
0xdc: {  	v1 =	vadd.f32 v3, v1;
	_ =	sdelay $0x1  }
0xdd: {  	v3 =	vmul.f32 $2.000000030e-01, v1  }
0xde: {  	vm13 =	vge.f32 v1, $0.0e+00  }
0xdf: {  	v1 =	vsel vm13, v1, v3  }
0xe0: {  	v1 =	vmul.f32 $1.442695020e+00, v1;
	_ =	sdelay $0x1  }
0xe1: {  	v3 =	vld [tilespmem:$0x80];
	(erf) = vpow2.f32 v1  }
0xe2: {  	v1 =	vld [tilespmem:$0x30];
	_ =	sdelay $0x4  }
0xe3: {  	v39 =	vshll.u32 v3, $0x1;
	v1 =	vshll.u32 v1, $0x1  }
0xe4: {  	v4 =	vor.u32 $0x1, v39;
	_ =	sdelay $0x1  }
0xe5: {  	[tilespmem:$0xA3E0] =	vst v2;
	v40 =	vpop (erf)  }
0xe6: {  	[tilespmem:$0xA480] =	vst v40  }
0xe7: {  	v1 =	vld.idx.msk [tilespmem:v1+s29+$0x0], $0xffff  }
0xe8: {  	v2 =	vld.idx.msk [tilespmem:v4+s29+$0x0], $0xffff;
	_ =	sdelay $0x4  }
0xe9: {  	v1 =	vadd.f32 v2, v1;
	_ =	sdelay $0x1  }
0xea: {  	v2 =	vmul.f32 $2.000000030e-01, v1  }
0xeb: {  	vm14 =	vge.f32 v1, $0.0e+00  }
0xec: {  	v1 =	vsel vm14, v1, v2  }
0xed: {  	v1 =	vmul.f32 $1.442695020e+00, v1;
	_ =	sdelay $0x1  }
0xee: {  	v2 =	vld [tilespmem:$0x90];
	(erf) = vpow2.f32 v1  }
0xef: {  	v1 =	vld [tilespmem:$0x40];
	_ =	sdelay $0x4  }
0xf0: {  	v41 =	vshll.u32 v2, $0x1;
	v1 =	vshll.u32 v1, $0x1  }
0xf1: {  	v4 =	vor.u32 $0x1, v41;
	_ =	sdelay $0x1  }
0xf2: {  	[tilespmem:$0xA3F0] =	vst v3;
	v42 =	vpop (erf)  }
0xf3: {  	[tilespmem:$0xA490] =	vst v42  }
0xf4: {  	v1 =	vld.idx.msk [tilespmem:v1+s29+$0x0], $0xffff  }
0xf5: {  	v3 =	vld.idx.msk [tilespmem:v4+s29+$0x0], $0xffff;
	_ =	sdelay $0x4  }
0xf6: {  	v1 =	vadd.f32 v3, v1;
	_ =	sdelay $0x1  }
0xf7: {  	v3 =	vmul.f32 $2.000000030e-01, v1  }
0xf8: {  	vm15 =	vge.f32 v1, $0.0e+00  }
0xf9: {  	v1 =	vsel vm15, v1, v3  }
0xfa: {  	v1 =	vmul.f32 $1.442695020e+00, v1;
	_ =	sdelay $0x1  }
0xfb: {  	(erf) = vpow2.f32 v1;
	_ =	sdelay $0x8  }
0xfc: {  	[tilespmem:$0xA400] =	vst v2;
	v1 =	vpop (erf)  }
0xfd: {  	s26 =	simm.s32 $0x55C0;
	[tilespmem:$0xA4A0] =	vst v1  }
0xfe: {  	[spmem:s5] =	stream.indirect.scatter.add.f32 [tilespmem:s10], [sflag:$0x7], $0x1, s9, s7, $0xb8;
	[tilespmem:$0x1E020] =	vst v63  }
0xff: {  	v6 =	vld [tilespmem:s26+$0x1F0]  }
0x100: {  	v7 =	vld [tilespmem:s26+$0x1D0]  }
0x101: {  	s23 =	simm.s32 $0x0;
	v1 =	vld [tilespmem:s26+$0x1E0]  }
0x102: {  	v2 =	vld.msk [tilespmem:s23+$0xA467 ss:$0x0], $0xffff  }
0x103: {  	v8 =	vld.msk [tilespmem:s23+$0xA466 ss:$0x0], $0xffff  }
0x104: {  	v9 =	vld.msk [tilespmem:s23+$0xA465 ss:$0x0], $0xffff  }
0x105: {  	v10 =	vld.msk [tilespmem:s23+$0xA464 ss:$0x0], $0xffff  }
0x106: {  	v11 =	vld.msk [tilespmem:s23+$0xA463 ss:$0x0], $0xffff  }
0x107: {  	v5 =	vld.msk [tilespmem:s23+$0xA462 ss:$0x0], $0xffff  }
0x108: {  	v4 =	vld.msk [tilespmem:s23+$0xA461 ss:$0x0], $0xffff  }
0x109: {  	v3 =	vld.msk [tilespmem:s23+$0xA460 ss:$0x0], $0xffff  }
0x10a: {  	v12 =	vld [tilespmem:s26+$0x1C0]  }
0x10b: {  	v13 =	vld [tilespmem:s26+$0x1B0]  }
0x10c: {  	v14 =	vld [tilespmem:s26+$0x1A0]  }
0x10d: {  	v15 =	vld [tilespmem:s26+$0x190];
	v6 =	vmul.f32 v6, v2  }
0x10e: {  	v16 =	vld [tilespmem:s26+$0x180];
	v7 =	vmul.f32 v7, v2  }
0x10f: {  	v17 =	vld [tilespmem:s26+$0x170];
	v12 =	vmul.f32 v12, v2;
	[tilespmem:s26+$0x1F0] =	vst v6  }
0x110: {  	v50 =	vld [tilespmem:s26+$0xF0];
	v13 =	vmul.f32 v13, v2;
	[tilespmem:s26+$0x1D0] =	vst v7  }
0x111: {  	v59 =	vld [tilespmem:s26+$0x70];
	v14 =	vmul.f32 v14, v2;
	[tilespmem:s26+$0x1C0] =	vst v12  }
0x112: {  	v22 =	vld [tilespmem:s26+$0xFFFFFFF0];
	v15 =	vmul.f32 v15, v2;
	[tilespmem:s26+$0x1B0] =	vst v13  }
0x113: {  	v43 =	vld [tilespmem:s26+$0x160];
	v16 =	vmul.f32 v16, v2;
	[tilespmem:s26+$0x1A0] =	vst v14  }
0x114: {  	v44 =	vld [tilespmem:s26+$0x150];
	v17 =	vmul.f32 v17, v8;
	[tilespmem:s26+$0x190] =	vst v15  }
0x115: {  	v45 =	vld [tilespmem:s26+$0x140];
	v56 =	vmul.f32 v50, v9;
	[tilespmem:s26+$0x180] =	vst v16  }
0x116: {  	v46 =	vld [tilespmem:s26+$0x130];
	v19 =	vmul.f32 v59, v10;
	[tilespmem:s26+$0x170] =	vst v17  }
0x117: {  	v47 =	vld [tilespmem:s26+$0x120];
	v28 =	vmul.f32 v22, v11;
	[tilespmem:s26+$0xF0] =	vst v56  }
0x118: {  	v48 =	vld [tilespmem:s26+$0x110];
	v6 =	vmul.f32 v43, v8;
	[tilespmem:s26+$0x70] =	vst v19  }
0x119: {  	v49 =	vld [tilespmem:s26+$0x100];
	v7 =	vmul.f32 v44, v8;
	[tilespmem:s26+$0xFFFFFFF0] =	vst v28  }
0x11a: {  	v39 =	vld [tilespmem:s26+$0xFFFFFEF0];
	v12 =	vmul.f32 v45, v8;
	[tilespmem:s26+$0x160] =	vst v6  }
0x11b: {  	v42 =	vld [tilespmem:s26+$0xFFFFFEC0];
	v13 =	vmul.f32 v46, v8;
	[tilespmem:s26+$0x150] =	vst v7  }
0x11c: {  	v51 =	vld [tilespmem:s26+$0xE0];
	v14 =	vmul.f32 v47, v8;
	[tilespmem:s26+$0x140] =	vst v12  }
0x11d: {  	v52 =	vld [tilespmem:s26+$0xD0];
	v15 =	vmul.f32 v48, v8;
	[tilespmem:s26+$0x130] =	vst v13  }
0x11e: {  	v53 =	vld [tilespmem:s26+$0xC0];
	v8 =	vmul.f32 v49, v8;
	[tilespmem:s26+$0x120] =	vst v14  }
0x11f: {  	v54 =	vld [tilespmem:s26+$0xB0];
	v45 =	vmul.f32 v39, v4;
	[tilespmem:s26+$0x110] =	vst v15  }
0x120: {  	v55 =	vld [tilespmem:s26+$0xA0];
	v49 =	vmul.f32 v42, v4;
	[tilespmem:s26+$0x100] =	vst v8  }
0x121: {  	v57 =	vld [tilespmem:s26+$0x90];
	v6 =	vmul.f32 v51, v9;
	[tilespmem:s26+$0xFFFFFEF0] =	vst v45  }
0x122: {  	v58 =	vld [tilespmem:s26+$0x80];
	v7 =	vmul.f32 v52, v9;
	[tilespmem:s26+$0xFFFFFEC0] =	vst v49  }
0x123: {  	v18 =	vld [tilespmem:s26+$0x20];
	v12 =	vmul.f32 v53, v9;
	[tilespmem:s26+$0xE0] =	vst v6  }
0x124: {  	v60 =	vld [tilespmem:s26+$0x60];
	v13 =	vmul.f32 v54, v9;
	[tilespmem:s26+$0xD0] =	vst v7  }
0x125: {  	v61 =	vld [tilespmem:s26+$0x50];
	v14 =	vmul.f32 v55, v9;
	[tilespmem:s26+$0xC0] =	vst v12  }
0x126: {  	v62 =	vld [tilespmem:s26+$0x40];
	v15 =	vmul.f32 v57, v9;
	[tilespmem:s26+$0xB0] =	vst v13  }
0x127: {  	v63 =	vld [tilespmem:s26+$0x30];
	v8 =	vmul.f32 v58, v9;
	[tilespmem:s26+$0xA0] =	vst v14  }
0x128: {  	v20 =	vld [tilespmem:s26+$0x10];
	v9 =	vmul.f32 v18, v10;
	[tilespmem:s26+$0x90] =	vst v15  }
0x129: {  	v21 =	vld [tilespmem:s26+$0x0];
	v6 =	vmul.f32 v60, v10;
	[tilespmem:s26+$0x80] =	vst v8  }
0x12a: {  	v27 =	vld [tilespmem:s26+$0xFFFFFFA0];
	v7 =	vmul.f32 v61, v10;
	[tilespmem:s26+$0x20] =	vst v9  }
0x12b: {  	v29 =	vld [tilespmem:s26+$0xFFFFFF90];
	v12 =	vmul.f32 v62, v10;
	[tilespmem:s26+$0x60] =	vst v6  }
0x12c: {  	v31 =	vld [tilespmem:s26+$0xFFFFFF70];
	v13 =	vmul.f32 v63, v10;
	[tilespmem:s26+$0x50] =	vst v7  }
0x12d: {  	v43 =	vld [tilespmem:s26+$0xFFFFFEB0];
	v15 =	vmul.f32 v20, v10;
	[tilespmem:s26+$0x40] =	vst v12  }
0x12e: {  	v48 =	vld [tilespmem:s26+$0xFFFFFE70];
	v8 =	vmul.f32 v21, v10;
	[tilespmem:s26+$0x30] =	vst v13  }
0x12f: {  	v23 =	vld [tilespmem:s26+$0xFFFFFFE0];
	v9 =	vmul.f32 v27, v11;
	[tilespmem:s26+$0x10] =	vst v15  }
0x130: {  	v24 =	vld [tilespmem:s26+$0xFFFFFFD0];
	v14 =	vmul.f32 v29, v11;
	[tilespmem:s26+$0x0] =	vst v8  }
0x131: {  	v25 =	vld [tilespmem:s26+$0xFFFFFFC0];
	v10 =	vmul.f32 v31, v5;
	[tilespmem:s26+$0xFFFFFFA0] =	vst v9  }
0x132: {  	v26 =	vld [tilespmem:s26+$0xFFFFFFB0];
	v51 =	vmul.f32 v43, v4;
	[tilespmem:s26+$0xFFFFFF90] =	vst v14  }
0x133: {  	v30 =	vld [tilespmem:s26+$0xFFFFFF80];
	v56 =	vmul.f32 v48, v3;
	[tilespmem:s26+$0xFFFFFF70] =	vst v10  }
0x134: {  	v36 =	vld [tilespmem:s26+$0xFFFFFF20];
	v6 =	vmul.f32 v23, v11;
	[tilespmem:s26+$0xFFFFFEB0] =	vst v51  }
0x135: {  	v37 =	vld [tilespmem:s26+$0xFFFFFF10];
	v7 =	vmul.f32 v24, v11;
	[tilespmem:s26+$0xFFFFFE70] =	vst v56  }
0x136: {  	v46 =	vld [tilespmem:s26+$0xFFFFFE90];
	v12 =	vmul.f32 v25, v11;
	[tilespmem:s26+$0xFFFFFFE0] =	vst v6  }
0x137: {  	v52 =	vld [tilespmem:s26+$0xFFFFFE50];
	v13 =	vmul.f32 v26, v11;
	[tilespmem:s26+$0xFFFFFFD0] =	vst v7  }
0x138: {  	v53 =	vld [tilespmem:s26+$0xFFFFFE40];
	v8 =	vmul.f32 v30, v11;
	[tilespmem:s26+$0xFFFFFFC0] =	vst v12  }
0x139: {  	v54 =	vld [tilespmem:s26+$0xFFFFFE30];
	v9 =	vmul.f32 v36, v5;
	[tilespmem:s26+$0xFFFFFFB0] =	vst v13  }
0x13a: {  	v55 =	vld [tilespmem:s26+$0xFFFFFE20];
	v11 =	vmul.f32 v37, v5;
	[tilespmem:s26+$0xFFFFFF80] =	vst v8  }
0x13b: {  	v57 =	vld [tilespmem:s26+$0xFFFFFE10];
	v10 =	vmul.f32 v46, v4;
	[tilespmem:s26+$0xFFFFFF20] =	vst v9  }
0x13c: {  	v32 =	vld [tilespmem:s26+$0xFFFFFF60];
	v58 =	vmul.f32 v52, v3;
	[tilespmem:s26+$0xFFFFFF10] =	vst v11  }
0x13d: {  	v33 =	vld [tilespmem:s26+$0xFFFFFF50];
	v60 =	vmul.f32 v53, v3;
	[tilespmem:s26+$0xFFFFFE90] =	vst v10  }
0x13e: {  	v34 =	vld [tilespmem:s26+$0xFFFFFF40];
	v61 =	vmul.f32 v54, v3;
	[tilespmem:s26+$0xFFFFFE50] =	vst v58  }
0x13f: {  	v35 =	vld [tilespmem:s26+$0xFFFFFF30];
	v62 =	vmul.f32 v55, v3;
	[tilespmem:s26+$0xFFFFFE40] =	vst v60  }
0x140: {  	v38 =	vld [tilespmem:s26+$0xFFFFFF00];
	v63 =	vmul.f32 v57, v3;
	[tilespmem:s26+$0xFFFFFE30] =	vst v61  }
0x141: {  	v44 =	vld [tilespmem:s26+$0xFFFFFEA0];
	v6 =	vmul.f32 v32, v5;
	[tilespmem:s26+$0xFFFFFE20] =	vst v62  }
0x142: {  	v40 =	vld [tilespmem:s26+$0xFFFFFEE0];
	v7 =	vmul.f32 v33, v5;
	[tilespmem:s26+$0xFFFFFE10] =	vst v63  }
0x143: {  	v41 =	vld [tilespmem:s26+$0xFFFFFED0];
	v12 =	vmul.f32 v34, v5;
	[tilespmem:s26+$0xFFFFFF60] =	vst v6  }
0x144: {  	v47 =	vld [tilespmem:s26+$0xFFFFFE80];
	v13 =	vmul.f32 v35, v5;
	[tilespmem:s26+$0xFFFFFF50] =	vst v7  }
0x145: {  	v50 =	vld [tilespmem:s26+$0xFFFFFE60];
	v5 =	vmul.f32 v38, v5;
	[tilespmem:s26+$0xFFFFFF40] =	vst v12  }
0x146: {  	v59 =	vld [tilespmem:s26+$0xFFFFFE00];
	v8 =	vmul.f32 v44, v4;
	[tilespmem:s26+$0xFFFFFF30] =	vst v13  }
0x147: {  	v6 =	vmul.f32 v40, v4;
	[tilespmem:s26+$0xFFFFFF00] =	vst v5  }
0x148: {  	v7 =	vmul.f32 v41, v4;
	[tilespmem:s26+$0xFFFFFEA0] =	vst v8  }
0x149: {  	v4 =	vmul.f32 v47, v4;
	[tilespmem:s26+$0xFFFFFEE0] =	vst v6  }
0x14a: {  	[tilespmem:s26+$0xFFFFFED0] =	vst v7;
	v6 =	vmul.f32 v50, v3  }
0x14b: {  	v1 =	vmul.f32 v1, v2;
	v2 =	vmul.f32 v59, v3;
	[tilespmem:s26+$0xFFFFFE80] =	vst v4  }
0x14c: {  	s28 =	simm.s32 $0x20;
	s18 =	simm.s32 $0x59C0;
	[tilespmem:s26+$0xFFFFFE60] =	vst v6  }
.LBB2_5:
0x14d: {  	s20 =	sshra.s32 s28, $0x2;
	v7 =	vld [tilespmem:s18+$0x1F0];
	p1 =	sne.s32 s28, $0x120;
	s28 =	sadd.s32 $0x20, s28;
	[tilespmem:s26+$0xFFFFFE00] =	vst v2  }
0x14e: {  	v8 =	vld [tilespmem:s18+$0x1D0];
	[tilespmem:s26+$0x1E0] =	vst v1;
	s26 =	smov.u32 s18  }
0x14f: {  	v1 =	vld [tilespmem:s18+$0x1E0]  }
0x150: {  	v9 =	vld.msk [tilespmem:s20+$0xA467 ss:$0x0], $0xffff  }
0x151: {  	v10 =	vld.msk [tilespmem:s20+$0xA466 ss:$0x0], $0xffff  }
0x152: {  	v11 =	vld.msk [tilespmem:s20+$0xA465 ss:$0x0], $0xffff  }
0x153: {  	v6 =	vld.msk [tilespmem:s20+$0xA464 ss:$0x0], $0xffff  }
0x154: {  	v5 =	vld.msk [tilespmem:s20+$0xA463 ss:$0x0], $0xffff  }
0x155: {  	v4 =	vld.msk [tilespmem:s20+$0xA462 ss:$0x0], $0xffff  }
0x156: {  	v3 =	vld.msk [tilespmem:s20+$0xA461 ss:$0x0], $0xffff  }
0x157: {  	v2 =	vld.msk [tilespmem:s20+$0xA460 ss:$0x0], $0xffff  }
0x158: {  	v12 =	vld [tilespmem:s18+$0x1C0]  }
0x159: {  	v13 =	vld [tilespmem:s18+$0x1B0]  }
0x15a: {  	v14 =	vld [tilespmem:s18+$0x1A0]  }
0x15b: {  	v1 =	vmul.f32 v1, v9;
	v7 =	vmul.f32 v7, v9;
	v15 =	vld [tilespmem:s18+$0x190]  }
0x15c: {  	v8 =	vmul.f32 v8, v9;
	v16 =	vld [tilespmem:s18+$0x180]  }
0x15d: {  	v17 =	vld [tilespmem:s18+$0x170];
	v12 =	vmul.f32 v12, v9;
	[tilespmem:s18+$0x1F0] =	vst v7  }
0x15e: {  	v7 =	vld [tilespmem:s18+$0x160];
	v13 =	vmul.f32 v13, v9;
	[tilespmem:s18+$0x1D0] =	vst v8  }
0x15f: {  	v8 =	vld [tilespmem:s18+$0x150];
	v14 =	vmul.f32 v14, v9;
	[tilespmem:s18+$0x1C0] =	vst v12  }
0x160: {  	v12 =	vld [tilespmem:s18+$0x140];
	v15 =	vmul.f32 v15, v9;
	[tilespmem:s18+$0x1B0] =	vst v13  }
0x161: {  	v13 =	vld [tilespmem:s18+$0x130];
	v9 =	vmul.f32 v16, v9;
	[tilespmem:s18+$0x1A0] =	vst v14  }
0x162: {  	v14 =	vld [tilespmem:s18+$0x120];
	v16 =	vmul.f32 v17, v10;
	[tilespmem:s18+$0x190] =	vst v15  }
0x163: {  	v15 =	vld [tilespmem:s18+$0x110];
	v7 =	vmul.f32 v7, v10;
	[tilespmem:s18+$0x180] =	vst v9  }
0x164: {  	v9 =	vld [tilespmem:s18+$0x100];
	v8 =	vmul.f32 v8, v10;
	[tilespmem:s18+$0x170] =	vst v16  }
0x165: {  	v16 =	vld [tilespmem:s18+$0xF0];
	v12 =	vmul.f32 v12, v10;
	[tilespmem:s18+$0x160] =	vst v7  }
0x166: {  	v7 =	vld [tilespmem:s18+$0xE0];
	v13 =	vmul.f32 v13, v10;
	[tilespmem:s18+$0x150] =	vst v8  }
0x167: {  	v8 =	vld [tilespmem:s18+$0xD0];
	v14 =	vmul.f32 v14, v10;
	[tilespmem:s18+$0x140] =	vst v12  }
0x168: {  	v12 =	vld [tilespmem:s18+$0xC0];
	v15 =	vmul.f32 v15, v10;
	[tilespmem:s18+$0x130] =	vst v13  }
0x169: {  	v13 =	vld [tilespmem:s18+$0xB0];
	v9 =	vmul.f32 v9, v10;
	[tilespmem:s18+$0x120] =	vst v14  }
0x16a: {  	v10 =	vld [tilespmem:s18+$0xA0];
	v14 =	vmul.f32 v16, v11;
	[tilespmem:s18+$0x110] =	vst v15  }
0x16b: {  	v15 =	vld [tilespmem:s18+$0x90];
	v7 =	vmul.f32 v7, v11;
	[tilespmem:s18+$0x100] =	vst v9  }
0x16c: {  	v9 =	vld [tilespmem:s18+$0x80];
	v8 =	vmul.f32 v8, v11;
	[tilespmem:s18+$0xF0] =	vst v14  }
0x16d: {  	v14 =	vld [tilespmem:s18+$0x70];
	v12 =	vmul.f32 v12, v11;
	[tilespmem:s18+$0xE0] =	vst v7  }
0x16e: {  	v7 =	vld [tilespmem:s18+$0x60];
	v13 =	vmul.f32 v13, v11;
	[tilespmem:s18+$0xD0] =	vst v8  }
0x16f: {  	v8 =	vld [tilespmem:s18+$0x50];
	v10 =	vmul.f32 v10, v11;
	[tilespmem:s18+$0xC0] =	vst v12  }
0x170: {  	v12 =	vld [tilespmem:s18+$0x40];
	v15 =	vmul.f32 v15, v11;
	[tilespmem:s18+$0xB0] =	vst v13  }
0x171: {  	v13 =	vld [tilespmem:s18+$0x30];
	v9 =	vmul.f32 v9, v11;
	[tilespmem:s18+$0xA0] =	vst v10  }
0x172: {  	v10 =	vld [tilespmem:s18+$0x20];
	v11 =	vmul.f32 v14, v6;
	[tilespmem:s18+$0x90] =	vst v15  }
0x173: {  	v14 =	vld [tilespmem:s18+$0x10];
	v7 =	vmul.f32 v7, v6;
	[tilespmem:s18+$0x80] =	vst v9  }
0x174: {  	v9 =	vld [tilespmem:s18+$0x0];
	v8 =	vmul.f32 v8, v6;
	[tilespmem:s18+$0x70] =	vst v11  }
0x175: {  	v11 =	vld [tilespmem:s18+$0xFFFFFFF0];
	v12 =	vmul.f32 v12, v6;
	[tilespmem:s18+$0x60] =	vst v7  }
0x176: {  	v7 =	vld [tilespmem:s18+$0xFFFFFFE0];
	v13 =	vmul.f32 v13, v6;
	[tilespmem:s18+$0x50] =	vst v8  }
0x177: {  	v8 =	vld [tilespmem:s18+$0xFFFFFFD0];
	v10 =	vmul.f32 v10, v6;
	[tilespmem:s18+$0x40] =	vst v12  }
0x178: {  	v12 =	vld [tilespmem:s18+$0xFFFFFFC0];
	v14 =	vmul.f32 v14, v6;
	[tilespmem:s18+$0x30] =	vst v13  }
0x179: {  	v13 =	vld [tilespmem:s18+$0xFFFFFFB0];
	v6 =	vmul.f32 v9, v6;
	[tilespmem:s18+$0x20] =	vst v10  }
0x17a: {  	v9 =	vld [tilespmem:s18+$0xFFFFFFA0];
	v10 =	vmul.f32 v11, v5;
	[tilespmem:s18+$0x10] =	vst v14  }
0x17b: {  	v11 =	vld [tilespmem:s18+$0xFFFFFF90];
	v7 =	vmul.f32 v7, v5;
	[tilespmem:s18+$0x0] =	vst v6  }
0x17c: {  	v6 =	vld [tilespmem:s18+$0xFFFFFF80];
	v8 =	vmul.f32 v8, v5;
	[tilespmem:s18+$0xFFFFFFF0] =	vst v10  }
0x17d: {  	v10 =	vld [tilespmem:s18+$0xFFFFFF70];
	v12 =	vmul.f32 v12, v5;
	[tilespmem:s18+$0xFFFFFFE0] =	vst v7  }
0x17e: {  	v7 =	vld [tilespmem:s18+$0xFFFFFF60];
	v13 =	vmul.f32 v13, v5;
	[tilespmem:s18+$0xFFFFFFD0] =	vst v8  }
0x17f: {  	v8 =	vld [tilespmem:s18+$0xFFFFFF50];
	v9 =	vmul.f32 v9, v5;
	[tilespmem:s18+$0xFFFFFFC0] =	vst v12  }
0x180: {  	v12 =	vld [tilespmem:s18+$0xFFFFFF40];
	v11 =	vmul.f32 v11, v5;
	[tilespmem:s18+$0xFFFFFFB0] =	vst v13  }
0x181: {  	v13 =	vld [tilespmem:s18+$0xFFFFFF30];
	v5 =	vmul.f32 v6, v5;
	[tilespmem:s18+$0xFFFFFFA0] =	vst v9  }
0x182: {  	v6 =	vld [tilespmem:s18+$0xFFFFFF20];
	v9 =	vmul.f32 v10, v4;
	[tilespmem:s18+$0xFFFFFF90] =	vst v11  }
0x183: {  	v10 =	vld [tilespmem:s18+$0xFFFFFF10];
	v7 =	vmul.f32 v7, v4;
	[tilespmem:s18+$0xFFFFFF80] =	vst v5  }
0x184: {  	v5 =	vld [tilespmem:s18+$0xFFFFFF00];
	v8 =	vmul.f32 v8, v4;
	[tilespmem:s18+$0xFFFFFF70] =	vst v9  }
0x185: {  	v9 =	vld [tilespmem:s18+$0xFFFFFEF0];
	v11 =	vmul.f32 v12, v4;
	[tilespmem:s18+$0xFFFFFF60] =	vst v7  }
0x186: {  	v7 =	vld [tilespmem:s18+$0xFFFFFEE0];
	v12 =	vmul.f32 v13, v4;
	[tilespmem:s18+$0xFFFFFF50] =	vst v8  }
0x187: {  	v8 =	vld [tilespmem:s18+$0xFFFFFED0];
	v6 =	vmul.f32 v6, v4;
	[tilespmem:s18+$0xFFFFFF40] =	vst v11  }
0x188: {  	v11 =	vld [tilespmem:s18+$0xFFFFFEC0];
	v10 =	vmul.f32 v10, v4;
	[tilespmem:s18+$0xFFFFFF30] =	vst v12  }
0x189: {  	v12 =	vld [tilespmem:s18+$0xFFFFFEB0];
	v4 =	vmul.f32 v5, v4;
	[tilespmem:s18+$0xFFFFFF20] =	vst v6  }
0x18a: {  	v5 =	vld [tilespmem:s18+$0xFFFFFEA0];
	v6 =	vmul.f32 v9, v3;
	[tilespmem:s18+$0xFFFFFF10] =	vst v10  }
0x18b: {  	v9 =	vld [tilespmem:s18+$0xFFFFFE90];
	v7 =	vmul.f32 v7, v3;
	[tilespmem:s18+$0xFFFFFF00] =	vst v4  }
0x18c: {  	v4 =	vld [tilespmem:s18+$0xFFFFFE80];
	v8 =	vmul.f32 v8, v3;
	[tilespmem:s18+$0xFFFFFEF0] =	vst v6  }
0x18d: {  	v6 =	vld [tilespmem:s18+$0xFFFFFE70];
	v10 =	vmul.f32 v11, v3;
	[tilespmem:s18+$0xFFFFFEE0] =	vst v7  }
0x18e: {  	v7 =	vld [tilespmem:s18+$0xFFFFFE60];
	v11 =	vmul.f32 v12, v3;
	[tilespmem:s18+$0xFFFFFED0] =	vst v8  }
0x18f: {  	v8 =	vld [tilespmem:s18+$0xFFFFFE50];
	v5 =	vmul.f32 v5, v3;
	[tilespmem:s18+$0xFFFFFEC0] =	vst v10  }
0x190: {  	v10 =	vld [tilespmem:s18+$0xFFFFFE40];
	v9 =	vmul.f32 v9, v3;
	[tilespmem:s18+$0xFFFFFEB0] =	vst v11  }
0x191: {  	v11 =	vld [tilespmem:s18+$0xFFFFFE30];
	v3 =	vmul.f32 v4, v3;
	[tilespmem:s18+$0xFFFFFEA0] =	vst v5  }
0x192: {  	v4 =	vld [tilespmem:s18+$0xFFFFFE20];
	v5 =	vmul.f32 v6, v2;
	[tilespmem:s18+$0xFFFFFE90] =	vst v9  }
0x193: {  	v6 =	vld [tilespmem:s18+$0xFFFFFE10];
	v7 =	vmul.f32 v7, v2;
	[tilespmem:s18+$0xFFFFFE80] =	vst v3  }
0x194: {  	v3 =	vld [tilespmem:s18+$0xFFFFFE00];
	v8 =	vmul.f32 v8, v2;
	[tilespmem:s18+$0xFFFFFE70] =	vst v5  }
0x195: {  	v5 =	vmul.f32 v10, v2;
	[tilespmem:s18+$0xFFFFFE60] =	vst v7  }
.Ltmp1:
0x196: {  	v7 =	vmul.f32 v11, v2;
	[tilespmem:s18+$0xFFFFFE50] =	vst v8;
	(pc) =	sbr.rel @p1 .LBB2_5-.Ltmp1, $4  }
0x197: {  	v4 =	vmul.f32 v4, v2;
	[tilespmem:s18+$0xFFFFFE40] =	vst v5  }
0x198: {  	v5 =	vmul.f32 v6, v2;
	[tilespmem:s18+$0xFFFFFE30] =	vst v7  }
0x199: {  	v2 =	vmul.f32 v3, v2;
	[tilespmem:s18+$0xFFFFFE20] =	vst v4  }
0x19a: {  	s18 =	sadd.s32 $0x400, s18;
	[tilespmem:s26+$0xFFFFFE10] =	vst v5  }
0x19b: {  	[tilespmem:s26+$0xFFFFFE00] =	vst v2  }
0x19c: {  	[tilespmem:s26+$0x1E0] =	vst v1;
	s26 =	smul.u32 $0xA0, s25  }
0x19d: {  	[spmem:s4] =	stream.indirect.scatter.add.f32 [tilespmem:s31], [sflag:$0x5], $0x80, s9, s7, $0xb8;
	[tilespmem:$0x1E020] =	vst v63  }
0x19e: {  	s18 =	sadd.s32 s26, s21  }
0x19f: {  	s18 =	sshrl.u32 s18, $0x3  }
0x1a0: {  	s20 =	simm.s32 $0x0;
	s18 =	sadd.s32 s2, s18  }
0x1a1: {  	[tilespmem:s20], [sflag:$0x3] =	stream.linear.gather [hbm4b:s18+s20], $0x50, $0x38;
	[tilespmem:$0x1E020] =	vst v63  }
0x1a2: {  	s18 =	sadd.s32 $0x9C40, s18  }
0x1a3: {  	[tilespmem:s7], [sflag:$0x3] =	stream.linear.gather [hbm4b:s18+s20], $0x50, $0x38;
	[tilespmem:$0x1E020] =	vst v63  }
0x1a4: {  	_ =	swait.ge [sflag:s11], $0x2800  }
0x1a5: {  	[sflag:s11] =	ssyncset.done $0x0  }
0x1a6: {  	[sflag:s11] =	ssyncadd.s32 $0xFFFFD800  }
0x1a7: {  	v1 =	vld [tilespmem:$0xA0]  }
0x1a8: {  	v2 =	vld [tilespmem:$0xF0];
	_ =	sdelay $0x4  }
0x1a9: {  	v1 =	vshll.u32 v1, $0x1;
	v3 =	vshll.u32 v2, $0x1  }
0x1aa: {  	v3 =	vor.u32 $0x1, v3;
	_ =	sdelay $0x3  }
0x1ab: {  	v1 =	vld.idx.msk [tilespmem:v1+s29+$0x0], $0xffff  }
0x1ac: {  	v3 =	vld.idx.msk [tilespmem:v3+s29+$0x0], $0xffff;
	_ =	sdelay $0x4  }
0x1ad: {  	v1 =	vadd.f32 v3, v1;
	_ =	sdelay $0x1  }
0x1ae: {  	v3 =	vmul.f32 $2.000000030e-01, v1  }
0x1af: {  	vm0 =	vge.f32 v1, $0.0e+00  }
0x1b0: {  	v1 =	vsel vm0, v1, v3  }
0x1b1: {  	v1 =	vmul.f32 $1.442695020e+00, v1;
	_ =	sdelay $0x1  }
0x1b2: {  	v3 =	vld [tilespmem:$0x100];
	(erf) = vpow2.f32 v1  }
0x1b3: {  	v1 =	vld [tilespmem:$0xB0];
	_ =	sdelay $0x4  }
0x1b4: {  	v4 =	vshll.u32 v3, $0x1;
	v1 =	vshll.u32 v1, $0x1  }
0x1b5: {  	v4 =	vor.u32 $0x1, v4;
	_ =	sdelay $0x1  }
0x1b6: {  	[tilespmem:$0xA410] =	vst v2;
	v5 =	vpop (erf)  }
0x1b7: {  	[tilespmem:$0xA4C0] =	vst v5  }
0x1b8: {  	v1 =	vld.idx.msk [tilespmem:v1+s29+$0x0], $0xffff  }
0x1b9: {  	v2 =	vld.idx.msk [tilespmem:v4+s29+$0x0], $0xffff;
	_ =	sdelay $0x4  }
0x1ba: {  	v1 =	vadd.f32 v2, v1;
	_ =	sdelay $0x1  }
0x1bb: {  	v2 =	vmul.f32 $2.000000030e-01, v1  }
0x1bc: {  	vm12 =	vge.f32 v1, $0.0e+00  }
0x1bd: {  	v1 =	vsel vm12, v1, v2  }
0x1be: {  	v1 =	vmul.f32 $1.442695020e+00, v1;
	_ =	sdelay $0x1  }
0x1bf: {  	v2 =	vld [tilespmem:$0x110];
	(erf) = vpow2.f32 v1  }
0x1c0: {  	v1 =	vld [tilespmem:$0xC0];
	_ =	sdelay $0x4  }
0x1c1: {  	v37 =	vshll.u32 v2, $0x1;
	v1 =	vshll.u32 v1, $0x1  }
0x1c2: {  	v4 =	vor.u32 $0x1, v37;
	_ =	sdelay $0x1  }
0x1c3: {  	[tilespmem:$0xA420] =	vst v3;
	v38 =	vpop (erf)  }
0x1c4: {  	[tilespmem:$0xA4D0] =	vst v38  }
0x1c5: {  	v1 =	vld.idx.msk [tilespmem:v1+s29+$0x0], $0xffff  }
0x1c6: {  	v3 =	vld.idx.msk [tilespmem:v4+s29+$0x0], $0xffff;
	_ =	sdelay $0x4  }
0x1c7: {  	v1 =	vadd.f32 v3, v1;
	_ =	sdelay $0x1  }
0x1c8: {  	v3 =	vmul.f32 $2.000000030e-01, v1  }
0x1c9: {  	vm13 =	vge.f32 v1, $0.0e+00  }
0x1ca: {  	v1 =	vsel vm13, v1, v3  }
0x1cb: {  	v1 =	vmul.f32 $1.442695020e+00, v1;
	_ =	sdelay $0x1  }
0x1cc: {  	v3 =	vld [tilespmem:$0x120];
	(erf) = vpow2.f32 v1  }
0x1cd: {  	v1 =	vld [tilespmem:$0xD0];
	_ =	sdelay $0x4  }
0x1ce: {  	v39 =	vshll.u32 v3, $0x1;
	v1 =	vshll.u32 v1, $0x1  }
0x1cf: {  	v4 =	vor.u32 $0x1, v39;
	_ =	sdelay $0x1  }
0x1d0: {  	[tilespmem:$0xA430] =	vst v2;
	v40 =	vpop (erf)  }
0x1d1: {  	[tilespmem:$0xA4E0] =	vst v40  }
0x1d2: {  	v1 =	vld.idx.msk [tilespmem:v1+s29+$0x0], $0xffff  }
0x1d3: {  	v2 =	vld.idx.msk [tilespmem:v4+s29+$0x0], $0xffff;
	_ =	sdelay $0x4  }
0x1d4: {  	v1 =	vadd.f32 v2, v1;
	_ =	sdelay $0x1  }
0x1d5: {  	v2 =	vmul.f32 $2.000000030e-01, v1  }
0x1d6: {  	vm14 =	vge.f32 v1, $0.0e+00  }
0x1d7: {  	v1 =	vsel vm14, v1, v2  }
0x1d8: {  	v1 =	vmul.f32 $1.442695020e+00, v1;
	_ =	sdelay $0x1  }
0x1d9: {  	v2 =	vld [tilespmem:$0x130];
	(erf) = vpow2.f32 v1  }
0x1da: {  	v1 =	vld [tilespmem:$0xE0];
	_ =	sdelay $0x4  }
0x1db: {  	v41 =	vshll.u32 v2, $0x1;
	v1 =	vshll.u32 v1, $0x1  }
0x1dc: {  	v4 =	vor.u32 $0x1, v41;
	_ =	sdelay $0x1  }
0x1dd: {  	[tilespmem:$0xA440] =	vst v3;
	v42 =	vpop (erf)  }
0x1de: {  	[tilespmem:$0xA4F0] =	vst v42  }
0x1df: {  	v1 =	vld.idx.msk [tilespmem:v1+s29+$0x0], $0xffff  }
0x1e0: {  	v3 =	vld.idx.msk [tilespmem:v4+s29+$0x0], $0xffff;
	_ =	sdelay $0x4  }
0x1e1: {  	v1 =	vadd.f32 v3, v1;
	_ =	sdelay $0x1  }
0x1e2: {  	v3 =	vmul.f32 $2.000000030e-01, v1  }
0x1e3: {  	vm15 =	vge.f32 v1, $0.0e+00  }
0x1e4: {  	v1 =	vsel vm15, v1, v3  }
0x1e5: {  	v1 =	vmul.f32 $1.442695020e+00, v1;
	_ =	sdelay $0x1  }
0x1e6: {  	(erf) = vpow2.f32 v1;
	_ =	sdelay $0x8  }
0x1e7: {  	[tilespmem:$0xA450] =	vst v2;
	v1 =	vpop (erf)  }
0x1e8: {  	s28 =	simm.s32 $0x7DC0;
	[tilespmem:$0xA500] =	vst v1  }
0x1e9: {  	[spmem:s5] =	stream.indirect.scatter.add.f32 [tilespmem:s13], [sflag:$0x8], $0x1, s12, s7, $0xb8;
	[tilespmem:$0x1E020] =	vst v63  }
0x1ea: {  	v6 =	vld [tilespmem:s28+$0x1F0]  }
0x1eb: {  	v7 =	vld [tilespmem:s28+$0x1D0]  }
0x1ec: {  	s23 =	simm.s32 $0x0;
	v1 =	vld [tilespmem:s28+$0x1E0]  }
0x1ed: {  	v2 =	vld.msk [tilespmem:s23+$0xA4C7 ss:$0x0], $0xffff  }
0x1ee: {  	v8 =	vld.msk [tilespmem:s23+$0xA4C6 ss:$0x0], $0xffff  }
0x1ef: {  	v9 =	vld.msk [tilespmem:s23+$0xA4C5 ss:$0x0], $0xffff  }
0x1f0: {  	v10 =	vld.msk [tilespmem:s23+$0xA4C4 ss:$0x0], $0xffff  }
0x1f1: {  	v11 =	vld.msk [tilespmem:s23+$0xA4C3 ss:$0x0], $0xffff  }
0x1f2: {  	v5 =	vld.msk [tilespmem:s23+$0xA4C2 ss:$0x0], $0xffff  }
0x1f3: {  	v4 =	vld.msk [tilespmem:s23+$0xA4C1 ss:$0x0], $0xffff  }
0x1f4: {  	v3 =	vld.msk [tilespmem:s23+$0xA4C0 ss:$0x0], $0xffff  }
0x1f5: {  	v12 =	vld [tilespmem:s28+$0x1C0]  }
0x1f6: {  	v13 =	vld [tilespmem:s28+$0x1B0]  }
0x1f7: {  	v14 =	vld [tilespmem:s28+$0x1A0]  }
0x1f8: {  	v15 =	vld [tilespmem:s28+$0x190];
	v6 =	vmul.f32 v6, v2  }
0x1f9: {  	v16 =	vld [tilespmem:s28+$0x180];
	v7 =	vmul.f32 v7, v2  }
0x1fa: {  	v17 =	vld [tilespmem:s28+$0x170];
	v12 =	vmul.f32 v12, v2;
	[tilespmem:s28+$0x1F0] =	vst v6  }
0x1fb: {  	v50 =	vld [tilespmem:s28+$0xF0];
	v13 =	vmul.f32 v13, v2;
	[tilespmem:s28+$0x1D0] =	vst v7  }
0x1fc: {  	v59 =	vld [tilespmem:s28+$0x70];
	v14 =	vmul.f32 v14, v2;
	[tilespmem:s28+$0x1C0] =	vst v12  }
0x1fd: {  	v22 =	vld [tilespmem:s28+$0xFFFFFFF0];
	v15 =	vmul.f32 v15, v2;
	[tilespmem:s28+$0x1B0] =	vst v13  }
0x1fe: {  	v43 =	vld [tilespmem:s28+$0x160];
	v16 =	vmul.f32 v16, v2;
	[tilespmem:s28+$0x1A0] =	vst v14  }
0x1ff: {  	v44 =	vld [tilespmem:s28+$0x150];
	v17 =	vmul.f32 v17, v8;
	[tilespmem:s28+$0x190] =	vst v15  }
0x200: {  	v45 =	vld [tilespmem:s28+$0x140];
	v56 =	vmul.f32 v50, v9;
	[tilespmem:s28+$0x180] =	vst v16  }
0x201: {  	v46 =	vld [tilespmem:s28+$0x130];
	v19 =	vmul.f32 v59, v10;
	[tilespmem:s28+$0x170] =	vst v17  }
0x202: {  	v47 =	vld [tilespmem:s28+$0x120];
	v28 =	vmul.f32 v22, v11;
	[tilespmem:s28+$0xF0] =	vst v56  }
0x203: {  	v48 =	vld [tilespmem:s28+$0x110];
	v6 =	vmul.f32 v43, v8;
	[tilespmem:s28+$0x70] =	vst v19  }
0x204: {  	v49 =	vld [tilespmem:s28+$0x100];
	v7 =	vmul.f32 v44, v8;
	[tilespmem:s28+$0xFFFFFFF0] =	vst v28  }
0x205: {  	v39 =	vld [tilespmem:s28+$0xFFFFFEF0];
	v12 =	vmul.f32 v45, v8;
	[tilespmem:s28+$0x160] =	vst v6  }
0x206: {  	v42 =	vld [tilespmem:s28+$0xFFFFFEC0];
	v13 =	vmul.f32 v46, v8;
	[tilespmem:s28+$0x150] =	vst v7  }
0x207: {  	v51 =	vld [tilespmem:s28+$0xE0];
	v14 =	vmul.f32 v47, v8;
	[tilespmem:s28+$0x140] =	vst v12  }
0x208: {  	v52 =	vld [tilespmem:s28+$0xD0];
	v15 =	vmul.f32 v48, v8;
	[tilespmem:s28+$0x130] =	vst v13  }
0x209: {  	v53 =	vld [tilespmem:s28+$0xC0];
	v8 =	vmul.f32 v49, v8;
	[tilespmem:s28+$0x120] =	vst v14  }
0x20a: {  	v54 =	vld [tilespmem:s28+$0xB0];
	v45 =	vmul.f32 v39, v4;
	[tilespmem:s28+$0x110] =	vst v15  }
0x20b: {  	v55 =	vld [tilespmem:s28+$0xA0];
	v49 =	vmul.f32 v42, v4;
	[tilespmem:s28+$0x100] =	vst v8  }
0x20c: {  	v57 =	vld [tilespmem:s28+$0x90];
	v6 =	vmul.f32 v51, v9;
	[tilespmem:s28+$0xFFFFFEF0] =	vst v45  }
0x20d: {  	v58 =	vld [tilespmem:s28+$0x80];
	v7 =	vmul.f32 v52, v9;
	[tilespmem:s28+$0xFFFFFEC0] =	vst v49  }
0x20e: {  	v18 =	vld [tilespmem:s28+$0x20];
	v12 =	vmul.f32 v53, v9;
	[tilespmem:s28+$0xE0] =	vst v6  }
0x20f: {  	v60 =	vld [tilespmem:s28+$0x60];
	v13 =	vmul.f32 v54, v9;
	[tilespmem:s28+$0xD0] =	vst v7  }
0x210: {  	v61 =	vld [tilespmem:s28+$0x50];
	v14 =	vmul.f32 v55, v9;
	[tilespmem:s28+$0xC0] =	vst v12  }
0x211: {  	v62 =	vld [tilespmem:s28+$0x40];
	v15 =	vmul.f32 v57, v9;
	[tilespmem:s28+$0xB0] =	vst v13  }
0x212: {  	v63 =	vld [tilespmem:s28+$0x30];
	v8 =	vmul.f32 v58, v9;
	[tilespmem:s28+$0xA0] =	vst v14  }
0x213: {  	v20 =	vld [tilespmem:s28+$0x10];
	v9 =	vmul.f32 v18, v10;
	[tilespmem:s28+$0x90] =	vst v15  }
0x214: {  	v21 =	vld [tilespmem:s28+$0x0];
	v6 =	vmul.f32 v60, v10;
	[tilespmem:s28+$0x80] =	vst v8  }
0x215: {  	v27 =	vld [tilespmem:s28+$0xFFFFFFA0];
	v7 =	vmul.f32 v61, v10;
	[tilespmem:s28+$0x20] =	vst v9  }
0x216: {  	v29 =	vld [tilespmem:s28+$0xFFFFFF90];
	v12 =	vmul.f32 v62, v10;
	[tilespmem:s28+$0x60] =	vst v6  }
0x217: {  	v31 =	vld [tilespmem:s28+$0xFFFFFF70];
	v13 =	vmul.f32 v63, v10;
	[tilespmem:s28+$0x50] =	vst v7  }
0x218: {  	v43 =	vld [tilespmem:s28+$0xFFFFFEB0];
	v15 =	vmul.f32 v20, v10;
	[tilespmem:s28+$0x40] =	vst v12  }
0x219: {  	v48 =	vld [tilespmem:s28+$0xFFFFFE70];
	v8 =	vmul.f32 v21, v10;
	[tilespmem:s28+$0x30] =	vst v13  }
0x21a: {  	v23 =	vld [tilespmem:s28+$0xFFFFFFE0];
	v9 =	vmul.f32 v27, v11;
	[tilespmem:s28+$0x10] =	vst v15  }
0x21b: {  	v24 =	vld [tilespmem:s28+$0xFFFFFFD0];
	v14 =	vmul.f32 v29, v11;
	[tilespmem:s28+$0x0] =	vst v8  }
0x21c: {  	v25 =	vld [tilespmem:s28+$0xFFFFFFC0];
	v10 =	vmul.f32 v31, v5;
	[tilespmem:s28+$0xFFFFFFA0] =	vst v9  }
0x21d: {  	v26 =	vld [tilespmem:s28+$0xFFFFFFB0];
	v51 =	vmul.f32 v43, v4;
	[tilespmem:s28+$0xFFFFFF90] =	vst v14  }
0x21e: {  	v30 =	vld [tilespmem:s28+$0xFFFFFF80];
	v56 =	vmul.f32 v48, v3;
	[tilespmem:s28+$0xFFFFFF70] =	vst v10  }
0x21f: {  	v36 =	vld [tilespmem:s28+$0xFFFFFF20];
	v6 =	vmul.f32 v23, v11;
	[tilespmem:s28+$0xFFFFFEB0] =	vst v51  }
0x220: {  	v37 =	vld [tilespmem:s28+$0xFFFFFF10];
	v7 =	vmul.f32 v24, v11;
	[tilespmem:s28+$0xFFFFFE70] =	vst v56  }
0x221: {  	v46 =	vld [tilespmem:s28+$0xFFFFFE90];
	v12 =	vmul.f32 v25, v11;
	[tilespmem:s28+$0xFFFFFFE0] =	vst v6  }
0x222: {  	v52 =	vld [tilespmem:s28+$0xFFFFFE50];
	v13 =	vmul.f32 v26, v11;
	[tilespmem:s28+$0xFFFFFFD0] =	vst v7  }
0x223: {  	v53 =	vld [tilespmem:s28+$0xFFFFFE40];
	v8 =	vmul.f32 v30, v11;
	[tilespmem:s28+$0xFFFFFFC0] =	vst v12  }
0x224: {  	v54 =	vld [tilespmem:s28+$0xFFFFFE30];
	v9 =	vmul.f32 v36, v5;
	[tilespmem:s28+$0xFFFFFFB0] =	vst v13  }
0x225: {  	v55 =	vld [tilespmem:s28+$0xFFFFFE20];
	v11 =	vmul.f32 v37, v5;
	[tilespmem:s28+$0xFFFFFF80] =	vst v8  }
0x226: {  	v57 =	vld [tilespmem:s28+$0xFFFFFE10];
	v10 =	vmul.f32 v46, v4;
	[tilespmem:s28+$0xFFFFFF20] =	vst v9  }
0x227: {  	v32 =	vld [tilespmem:s28+$0xFFFFFF60];
	v58 =	vmul.f32 v52, v3;
	[tilespmem:s28+$0xFFFFFF10] =	vst v11  }
0x228: {  	v33 =	vld [tilespmem:s28+$0xFFFFFF50];
	v60 =	vmul.f32 v53, v3;
	[tilespmem:s28+$0xFFFFFE90] =	vst v10  }
0x229: {  	v34 =	vld [tilespmem:s28+$0xFFFFFF40];
	v61 =	vmul.f32 v54, v3;
	[tilespmem:s28+$0xFFFFFE50] =	vst v58  }
0x22a: {  	v35 =	vld [tilespmem:s28+$0xFFFFFF30];
	v62 =	vmul.f32 v55, v3;
	[tilespmem:s28+$0xFFFFFE40] =	vst v60  }
0x22b: {  	v38 =	vld [tilespmem:s28+$0xFFFFFF00];
	v63 =	vmul.f32 v57, v3;
	[tilespmem:s28+$0xFFFFFE30] =	vst v61  }
0x22c: {  	v44 =	vld [tilespmem:s28+$0xFFFFFEA0];
	v6 =	vmul.f32 v32, v5;
	[tilespmem:s28+$0xFFFFFE20] =	vst v62  }
0x22d: {  	v40 =	vld [tilespmem:s28+$0xFFFFFEE0];
	v7 =	vmul.f32 v33, v5;
	[tilespmem:s28+$0xFFFFFE10] =	vst v63  }
0x22e: {  	v41 =	vld [tilespmem:s28+$0xFFFFFED0];
	v12 =	vmul.f32 v34, v5;
	[tilespmem:s28+$0xFFFFFF60] =	vst v6  }
0x22f: {  	v47 =	vld [tilespmem:s28+$0xFFFFFE80];
	v13 =	vmul.f32 v35, v5;
	[tilespmem:s28+$0xFFFFFF50] =	vst v7  }
0x230: {  	v50 =	vld [tilespmem:s28+$0xFFFFFE60];
	v5 =	vmul.f32 v38, v5;
	[tilespmem:s28+$0xFFFFFF40] =	vst v12  }
0x231: {  	v59 =	vld [tilespmem:s28+$0xFFFFFE00];
	v8 =	vmul.f32 v44, v4;
	[tilespmem:s28+$0xFFFFFF30] =	vst v13  }
0x232: {  	v6 =	vmul.f32 v40, v4;
	[tilespmem:s28+$0xFFFFFF00] =	vst v5  }
0x233: {  	v7 =	vmul.f32 v41, v4;
	[tilespmem:s28+$0xFFFFFEA0] =	vst v8  }
0x234: {  	v4 =	vmul.f32 v47, v4;
	[tilespmem:s28+$0xFFFFFEE0] =	vst v6  }
0x235: {  	[tilespmem:s28+$0xFFFFFED0] =	vst v7;
	v6 =	vmul.f32 v50, v3  }
0x236: {  	v1 =	vmul.f32 v1, v2;
	v2 =	vmul.f32 v59, v3;
	[tilespmem:s28+$0xFFFFFE80] =	vst v4  }
0x237: {  	s18 =	simm.s32 $0x20;
	s20 =	simm.s32 $0x81C0;
	[tilespmem:s28+$0xFFFFFE60] =	vst v6  }
.LBB2_7:
0x238: {  	s23 =	sshra.s32 s18, $0x2;
	v7 =	vld [tilespmem:s20+$0x1F0];
	p1 =	sne.s32 s18, $0x120;
	s18 =	sadd.s32 $0x20, s18;
	[tilespmem:s28+$0xFFFFFE00] =	vst v2  }
0x239: {  	v8 =	vld [tilespmem:s20+$0x1D0];
	[tilespmem:s28+$0x1E0] =	vst v1;
	s28 =	smov.u32 s20  }
0x23a: {  	v1 =	vld [tilespmem:s20+$0x1E0]  }
0x23b: {  	v9 =	vld.msk [tilespmem:s23+$0xA4C7 ss:$0x0], $0xffff  }
0x23c: {  	v10 =	vld.msk [tilespmem:s23+$0xA4C6 ss:$0x0], $0xffff  }
0x23d: {  	v11 =	vld.msk [tilespmem:s23+$0xA4C5 ss:$0x0], $0xffff  }
0x23e: {  	v6 =	vld.msk [tilespmem:s23+$0xA4C4 ss:$0x0], $0xffff  }
0x23f: {  	v5 =	vld.msk [tilespmem:s23+$0xA4C3 ss:$0x0], $0xffff  }
0x240: {  	v4 =	vld.msk [tilespmem:s23+$0xA4C2 ss:$0x0], $0xffff  }
0x241: {  	v3 =	vld.msk [tilespmem:s23+$0xA4C1 ss:$0x0], $0xffff  }
0x242: {  	v2 =	vld.msk [tilespmem:s23+$0xA4C0 ss:$0x0], $0xffff  }
0x243: {  	v12 =	vld [tilespmem:s20+$0x1C0]  }
0x244: {  	v13 =	vld [tilespmem:s20+$0x1B0]  }
0x245: {  	v14 =	vld [tilespmem:s20+$0x1A0]  }
0x246: {  	v1 =	vmul.f32 v1, v9;
	v7 =	vmul.f32 v7, v9;
	v15 =	vld [tilespmem:s20+$0x190]  }
0x247: {  	v8 =	vmul.f32 v8, v9;
	v16 =	vld [tilespmem:s20+$0x180]  }
0x248: {  	v17 =	vld [tilespmem:s20+$0x170];
	v12 =	vmul.f32 v12, v9;
	[tilespmem:s20+$0x1F0] =	vst v7  }
0x249: {  	v7 =	vld [tilespmem:s20+$0x160];
	v13 =	vmul.f32 v13, v9;
	[tilespmem:s20+$0x1D0] =	vst v8  }
0x24a: {  	v8 =	vld [tilespmem:s20+$0x150];
	v14 =	vmul.f32 v14, v9;
	[tilespmem:s20+$0x1C0] =	vst v12  }
0x24b: {  	v12 =	vld [tilespmem:s20+$0x140];
	v15 =	vmul.f32 v15, v9;
	[tilespmem:s20+$0x1B0] =	vst v13  }
0x24c: {  	v13 =	vld [tilespmem:s20+$0x130];
	v9 =	vmul.f32 v16, v9;
	[tilespmem:s20+$0x1A0] =	vst v14  }
0x24d: {  	v14 =	vld [tilespmem:s20+$0x120];
	v16 =	vmul.f32 v17, v10;
	[tilespmem:s20+$0x190] =	vst v15  }
0x24e: {  	v15 =	vld [tilespmem:s20+$0x110];
	v7 =	vmul.f32 v7, v10;
	[tilespmem:s20+$0x180] =	vst v9  }
0x24f: {  	v9 =	vld [tilespmem:s20+$0x100];
	v8 =	vmul.f32 v8, v10;
	[tilespmem:s20+$0x170] =	vst v16  }
0x250: {  	v16 =	vld [tilespmem:s20+$0xF0];
	v12 =	vmul.f32 v12, v10;
	[tilespmem:s20+$0x160] =	vst v7  }
0x251: {  	v7 =	vld [tilespmem:s20+$0xE0];
	v13 =	vmul.f32 v13, v10;
	[tilespmem:s20+$0x150] =	vst v8  }
0x252: {  	v8 =	vld [tilespmem:s20+$0xD0];
	v14 =	vmul.f32 v14, v10;
	[tilespmem:s20+$0x140] =	vst v12  }
0x253: {  	v12 =	vld [tilespmem:s20+$0xC0];
	v15 =	vmul.f32 v15, v10;
	[tilespmem:s20+$0x130] =	vst v13  }
0x254: {  	v13 =	vld [tilespmem:s20+$0xB0];
	v9 =	vmul.f32 v9, v10;
	[tilespmem:s20+$0x120] =	vst v14  }
0x255: {  	v10 =	vld [tilespmem:s20+$0xA0];
	v14 =	vmul.f32 v16, v11;
	[tilespmem:s20+$0x110] =	vst v15  }
0x256: {  	v15 =	vld [tilespmem:s20+$0x90];
	v7 =	vmul.f32 v7, v11;
	[tilespmem:s20+$0x100] =	vst v9  }
0x257: {  	v9 =	vld [tilespmem:s20+$0x80];
	v8 =	vmul.f32 v8, v11;
	[tilespmem:s20+$0xF0] =	vst v14  }
0x258: {  	v14 =	vld [tilespmem:s20+$0x70];
	v12 =	vmul.f32 v12, v11;
	[tilespmem:s20+$0xE0] =	vst v7  }
0x259: {  	v7 =	vld [tilespmem:s20+$0x60];
	v13 =	vmul.f32 v13, v11;
	[tilespmem:s20+$0xD0] =	vst v8  }
0x25a: {  	v8 =	vld [tilespmem:s20+$0x50];
	v10 =	vmul.f32 v10, v11;
	[tilespmem:s20+$0xC0] =	vst v12  }
0x25b: {  	v12 =	vld [tilespmem:s20+$0x40];
	v15 =	vmul.f32 v15, v11;
	[tilespmem:s20+$0xB0] =	vst v13  }
0x25c: {  	v13 =	vld [tilespmem:s20+$0x30];
	v9 =	vmul.f32 v9, v11;
	[tilespmem:s20+$0xA0] =	vst v10  }
0x25d: {  	v10 =	vld [tilespmem:s20+$0x20];
	v11 =	vmul.f32 v14, v6;
	[tilespmem:s20+$0x90] =	vst v15  }
0x25e: {  	v14 =	vld [tilespmem:s20+$0x10];
	v7 =	vmul.f32 v7, v6;
	[tilespmem:s20+$0x80] =	vst v9  }
0x25f: {  	v9 =	vld [tilespmem:s20+$0x0];
	v8 =	vmul.f32 v8, v6;
	[tilespmem:s20+$0x70] =	vst v11  }
0x260: {  	v11 =	vld [tilespmem:s20+$0xFFFFFFF0];
	v12 =	vmul.f32 v12, v6;
	[tilespmem:s20+$0x60] =	vst v7  }
0x261: {  	v7 =	vld [tilespmem:s20+$0xFFFFFFE0];
	v13 =	vmul.f32 v13, v6;
	[tilespmem:s20+$0x50] =	vst v8  }
0x262: {  	v8 =	vld [tilespmem:s20+$0xFFFFFFD0];
	v10 =	vmul.f32 v10, v6;
	[tilespmem:s20+$0x40] =	vst v12  }
0x263: {  	v12 =	vld [tilespmem:s20+$0xFFFFFFC0];
	v14 =	vmul.f32 v14, v6;
	[tilespmem:s20+$0x30] =	vst v13  }
0x264: {  	v13 =	vld [tilespmem:s20+$0xFFFFFFB0];
	v6 =	vmul.f32 v9, v6;
	[tilespmem:s20+$0x20] =	vst v10  }
0x265: {  	v9 =	vld [tilespmem:s20+$0xFFFFFFA0];
	v10 =	vmul.f32 v11, v5;
	[tilespmem:s20+$0x10] =	vst v14  }
0x266: {  	v11 =	vld [tilespmem:s20+$0xFFFFFF90];
	v7 =	vmul.f32 v7, v5;
	[tilespmem:s20+$0x0] =	vst v6  }
0x267: {  	v6 =	vld [tilespmem:s20+$0xFFFFFF80];
	v8 =	vmul.f32 v8, v5;
	[tilespmem:s20+$0xFFFFFFF0] =	vst v10  }
0x268: {  	v10 =	vld [tilespmem:s20+$0xFFFFFF70];
	v12 =	vmul.f32 v12, v5;
	[tilespmem:s20+$0xFFFFFFE0] =	vst v7  }
0x269: {  	v7 =	vld [tilespmem:s20+$0xFFFFFF60];
	v13 =	vmul.f32 v13, v5;
	[tilespmem:s20+$0xFFFFFFD0] =	vst v8  }
0x26a: {  	v8 =	vld [tilespmem:s20+$0xFFFFFF50];
	v9 =	vmul.f32 v9, v5;
	[tilespmem:s20+$0xFFFFFFC0] =	vst v12  }
0x26b: {  	v12 =	vld [tilespmem:s20+$0xFFFFFF40];
	v11 =	vmul.f32 v11, v5;
	[tilespmem:s20+$0xFFFFFFB0] =	vst v13  }
0x26c: {  	v13 =	vld [tilespmem:s20+$0xFFFFFF30];
	v5 =	vmul.f32 v6, v5;
	[tilespmem:s20+$0xFFFFFFA0] =	vst v9  }
0x26d: {  	v6 =	vld [tilespmem:s20+$0xFFFFFF20];
	v9 =	vmul.f32 v10, v4;
	[tilespmem:s20+$0xFFFFFF90] =	vst v11  }
0x26e: {  	v10 =	vld [tilespmem:s20+$0xFFFFFF10];
	v7 =	vmul.f32 v7, v4;
	[tilespmem:s20+$0xFFFFFF80] =	vst v5  }
0x26f: {  	v5 =	vld [tilespmem:s20+$0xFFFFFF00];
	v8 =	vmul.f32 v8, v4;
	[tilespmem:s20+$0xFFFFFF70] =	vst v9  }
0x270: {  	v9 =	vld [tilespmem:s20+$0xFFFFFEF0];
	v11 =	vmul.f32 v12, v4;
	[tilespmem:s20+$0xFFFFFF60] =	vst v7  }
0x271: {  	v7 =	vld [tilespmem:s20+$0xFFFFFEE0];
	v12 =	vmul.f32 v13, v4;
	[tilespmem:s20+$0xFFFFFF50] =	vst v8  }
0x272: {  	v8 =	vld [tilespmem:s20+$0xFFFFFED0];
	v6 =	vmul.f32 v6, v4;
	[tilespmem:s20+$0xFFFFFF40] =	vst v11  }
0x273: {  	v11 =	vld [tilespmem:s20+$0xFFFFFEC0];
	v10 =	vmul.f32 v10, v4;
	[tilespmem:s20+$0xFFFFFF30] =	vst v12  }
0x274: {  	v12 =	vld [tilespmem:s20+$0xFFFFFEB0];
	v4 =	vmul.f32 v5, v4;
	[tilespmem:s20+$0xFFFFFF20] =	vst v6  }
0x275: {  	v5 =	vld [tilespmem:s20+$0xFFFFFEA0];
	v6 =	vmul.f32 v9, v3;
	[tilespmem:s20+$0xFFFFFF10] =	vst v10  }
0x276: {  	v9 =	vld [tilespmem:s20+$0xFFFFFE90];
	v7 =	vmul.f32 v7, v3;
	[tilespmem:s20+$0xFFFFFF00] =	vst v4  }
0x277: {  	v4 =	vld [tilespmem:s20+$0xFFFFFE80];
	v8 =	vmul.f32 v8, v3;
	[tilespmem:s20+$0xFFFFFEF0] =	vst v6  }
0x278: {  	v6 =	vld [tilespmem:s20+$0xFFFFFE70];
	v10 =	vmul.f32 v11, v3;
	[tilespmem:s20+$0xFFFFFEE0] =	vst v7  }
0x279: {  	v7 =	vld [tilespmem:s20+$0xFFFFFE60];
	v11 =	vmul.f32 v12, v3;
	[tilespmem:s20+$0xFFFFFED0] =	vst v8  }
0x27a: {  	v8 =	vld [tilespmem:s20+$0xFFFFFE50];
	v5 =	vmul.f32 v5, v3;
	[tilespmem:s20+$0xFFFFFEC0] =	vst v10  }
0x27b: {  	v10 =	vld [tilespmem:s20+$0xFFFFFE40];
	v9 =	vmul.f32 v9, v3;
	[tilespmem:s20+$0xFFFFFEB0] =	vst v11  }
0x27c: {  	v11 =	vld [tilespmem:s20+$0xFFFFFE30];
	v3 =	vmul.f32 v4, v3;
	[tilespmem:s20+$0xFFFFFEA0] =	vst v5  }
0x27d: {  	v4 =	vld [tilespmem:s20+$0xFFFFFE20];
	v5 =	vmul.f32 v6, v2;
	[tilespmem:s20+$0xFFFFFE90] =	vst v9  }
0x27e: {  	v6 =	vld [tilespmem:s20+$0xFFFFFE10];
	v7 =	vmul.f32 v7, v2;
	[tilespmem:s20+$0xFFFFFE80] =	vst v3  }
0x27f: {  	v3 =	vld [tilespmem:s20+$0xFFFFFE00];
	v8 =	vmul.f32 v8, v2;
	[tilespmem:s20+$0xFFFFFE70] =	vst v5  }
0x280: {  	v5 =	vmul.f32 v10, v2;
	[tilespmem:s20+$0xFFFFFE60] =	vst v7  }
.Ltmp2:
0x281: {  	v7 =	vmul.f32 v11, v2;
	[tilespmem:s20+$0xFFFFFE50] =	vst v8;
	(pc) =	sbr.rel @p1 .LBB2_7-.Ltmp2, $4  }
0x282: {  	v4 =	vmul.f32 v4, v2;
	[tilespmem:s20+$0xFFFFFE40] =	vst v5  }
0x283: {  	v5 =	vmul.f32 v6, v2;
	[tilespmem:s20+$0xFFFFFE30] =	vst v7  }
0x284: {  	v2 =	vmul.f32 v3, v2;
	[tilespmem:s20+$0xFFFFFE20] =	vst v4  }
0x285: {  	s20 =	sadd.s32 $0x400, s20;
	[tilespmem:s28+$0xFFFFFE10] =	vst v5  }
0x286: {  	[tilespmem:s28+$0xFFFFFE00] =	vst v2  }
0x287: {  	[tilespmem:s28+$0x1E0] =	vst v1;
	p1 =	seq.s32 s25, $0x3D  }
0x288: {  	[spmem:s4] =	stream.indirect.scatter.add.f32 [tilespmem:s14], [sflag:$0x6], $0x80, s12, s7, $0xb8;
	[tilespmem:$0x1E020] =	vst v63  }
0x289: {  	s18 =	sadd.s32 @!p1 s26, s22  }
0x28a: {  	s18 =	sshrl.u32 @!p1 s18, $0x3  }
0x28b: {  	s20 =	simm.s32 @!p1 $0x0;
	s23 =	simm.s32 @!p1 $0xA0;
	s18 =	sadd.s32 @!p1 s2, s18  }
0x28c: {  	[tilespmem:s23], [sflag:$0x4] =	stream.linear.gather @!p1 [hbm4b:s18+s20], $0x50, $0x38;
	[tilespmem:$0x1E020] =	vst v63  }
0x28d: {  	s18 =	sadd.s32 @!p1 $0x9C40, s18;
	s23 =	simm.s32 @!p1 $0xF0  }
0x28e: {  	[tilespmem:s23], [sflag:$0x4] =	stream.linear.gather @!p1 [hbm4b:s18+s20], $0x50, $0x38;
	[tilespmem:$0x1E020] =	vst v63  }
0x28f: {  	_ =	swait.ge [sflag:s1], $0x50  }
0x290: {  	[sflag:s1] =	ssyncset.done $0x0  }
0x291: {  	[sflag:s1] =	ssyncadd.s32 $0xFFFFFFB0  }
0x292: {  	s25 =	sadd.s32 $0x1, s25;
	_ =	swait.ge [sflag:s1], $0x50  }
0x293: {  	p1 =	sne.s32 s25, $0x3E;
	[sflag:s1] =	ssyncset.done $0x0  }
.Ltmp3:
0x294: {  	[sflag:s1] =	ssyncadd.s32 $0xFFFFFFB0;
	(pc) =	sbr.rel @p1 .LBB2_4-.Ltmp3, $4  }
0x295: {  	_ =	swait.ge [sflag:s15], $0x2800  }
0x296: {  	[sflag:s15] =	ssyncset.done $0x0  }
0x297: {  	[sflag:s15] =	ssyncadd.s32 $0xFFFFD800  }
0x298: {  	[tilespmem:s31], [sflag:$0x1] =	stream.indirect.gather [hbm4b:s0+s7], $0x80, s6, s7, $0xb8;
	[tilespmem:$0x1E020] =	vst v63  }
0x299: {  	_ =	swait.ge [sflag:s3], $0x2800  }
0x29a: {  	[sflag:s3] =	ssyncset.done $0x0  }
0x29b: {  	[sflag:s3] =	ssyncadd.s32 $0xFFFFD800  }
0x29c: {  	_ =	swait.ge [sflag:s19], $0x50  }
0x29d: {  	[sflag:s19] =	ssyncset.done $0x0  }
0x29e: {  	[sflag:s19] =	ssyncadd.s32 $0xFFFFFFB0  }
0x29f: {  	v1 =	vld [tilespmem:$0x0]  }
0x2a0: {  	v2 =	vld [tilespmem:$0x50];
	_ =	sdelay $0x4  }
0x2a1: {  	v1 =	vshll.u32 v1, $0x1;
	v3 =	vshll.u32 v2, $0x1  }
0x2a2: {  	v3 =	vor.u32 $0x1, v3;
	_ =	sdelay $0x3  }
0x2a3: {  	v1 =	vld.idx.msk [tilespmem:v1+s29+$0x0], $0xffff  }
0x2a4: {  	v3 =	vld.idx.msk [tilespmem:v3+s29+$0x0], $0xffff;
	_ =	sdelay $0x4  }
0x2a5: {  	v1 =	vadd.f32 v3, v1;
	_ =	sdelay $0x1  }
0x2a6: {  	v3 =	vmul.f32 $2.000000030e-01, v1  }
0x2a7: {  	vm0 =	vge.f32 v1, $0.0e+00  }
0x2a8: {  	v1 =	vsel vm0, v1, v3  }
0x2a9: {  	v1 =	vmul.f32 $1.442695020e+00, v1;
	_ =	sdelay $0x1  }
0x2aa: {  	v3 =	vld [tilespmem:$0x60];
	(erf) = vpow2.f32 v1  }
0x2ab: {  	v1 =	vld [tilespmem:$0x10];
	_ =	sdelay $0x4  }
0x2ac: {  	v4 =	vshll.u32 v3, $0x1;
	v1 =	vshll.u32 v1, $0x1  }
0x2ad: {  	v4 =	vor.u32 $0x1, v4;
	_ =	sdelay $0x1  }
0x2ae: {  	[tilespmem:$0xA3C0] =	vst v2;
	v5 =	vpop (erf)  }
0x2af: {  	[tilespmem:$0xA460] =	vst v5  }
0x2b0: {  	v1 =	vld.idx.msk [tilespmem:v1+s29+$0x0], $0xffff  }
0x2b1: {  	v2 =	vld.idx.msk [tilespmem:v4+s29+$0x0], $0xffff;
	_ =	sdelay $0x4  }
0x2b2: {  	v1 =	vadd.f32 v2, v1;
	_ =	sdelay $0x1  }
0x2b3: {  	v2 =	vmul.f32 $2.000000030e-01, v1  }
0x2b4: {  	vm12 =	vge.f32 v1, $0.0e+00  }
0x2b5: {  	v1 =	vsel vm12, v1, v2  }
0x2b6: {  	v1 =	vmul.f32 $1.442695020e+00, v1;
	_ =	sdelay $0x1  }
0x2b7: {  	v2 =	vld [tilespmem:$0x70];
	(erf) = vpow2.f32 v1  }
0x2b8: {  	v1 =	vld [tilespmem:$0x20];
	_ =	sdelay $0x4  }
0x2b9: {  	v37 =	vshll.u32 v2, $0x1;
	v1 =	vshll.u32 v1, $0x1  }
0x2ba: {  	v4 =	vor.u32 $0x1, v37;
	_ =	sdelay $0x1  }
0x2bb: {  	[tilespmem:$0xA3D0] =	vst v3;
	v38 =	vpop (erf)  }
0x2bc: {  	[tilespmem:$0xA470] =	vst v38  }
0x2bd: {  	v1 =	vld.idx.msk [tilespmem:v1+s29+$0x0], $0xffff  }
0x2be: {  	v3 =	vld.idx.msk [tilespmem:v4+s29+$0x0], $0xffff;
	_ =	sdelay $0x4  }
0x2bf: {  	v1 =	vadd.f32 v3, v1;
	_ =	sdelay $0x1  }
0x2c0: {  	v3 =	vmul.f32 $2.000000030e-01, v1  }
0x2c1: {  	vm13 =	vge.f32 v1, $0.0e+00  }
0x2c2: {  	v1 =	vsel vm13, v1, v3  }
0x2c3: {  	v1 =	vmul.f32 $1.442695020e+00, v1;
	_ =	sdelay $0x1  }
0x2c4: {  	v3 =	vld [tilespmem:$0x80];
	(erf) = vpow2.f32 v1  }
0x2c5: {  	v1 =	vld [tilespmem:$0x30];
	_ =	sdelay $0x4  }
0x2c6: {  	v39 =	vshll.u32 v3, $0x1;
	v1 =	vshll.u32 v1, $0x1  }
0x2c7: {  	v4 =	vor.u32 $0x1, v39;
	_ =	sdelay $0x1  }
0x2c8: {  	[tilespmem:$0xA3E0] =	vst v2;
	v40 =	vpop (erf)  }
0x2c9: {  	[tilespmem:$0xA480] =	vst v40  }
0x2ca: {  	v1 =	vld.idx.msk [tilespmem:v1+s29+$0x0], $0xffff  }
0x2cb: {  	v2 =	vld.idx.msk [tilespmem:v4+s29+$0x0], $0xffff;
	_ =	sdelay $0x4  }
0x2cc: {  	v1 =	vadd.f32 v2, v1;
	_ =	sdelay $0x1  }
0x2cd: {  	v2 =	vmul.f32 $2.000000030e-01, v1  }
0x2ce: {  	vm14 =	vge.f32 v1, $0.0e+00  }
0x2cf: {  	v1 =	vsel vm14, v1, v2  }
0x2d0: {  	v1 =	vmul.f32 $1.442695020e+00, v1;
	_ =	sdelay $0x1  }
0x2d1: {  	v2 =	vld [tilespmem:$0x90];
	(erf) = vpow2.f32 v1  }
0x2d2: {  	v1 =	vld [tilespmem:$0x40];
	_ =	sdelay $0x4  }
0x2d3: {  	v41 =	vshll.u32 v2, $0x1;
	v1 =	vshll.u32 v1, $0x1  }
0x2d4: {  	v4 =	vor.u32 $0x1, v41;
	_ =	sdelay $0x1  }
0x2d5: {  	[tilespmem:$0xA3F0] =	vst v3;
	v42 =	vpop (erf)  }
0x2d6: {  	[tilespmem:$0xA490] =	vst v42  }
0x2d7: {  	v1 =	vld.idx.msk [tilespmem:v1+s29+$0x0], $0xffff  }
0x2d8: {  	v3 =	vld.idx.msk [tilespmem:v4+s29+$0x0], $0xffff;
	_ =	sdelay $0x4  }
0x2d9: {  	v1 =	vadd.f32 v3, v1;
	_ =	sdelay $0x1  }
0x2da: {  	v3 =	vmul.f32 $2.000000030e-01, v1  }
0x2db: {  	vm15 =	vge.f32 v1, $0.0e+00  }
0x2dc: {  	v1 =	vsel vm15, v1, v3  }
0x2dd: {  	v1 =	vmul.f32 $1.442695020e+00, v1;
	_ =	sdelay $0x1  }
0x2de: {  	(erf) = vpow2.f32 v1;
	_ =	sdelay $0x8  }
0x2df: {  	[tilespmem:$0xA400] =	vst v2;
	v1 =	vpop (erf)  }
0x2e0: {  	s25 =	simm.s32 $0x55C0;
	[tilespmem:$0xA4A0] =	vst v1  }
0x2e1: {  	[spmem:s5] =	stream.indirect.scatter.add.f32 [tilespmem:s10], [sflag:$0x7], $0x1, s9, s7, $0xb8;
	[tilespmem:$0x1E020] =	vst v63  }
0x2e2: {  	v6 =	vld [tilespmem:s25+$0x1F0]  }
0x2e3: {  	v7 =	vld [tilespmem:s25+$0x1D0]  }
0x2e4: {  	s18 =	simm.s32 $0x0;
	v1 =	vld [tilespmem:s25+$0x1E0]  }
0x2e5: {  	v2 =	vld.msk [tilespmem:s18+$0xA467 ss:$0x0], $0xffff  }
0x2e6: {  	v8 =	vld.msk [tilespmem:s18+$0xA466 ss:$0x0], $0xffff  }
0x2e7: {  	v9 =	vld.msk [tilespmem:s18+$0xA465 ss:$0x0], $0xffff  }
0x2e8: {  	v10 =	vld.msk [tilespmem:s18+$0xA464 ss:$0x0], $0xffff  }
0x2e9: {  	v11 =	vld.msk [tilespmem:s18+$0xA463 ss:$0x0], $0xffff  }
0x2ea: {  	v5 =	vld.msk [tilespmem:s18+$0xA462 ss:$0x0], $0xffff  }
0x2eb: {  	v4 =	vld.msk [tilespmem:s18+$0xA461 ss:$0x0], $0xffff  }
0x2ec: {  	v3 =	vld.msk [tilespmem:s18+$0xA460 ss:$0x0], $0xffff  }
0x2ed: {  	v12 =	vld [tilespmem:s25+$0x1C0]  }
0x2ee: {  	v13 =	vld [tilespmem:s25+$0x1B0]  }
0x2ef: {  	v14 =	vld [tilespmem:s25+$0x1A0]  }
0x2f0: {  	v15 =	vld [tilespmem:s25+$0x190];
	v6 =	vmul.f32 v6, v2  }
0x2f1: {  	v16 =	vld [tilespmem:s25+$0x180];
	v7 =	vmul.f32 v7, v2  }
0x2f2: {  	v17 =	vld [tilespmem:s25+$0x170];
	v12 =	vmul.f32 v12, v2;
	[tilespmem:s25+$0x1F0] =	vst v6  }
0x2f3: {  	v50 =	vld [tilespmem:s25+$0xF0];
	v13 =	vmul.f32 v13, v2;
	[tilespmem:s25+$0x1D0] =	vst v7  }
0x2f4: {  	v59 =	vld [tilespmem:s25+$0x70];
	v14 =	vmul.f32 v14, v2;
	[tilespmem:s25+$0x1C0] =	vst v12  }
0x2f5: {  	v22 =	vld [tilespmem:s25+$0xFFFFFFF0];
	v15 =	vmul.f32 v15, v2;
	[tilespmem:s25+$0x1B0] =	vst v13  }
0x2f6: {  	v43 =	vld [tilespmem:s25+$0x160];
	v16 =	vmul.f32 v16, v2;
	[tilespmem:s25+$0x1A0] =	vst v14  }
0x2f7: {  	v44 =	vld [tilespmem:s25+$0x150];
	v17 =	vmul.f32 v17, v8;
	[tilespmem:s25+$0x190] =	vst v15  }
0x2f8: {  	v45 =	vld [tilespmem:s25+$0x140];
	v56 =	vmul.f32 v50, v9;
	[tilespmem:s25+$0x180] =	vst v16  }
0x2f9: {  	v46 =	vld [tilespmem:s25+$0x130];
	v19 =	vmul.f32 v59, v10;
	[tilespmem:s25+$0x170] =	vst v17  }
0x2fa: {  	v47 =	vld [tilespmem:s25+$0x120];
	v28 =	vmul.f32 v22, v11;
	[tilespmem:s25+$0xF0] =	vst v56  }
0x2fb: {  	v48 =	vld [tilespmem:s25+$0x110];
	v6 =	vmul.f32 v43, v8;
	[tilespmem:s25+$0x70] =	vst v19  }
0x2fc: {  	v49 =	vld [tilespmem:s25+$0x100];
	v7 =	vmul.f32 v44, v8;
	[tilespmem:s25+$0xFFFFFFF0] =	vst v28  }
0x2fd: {  	v39 =	vld [tilespmem:s25+$0xFFFFFEF0];
	v12 =	vmul.f32 v45, v8;
	[tilespmem:s25+$0x160] =	vst v6  }
0x2fe: {  	v42 =	vld [tilespmem:s25+$0xFFFFFEC0];
	v13 =	vmul.f32 v46, v8;
	[tilespmem:s25+$0x150] =	vst v7  }
0x2ff: {  	v51 =	vld [tilespmem:s25+$0xE0];
	v14 =	vmul.f32 v47, v8;
	[tilespmem:s25+$0x140] =	vst v12  }
0x300: {  	v52 =	vld [tilespmem:s25+$0xD0];
	v15 =	vmul.f32 v48, v8;
	[tilespmem:s25+$0x130] =	vst v13  }
0x301: {  	v53 =	vld [tilespmem:s25+$0xC0];
	v8 =	vmul.f32 v49, v8;
	[tilespmem:s25+$0x120] =	vst v14  }
0x302: {  	v54 =	vld [tilespmem:s25+$0xB0];
	v45 =	vmul.f32 v39, v4;
	[tilespmem:s25+$0x110] =	vst v15  }
0x303: {  	v55 =	vld [tilespmem:s25+$0xA0];
	v49 =	vmul.f32 v42, v4;
	[tilespmem:s25+$0x100] =	vst v8  }
0x304: {  	v57 =	vld [tilespmem:s25+$0x90];
	v6 =	vmul.f32 v51, v9;
	[tilespmem:s25+$0xFFFFFEF0] =	vst v45  }
0x305: {  	v58 =	vld [tilespmem:s25+$0x80];
	v7 =	vmul.f32 v52, v9;
	[tilespmem:s25+$0xFFFFFEC0] =	vst v49  }
0x306: {  	v18 =	vld [tilespmem:s25+$0x20];
	v12 =	vmul.f32 v53, v9;
	[tilespmem:s25+$0xE0] =	vst v6  }
0x307: {  	v60 =	vld [tilespmem:s25+$0x60];
	v13 =	vmul.f32 v54, v9;
	[tilespmem:s25+$0xD0] =	vst v7  }
0x308: {  	v61 =	vld [tilespmem:s25+$0x50];
	v14 =	vmul.f32 v55, v9;
	[tilespmem:s25+$0xC0] =	vst v12  }
0x309: {  	v62 =	vld [tilespmem:s25+$0x40];
	v15 =	vmul.f32 v57, v9;
	[tilespmem:s25+$0xB0] =	vst v13  }
0x30a: {  	v63 =	vld [tilespmem:s25+$0x30];
	v8 =	vmul.f32 v58, v9;
	[tilespmem:s25+$0xA0] =	vst v14  }
0x30b: {  	v20 =	vld [tilespmem:s25+$0x10];
	v9 =	vmul.f32 v18, v10;
	[tilespmem:s25+$0x90] =	vst v15  }
0x30c: {  	v21 =	vld [tilespmem:s25+$0x0];
	v6 =	vmul.f32 v60, v10;
	[tilespmem:s25+$0x80] =	vst v8  }
0x30d: {  	v27 =	vld [tilespmem:s25+$0xFFFFFFA0];
	v7 =	vmul.f32 v61, v10;
	[tilespmem:s25+$0x20] =	vst v9  }
0x30e: {  	v29 =	vld [tilespmem:s25+$0xFFFFFF90];
	v12 =	vmul.f32 v62, v10;
	[tilespmem:s25+$0x60] =	vst v6  }
0x30f: {  	v31 =	vld [tilespmem:s25+$0xFFFFFF70];
	v13 =	vmul.f32 v63, v10;
	[tilespmem:s25+$0x50] =	vst v7  }
0x310: {  	v43 =	vld [tilespmem:s25+$0xFFFFFEB0];
	v15 =	vmul.f32 v20, v10;
	[tilespmem:s25+$0x40] =	vst v12  }
0x311: {  	v48 =	vld [tilespmem:s25+$0xFFFFFE70];
	v8 =	vmul.f32 v21, v10;
	[tilespmem:s25+$0x30] =	vst v13  }
0x312: {  	v23 =	vld [tilespmem:s25+$0xFFFFFFE0];
	v9 =	vmul.f32 v27, v11;
	[tilespmem:s25+$0x10] =	vst v15  }
0x313: {  	v24 =	vld [tilespmem:s25+$0xFFFFFFD0];
	v14 =	vmul.f32 v29, v11;
	[tilespmem:s25+$0x0] =	vst v8  }
0x314: {  	v25 =	vld [tilespmem:s25+$0xFFFFFFC0];
	v10 =	vmul.f32 v31, v5;
	[tilespmem:s25+$0xFFFFFFA0] =	vst v9  }
0x315: {  	v26 =	vld [tilespmem:s25+$0xFFFFFFB0];
	v51 =	vmul.f32 v43, v4;
	[tilespmem:s25+$0xFFFFFF90] =	vst v14  }
0x316: {  	v30 =	vld [tilespmem:s25+$0xFFFFFF80];
	v56 =	vmul.f32 v48, v3;
	[tilespmem:s25+$0xFFFFFF70] =	vst v10  }
0x317: {  	v36 =	vld [tilespmem:s25+$0xFFFFFF20];
	v6 =	vmul.f32 v23, v11;
	[tilespmem:s25+$0xFFFFFEB0] =	vst v51  }
0x318: {  	v37 =	vld [tilespmem:s25+$0xFFFFFF10];
	v7 =	vmul.f32 v24, v11;
	[tilespmem:s25+$0xFFFFFE70] =	vst v56  }
0x319: {  	v46 =	vld [tilespmem:s25+$0xFFFFFE90];
	v12 =	vmul.f32 v25, v11;
	[tilespmem:s25+$0xFFFFFFE0] =	vst v6  }
0x31a: {  	v52 =	vld [tilespmem:s25+$0xFFFFFE50];
	v13 =	vmul.f32 v26, v11;
	[tilespmem:s25+$0xFFFFFFD0] =	vst v7  }
0x31b: {  	v53 =	vld [tilespmem:s25+$0xFFFFFE40];
	v8 =	vmul.f32 v30, v11;
	[tilespmem:s25+$0xFFFFFFC0] =	vst v12  }
0x31c: {  	v54 =	vld [tilespmem:s25+$0xFFFFFE30];
	v9 =	vmul.f32 v36, v5;
	[tilespmem:s25+$0xFFFFFFB0] =	vst v13  }
0x31d: {  	v55 =	vld [tilespmem:s25+$0xFFFFFE20];
	v11 =	vmul.f32 v37, v5;
	[tilespmem:s25+$0xFFFFFF80] =	vst v8  }
0x31e: {  	v57 =	vld [tilespmem:s25+$0xFFFFFE10];
	v10 =	vmul.f32 v46, v4;
	[tilespmem:s25+$0xFFFFFF20] =	vst v9  }
0x31f: {  	v32 =	vld [tilespmem:s25+$0xFFFFFF60];
	v58 =	vmul.f32 v52, v3;
	[tilespmem:s25+$0xFFFFFF10] =	vst v11  }
0x320: {  	v33 =	vld [tilespmem:s25+$0xFFFFFF50];
	v60 =	vmul.f32 v53, v3;
	[tilespmem:s25+$0xFFFFFE90] =	vst v10  }
0x321: {  	v34 =	vld [tilespmem:s25+$0xFFFFFF40];
	v61 =	vmul.f32 v54, v3;
	[tilespmem:s25+$0xFFFFFE50] =	vst v58  }
0x322: {  	v35 =	vld [tilespmem:s25+$0xFFFFFF30];
	v62 =	vmul.f32 v55, v3;
	[tilespmem:s25+$0xFFFFFE40] =	vst v60  }
0x323: {  	v38 =	vld [tilespmem:s25+$0xFFFFFF00];
	v63 =	vmul.f32 v57, v3;
	[tilespmem:s25+$0xFFFFFE30] =	vst v61  }
0x324: {  	v44 =	vld [tilespmem:s25+$0xFFFFFEA0];
	v6 =	vmul.f32 v32, v5;
	[tilespmem:s25+$0xFFFFFE20] =	vst v62  }
0x325: {  	v40 =	vld [tilespmem:s25+$0xFFFFFEE0];
	v7 =	vmul.f32 v33, v5;
	[tilespmem:s25+$0xFFFFFE10] =	vst v63  }
0x326: {  	v41 =	vld [tilespmem:s25+$0xFFFFFED0];
	v12 =	vmul.f32 v34, v5;
	[tilespmem:s25+$0xFFFFFF60] =	vst v6  }
0x327: {  	v47 =	vld [tilespmem:s25+$0xFFFFFE80];
	v13 =	vmul.f32 v35, v5;
	[tilespmem:s25+$0xFFFFFF50] =	vst v7  }
0x328: {  	v50 =	vld [tilespmem:s25+$0xFFFFFE60];
	v5 =	vmul.f32 v38, v5;
	[tilespmem:s25+$0xFFFFFF40] =	vst v12  }
0x329: {  	v59 =	vld [tilespmem:s25+$0xFFFFFE00];
	v8 =	vmul.f32 v44, v4;
	[tilespmem:s25+$0xFFFFFF30] =	vst v13  }
0x32a: {  	v6 =	vmul.f32 v40, v4;
	[tilespmem:s25+$0xFFFFFF00] =	vst v5  }
0x32b: {  	v7 =	vmul.f32 v41, v4;
	[tilespmem:s25+$0xFFFFFEA0] =	vst v8  }
0x32c: {  	v4 =	vmul.f32 v47, v4;
	[tilespmem:s25+$0xFFFFFEE0] =	vst v6  }
0x32d: {  	[tilespmem:s25+$0xFFFFFED0] =	vst v7;
	v6 =	vmul.f32 v50, v3  }
0x32e: {  	v1 =	vmul.f32 v1, v2;
	v2 =	vmul.f32 v59, v3;
	[tilespmem:s25+$0xFFFFFE80] =	vst v4  }
0x32f: {  	s20 =	simm.s32 $0x59C0;
	s18 =	simm.s32 $0x20;
	[tilespmem:s25+$0xFFFFFE60] =	vst v6  }
.LBB2_10:
0x330: {  	s23 =	sshra.s32 s18, $0x2;
	v7 =	vld [tilespmem:s20+$0x1F0];
	p1 =	sne.s32 s18, $0x120;
	s18 =	sadd.s32 $0x20, s18;
	[tilespmem:s25+$0xFFFFFE00] =	vst v2  }
0x331: {  	v8 =	vld [tilespmem:s20+$0x1D0];
	[tilespmem:s25+$0x1E0] =	vst v1;
	s25 =	smov.u32 s20  }
0x332: {  	v1 =	vld [tilespmem:s20+$0x1E0]  }
0x333: {  	v9 =	vld.msk [tilespmem:s23+$0xA467 ss:$0x0], $0xffff  }
0x334: {  	v10 =	vld.msk [tilespmem:s23+$0xA466 ss:$0x0], $0xffff  }
0x335: {  	v11 =	vld.msk [tilespmem:s23+$0xA465 ss:$0x0], $0xffff  }
0x336: {  	v6 =	vld.msk [tilespmem:s23+$0xA464 ss:$0x0], $0xffff  }
0x337: {  	v5 =	vld.msk [tilespmem:s23+$0xA463 ss:$0x0], $0xffff  }
0x338: {  	v4 =	vld.msk [tilespmem:s23+$0xA462 ss:$0x0], $0xffff  }
0x339: {  	v3 =	vld.msk [tilespmem:s23+$0xA461 ss:$0x0], $0xffff  }
0x33a: {  	v2 =	vld.msk [tilespmem:s23+$0xA460 ss:$0x0], $0xffff  }
0x33b: {  	v12 =	vld [tilespmem:s20+$0x1C0]  }
0x33c: {  	v13 =	vld [tilespmem:s20+$0x1B0]  }
0x33d: {  	v14 =	vld [tilespmem:s20+$0x1A0]  }
0x33e: {  	v1 =	vmul.f32 v1, v9;
	v7 =	vmul.f32 v7, v9;
	v15 =	vld [tilespmem:s20+$0x190]  }
0x33f: {  	v8 =	vmul.f32 v8, v9;
	v16 =	vld [tilespmem:s20+$0x180]  }
0x340: {  	v17 =	vld [tilespmem:s20+$0x170];
	v12 =	vmul.f32 v12, v9;
	[tilespmem:s20+$0x1F0] =	vst v7  }
0x341: {  	v7 =	vld [tilespmem:s20+$0x160];
	v13 =	vmul.f32 v13, v9;
	[tilespmem:s20+$0x1D0] =	vst v8  }
0x342: {  	v8 =	vld [tilespmem:s20+$0x150];
	v14 =	vmul.f32 v14, v9;
	[tilespmem:s20+$0x1C0] =	vst v12  }
0x343: {  	v12 =	vld [tilespmem:s20+$0x140];
	v15 =	vmul.f32 v15, v9;
	[tilespmem:s20+$0x1B0] =	vst v13  }
0x344: {  	v13 =	vld [tilespmem:s20+$0x130];
	v9 =	vmul.f32 v16, v9;
	[tilespmem:s20+$0x1A0] =	vst v14  }
0x345: {  	v14 =	vld [tilespmem:s20+$0x120];
	v16 =	vmul.f32 v17, v10;
	[tilespmem:s20+$0x190] =	vst v15  }
0x346: {  	v15 =	vld [tilespmem:s20+$0x110];
	v7 =	vmul.f32 v7, v10;
	[tilespmem:s20+$0x180] =	vst v9  }
0x347: {  	v9 =	vld [tilespmem:s20+$0x100];
	v8 =	vmul.f32 v8, v10;
	[tilespmem:s20+$0x170] =	vst v16  }
0x348: {  	v16 =	vld [tilespmem:s20+$0xF0];
	v12 =	vmul.f32 v12, v10;
	[tilespmem:s20+$0x160] =	vst v7  }
0x349: {  	v7 =	vld [tilespmem:s20+$0xE0];
	v13 =	vmul.f32 v13, v10;
	[tilespmem:s20+$0x150] =	vst v8  }
0x34a: {  	v8 =	vld [tilespmem:s20+$0xD0];
	v14 =	vmul.f32 v14, v10;
	[tilespmem:s20+$0x140] =	vst v12  }
0x34b: {  	v12 =	vld [tilespmem:s20+$0xC0];
	v15 =	vmul.f32 v15, v10;
	[tilespmem:s20+$0x130] =	vst v13  }
0x34c: {  	v13 =	vld [tilespmem:s20+$0xB0];
	v9 =	vmul.f32 v9, v10;
	[tilespmem:s20+$0x120] =	vst v14  }
0x34d: {  	v10 =	vld [tilespmem:s20+$0xA0];
	v14 =	vmul.f32 v16, v11;
	[tilespmem:s20+$0x110] =	vst v15  }
0x34e: {  	v15 =	vld [tilespmem:s20+$0x90];
	v7 =	vmul.f32 v7, v11;
	[tilespmem:s20+$0x100] =	vst v9  }
0x34f: {  	v9 =	vld [tilespmem:s20+$0x80];
	v8 =	vmul.f32 v8, v11;
	[tilespmem:s20+$0xF0] =	vst v14  }
0x350: {  	v14 =	vld [tilespmem:s20+$0x70];
	v12 =	vmul.f32 v12, v11;
	[tilespmem:s20+$0xE0] =	vst v7  }
0x351: {  	v7 =	vld [tilespmem:s20+$0x60];
	v13 =	vmul.f32 v13, v11;
	[tilespmem:s20+$0xD0] =	vst v8  }
0x352: {  	v8 =	vld [tilespmem:s20+$0x50];
	v10 =	vmul.f32 v10, v11;
	[tilespmem:s20+$0xC0] =	vst v12  }
0x353: {  	v12 =	vld [tilespmem:s20+$0x40];
	v15 =	vmul.f32 v15, v11;
	[tilespmem:s20+$0xB0] =	vst v13  }
0x354: {  	v13 =	vld [tilespmem:s20+$0x30];
	v9 =	vmul.f32 v9, v11;
	[tilespmem:s20+$0xA0] =	vst v10  }
0x355: {  	v10 =	vld [tilespmem:s20+$0x20];
	v11 =	vmul.f32 v14, v6;
	[tilespmem:s20+$0x90] =	vst v15  }
0x356: {  	v14 =	vld [tilespmem:s20+$0x10];
	v7 =	vmul.f32 v7, v6;
	[tilespmem:s20+$0x80] =	vst v9  }
0x357: {  	v9 =	vld [tilespmem:s20+$0x0];
	v8 =	vmul.f32 v8, v6;
	[tilespmem:s20+$0x70] =	vst v11  }
0x358: {  	v11 =	vld [tilespmem:s20+$0xFFFFFFF0];
	v12 =	vmul.f32 v12, v6;
	[tilespmem:s20+$0x60] =	vst v7  }
0x359: {  	v7 =	vld [tilespmem:s20+$0xFFFFFFE0];
	v13 =	vmul.f32 v13, v6;
	[tilespmem:s20+$0x50] =	vst v8  }
0x35a: {  	v8 =	vld [tilespmem:s20+$0xFFFFFFD0];
	v10 =	vmul.f32 v10, v6;
	[tilespmem:s20+$0x40] =	vst v12  }
0x35b: {  	v12 =	vld [tilespmem:s20+$0xFFFFFFC0];
	v14 =	vmul.f32 v14, v6;
	[tilespmem:s20+$0x30] =	vst v13  }
0x35c: {  	v13 =	vld [tilespmem:s20+$0xFFFFFFB0];
	v6 =	vmul.f32 v9, v6;
	[tilespmem:s20+$0x20] =	vst v10  }
0x35d: {  	v9 =	vld [tilespmem:s20+$0xFFFFFFA0];
	v10 =	vmul.f32 v11, v5;
	[tilespmem:s20+$0x10] =	vst v14  }
0x35e: {  	v11 =	vld [tilespmem:s20+$0xFFFFFF90];
	v7 =	vmul.f32 v7, v5;
	[tilespmem:s20+$0x0] =	vst v6  }
0x35f: {  	v6 =	vld [tilespmem:s20+$0xFFFFFF80];
	v8 =	vmul.f32 v8, v5;
	[tilespmem:s20+$0xFFFFFFF0] =	vst v10  }
0x360: {  	v10 =	vld [tilespmem:s20+$0xFFFFFF70];
	v12 =	vmul.f32 v12, v5;
	[tilespmem:s20+$0xFFFFFFE0] =	vst v7  }
0x361: {  	v7 =	vld [tilespmem:s20+$0xFFFFFF60];
	v13 =	vmul.f32 v13, v5;
	[tilespmem:s20+$0xFFFFFFD0] =	vst v8  }
0x362: {  	v8 =	vld [tilespmem:s20+$0xFFFFFF50];
	v9 =	vmul.f32 v9, v5;
	[tilespmem:s20+$0xFFFFFFC0] =	vst v12  }
0x363: {  	v12 =	vld [tilespmem:s20+$0xFFFFFF40];
	v11 =	vmul.f32 v11, v5;
	[tilespmem:s20+$0xFFFFFFB0] =	vst v13  }
0x364: {  	v13 =	vld [tilespmem:s20+$0xFFFFFF30];
	v5 =	vmul.f32 v6, v5;
	[tilespmem:s20+$0xFFFFFFA0] =	vst v9  }
0x365: {  	v6 =	vld [tilespmem:s20+$0xFFFFFF20];
	v9 =	vmul.f32 v10, v4;
	[tilespmem:s20+$0xFFFFFF90] =	vst v11  }
0x366: {  	v10 =	vld [tilespmem:s20+$0xFFFFFF10];
	v7 =	vmul.f32 v7, v4;
	[tilespmem:s20+$0xFFFFFF80] =	vst v5  }
0x367: {  	v5 =	vld [tilespmem:s20+$0xFFFFFF00];
	v8 =	vmul.f32 v8, v4;
	[tilespmem:s20+$0xFFFFFF70] =	vst v9  }
0x368: {  	v9 =	vld [tilespmem:s20+$0xFFFFFEF0];
	v11 =	vmul.f32 v12, v4;
	[tilespmem:s20+$0xFFFFFF60] =	vst v7  }
0x369: {  	v7 =	vld [tilespmem:s20+$0xFFFFFEE0];
	v12 =	vmul.f32 v13, v4;
	[tilespmem:s20+$0xFFFFFF50] =	vst v8  }
0x36a: {  	v8 =	vld [tilespmem:s20+$0xFFFFFED0];
	v6 =	vmul.f32 v6, v4;
	[tilespmem:s20+$0xFFFFFF40] =	vst v11  }
0x36b: {  	v11 =	vld [tilespmem:s20+$0xFFFFFEC0];
	v10 =	vmul.f32 v10, v4;
	[tilespmem:s20+$0xFFFFFF30] =	vst v12  }
0x36c: {  	v12 =	vld [tilespmem:s20+$0xFFFFFEB0];
	v4 =	vmul.f32 v5, v4;
	[tilespmem:s20+$0xFFFFFF20] =	vst v6  }
0x36d: {  	v5 =	vld [tilespmem:s20+$0xFFFFFEA0];
	v6 =	vmul.f32 v9, v3;
	[tilespmem:s20+$0xFFFFFF10] =	vst v10  }
0x36e: {  	v9 =	vld [tilespmem:s20+$0xFFFFFE90];
	v7 =	vmul.f32 v7, v3;
	[tilespmem:s20+$0xFFFFFF00] =	vst v4  }
0x36f: {  	v4 =	vld [tilespmem:s20+$0xFFFFFE80];
	v8 =	vmul.f32 v8, v3;
	[tilespmem:s20+$0xFFFFFEF0] =	vst v6  }
0x370: {  	v6 =	vld [tilespmem:s20+$0xFFFFFE70];
	v10 =	vmul.f32 v11, v3;
	[tilespmem:s20+$0xFFFFFEE0] =	vst v7  }
0x371: {  	v7 =	vld [tilespmem:s20+$0xFFFFFE60];
	v11 =	vmul.f32 v12, v3;
	[tilespmem:s20+$0xFFFFFED0] =	vst v8  }
0x372: {  	v8 =	vld [tilespmem:s20+$0xFFFFFE50];
	v5 =	vmul.f32 v5, v3;
	[tilespmem:s20+$0xFFFFFEC0] =	vst v10  }
0x373: {  	v10 =	vld [tilespmem:s20+$0xFFFFFE40];
	v9 =	vmul.f32 v9, v3;
	[tilespmem:s20+$0xFFFFFEB0] =	vst v11  }
0x374: {  	v11 =	vld [tilespmem:s20+$0xFFFFFE30];
	v3 =	vmul.f32 v4, v3;
	[tilespmem:s20+$0xFFFFFEA0] =	vst v5  }
0x375: {  	v4 =	vld [tilespmem:s20+$0xFFFFFE20];
	v5 =	vmul.f32 v6, v2;
	[tilespmem:s20+$0xFFFFFE90] =	vst v9  }
0x376: {  	v6 =	vld [tilespmem:s20+$0xFFFFFE10];
	v7 =	vmul.f32 v7, v2;
	[tilespmem:s20+$0xFFFFFE80] =	vst v3  }
0x377: {  	v3 =	vld [tilespmem:s20+$0xFFFFFE00];
	v8 =	vmul.f32 v8, v2;
	[tilespmem:s20+$0xFFFFFE70] =	vst v5  }
0x378: {  	v5 =	vmul.f32 v10, v2;
	[tilespmem:s20+$0xFFFFFE60] =	vst v7  }
.Ltmp4:
0x379: {  	v7 =	vmul.f32 v11, v2;
	[tilespmem:s20+$0xFFFFFE50] =	vst v8;
	(pc) =	sbr.rel @p1 .LBB2_10-.Ltmp4, $4  }
0x37a: {  	v4 =	vmul.f32 v4, v2;
	[tilespmem:s20+$0xFFFFFE40] =	vst v5  }
0x37b: {  	v5 =	vmul.f32 v6, v2;
	[tilespmem:s20+$0xFFFFFE30] =	vst v7  }
0x37c: {  	v2 =	vmul.f32 v3, v2;
	[tilespmem:s20+$0xFFFFFE20] =	vst v4  }
0x37d: {  	s20 =	sadd.s32 $0x400, s20;
	[tilespmem:s25+$0xFFFFFE10] =	vst v5  }
0x37e: {  	[tilespmem:s25+$0xFFFFFE00] =	vst v2  }
0x37f: {  	[tilespmem:s25+$0x1E0] =	vst v1  }
0x380: {  	[spmem:s4] =	stream.indirect.scatter.add.f32 [tilespmem:s31], [sflag:$0x5], $0x80, s9, s7, $0xb8;
	[tilespmem:$0x1E020] =	vst v63  }
0x381: {  	_ =	swait.ge [sflag:s15], $0x2800  }
0x382: {  	[sflag:s15] =	ssyncset.done $0x0  }
0x383: {  	[sflag:s15] =	ssyncadd.s32 $0xFFFFD800  }
0x384: {  	_ =	swait.ge [sflag:s19], $0x50  }
0x385: {  	[sflag:s19] =	ssyncset.done $0x0  }
0x386: {  	s18 =	simm.s32 $0x6;
	[sflag:s19] =	ssyncadd.s32 $0xFFFFFFB0  }
0x387: {  	_ =	swait.ge [sflag:s18], $0x2800  }
0x388: {  	[sflag:s18] =	ssyncset.done $0x0  }
0x389: {  	s20 =	simm.s32 $0x8;
	[sflag:s18] =	ssyncadd.s32 $0xFFFFD800  }
0x38a: {  	_ =	swait.ge [sflag:s20], $0x50  }
0x38b: {  	[sflag:s20] =	ssyncset.done $0x0  }
0x38c: {  	s23 =	stileid.u32;
	[sflag:s20] =	ssyncadd.s32 $0xFFFFFFB0  }
0x38d: {  	s18 =	sshll.u32 s23, $0x6;
	[bflag:$0x0] =	sbarrier.arrive $0xFFFF  }
0x38e: {  	s18 =	sor.u32 $0x1C09, s18;
	s20 =	sshrl.u32 s8, $0x3;
	s23 =	rddreg [dreg:$0x10]  }
0x38f: {  	[hbm:s23], [sflag:s18] =	dma.local [spmem:s20], $0x2700  }
0x390: {  	_ =	swait.ge [sflag:s30], $0x2700  }
0x391: {  	[sflag:s30] =	ssyncset.done $0x0  }
0x392: {  	s20 =	sshrl.u32 @!p0 s17, $0x3;
	s23 =	rddreg [dreg:$0x11];
	[sflag:s30] =	ssyncadd.s32 $0xFFFFD900  }
0x393: {  	[hbm:s23], [sflag:s18] =	dma.local @!p0 [spmem:s20], $0x100  }
0x394: {  	s20 =	simm.s32 @!p0 $0x9  }
0x395: {  	_ =	swait.ge @!p0 [sflag:s20], $0x100  }
0x396: {  	[sflag:s20] =	ssyncset.done @!p0 $0x0  }
0x397: {  	s25 =	sshrl.u32 s16, $0x3;
	s26 =	rddreg [dreg:$0x12];
	[sflag:s20] =	ssyncadd.s32 @!p0 $0xFFFFFF00  }
0x398: {  	[hbm:s26], [sflag:s18] =	dma.local [spmem:s25], $0x50  }
0x399: {  	_ =	swait.ge [sflag:s30], $0x50  }
0x39a: {  	s24 =	sadd.s32 $0x1, s24;
	s28 =	rddreg [dreg:$0x13]  }
0x39b: {  	p1 =	sne.s32 s24, s28  }
.Ltmp5:
0x39c: {  	_ = 	snop;
	(pc) =	sbr.rel @p1 .LBB2_1-.Ltmp5, $3  }
0x39d: {  	_ =	sdelay $0x1  }
0x39e: {  	[sflag:s30] =	ssyncset.done $0x0  }
0x39f: {  	[sflag:s30] =	ssyncadd.s32 $0xFFFFFFB0  }
0x3a0: {  	_ =	sfence.sel $0x180000  }
0x3a1: {  	[bflag:$0x0] =	sbarrier.arrive $0xFFFF  }
0x3a2: {  	_ =	strace $0x90000047  }
0x3a3: {  	s0 =	stileid.u32;
	[bflag:$0x2] =	sbarrier.arrive $0xFFFF  }
0x3a4: {  	p0 =	sne.s32 s0, $0x0;
	s0 =	rddreg [dreg:$0x5]  }
0x3a5: {  	s0 =	sadd.s32 @!p0 $0x100000, s0  }
0x3a6: {  	[sflag:s0] =	ssyncadd.tile.s32 @!p0 $0x1;
	_ =	shalt  }
.Lfunc_end2:
_tile_overlayer_lowered:
.L_overlay_start_2:
0x3a7: {  	(tag) =	ssettag $0x2  }
0x3a8: {  	s0 =	rddreg [dreg:$0x0];
	s2 =	stileid.u32  }
0x3a9: {  	s1 =	rddreg [dreg:$0x1];
	p0 =	sne.s32 s2, $0x0  }
0x3aa: {  	s3 =	rddreg [dreg:$0x2];
	[bflag:$0x3] =	sbarrier.arrive $0xFFFF;
	s2 =	simm.s32 @!p0 $0x1C09  }
0x3ab: {  	[timem:s3], [sflag:s2] =	dma.local @!p0 [hbm:s0], s1  }
0x3ac: {  	s0 =	simm.s32 @!p0 $0x9  }
0x3ad: {  	_ =	swait.ge @!p0 [sflag:s0], s1  }
0x3ae: {  	s1 =	ssub.s32 @!p0 $0x0, s1;
	[sflag:s0] =	ssyncset.done @!p0 $0x0  }
0x3af: {  	[sflag:s0] =	ssyncadd.s32 @!p0 s1  }
0x3b0: {  	[bflag:$0x3] =	sbarrier.arrive $0xFFFF  }
0x3b1: {  	_ =	shalt  }

</sc_bundles>
